<compile_context>
chip_gen: v7x
topology: tpu7x:2x2x1
jax: 0.10.2.dev20260603
libtpu: 0.0.44.dev20260713+nightly
codegen_flags: <defaults>
</compile_context>

<pallas_src>
import functools

import jax
import jax.numpy as jnp
from jax import lax
from jax.experimental import pallas as pl
from jax.experimental.pallas import tpu as pltpu
from jax.experimental.pallas import tpu_sc as plsc

_INFO = plsc.get_sparse_core_info()
_NC = _INFO.num_cores
_NS = _INFO.num_subcores
_NW = _NC * _NS

_LANES = 16
_SGROUPS = 4
_BSLABS = _NW // _SGROUPS


def _make_lookup(seq, batch, n_vocab, d):
    assert batch % (_BSLABS * _LANES) == 0 and seq % _SGROUPS == 0
    b_slab = batch // _BSLABS
    s_per_w = seq // _SGROUPS
    n_groups = b_slab // _LANES
    n_pairs = s_per_w // 2
    assert s_per_w % 2 == 0 and n_pairs >= 3

    mesh = plsc.VectorSubcoreMesh(core_axis_name="c", subcore_axis_name="s")

    @functools.partial(
        pl.kernel,
        out_type=jax.ShapeDtypeStruct((seq, d, batch), jnp.float32),
        mesh=mesh,
        scratch_types=[
            pltpu.VMEM((n_vocab * (d + 1),), jnp.float32),
            pltpu.VMEM((2, b_slab), jnp.int32),
            pltpu.VMEM((2, d, b_slab), jnp.float32),
            pltpu.SemaphoreType.DMA,
            pltpu.SemaphoreType.DMA,
            pltpu.SemaphoreType.DMA,
            pltpu.SemaphoreType.DMA,
        ],
        compiler_params=pltpu.CompilerParams(needs_layout_passes=False),
    )
    def lookup_kernel(idx_hbm, table_hbm, out_hbm, table_v, idx_v, blk_v,
                      i0, i1, o0, o1):
        wid = lax.axis_index("s") * _NC + lax.axis_index("c")
        sg = wid // _BSLABS
        bs = wid % _BSLABS
        s0 = sg * s_per_w
        b0 = bs * b_slab
        isem = (i0, i1)
        osem = (o0, o1)

        pltpu.sync_copy(table_hbm, table_v)

        def fire_idx(c, k):
            pltpu.async_copy(
                idx_hbm.at[pl.ds((s0 + c) * batch + b0, b_slab)],
                idx_v.at[k], isem[k])

        def wait_idx(k):
            pltpu.make_async_copy(idx_hbm.at[pl.ds(b0, b_slab)],
                                  idx_v.at[k], isem[k]).wait()

        def fire_out(c, k):
            pltpu.async_copy(blk_v.at[k],
                             out_hbm.at[s0 + c, :, pl.ds(b0, b_slab)],
                             osem[k])

        def wait_out(k):
            pltpu.make_async_copy(blk_v.at[k],
                                  out_hbm.at[s0, :, pl.ds(b0, b_slab)],
                                  osem[k]).wait()

        def compute(k):
            def do_group(g, c2):
                idxv = idx_v[k, pl.ds(g * _LANES, _LANES)]
                scaled = idxv * (d + 1)
                nb = d // 8
                prev = [plsc.load_gather(table_v, [scaled + j])
                        for j in range(8)]
                for m in range(1, nb):
                    cur = []
                    for j in range(8):
                        cur.append(
                            plsc.load_gather(table_v, [scaled + (m * 8 + j)]))
                        blk_v[k, (m - 1) * 8 + j,
                              pl.ds(g * _LANES, _LANES)] = prev[j]
                    prev = cur
                for j in range(8):
                    blk_v[k, d - 8 + j, pl.ds(g * _LANES, _LANES)] = prev[j]
                return c2

            lax.fori_loop(0, n_groups, do_group, 0)

        def chunk(c, k, fire_next, wait_o):
            wait_idx(k)
            if fire_next:
                fire_idx(c + 1, 1 - k)
            if wait_o:
                wait_out(k)
            compute(k)
            fire_out(c, k)

        fire_idx(0, 0)
        chunk(0, 0, True, False)
        chunk(1, 1, True, False)

        def body(p, carry):
            a = 2 * p
            chunk(a, 0, True, True)
            chunk(a + 1, 1, True, True)
            return carry

        lax.fori_loop(1, n_pairs - 1, body, 0)

        last = s_per_w - 2
        chunk(last, 0, True, True)
        chunk(last + 1, 1, False, True)
        wait_out(0)
        wait_out(1)

    return lookup_kernel


def kernel(x, table):
    b, s = x.shape
    v, d = table.shape
    xt = x.T.reshape(s * b).astype(jnp.int32)
    tablep = jnp.pad(table, ((0, 0), (0, 1))).reshape(v * (d + 1))
    outt = _make_lookup(s, b, v, d)(xt, tablep)
    return outt.transpose(2, 0, 1)

# --- scband reference (transcript-rebuilt; emitter-appended) ---
"""Pipeline reference for scband-positional-embedding-15977278341759 (READ-ONLY COPY).

The authoritative reference and input builder live on the scoring server;
editing this copy changes nothing except your own understanding.
"""

import jax, jax.numpy as jnp
import numpy as np

HIDDEN = 64
MAX_POS = 512
BATCH = 4096
SEQ = 200

def setup_inputs(seed: int = 0) -> dict:
    key = jax.random.key(seed)
    k1, k2 = jax.random.split(key)
    x = jax.random.randint(k1, (BATCH, SEQ), 0, MAX_POS, dtype=jnp.int64 if jax.config.jax_enable_x64 else jnp.int32)
    table = jax.random.normal(k2, (MAX_POS, HIDDEN), dtype=jnp.float32)
    return {"x": x, "table": table}

def reference(x, table):
    # PositionalEmbedding.forward: out = self.embedding(x)
    out = jnp.take(table, x, axis=0)
    return out

if __name__ == "__main__":
    import jax
    _d = setup_inputs()
    print(jax.jit(kernel)(*tuple(_d.values())))

</pallas_src>

<mosaic_0001>
#map = affine_map<(d0, d1) -> (0)>
#map1 = affine_map<(d0, d1) -> (0, 0, 0)>
module attributes {stable_mosaic.version = 14 : i64} {
  func.func @lookup_kernel(%arg0: i32, %arg1: i32, %arg2: memref<819200xi32, #tpu.memory_space<hbm>>, %arg3: memref<33280xf32, #tpu.memory_space<hbm>>, %arg4: memref<200x64x4096xf32, #tpu.memory_space<hbm>>, %arg5: memref<33280xf32, #tpu.memory_space<vmem>>, %arg6: memref<2x512xi32, #tpu.memory_space<vmem>>, %arg7: memref<2x64x512xf32, #tpu.memory_space<vmem>>, %arg8: memref<!tpu.dma_semaphore, #tpu.memory_space<semaphore_mem>>, %arg9: memref<!tpu.dma_semaphore, #tpu.memory_space<semaphore_mem>>, %arg10: memref<!tpu.dma_semaphore, #tpu.memory_space<semaphore_mem>>, %arg11: memref<!tpu.dma_semaphore, #tpu.memory_space<semaphore_mem>>) attributes {dimension_semantics = [#tpu.dimension_semantics<core_parallel>, #tpu.dimension_semantics<subcore_parallel>], iteration_bounds = array<i64: 2, 16>, scalar_prefetch = 0 : i64, scratch_operands = 7 : i64, tpu.core_type = #tpu.core_type<sc_vector_subcore>, window_params = [{transform_indices = #map}, {transform_indices = #map}, {transform_indices = #map1}]} {
    %mul3A = arith.constant 2 : i32
    %mul3A_0 = arith.muli %arg1, %mul3A : i32
    %add3A = arith.addi %mul3A_0, %arg0 : i32
    %jit3A = arith.constant 8 : i32
    %div3A = arith.divsi %add3A, %jit3A : i32
    %sign3A = arith.constant 0 : i32
    %sign3A_1 = arith.cmpi sgt, %add3A, %sign3A : i32
    %sign3A_2 = arith.extui %sign3A_1 : i1 to i32
    %sign3A_3 = arith.constant 0 : i32
    %sign3A_4 = arith.cmpi slt, %add3A, %sign3A_3 : i32
    %sign3A_5 = arith.extui %sign3A_4 : i1 to i32
    %sign3A_6 = arith.subi %sign3A_2, %sign3A_5 : i32
    %sign3A_7 = arith.constant 0 : i32
    %sign3A_8 = arith.cmpi sgt, %jit3A, %sign3A_7 : i32
    %sign3A_9 = arith.extui %sign3A_8 : i1 to i32
    %sign3A_10 = arith.constant 0 : i32
    %sign3A_11 = arith.cmpi slt, %jit3A, %sign3A_10 : i32
    %sign3A_12 = arith.extui %sign3A_11 : i1 to i32
    %sign3A_13 = arith.subi %sign3A_9, %sign3A_12 : i32
    %ne3A = arith.cmpi ne, %sign3A_6, %sign3A_13 : i32
    %rem3A = arith.remsi %add3A, %jit3A : i32
    %ne3A_14 = arith.constant 0 : i32
    %ne3A_15 = arith.cmpi ne, %rem3A, %ne3A_14 : i32
    %and3A = arith.andi %ne3A, %ne3A_15 : i1
    %sub3A = arith.constant 1 : i32
    %sub3A_16 = arith.subi %div3A, %sub3A : i32
    %select_n3A = arith.select %and3A, %sub3A_16, %div3A : i32
    %jit3A_17 = arith.constant 8 : i32
    %eq3A = arith.constant 0 : i32
    %eq3A_18 = arith.cmpi eq, %jit3A_17, %eq3A : i32
    %jit3A_19 = arith.constant 1 : i32
    %select_n3A_20 = arith.select %eq3A_18, %jit3A_19, %jit3A_17 : i32
    %rem3A_21 = arith.remsi %add3A, %select_n3A_20 : i32
    %ne3A_22 = arith.constant 0 : i32
    %ne3A_23 = arith.cmpi ne, %rem3A_21, %ne3A_22 : i32
    %lt3A = arith.constant 0 : i32
    %lt3A_24 = arith.cmpi slt, %rem3A_21, %lt3A : i32
    %lt3A_25 = arith.constant 0 : i32
    %lt3A_26 = arith.cmpi slt, %select_n3A_20, %lt3A_25 : i32
    %ne3A_27 = arith.xori %lt3A_24, %lt3A_26 : i1
    %and3A_28 = arith.andi %ne3A_27, %ne3A_23 : i1
    %add3A_29 = arith.addi %rem3A_21, %select_n3A_20 : i32
    %select_n3A_30 = arith.select %and3A_28, %add3A_29, %rem3A_21 : i32
    %mul3A_31 = arith.constant 50 : i32
    %mul3A_32 = arith.muli %select_n3A, %mul3A_31 : i32
    %mul3A_33 = arith.constant 512 : i32
    %mul3A_34 = arith.muli %select_n3A_30, %mul3A_33 : i32
    "tpu.region"() ({
      %run_scoped3A = tpu.sem_alloc : memref<!tpu.dma_semaphore, #tpu.memory_space<semaphore_mem>>
      tpu.enqueue_dma source(%arg3 : memref<33280xf32, #tpu.memory_space<hbm>>) target(%arg5 : memref<33280xf32, #tpu.memory_space<vmem>>) target_semaphore(%run_scoped3A : memref<!tpu.dma_semaphore, #tpu.memory_space<semaphore_mem>>)
      tpu.wait_dma2 semaphore(%run_scoped3A : memref<!tpu.dma_semaphore, #tpu.memory_space<semaphore_mem>>) src(%arg3 : memref<33280xf32, #tpu.memory_space<hbm>>) dst(%arg5 : memref<33280xf32, #tpu.memory_space<vmem>>)
      tpu.yield
    }) : () -> ()
    %add3A_35 = arith.constant 0 : i32
    %add3A_36 = arith.addi %mul3A_32, %add3A_35 : i32
    %mul3A_37 = arith.constant 4096 : i32
    %mul3A_38 = arith.muli %add3A_36, %mul3A_37 : i32
    %add3A_39 = arith.addi %mul3A_38, %mul3A_34 : i32
    %dma_start3A = arith.constant 0 : i32
    %dma_start3A_40 = arith.constant 0 : i32
    %dma_start3A_41 = tpu.memref_slice %arg6[%dma_start3A, %dma_start3A_40] : memref<2x512xi32, #tpu.memory_space<vmem>> -> memref<1x512xi32, #tpu.memory_space<vmem>>
    %dma_start3A_42 = tpu.memref_squeeze %dma_start3A_41 : memref<1x512xi32, #tpu.memory_space<vmem>> -> memref<512xi32, #tpu.memory_space<vmem>>
    %dma_start3A_43 = tpu.memref_slice %arg2[%add3A_39] : memref<819200xi32, #tpu.memory_space<hbm>> -> memref<512xi32, #tpu.memory_space<hbm>>
    %dma_start3A_44 = arith.constant 0 : i32
    %dma_start3A_45 = tpu.memref_slice %arg6[%dma_start3A, %dma_start3A_44] : memref<2x512xi32, #tpu.memory_space<vmem>> -> memref<1x512xi32, #tpu.memory_space<vmem>>
    %dma_start3A_46 = tpu.memref_squeeze %dma_start3A_45 : memref<1x512xi32, #tpu.memory_space<vmem>> -> memref<512xi32, #tpu.memory_space<vmem>>
    %dma_start3A_47 = tpu.memref_slice %arg2[%add3A_39] : memref<819200xi32, #tpu.memory_space<hbm>> -> memref<512xi32, #tpu.memory_space<hbm>>
    tpu.enqueue_dma source(%dma_start3A_47 : memref<512xi32, #tpu.memory_space<hbm>>) target(%dma_start3A_46 : memref<512xi32, #tpu.memory_space<vmem>>) target_semaphore(%arg8 : memref<!tpu.dma_semaphore, #tpu.memory_space<semaphore_mem>>)
    %dma_wait3A = arith.constant 0 : i32
    %dma_wait3A_48 = arith.constant 0 : i32
    %dma_wait3A_49 = tpu.memref_slice %arg6[%dma_wait3A, %dma_wait3A_48] : memref<2x512xi32, #tpu.memory_space<vmem>> -> memref<1x512xi32, #tpu.memory_space<vmem>>
    %dma_wait3A_50 = tpu.memref_squeeze %dma_wait3A_49 : memref<1x512xi32, #tpu.memory_space<vmem>> -> memref<512xi32, #tpu.memory_space<vmem>>
    %dma_wait3A_51 = tpu.memref_slice %arg2[%mul3A_34] : memref<819200xi32, #tpu.memory_space<hbm>> -> memref<512xi32, #tpu.memory_space<hbm>>
    %dma_wait3A_52 = arith.constant 0 : i32
    %dma_wait3A_53 = tpu.memref_slice %arg6[%dma_wait3A, %dma_wait3A_52] : memref<2x512xi32, #tpu.memory_space<vmem>> -> memref<1x512xi32, #tpu.memory_space<vmem>>
    %dma_wait3A_54 = tpu.memref_squeeze %dma_wait3A_53 : memref<1x512xi32, #tpu.memory_space<vmem>> -> memref<512xi32, #tpu.memory_space<vmem>>
    %dma_wait3A_55 = tpu.memref_slice %arg2[%mul3A_34] : memref<819200xi32, #tpu.memory_space<hbm>> -> memref<512xi32, #tpu.memory_space<hbm>>
    tpu.wait_dma2 semaphore(%arg8 : memref<!tpu.dma_semaphore, #tpu.memory_space<semaphore_mem>>) src(%dma_wait3A_55 : memref<512xi32, #tpu.memory_space<hbm>>) dst(%dma_wait3A_54 : memref<512xi32, #tpu.memory_space<vmem>>)
    %add3A_56 = arith.constant 1 : i32
    %add3A_57 = arith.addi %mul3A_32, %add3A_56 : i32
    %mul3A_58 = arith.constant 4096 : i32
    %mul3A_59 = arith.muli %add3A_57, %mul3A_58 : i32
    %add3A_60 = arith.addi %mul3A_59, %mul3A_34 : i32
    %dma_start3A_61 = arith.constant 1 : i32
    %dma_start3A_62 = arith.constant 0 : i32
    %dma_start3A_63 = tpu.memref_slice %arg6[%dma_start3A_61, %dma_start3A_62] : memref<2x512xi32, #tpu.memory_space<vmem>> -> memref<1x512xi32, #tpu.memory_space<vmem>>
    %dma_start3A_64 = tpu.memref_squeeze %dma_start3A_63 : memref<1x512xi32, #tpu.memory_space<vmem>> -> memref<512xi32, #tpu.memory_space<vmem>>
    %dma_start3A_65 = tpu.memref_slice %arg2[%add3A_60] : memref<819200xi32, #tpu.memory_space<hbm>> -> memref<512xi32, #tpu.memory_space<hbm>>
    %dma_start3A_66 = arith.constant 0 : i32
    %dma_start3A_67 = tpu.memref_slice %arg6[%dma_start3A_61, %dma_start3A_66] : memref<2x512xi32, #tpu.memory_space<vmem>> -> memref<1x512xi32, #tpu.memory_space<vmem>>
    %dma_start3A_68 = tpu.memref_squeeze %dma_start3A_67 : memref<1x512xi32, #tpu.memory_space<vmem>> -> memref<512xi32, #tpu.memory_space<vmem>>
    %dma_start3A_69 = tpu.memref_slice %arg2[%add3A_60] : memref<819200xi32, #tpu.memory_space<hbm>> -> memref<512xi32, #tpu.memory_space<hbm>>
    tpu.enqueue_dma source(%dma_start3A_69 : memref<512xi32, #tpu.memory_space<hbm>>) target(%dma_start3A_68 : memref<512xi32, #tpu.memory_space<vmem>>) target_semaphore(%arg9 : memref<!tpu.dma_semaphore, #tpu.memory_space<semaphore_mem>>)
    %scan3A = arith.constant 0 : i32
    %scan3A_70 = arith.constant 0 : i32
    %scan3A_71 = arith.constant 32 : i32
    %scan3A_72 = arith.addi %scan3A_70, %scan3A_71 : i32
    %scan3A_73 = arith.constant 1 : i32
    scf.for %scan3A_282 = %scan3A_70 to %scan3A_72 step %scan3A_73  : i32 {
      %mul3A_283 = arith.constant 16 : i32
      %mul3A_284 = arith.muli %scan3A_282, %mul3A_283 : i32
      %get3A = arith.constant 0 : i32
      %get3A_285 = arith.index_cast %get3A : i32 to index
      %get3A_286 = arith.index_cast %mul3A_284 : i32 to index
      %get3A_287 = tpu.vector_load %arg6[%get3A_285, %get3A_286] {strides = array<i32>} : memref<2x512xi32, #tpu.memory_space<vmem>>, vector<16xi32>,
      %mul3A_288 = arith.constant 65 : i32
      %mul3A_289 = vector.broadcast %mul3A_288 : i32 to vector<16xi32>
      %mul3A_290 = arith.muli %get3A_287, %mul3A_289 : vector<16xi32>
      %add3A_291 = arith.constant 0 : i32
      %add3A_292 = vector.broadcast %add3A_291 : i32 to vector<16xi32>
      %add3A_293 = arith.addi %mul3A_290, %add3A_292 : vector<16xi32>
      %gather3A = tpu.vector_load_idx %arg5[%add3A_293] : memref<33280xf32, #tpu.memory_space<vmem>>[vector<16xi32>], vector<16xf32>,
      %add3A_294 = arith.constant 1 : i32
      %add3A_295 = vector.broadcast %add3A_294 : i32 to vector<16xi32>
      %add3A_296 = arith.addi %mul3A_290, %add3A_295 : vector<16xi32>
      %gather3A_297 = tpu.vector_load_idx %arg5[%add3A_296] : memref<33280xf32, #tpu.memory_space<vmem>>[vector<16xi32>], vector<16xf32>,
      %add3A_298 = arith.constant 2 : i32
      %add3A_299 = vector.broadcast %add3A_298 : i32 to vector<16xi32>
      %add3A_300 = arith.addi %mul3A_290, %add3A_299 : vector<16xi32>
      %gather3A_301 = tpu.vector_load_idx %arg5[%add3A_300] : memref<33280xf32, #tpu.memory_space<vmem>>[vector<16xi32>], vector<16xf32>,
      %add3A_302 = arith.constant 3 : i32
      %add3A_303 = vector.broadcast %add3A_302 : i32 to vector<16xi32>
      %add3A_304 = arith.addi %mul3A_290, %add3A_303 : vector<16xi32>
      %gather3A_305 = tpu.vector_load_idx %arg5[%add3A_304] : memref<33280xf32, #tpu.memory_space<vmem>>[vector<16xi32>], vector<16xf32>,
      %add3A_306 = arith.constant 4 : i32
      %add3A_307 = vector.broadcast %add3A_306 : i32 to vector<16xi32>
      %add3A_308 = arith.addi %mul3A_290, %add3A_307 : vector<16xi32>
      %gather3A_309 = tpu.vector_load_idx %arg5[%add3A_308] : memref<33280xf32, #tpu.memory_space<vmem>>[vector<16xi32>], vector<16xf32>,
      %add3A_310 = arith.constant 5 : i32
      %add3A_311 = vector.broadcast %add3A_310 : i32 to vector<16xi32>
      %add3A_312 = arith.addi %mul3A_290, %add3A_311 : vector<16xi32>
      %gather3A_313 = tpu.vector_load_idx %arg5[%add3A_312] : memref<33280xf32, #tpu.memory_space<vmem>>[vector<16xi32>], vector<16xf32>,
      %add3A_314 = arith.constant 6 : i32
      %add3A_315 = vector.broadcast %add3A_314 : i32 to vector<16xi32>
      %add3A_316 = arith.addi %mul3A_290, %add3A_315 : vector<16xi32>
      %gather3A_317 = tpu.vector_load_idx %arg5[%add3A_316] : memref<33280xf32, #tpu.memory_space<vmem>>[vector<16xi32>], vector<16xf32>,
      %add3A_318 = arith.constant 7 : i32
      %add3A_319 = vector.broadcast %add3A_318 : i32 to vector<16xi32>
      %add3A_320 = arith.addi %mul3A_290, %add3A_319 : vector<16xi32>
      %gather3A_321 = tpu.vector_load_idx %arg5[%add3A_320] : memref<33280xf32, #tpu.memory_space<vmem>>[vector<16xi32>], vector<16xf32>,
      %add3A_322 = arith.constant 8 : i32
      %add3A_323 = vector.broadcast %add3A_322 : i32 to vector<16xi32>
      %add3A_324 = arith.addi %mul3A_290, %add3A_323 : vector<16xi32>
      %gather3A_325 = tpu.vector_load_idx %arg5[%add3A_324] : memref<33280xf32, #tpu.memory_space<vmem>>[vector<16xi32>], vector<16xf32>,
      %mul3A_326 = arith.constant 16 : i32
      %mul3A_327 = arith.muli %scan3A_282, %mul3A_326 : i32
      %swap3A = arith.constant 0 : i32
      %swap3A_328 = arith.constant 0 : i32
      %swap3A_329 = arith.index_cast %swap3A : i32 to index
      %swap3A_330 = arith.index_cast %swap3A_328 : i32 to index
      %swap3A_331 = arith.index_cast %mul3A_327 : i32 to index
      %swap3A_332 = tpu.vector_load %arg7[%swap3A_329, %swap3A_330, %swap3A_331] {strides = array<i32>} : memref<2x64x512xf32, #tpu.memory_space<vmem>>, vector<16xf32>,
      tpu.vector_store %arg7[%swap3A_329, %swap3A_330, %swap3A_331], %gather3A {strides = array<i32>} : memref<2x64x512xf32, #tpu.memory_space<vmem>>, vector<16xf32>,
      %add3A_333 = arith.constant 9 : i32
      %add3A_334 = vector.broadcast %add3A_333 : i32 to vector<16xi32>
      %add3A_335 = arith.addi %mul3A_290, %add3A_334 : vector<16xi32>
      %gather3A_336 = tpu.vector_load_idx %arg5[%add3A_335] : memref<33280xf32, #tpu.memory_space<vmem>>[vector<16xi32>], vector<16xf32>,
      %mul3A_337 = arith.constant 16 : i32
      %mul3A_338 = arith.muli %scan3A_282, %mul3A_337 : i32
      %swap3A_339 = arith.constant 0 : i32
      %swap3A_340 = arith.constant 1 : i32
      %swap3A_341 = arith.index_cast %swap3A_339 : i32 to index
      %swap3A_342 = arith.index_cast %swap3A_340 : i32 to index
      %swap3A_343 = arith.index_cast %mul3A_338 : i32 to index
      %swap3A_344 = tpu.vector_load %arg7[%swap3A_341, %swap3A_342, %swap3A_343] {strides = array<i32>} : memref<2x64x512xf32, #tpu.memory_space<vmem>>, vector<16xf32>,
      tpu.vector_store %arg7[%swap3A_341, %swap3A_342, %swap3A_343], %gather3A_297 {strides = array<i32>} : memref<2x64x512xf32, #tpu.memory_space<vmem>>, vector<16xf32>,
      %add3A_345 = arith.constant 10 : i32
      %add3A_346 = vector.broadcast %add3A_345 : i32 to vector<16xi32>
      %add3A_347 = arith.addi %mul3A_290, %add3A_346 : vector<16xi32>
      %gather3A_348 = tpu.vector_load_idx %arg5[%add3A_347] : memref<33280xf32, #tpu.memory_space<vmem>>[vector<16xi32>], vector<16xf32>,
      %mul3A_349 = arith.constant 16 : i32
      %mul3A_350 = arith.muli %scan3A_282, %mul3A_349 : i32
      %swap3A_351 = arith.constant 0 : i32
      %swap3A_352 = arith.constant 2 : i32
      %swap3A_353 = arith.index_cast %swap3A_351 : i32 to index
      %swap3A_354 = arith.index_cast %swap3A_352 : i32 to index
      %swap3A_355 = arith.index_cast %mul3A_350 : i32 to index
      %swap3A_356 = tpu.vector_load %arg7[%swap3A_353, %swap3A_354, %swap3A_355] {strides = array<i32>} : memref<2x64x512xf32, #tpu.memory_space<vmem>>, vector<16xf32>,
      tpu.vector_store %arg7[%swap3A_353, %swap3A_354, %swap3A_355], %gather3A_301 {strides = array<i32>} : memref<2x64x512xf32, #tpu.memory_space<vmem>>, vector<16xf32>,
      %add3A_357 = arith.constant 11 : i32
      %add3A_358 = vector.broadcast %add3A_357 : i32 to vector<16xi32>
      %add3A_359 = arith.addi %mul3A_290, %add3A_358 : vector<16xi32>
      %gather3A_360 = tpu.vector_load_idx %arg5[%add3A_359] : memref<33280xf32, #tpu.memory_space<vmem>>[vector<16xi32>], vector<16xf32>,
      %mul3A_361 = arith.constant 16 : i32
      %mul3A_362 = arith.muli %scan3A_282, %mul3A_361 : i32
      %swap3A_363 = arith.constant 0 : i32
      %swap3A_364 = arith.constant 3 : i32
      %swap3A_365 = arith.index_cast %swap3A_363 : i32 to index
      %swap3A_366 = arith.index_cast %swap3A_364 : i32 to index
      %swap3A_367 = arith.index_cast %mul3A_362 : i32 to index
      %swap3A_368 = tpu.vector_load %arg7[%swap3A_365, %swap3A_366, %swap3A_367] {strides = array<i32>} : memref<2x64x512xf32, #tpu.memory_space<vmem>>, vector<16xf32>,
      tpu.vector_store %arg7[%swap3A_365, %swap3A_366, %swap3A_367], %gather3A_305 {strides = array<i32>} : memref<2x64x512xf32, #tpu.memory_space<vmem>>, vector<16xf32>,
      %add3A_369 = arith.constant 12 : i32
      %add3A_370 = vector.broadcast %add3A_369 : i32 to vector<16xi32>
      %add3A_371 = arith.addi %mul3A_290, %add3A_370 : vector<16xi32>
      %gather3A_372 = tpu.vector_load_idx %arg5[%add3A_371] : memref<33280xf32, #tpu.memory_space<vmem>>[vector<16xi32>], vector<16xf32>,
      %mul3A_373 = arith.constant 16 : i32
      %mul3A_374 = arith.muli %scan3A_282, %mul3A_373 : i32
      %swap3A_375 = arith.constant 0 : i32
      %swap3A_376 = arith.constant 4 : i32
      %swap3A_377 = arith.index_cast %swap3A_375 : i32 to index
      %swap3A_378 = arith.index_cast %swap3A_376 : i32 to index
      %swap3A_379 = arith.index_cast %mul3A_374 : i32 to index
      %swap3A_380 = tpu.vector_load %arg7[%swap3A_377, %swap3A_378, %swap3A_379] {strides = array<i32>} : memref<2x64x512xf32, #tpu.memory_space<vmem>>, vector<16xf32>,
      tpu.vector_store %arg7[%swap3A_377, %swap3A_378, %swap3A_379], %gather3A_309 {strides = array<i32>} : memref<2x64x512xf32, #tpu.memory_space<vmem>>, vector<16xf32>,
      %add3A_381 = arith.constant 13 : i32
      %add3A_382 = vector.broadcast %add3A_381 : i32 to vector<16xi32>
      %add3A_383 = arith.addi %mul3A_290, %add3A_382 : vector<16xi32>
      %gather3A_384 = tpu.vector_load_idx %arg5[%add3A_383] : memref<33280xf32, #tpu.memory_space<vmem>>[vector<16xi32>], vector<16xf32>,
      %mul3A_385 = arith.constant 16 : i32
      %mul3A_386 = arith.muli %scan3A_282, %mul3A_385 : i32
      %swap3A_387 = arith.constant 0 : i32
      %swap3A_388 = arith.constant 5 : i32
      %swap3A_389 = arith.index_cast %swap3A_387 : i32 to index
      %swap3A_390 = arith.index_cast %swap3A_388 : i32 to index
      %swap3A_391 = arith.index_cast %mul3A_386 : i32 to index
      %swap3A_392 = tpu.vector_load %arg7[%swap3A_389, %swap3A_390, %swap3A_391] {strides = array<i32>} : memref<2x64x512xf32, #tpu.memory_space<vmem>>, vector<16xf32>,
      tpu.vector_store %arg7[%swap3A_389, %swap3A_390, %swap3A_391], %gather3A_313 {strides = array<i32>} : memref<2x64x512xf32, #tpu.memory_space<vmem>>, vector<16xf32>,
      %add3A_393 = arith.constant 14 : i32
      %add3A_394 = vector.broadcast %add3A_393 : i32 to vector<16xi32>
      %add3A_395 = arith.addi %mul3A_290, %add3A_394 : vector<16xi32>
      %gather3A_396 = tpu.vector_load_idx %arg5[%add3A_395] : memref<33280xf32, #tpu.memory_space<vmem>>[vector<16xi32>], vector<16xf32>,
      %mul3A_397 = arith.constant 16 : i32
      %mul3A_398 = arith.muli %scan3A_282, %mul3A_397 : i32
      %swap3A_399 = arith.constant 0 : i32
      %swap3A_400 = arith.constant 6 : i32
      %swap3A_401 = arith.index_cast %swap3A_399 : i32 to index
      %swap3A_402 = arith.index_cast %swap3A_400 : i32 to index
      %swap3A_403 = arith.index_cast %mul3A_398 : i32 to index
      %swap3A_404 = tpu.vector_load %arg7[%swap3A_401, %swap3A_402, %swap3A_403] {strides = array<i32>} : memref<2x64x512xf32, #tpu.memory_space<vmem>>, vector<16xf32>,
      tpu.vector_store %arg7[%swap3A_401, %swap3A_402, %swap3A_403], %gather3A_317 {strides = array<i32>} : memref<2x64x512xf32, #tpu.memory_space<vmem>>, vector<16xf32>,
      %add3A_405 = arith.constant 15 : i32
      %add3A_406 = vector.broadcast %add3A_405 : i32 to vector<16xi32>
      %add3A_407 = arith.addi %mul3A_290, %add3A_406 : vector<16xi32>
      %gather3A_408 = tpu.vector_load_idx %arg5[%add3A_407] : memref<33280xf32, #tpu.memory_space<vmem>>[vector<16xi32>], vector<16xf32>,
      %mul3A_409 = arith.constant 16 : i32
      %mul3A_410 = arith.muli %scan3A_282, %mul3A_409 : i32
      %swap3A_411 = arith.constant 0 : i32
      %swap3A_412 = arith.constant 7 : i32
      %swap3A_413 = arith.index_cast %swap3A_411 : i32 to index
      %swap3A_414 = arith.index_cast %swap3A_412 : i32 to index
      %swap3A_415 = arith.index_cast %mul3A_410 : i32 to index
      %swap3A_416 = tpu.vector_load %arg7[%swap3A_413, %swap3A_414, %swap3A_415] {strides = array<i32>} : memref<2x64x512xf32, #tpu.memory_space<vmem>>, vector<16xf32>,
      tpu.vector_store %arg7[%swap3A_413, %swap3A_414, %swap3A_415], %gather3A_321 {strides = array<i32>} : memref<2x64x512xf32, #tpu.memory_space<vmem>>, vector<16xf32>,
      %add3A_417 = arith.constant 16 : i32
      %add3A_418 = vector.broadcast %add3A_417 : i32 to vector<16xi32>
      %add3A_419 = arith.addi %mul3A_290, %add3A_418 : vector<16xi32>
      %gather3A_420 = tpu.vector_load_idx %arg5[%add3A_419] : memref<33280xf32, #tpu.memory_space<vmem>>[vector<16xi32>], vector<16xf32>,
      %mul3A_421 = arith.constant 16 : i32
      %mul3A_422 = arith.muli %scan3A_282, %mul3A_421 : i32
      %swap3A_423 = arith.constant 0 : i32
      %swap3A_424 = arith.constant 8 : i32
      %swap3A_425 = arith.index_cast %swap3A_423 : i32 to index
      %swap3A_426 = arith.index_cast %swap3A_424 : i32 to index
      %swap3A_427 = arith.index_cast %mul3A_422 : i32 to index
      %swap3A_428 = tpu.vector_load %arg7[%swap3A_425, %swap3A_426, %swap3A_427] {strides = array<i32>} : memref<2x64x512xf32, #tpu.memory_space<vmem>>, vector<16xf32>,
      tpu.vector_store %arg7[%swap3A_425, %swap3A_426, %swap3A_427], %gather3A_325 {strides = array<i32>} : memref<2x64x512xf32, #tpu.memory_space<vmem>>, vector<16xf32>,
      %add3A_429 = arith.constant 17 : i32
      %add3A_430 = vector.broadcast %add3A_429 : i32 to vector<16xi32>
      %add3A_431 = arith.addi %mul3A_290, %add3A_430 : vector<16xi32>
      %gather3A_432 = tpu.vector_load_idx %arg5[%add3A_431] : memref<33280xf32, #tpu.memory_space<vmem>>[vector<16xi32>], vector<16xf32>,
      %mul3A_433 = arith.constant 16 : i32
      %mul3A_434 = arith.muli %scan3A_282, %mul3A_433 : i32
      %swap3A_435 = arith.constant 0 : i32
      %swap3A_436 = arith.constant 9 : i32
      %swap3A_437 = arith.index_cast %swap3A_435 : i32 to index
      %swap3A_438 = arith.index_cast %swap3A_436 : i32 to index
      %swap3A_439 = arith.index_cast %mul3A_434 : i32 to index
      %swap3A_440 = tpu.vector_load %arg7[%swap3A_437, %swap3A_438, %swap3A_439] {strides = array<i32>} : memref<2x64x512xf32, #tpu.memory_space<vmem>>, vector<16xf32>,
      tpu.vector_store %arg7[%swap3A_437, %swap3A_438, %swap3A_439], %gather3A_336 {strides = array<i32>} : memref<2x64x512xf32, #tpu.memory_space<vmem>>, vector<16xf32>,
      %add3A_441 = arith.constant 18 : i32
      %add3A_442 = vector.broadcast %add3A_441 : i32 to vector<16xi32>
      %add3A_443 = arith.addi %mul3A_290, %add3A_442 : vector<16xi32>
      %gather3A_444 = tpu.vector_load_idx %arg5[%add3A_443] : memref<33280xf32, #tpu.memory_space<vmem>>[vector<16xi32>], vector<16xf32>,
      %mul3A_445 = arith.constant 16 : i32
      %mul3A_446 = arith.muli %scan3A_282, %mul3A_445 : i32
      %swap3A_447 = arith.constant 0 : i32
      %swap3A_448 = arith.constant 10 : i32
      %swap3A_449 = arith.index_cast %swap3A_447 : i32 to index
      %swap3A_450 = arith.index_cast %swap3A_448 : i32 to index
      %swap3A_451 = arith.index_cast %mul3A_446 : i32 to index
      %swap3A_452 = tpu.vector_load %arg7[%swap3A_449, %swap3A_450, %swap3A_451] {strides = array<i32>} : memref<2x64x512xf32, #tpu.memory_space<vmem>>, vector<16xf32>,
      tpu.vector_store %arg7[%swap3A_449, %swap3A_450, %swap3A_451], %gather3A_348 {strides = array<i32>} : memref<2x64x512xf32, #tpu.memory_space<vmem>>, vector<16xf32>,
      %add3A_453 = arith.constant 19 : i32
      %add3A_454 = vector.broadcast %add3A_453 : i32 to vector<16xi32>
      %add3A_455 = arith.addi %mul3A_290, %add3A_454 : vector<16xi32>
      %gather3A_456 = tpu.vector_load_idx %arg5[%add3A_455] : memref<33280xf32, #tpu.memory_space<vmem>>[vector<16xi32>], vector<16xf32>,
      %mul3A_457 = arith.constant 16 : i32
      %mul3A_458 = arith.muli %scan3A_282, %mul3A_457 : i32
      %swap3A_459 = arith.constant 0 : i32
      %swap3A_460 = arith.constant 11 : i32
      %swap3A_461 = arith.index_cast %swap3A_459 : i32 to index
      %swap3A_462 = arith.index_cast %swap3A_460 : i32 to index
      %swap3A_463 = arith.index_cast %mul3A_458 : i32 to index
      %swap3A_464 = tpu.vector_load %arg7[%swap3A_461, %swap3A_462, %swap3A_463] {strides = array<i32>} : memref<2x64x512xf32, #tpu.memory_space<vmem>>, vector<16xf32>,
      tpu.vector_store %arg7[%swap3A_461, %swap3A_462, %swap3A_463], %gather3A_360 {strides = array<i32>} : memref<2x64x512xf32, #tpu.memory_space<vmem>>, vector<16xf32>,
      %add3A_465 = arith.constant 20 : i32
      %add3A_466 = vector.broadcast %add3A_465 : i32 to vector<16xi32>
      %add3A_467 = arith.addi %mul3A_290, %add3A_466 : vector<16xi32>
      %gather3A_468 = tpu.vector_load_idx %arg5[%add3A_467] : memref<33280xf32, #tpu.memory_space<vmem>>[vector<16xi32>], vector<16xf32>,
      %mul3A_469 = arith.constant 16 : i32
      %mul3A_470 = arith.muli %scan3A_282, %mul3A_469 : i32
      %swap3A_471 = arith.constant 0 : i32
      %swap3A_472 = arith.constant 12 : i32
      %swap3A_473 = arith.index_cast %swap3A_471 : i32 to index
      %swap3A_474 = arith.index_cast %swap3A_472 : i32 to index
      %swap3A_475 = arith.index_cast %mul3A_470 : i32 to index
      %swap3A_476 = tpu.vector_load %arg7[%swap3A_473, %swap3A_474, %swap3A_475] {strides = array<i32>} : memref<2x64x512xf32, #tpu.memory_space<vmem>>, vector<16xf32>,
      tpu.vector_store %arg7[%swap3A_473, %swap3A_474, %swap3A_475], %gather3A_372 {strides = array<i32>} : memref<2x64x512xf32, #tpu.memory_space<vmem>>, vector<16xf32>,
      %add3A_477 = arith.constant 21 : i32
      %add3A_478 = vector.broadcast %add3A_477 : i32 to vector<16xi32>
      %add3A_479 = arith.addi %mul3A_290, %add3A_478 : vector<16xi32>
      %gather3A_480 = tpu.vector_load_idx %arg5[%add3A_479] : memref<33280xf32, #tpu.memory_space<vmem>>[vector<16xi32>], vector<16xf32>,
      %mul3A_481 = arith.constant 16 : i32
      %mul3A_482 = arith.muli %scan3A_282, %mul3A_481 : i32
      %swap3A_483 = arith.constant 0 : i32
      %swap3A_484 = arith.constant 13 : i32
      %swap3A_485 = arith.index_cast %swap3A_483 : i32 to index
      %swap3A_486 = arith.index_cast %swap3A_484 : i32 to index
      %swap3A_487 = arith.index_cast %mul3A_482 : i32 to index
      %swap3A_488 = tpu.vector_load %arg7[%swap3A_485, %swap3A_486, %swap3A_487] {strides = array<i32>} : memref<2x64x512xf32, #tpu.memory_space<vmem>>, vector<16xf32>,
      tpu.vector_store %arg7[%swap3A_485, %swap3A_486, %swap3A_487], %gather3A_384 {strides = array<i32>} : memref<2x64x512xf32, #tpu.memory_space<vmem>>, vector<16xf32>,
      %add3A_489 = arith.constant 22 : i32
      %add3A_490 = vector.broadcast %add3A_489 : i32 to vector<16xi32>
      %add3A_491 = arith.addi %mul3A_290, %add3A_490 : vector<16xi32>
      %gather3A_492 = tpu.vector_load_idx %arg5[%add3A_491] : memref<33280xf32, #tpu.memory_space<vmem>>[vector<16xi32>], vector<16xf32>,
      %mul3A_493 = arith.constant 16 : i32
      %mul3A_494 = arith.muli %scan3A_282, %mul3A_493 : i32
      %swap3A_495 = arith.constant 0 : i32
      %swap3A_496 = arith.constant 14 : i32
      %swap3A_497 = arith.index_cast %swap3A_495 : i32 to index
      %swap3A_498 = arith.index_cast %swap3A_496 : i32 to index
      %swap3A_499 = arith.index_cast %mul3A_494 : i32 to index
      %swap3A_500 = tpu.vector_load %arg7[%swap3A_497, %swap3A_498, %swap3A_499] {strides = array<i32>} : memref<2x64x512xf32, #tpu.memory_space<vmem>>, vector<16xf32>,
      tpu.vector_store %arg7[%swap3A_497, %swap3A_498, %swap3A_499], %gather3A_396 {strides = array<i32>} : memref<2x64x512xf32, #tpu.memory_space<vmem>>, vector<16xf32>,
      %add3A_501 = arith.constant 23 : i32
      %add3A_502 = vector.broadcast %add3A_501 : i32 to vector<16xi32>
      %add3A_503 = arith.addi %mul3A_290, %add3A_502 : vector<16xi32>
      %gather3A_504 = tpu.vector_load_idx %arg5[%add3A_503] : memref<33280xf32, #tpu.memory_space<vmem>>[vector<16xi32>], vector<16xf32>,
      %mul3A_505 = arith.constant 16 : i32
      %mul3A_506 = arith.muli %scan3A_282, %mul3A_505 : i32
      %swap3A_507 = arith.constant 0 : i32
      %swap3A_508 = arith.constant 15 : i32
      %swap3A_509 = arith.index_cast %swap3A_507 : i32 to index
      %swap3A_510 = arith.index_cast %swap3A_508 : i32 to index
      %swap3A_511 = arith.index_cast %mul3A_506 : i32 to index
      %swap3A_512 = tpu.vector_load %arg7[%swap3A_509, %swap3A_510, %swap3A_511] {strides = array<i32>} : memref<2x64x512xf32, #tpu.memory_space<vmem>>, vector<16xf32>,
      tpu.vector_store %arg7[%swap3A_509, %swap3A_510, %swap3A_511], %gather3A_408 {strides = array<i32>} : memref<2x64x512xf32, #tpu.memory_space<vmem>>, vector<16xf32>,
      %add3A_513 = arith.constant 24 : i32
      %add3A_514 = vector.broadcast %add3A_513 : i32 to vector<16xi32>
      %add3A_515 = arith.addi %mul3A_290, %add3A_514 : vector<16xi32>
      %gather3A_516 = tpu.vector_load_idx %arg5[%add3A_515] : memref<33280xf32, #tpu.memory_space<vmem>>[vector<16xi32>], vector<16xf32>,
      %mul3A_517 = arith.constant 16 : i32
      %mul3A_518 = arith.muli %scan3A_282, %mul3A_517 : i32
      %swap3A_519 = arith.constant 0 : i32
      %swap3A_520 = arith.constant 16 : i32
      %swap3A_521 = arith.index_cast %swap3A_519 : i32 to index
      %swap3A_522 = arith.index_cast %swap3A_520 : i32 to index
      %swap3A_523 = arith.index_cast %mul3A_518 : i32 to index
      %swap3A_524 = tpu.vector_load %arg7[%swap3A_521, %swap3A_522, %swap3A_523] {strides = array<i32>} : memref<2x64x512xf32, #tpu.memory_space<vmem>>, vector<16xf32>,
      tpu.vector_store %arg7[%swap3A_521, %swap3A_522, %swap3A_523], %gather3A_420 {strides = array<i32>} : memref<2x64x512xf32, #tpu.memory_space<vmem>>, vector<16xf32>,
      %add3A_525 = arith.constant 25 : i32
      %add3A_526 = vector.broadcast %add3A_525 : i32 to vector<16xi32>
      %add3A_527 = arith.addi %mul3A_290, %add3A_526 : vector<16xi32>
      %gather3A_528 = tpu.vector_load_idx %arg5[%add3A_527] : memref<33280xf32, #tpu.memory_space<vmem>>[vector<16xi32>], vector<16xf32>,
      %mul3A_529 = arith.constant 16 : i32
      %mul3A_530 = arith.muli %scan3A_282, %mul3A_529 : i32
      %swap3A_531 = arith.constant 0 : i32
      %swap3A_532 = arith.constant 17 : i32
      %swap3A_533 = arith.index_cast %swap3A_531 : i32 to index
      %swap3A_534 = arith.index_cast %swap3A_532 : i32 to index
      %swap3A_535 = arith.index_cast %mul3A_530 : i32 to index
      %swap3A_536 = tpu.vector_load %arg7[%swap3A_533, %swap3A_534, %swap3A_535] {strides = array<i32>} : memref<2x64x512xf32, #tpu.memory_space<vmem>>, vector<16xf32>,
      tpu.vector_store %arg7[%swap3A_533, %swap3A_534, %swap3A_535], %gather3A_432 {strides = array<i32>} : memref<2x64x512xf32, #tpu.memory_space<vmem>>, vector<16xf32>,
      %add3A_537 = arith.constant 26 : i32
      %add3A_538 = vector.broadcast %add3A_537 : i32 to vector<16xi32>
      %add3A_539 = arith.addi %mul3A_290, %add3A_538 : vector<16xi32>
      %gather3A_540 = tpu.vector_load_idx %arg5[%add3A_539] : memref<33280xf32, #tpu.memory_space<vmem>>[vector<16xi32>], vector<16xf32>,
      %mul3A_541 = arith.constant 16 : i32
      %mul3A_542 = arith.muli %scan3A_282, %mul3A_541 : i32
      %swap3A_543 = arith.constant 0 : i32
      %swap3A_544 = arith.constant 18 : i32
      %swap3A_545 = arith.index_cast %swap3A_543 : i32 to index
      %swap3A_546 = arith.index_cast %swap3A_544 : i32 to index
      %swap3A_547 = arith.index_cast %mul3A_542 : i32 to index
      %swap3A_548 = tpu.vector_load %arg7[%swap3A_545, %swap3A_546, %swap3A_547] {strides = array<i32>} : memref<2x64x512xf32, #tpu.memory_space<vmem>>, vector<16xf32>,
      tpu.vector_store %arg7[%swap3A_545, %swap3A_546, %swap3A_547], %gather3A_444 {strides = array<i32>} : memref<2x64x512xf32, #tpu.memory_space<vmem>>, vector<16xf32>,
      %add3A_549 = arith.constant 27 : i32
      %add3A_550 = vector.broadcast %add3A_549 : i32 to vector<16xi32>
      %add3A_551 = arith.addi %mul3A_290, %add3A_550 : vector<16xi32>
      %gather3A_552 = tpu.vector_load_idx %arg5[%add3A_551] : memref<33280xf32, #tpu.memory_space<vmem>>[vector<16xi32>], vector<16xf32>,
      %mul3A_553 = arith.constant 16 : i32
      %mul3A_554 = arith.muli %scan3A_282, %mul3A_553 : i32
      %swap3A_555 = arith.constant 0 : i32
      %swap3A_556 = arith.constant 19 : i32
      %swap3A_557 = arith.index_cast %swap3A_555 : i32 to index
      %swap3A_558 = arith.index_cast %swap3A_556 : i32 to index
      %swap3A_559 = arith.index_cast %mul3A_554 : i32 to index
      %swap3A_560 = tpu.vector_load %arg7[%swap3A_557, %swap3A_558, %swap3A_559] {strides = array<i32>} : memref<2x64x512xf32, #tpu.memory_space<vmem>>, vector<16xf32>,
      tpu.vector_store %arg7[%swap3A_557, %swap3A_558, %swap3A_559], %gather3A_456 {strides = array<i32>} : memref<2x64x512xf32, #tpu.memory_space<vmem>>, vector<16xf32>,
      %add3A_561 = arith.constant 28 : i32
      %add3A_562 = vector.broadcast %add3A_561 : i32 to vector<16xi32>
      %add3A_563 = arith.addi %mul3A_290, %add3A_562 : vector<16xi32>
      %gather3A_564 = tpu.vector_load_idx %arg5[%add3A_563] : memref<33280xf32, #tpu.memory_space<vmem>>[vector<16xi32>], vector<16xf32>,
      %mul3A_565 = arith.constant 16 : i32
      %mul3A_566 = arith.muli %scan3A_282, %mul3A_565 : i32
      %swap3A_567 = arith.constant 0 : i32
      %swap3A_568 = arith.constant 20 : i32
      %swap3A_569 = arith.index_cast %swap3A_567 : i32 to index
      %swap3A_570 = arith.index_cast %swap3A_568 : i32 to index
      %swap3A_571 = arith.index_cast %mul3A_566 : i32 to index
      %swap3A_572 = tpu.vector_load %arg7[%swap3A_569, %swap3A_570, %swap3A_571] {strides = array<i32>} : memref<2x64x512xf32, #tpu.memory_space<vmem>>, vector<16xf32>,
      tpu.vector_store %arg7[%swap3A_569, %swap3A_570, %swap3A_571], %gather3A_468 {strides = array<i32>} : memref<2x64x512xf32, #tpu.memory_space<vmem>>, vector<16xf32>,
      %add3A_573 = arith.constant 29 : i32
      %add3A_574 = vector.broadcast %add3A_573 : i32 to vector<16xi32>
      %add3A_575 = arith.addi %mul3A_290, %add3A_574 : vector<16xi32>
      %gather3A_576 = tpu.vector_load_idx %arg5[%add3A_575] : memref<33280xf32, #tpu.memory_space<vmem>>[vector<16xi32>], vector<16xf32>,
      %mul3A_577 = arith.constant 16 : i32
      %mul3A_578 = arith.muli %scan3A_282, %mul3A_577 : i32
      %swap3A_579 = arith.constant 0 : i32
      %swap3A_580 = arith.constant 21 : i32
      %swap3A_581 = arith.index_cast %swap3A_579 : i32 to index
      %swap3A_582 = arith.index_cast %swap3A_580 : i32 to index
      %swap3A_583 = arith.index_cast %mul3A_578 : i32 to index
      %swap3A_584 = tpu.vector_load %arg7[%swap3A_581, %swap3A_582, %swap3A_583] {strides = array<i32>} : memref<2x64x512xf32, #tpu.memory_space<vmem>>, vector<16xf32>,
      tpu.vector_store %arg7[%swap3A_581, %swap3A_582, %swap3A_583], %gather3A_480 {strides = array<i32>} : memref<2x64x512xf32, #tpu.memory_space<vmem>>, vector<16xf32>,
      %add3A_585 = arith.constant 30 : i32
      %add3A_586 = vector.broadcast %add3A_585 : i32 to vector<16xi32>
      %add3A_587 = arith.addi %mul3A_290, %add3A_586 : vector<16xi32>
      %gather3A_588 = tpu.vector_load_idx %arg5[%add3A_587] : memref<33280xf32, #tpu.memory_space<vmem>>[vector<16xi32>], vector<16xf32>,
      %mul3A_589 = arith.constant 16 : i32
      %mul3A_590 = arith.muli %scan3A_282, %mul3A_589 : i32
      %swap3A_591 = arith.constant 0 : i32
      %swap3A_592 = arith.constant 22 : i32
      %swap3A_593 = arith.index_cast %swap3A_591 : i32 to index
      %swap3A_594 = arith.index_cast %swap3A_592 : i32 to index
      %swap3A_595 = arith.index_cast %mul3A_590 : i32 to index
      %swap3A_596 = tpu.vector_load %arg7[%swap3A_593, %swap3A_594, %swap3A_595] {strides = array<i32>} : memref<2x64x512xf32, #tpu.memory_space<vmem>>, vector<16xf32>,
      tpu.vector_store %arg7[%swap3A_593, %swap3A_594, %swap3A_595], %gather3A_492 {strides = array<i32>} : memref<2x64x512xf32, #tpu.memory_space<vmem>>, vector<16xf32>,
      %add3A_597 = arith.constant 31 : i32
      %add3A_598 = vector.broadcast %add3A_597 : i32 to vector<16xi32>
      %add3A_599 = arith.addi %mul3A_290, %add3A_598 : vector<16xi32>
      %gather3A_600 = tpu.vector_load_idx %arg5[%add3A_599] : memref<33280xf32, #tpu.memory_space<vmem>>[vector<16xi32>], vector<16xf32>,
      %mul3A_601 = arith.constant 16 : i32
      %mul3A_602 = arith.muli %scan3A_282, %mul3A_601 : i32
      %swap3A_603 = arith.constant 0 : i32
      %swap3A_604 = arith.constant 23 : i32
      %swap3A_605 = arith.index_cast %swap3A_603 : i32 to index
      %swap3A_606 = arith.index_cast %swap3A_604 : i32 to index
      %swap3A_607 = arith.index_cast %mul3A_602 : i32 to index
      %swap3A_608 = tpu.vector_load %arg7[%swap3A_605, %swap3A_606, %swap3A_607] {strides = array<i32>} : memref<2x64x512xf32, #tpu.memory_space<vmem>>, vector<16xf32>,
      tpu.vector_store %arg7[%swap3A_605, %swap3A_606, %swap3A_607], %gather3A_504 {strides = array<i32>} : memref<2x64x512xf32, #tpu.memory_space<vmem>>, vector<16xf32>,
      %add3A_609 = arith.constant 32 : i32
      %add3A_610 = vector.broadcast %add3A_609 : i32 to vector<16xi32>
      %add3A_611 = arith.addi %mul3A_290, %add3A_610 : vector<16xi32>
      %gather3A_612 = tpu.vector_load_idx %arg5[%add3A_611] : memref<33280xf32, #tpu.memory_space<vmem>>[vector<16xi32>], vector<16xf32>,
      %mul3A_613 = arith.constant 16 : i32
      %mul3A_614 = arith.muli %scan3A_282, %mul3A_613 : i32
      %swap3A_615 = arith.constant 0 : i32
      %swap3A_616 = arith.constant 24 : i32
      %swap3A_617 = arith.index_cast %swap3A_615 : i32 to index
      %swap3A_618 = arith.index_cast %swap3A_616 : i32 to index
      %swap3A_619 = arith.index_cast %mul3A_614 : i32 to index
      %swap3A_620 = tpu.vector_load %arg7[%swap3A_617, %swap3A_618, %swap3A_619] {strides = array<i32>} : memref<2x64x512xf32, #tpu.memory_space<vmem>>, vector<16xf32>,
      tpu.vector_store %arg7[%swap3A_617, %swap3A_618, %swap3A_619], %gather3A_516 {strides = array<i32>} : memref<2x64x512xf32, #tpu.memory_space<vmem>>, vector<16xf32>,
      %add3A_621 = arith.constant 33 : i32
      %add3A_622 = vector.broadcast %add3A_621 : i32 to vector<16xi32>
      %add3A_623 = arith.addi %mul3A_290, %add3A_622 : vector<16xi32>
      %gather3A_624 = tpu.vector_load_idx %arg5[%add3A_623] : memref<33280xf32, #tpu.memory_space<vmem>>[vector<16xi32>], vector<16xf32>,
      %mul3A_625 = arith.constant 16 : i32
      %mul3A_626 = arith.muli %scan3A_282, %mul3A_625 : i32
      %swap3A_627 = arith.constant 0 : i32
      %swap3A_628 = arith.constant 25 : i32
      %swap3A_629 = arith.index_cast %swap3A_627 : i32 to index
      %swap3A_630 = arith.index_cast %swap3A_628 : i32 to index
      %swap3A_631 = arith.index_cast %mul3A_626 : i32 to index
      %swap3A_632 = tpu.vector_load %arg7[%swap3A_629, %swap3A_630, %swap3A_631] {strides = array<i32>} : memref<2x64x512xf32, #tpu.memory_space<vmem>>, vector<16xf32>,
      tpu.vector_store %arg7[%swap3A_629, %swap3A_630, %swap3A_631], %gather3A_528 {strides = array<i32>} : memref<2x64x512xf32, #tpu.memory_space<vmem>>, vector<16xf32>,
      %add3A_633 = arith.constant 34 : i32
      %add3A_634 = vector.broadcast %add3A_633 : i32 to vector<16xi32>
      %add3A_635 = arith.addi %mul3A_290, %add3A_634 : vector<16xi32>
      %gather3A_636 = tpu.vector_load_idx %arg5[%add3A_635] : memref<33280xf32, #tpu.memory_space<vmem>>[vector<16xi32>], vector<16xf32>,
      %mul3A_637 = arith.constant 16 : i32
      %mul3A_638 = arith.muli %scan3A_282, %mul3A_637 : i32
      %swap3A_639 = arith.constant 0 : i32
      %swap3A_640 = arith.constant 26 : i32
      %swap3A_641 = arith.index_cast %swap3A_639 : i32 to index
      %swap3A_642 = arith.index_cast %swap3A_640 : i32 to index
      %swap3A_643 = arith.index_cast %mul3A_638 : i32 to index
      %swap3A_644 = tpu.vector_load %arg7[%swap3A_641, %swap3A_642, %swap3A_643] {strides = array<i32>} : memref<2x64x512xf32, #tpu.memory_space<vmem>>, vector<16xf32>,
      tpu.vector_store %arg7[%swap3A_641, %swap3A_642, %swap3A_643], %gather3A_540 {strides = array<i32>} : memref<2x64x512xf32, #tpu.memory_space<vmem>>, vector<16xf32>,
      %add3A_645 = arith.constant 35 : i32
      %add3A_646 = vector.broadcast %add3A_645 : i32 to vector<16xi32>
      %add3A_647 = arith.addi %mul3A_290, %add3A_646 : vector<16xi32>
      %gather3A_648 = tpu.vector_load_idx %arg5[%add3A_647] : memref<33280xf32, #tpu.memory_space<vmem>>[vector<16xi32>], vector<16xf32>,
      %mul3A_649 = arith.constant 16 : i32
      %mul3A_650 = arith.muli %scan3A_282, %mul3A_649 : i32
      %swap3A_651 = arith.constant 0 : i32
      %swap3A_652 = arith.constant 27 : i32
      %swap3A_653 = arith.index_cast %swap3A_651 : i32 to index
      %swap3A_654 = arith.index_cast %swap3A_652 : i32 to index
      %swap3A_655 = arith.index_cast %mul3A_650 : i32 to index
      %swap3A_656 = tpu.vector_load %arg7[%swap3A_653, %swap3A_654, %swap3A_655] {strides = array<i32>} : memref<2x64x512xf32, #tpu.memory_space<vmem>>, vector<16xf32>,
      tpu.vector_store %arg7[%swap3A_653, %swap3A_654, %swap3A_655], %gather3A_552 {strides = array<i32>} : memref<2x64x512xf32, #tpu.memory_space<vmem>>, vector<16xf32>,
      %add3A_657 = arith.constant 36 : i32
      %add3A_658 = vector.broadcast %add3A_657 : i32 to vector<16xi32>
      %add3A_659 = arith.addi %mul3A_290, %add3A_658 : vector<16xi32>
      %gather3A_660 = tpu.vector_load_idx %arg5[%add3A_659] : memref<33280xf32, #tpu.memory_space<vmem>>[vector<16xi32>], vector<16xf32>,
      %mul3A_661 = arith.constant 16 : i32
      %mul3A_662 = arith.muli %scan3A_282, %mul3A_661 : i32
      %swap3A_663 = arith.constant 0 : i32
      %swap3A_664 = arith.constant 28 : i32
      %swap3A_665 = arith.index_cast %swap3A_663 : i32 to index
      %swap3A_666 = arith.index_cast %swap3A_664 : i32 to index
      %swap3A_667 = arith.index_cast %mul3A_662 : i32 to index
      %swap3A_668 = tpu.vector_load %arg7[%swap3A_665, %swap3A_666, %swap3A_667] {strides = array<i32>} : memref<2x64x512xf32, #tpu.memory_space<vmem>>, vector<16xf32>,
      tpu.vector_store %arg7[%swap3A_665, %swap3A_666, %swap3A_667], %gather3A_564 {strides = array<i32>} : memref<2x64x512xf32, #tpu.memory_space<vmem>>, vector<16xf32>,
      %add3A_669 = arith.constant 37 : i32
      %add3A_670 = vector.broadcast %add3A_669 : i32 to vector<16xi32>
      %add3A_671 = arith.addi %mul3A_290, %add3A_670 : vector<16xi32>
      %gather3A_672 = tpu.vector_load_idx %arg5[%add3A_671] : memref<33280xf32, #tpu.memory_space<vmem>>[vector<16xi32>], vector<16xf32>,
      %mul3A_673 = arith.constant 16 : i32
      %mul3A_674 = arith.muli %scan3A_282, %mul3A_673 : i32
      %swap3A_675 = arith.constant 0 : i32
      %swap3A_676 = arith.constant 29 : i32
      %swap3A_677 = arith.index_cast %swap3A_675 : i32 to index
      %swap3A_678 = arith.index_cast %swap3A_676 : i32 to index
      %swap3A_679 = arith.index_cast %mul3A_674 : i32 to index
      %swap3A_680 = tpu.vector_load %arg7[%swap3A_677, %swap3A_678, %swap3A_679] {strides = array<i32>} : memref<2x64x512xf32, #tpu.memory_space<vmem>>, vector<16xf32>,
      tpu.vector_store %arg7[%swap3A_677, %swap3A_678, %swap3A_679], %gather3A_576 {strides = array<i32>} : memref<2x64x512xf32, #tpu.memory_space<vmem>>, vector<16xf32>,
      %add3A_681 = arith.constant 38 : i32
      %add3A_682 = vector.broadcast %add3A_681 : i32 to vector<16xi32>
      %add3A_683 = arith.addi %mul3A_290, %add3A_682 : vector<16xi32>
      %gather3A_684 = tpu.vector_load_idx %arg5[%add3A_683] : memref<33280xf32, #tpu.memory_space<vmem>>[vector<16xi32>], vector<16xf32>,
      %mul3A_685 = arith.constant 16 : i32
      %mul3A_686 = arith.muli %scan3A_282, %mul3A_685 : i32
      %swap3A_687 = arith.constant 0 : i32
      %swap3A_688 = arith.constant 30 : i32
      %swap3A_689 = arith.index_cast %swap3A_687 : i32 to index
      %swap3A_690 = arith.index_cast %swap3A_688 : i32 to index
      %swap3A_691 = arith.index_cast %mul3A_686 : i32 to index
      %swap3A_692 = tpu.vector_load %arg7[%swap3A_689, %swap3A_690, %swap3A_691] {strides = array<i32>} : memref<2x64x512xf32, #tpu.memory_space<vmem>>, vector<16xf32>,
      tpu.vector_store %arg7[%swap3A_689, %swap3A_690, %swap3A_691], %gather3A_588 {strides = array<i32>} : memref<2x64x512xf32, #tpu.memory_space<vmem>>, vector<16xf32>,
      %add3A_693 = arith.constant 39 : i32
      %add3A_694 = vector.broadcast %add3A_693 : i32 to vector<16xi32>
      %add3A_695 = arith.addi %mul3A_290, %add3A_694 : vector<16xi32>
      %gather3A_696 = tpu.vector_load_idx %arg5[%add3A_695] : memref<33280xf32, #tpu.memory_space<vmem>>[vector<16xi32>], vector<16xf32>,
      %mul3A_697 = arith.constant 16 : i32
      %mul3A_698 = arith.muli %scan3A_282, %mul3A_697 : i32
      %swap3A_699 = arith.constant 0 : i32
      %swap3A_700 = arith.constant 31 : i32
      %swap3A_701 = arith.index_cast %swap3A_699 : i32 to index
      %swap3A_702 = arith.index_cast %swap3A_700 : i32 to index
      %swap3A_703 = arith.index_cast %mul3A_698 : i32 to index
      %swap3A_704 = tpu.vector_load %arg7[%swap3A_701, %swap3A_702, %swap3A_703] {strides = array<i32>} : memref<2x64x512xf32, #tpu.memory_space<vmem>>, vector<16xf32>,
      tpu.vector_store %arg7[%swap3A_701, %swap3A_702, %swap3A_703], %gather3A_600 {strides = array<i32>} : memref<2x64x512xf32, #tpu.memory_space<vmem>>, vector<16xf32>,
      %add3A_705 = arith.constant 40 : i32
      %add3A_706 = vector.broadcast %add3A_705 : i32 to vector<16xi32>
      %add3A_707 = arith.addi %mul3A_290, %add3A_706 : vector<16xi32>
      %gather3A_708 = tpu.vector_load_idx %arg5[%add3A_707] : memref<33280xf32, #tpu.memory_space<vmem>>[vector<16xi32>], vector<16xf32>,
      %mul3A_709 = arith.constant 16 : i32
      %mul3A_710 = arith.muli %scan3A_282, %mul3A_709 : i32
      %swap3A_711 = arith.constant 0 : i32
      %swap3A_712 = arith.constant 32 : i32
      %swap3A_713 = arith.index_cast %swap3A_711 : i32 to index
      %swap3A_714 = arith.index_cast %swap3A_712 : i32 to index
      %swap3A_715 = arith.index_cast %mul3A_710 : i32 to index
      %swap3A_716 = tpu.vector_load %arg7[%swap3A_713, %swap3A_714, %swap3A_715] {strides = array<i32>} : memref<2x64x512xf32, #tpu.memory_space<vmem>>, vector<16xf32>,
      tpu.vector_store %arg7[%swap3A_713, %swap3A_714, %swap3A_715], %gather3A_612 {strides = array<i32>} : memref<2x64x512xf32, #tpu.memory_space<vmem>>, vector<16xf32>,
      %add3A_717 = arith.constant 41 : i32
      %add3A_718 = vector.broadcast %add3A_717 : i32 to vector<16xi32>
      %add3A_719 = arith.addi %mul3A_290, %add3A_718 : vector<16xi32>
      %gather3A_720 = tpu.vector_load_idx %arg5[%add3A_719] : memref<33280xf32, #tpu.memory_space<vmem>>[vector<16xi32>], vector<16xf32>,
      %mul3A_721 = arith.constant 16 : i32
      %mul3A_722 = arith.muli %scan3A_282, %mul3A_721 : i32
      %swap3A_723 = arith.constant 0 : i32
      %swap3A_724 = arith.constant 33 : i32
      %swap3A_725 = arith.index_cast %swap3A_723 : i32 to index
      %swap3A_726 = arith.index_cast %swap3A_724 : i32 to index
      %swap3A_727 = arith.index_cast %mul3A_722 : i32 to index
      %swap3A_728 = tpu.vector_load %arg7[%swap3A_725, %swap3A_726, %swap3A_727] {strides = array<i32>} : memref<2x64x512xf32, #tpu.memory_space<vmem>>, vector<16xf32>,
      tpu.vector_store %arg7[%swap3A_725, %swap3A_726, %swap3A_727], %gather3A_624 {strides = array<i32>} : memref<2x64x512xf32, #tpu.memory_space<vmem>>, vector<16xf32>,
      %add3A_729 = arith.constant 42 : i32
      %add3A_730 = vector.broadcast %add3A_729 : i32 to vector<16xi32>
      %add3A_731 = arith.addi %mul3A_290, %add3A_730 : vector<16xi32>
      %gather3A_732 = tpu.vector_load_idx %arg5[%add3A_731] : memref<33280xf32, #tpu.memory_space<vmem>>[vector<16xi32>], vector<16xf32>,
      %mul3A_733 = arith.constant 16 : i32
      %mul3A_734 = arith.muli %scan3A_282, %mul3A_733 : i32
      %swap3A_735 = arith.constant 0 : i32
      %swap3A_736 = arith.constant 34 : i32
      %swap3A_737 = arith.index_cast %swap3A_735 : i32 to index
      %swap3A_738 = arith.index_cast %swap3A_736 : i32 to index
      %swap3A_739 = arith.index_cast %mul3A_734 : i32 to index
      %swap3A_740 = tpu.vector_load %arg7[%swap3A_737, %swap3A_738, %swap3A_739] {strides = array<i32>} : memref<2x64x512xf32, #tpu.memory_space<vmem>>, vector<16xf32>,
      tpu.vector_store %arg7[%swap3A_737, %swap3A_738, %swap3A_739], %gather3A_636 {strides = array<i32>} : memref<2x64x512xf32, #tpu.memory_space<vmem>>, vector<16xf32>,
      %add3A_741 = arith.constant 43 : i32
      %add3A_742 = vector.broadcast %add3A_741 : i32 to vector<16xi32>
      %add3A_743 = arith.addi %mul3A_290, %add3A_742 : vector<16xi32>
      %gather3A_744 = tpu.vector_load_idx %arg5[%add3A_743] : memref<33280xf32, #tpu.memory_space<vmem>>[vector<16xi32>], vector<16xf32>,
      %mul3A_745 = arith.constant 16 : i32
      %mul3A_746 = arith.muli %scan3A_282, %mul3A_745 : i32
      %swap3A_747 = arith.constant 0 : i32
      %swap3A_748 = arith.constant 35 : i32
      %swap3A_749 = arith.index_cast %swap3A_747 : i32 to index
      %swap3A_750 = arith.index_cast %swap3A_748 : i32 to index
      %swap3A_751 = arith.index_cast %mul3A_746 : i32 to index
      %swap3A_752 = tpu.vector_load %arg7[%swap3A_749, %swap3A_750, %swap3A_751] {strides = array<i32>} : memref<2x64x512xf32, #tpu.memory_space<vmem>>, vector<16xf32>,
      tpu.vector_store %arg7[%swap3A_749, %swap3A_750, %swap3A_751], %gather3A_648 {strides = array<i32>} : memref<2x64x512xf32, #tpu.memory_space<vmem>>, vector<16xf32>,
      %add3A_753 = arith.constant 44 : i32
      %add3A_754 = vector.broadcast %add3A_753 : i32 to vector<16xi32>
      %add3A_755 = arith.addi %mul3A_290, %add3A_754 : vector<16xi32>
      %gather3A_756 = tpu.vector_load_idx %arg5[%add3A_755] : memref<33280xf32, #tpu.memory_space<vmem>>[vector<16xi32>], vector<16xf32>,
      %mul3A_757 = arith.constant 16 : i32
      %mul3A_758 = arith.muli %scan3A_282, %mul3A_757 : i32
      %swap3A_759 = arith.constant 0 : i32
      %swap3A_760 = arith.constant 36 : i32
      %swap3A_761 = arith.index_cast %swap3A_759 : i32 to index
      %swap3A_762 = arith.index_cast %swap3A_760 : i32 to index
      %swap3A_763 = arith.index_cast %mul3A_758 : i32 to index
      %swap3A_764 = tpu.vector_load %arg7[%swap3A_761, %swap3A_762, %swap3A_763] {strides = array<i32>} : memref<2x64x512xf32, #tpu.memory_space<vmem>>, vector<16xf32>,
      tpu.vector_store %arg7[%swap3A_761, %swap3A_762, %swap3A_763], %gather3A_660 {strides = array<i32>} : memref<2x64x512xf32, #tpu.memory_space<vmem>>, vector<16xf32>,
      %add3A_765 = arith.constant 45 : i32
      %add3A_766 = vector.broadcast %add3A_765 : i32 to vector<16xi32>
      %add3A_767 = arith.addi %mul3A_290, %add3A_766 : vector<16xi32>
      %gather3A_768 = tpu.vector_load_idx %arg5[%add3A_767] : memref<33280xf32, #tpu.memory_space<vmem>>[vector<16xi32>], vector<16xf32>,
      %mul3A_769 = arith.constant 16 : i32
      %mul3A_770 = arith.muli %scan3A_282, %mul3A_769 : i32
      %swap3A_771 = arith.constant 0 : i32
      %swap3A_772 = arith.constant 37 : i32
      %swap3A_773 = arith.index_cast %swap3A_771 : i32 to index
      %swap3A_774 = arith.index_cast %swap3A_772 : i32 to index
      %swap3A_775 = arith.index_cast %mul3A_770 : i32 to index
      %swap3A_776 = tpu.vector_load %arg7[%swap3A_773, %swap3A_774, %swap3A_775] {strides = array<i32>} : memref<2x64x512xf32, #tpu.memory_space<vmem>>, vector<16xf32>,
      tpu.vector_store %arg7[%swap3A_773, %swap3A_774, %swap3A_775], %gather3A_672 {strides = array<i32>} : memref<2x64x512xf32, #tpu.memory_space<vmem>>, vector<16xf32>,
      %add3A_777 = arith.constant 46 : i32
      %add3A_778 = vector.broadcast %add3A_777 : i32 to vector<16xi32>
      %add3A_779 = arith.addi %mul3A_290, %add3A_778 : vector<16xi32>
      %gather3A_780 = tpu.vector_load_idx %arg5[%add3A_779] : memref<33280xf32, #tpu.memory_space<vmem>>[vector<16xi32>], vector<16xf32>,
      %mul3A_781 = arith.constant 16 : i32
      %mul3A_782 = arith.muli %scan3A_282, %mul3A_781 : i32
      %swap3A_783 = arith.constant 0 : i32
      %swap3A_784 = arith.constant 38 : i32
      %swap3A_785 = arith.index_cast %swap3A_783 : i32 to index
      %swap3A_786 = arith.index_cast %swap3A_784 : i32 to index
      %swap3A_787 = arith.index_cast %mul3A_782 : i32 to index
      %swap3A_788 = tpu.vector_load %arg7[%swap3A_785, %swap3A_786, %swap3A_787] {strides = array<i32>} : memref<2x64x512xf32, #tpu.memory_space<vmem>>, vector<16xf32>,
      tpu.vector_store %arg7[%swap3A_785, %swap3A_786, %swap3A_787], %gather3A_684 {strides = array<i32>} : memref<2x64x512xf32, #tpu.memory_space<vmem>>, vector<16xf32>,
      %add3A_789 = arith.constant 47 : i32
      %add3A_790 = vector.broadcast %add3A_789 : i32 to vector<16xi32>
      %add3A_791 = arith.addi %mul3A_290, %add3A_790 : vector<16xi32>
      %gather3A_792 = tpu.vector_load_idx %arg5[%add3A_791] : memref<33280xf32, #tpu.memory_space<vmem>>[vector<16xi32>], vector<16xf32>,
      %mul3A_793 = arith.constant 16 : i32
      %mul3A_794 = arith.muli %scan3A_282, %mul3A_793 : i32
      %swap3A_795 = arith.constant 0 : i32
      %swap3A_796 = arith.constant 39 : i32
      %swap3A_797 = arith.index_cast %swap3A_795 : i32 to index
      %swap3A_798 = arith.index_cast %swap3A_796 : i32 to index
      %swap3A_799 = arith.index_cast %mul3A_794 : i32 to index
      %swap3A_800 = tpu.vector_load %arg7[%swap3A_797, %swap3A_798, %swap3A_799] {strides = array<i32>} : memref<2x64x512xf32, #tpu.memory_space<vmem>>, vector<16xf32>,
      tpu.vector_store %arg7[%swap3A_797, %swap3A_798, %swap3A_799], %gather3A_696 {strides = array<i32>} : memref<2x64x512xf32, #tpu.memory_space<vmem>>, vector<16xf32>,
      %add3A_801 = arith.constant 48 : i32
      %add3A_802 = vector.broadcast %add3A_801 : i32 to vector<16xi32>
      %add3A_803 = arith.addi %mul3A_290, %add3A_802 : vector<16xi32>
      %gather3A_804 = tpu.vector_load_idx %arg5[%add3A_803] : memref<33280xf32, #tpu.memory_space<vmem>>[vector<16xi32>], vector<16xf32>,
      %mul3A_805 = arith.constant 16 : i32
      %mul3A_806 = arith.muli %scan3A_282, %mul3A_805 : i32
      %swap3A_807 = arith.constant 0 : i32
      %swap3A_808 = arith.constant 40 : i32
      %swap3A_809 = arith.index_cast %swap3A_807 : i32 to index
      %swap3A_810 = arith.index_cast %swap3A_808 : i32 to index
      %swap3A_811 = arith.index_cast %mul3A_806 : i32 to index
      %swap3A_812 = tpu.vector_load %arg7[%swap3A_809, %swap3A_810, %swap3A_811] {strides = array<i32>} : memref<2x64x512xf32, #tpu.memory_space<vmem>>, vector<16xf32>,
      tpu.vector_store %arg7[%swap3A_809, %swap3A_810, %swap3A_811], %gather3A_708 {strides = array<i32>} : memref<2x64x512xf32, #tpu.memory_space<vmem>>, vector<16xf32>,
      %add3A_813 = arith.constant 49 : i32
      %add3A_814 = vector.broadcast %add3A_813 : i32 to vector<16xi32>
      %add3A_815 = arith.addi %mul3A_290, %add3A_814 : vector<16xi32>
      %gather3A_816 = tpu.vector_load_idx %arg5[%add3A_815] : memref<33280xf32, #tpu.memory_space<vmem>>[vector<16xi32>], vector<16xf32>,
      %mul3A_817 = arith.constant 16 : i32
      %mul3A_818 = arith.muli %scan3A_282, %mul3A_817 : i32
      %swap3A_819 = arith.constant 0 : i32
      %swap3A_820 = arith.constant 41 : i32
      %swap3A_821 = arith.index_cast %swap3A_819 : i32 to index
      %swap3A_822 = arith.index_cast %swap3A_820 : i32 to index
      %swap3A_823 = arith.index_cast %mul3A_818 : i32 to index
      %swap3A_824 = tpu.vector_load %arg7[%swap3A_821, %swap3A_822, %swap3A_823] {strides = array<i32>} : memref<2x64x512xf32, #tpu.memory_space<vmem>>, vector<16xf32>,
      tpu.vector_store %arg7[%swap3A_821, %swap3A_822, %swap3A_823], %gather3A_720 {strides = array<i32>} : memref<2x64x512xf32, #tpu.memory_space<vmem>>, vector<16xf32>,
      %add3A_825 = arith.constant 50 : i32
      %add3A_826 = vector.broadcast %add3A_825 : i32 to vector<16xi32>
      %add3A_827 = arith.addi %mul3A_290, %add3A_826 : vector<16xi32>
      %gather3A_828 = tpu.vector_load_idx %arg5[%add3A_827] : memref<33280xf32, #tpu.memory_space<vmem>>[vector<16xi32>], vector<16xf32>,
      %mul3A_829 = arith.constant 16 : i32
      %mul3A_830 = arith.muli %scan3A_282, %mul3A_829 : i32
      %swap3A_831 = arith.constant 0 : i32
      %swap3A_832 = arith.constant 42 : i32
      %swap3A_833 = arith.index_cast %swap3A_831 : i32 to index
      %swap3A_834 = arith.index_cast %swap3A_832 : i32 to index
      %swap3A_835 = arith.index_cast %mul3A_830 : i32 to index
      %swap3A_836 = tpu.vector_load %arg7[%swap3A_833, %swap3A_834, %swap3A_835] {strides = array<i32>} : memref<2x64x512xf32, #tpu.memory_space<vmem>>, vector<16xf32>,
      tpu.vector_store %arg7[%swap3A_833, %swap3A_834, %swap3A_835], %gather3A_732 {strides = array<i32>} : memref<2x64x512xf32, #tpu.memory_space<vmem>>, vector<16xf32>,
      %add3A_837 = arith.constant 51 : i32
      %add3A_838 = vector.broadcast %add3A_837 : i32 to vector<16xi32>
      %add3A_839 = arith.addi %mul3A_290, %add3A_838 : vector<16xi32>
      %gather3A_840 = tpu.vector_load_idx %arg5[%add3A_839] : memref<33280xf32, #tpu.memory_space<vmem>>[vector<16xi32>], vector<16xf32>,
      %mul3A_841 = arith.constant 16 : i32
      %mul3A_842 = arith.muli %scan3A_282, %mul3A_841 : i32
      %swap3A_843 = arith.constant 0 : i32
      %swap3A_844 = arith.constant 43 : i32
      %swap3A_845 = arith.index_cast %swap3A_843 : i32 to index
      %swap3A_846 = arith.index_cast %swap3A_844 : i32 to index
      %swap3A_847 = arith.index_cast %mul3A_842 : i32 to index
      %swap3A_848 = tpu.vector_load %arg7[%swap3A_845, %swap3A_846, %swap3A_847] {strides = array<i32>} : memref<2x64x512xf32, #tpu.memory_space<vmem>>, vector<16xf32>,
      tpu.vector_store %arg7[%swap3A_845, %swap3A_846, %swap3A_847], %gather3A_744 {strides = array<i32>} : memref<2x64x512xf32, #tpu.memory_space<vmem>>, vector<16xf32>,
      %add3A_849 = arith.constant 52 : i32
      %add3A_850 = vector.broadcast %add3A_849 : i32 to vector<16xi32>
      %add3A_851 = arith.addi %mul3A_290, %add3A_850 : vector<16xi32>
      %gather3A_852 = tpu.vector_load_idx %arg5[%add3A_851] : memref<33280xf32, #tpu.memory_space<vmem>>[vector<16xi32>], vector<16xf32>,
      %mul3A_853 = arith.constant 16 : i32
      %mul3A_854 = arith.muli %scan3A_282, %mul3A_853 : i32
      %swap3A_855 = arith.constant 0 : i32
      %swap3A_856 = arith.constant 44 : i32
      %swap3A_857 = arith.index_cast %swap3A_855 : i32 to index
      %swap3A_858 = arith.index_cast %swap3A_856 : i32 to index
      %swap3A_859 = arith.index_cast %mul3A_854 : i32 to index
      %swap3A_860 = tpu.vector_load %arg7[%swap3A_857, %swap3A_858, %swap3A_859] {strides = array<i32>} : memref<2x64x512xf32, #tpu.memory_space<vmem>>, vector<16xf32>,
      tpu.vector_store %arg7[%swap3A_857, %swap3A_858, %swap3A_859], %gather3A_756 {strides = array<i32>} : memref<2x64x512xf32, #tpu.memory_space<vmem>>, vector<16xf32>,
      %add3A_861 = arith.constant 53 : i32
      %add3A_862 = vector.broadcast %add3A_861 : i32 to vector<16xi32>
      %add3A_863 = arith.addi %mul3A_290, %add3A_862 : vector<16xi32>
      %gather3A_864 = tpu.vector_load_idx %arg5[%add3A_863] : memref<33280xf32, #tpu.memory_space<vmem>>[vector<16xi32>], vector<16xf32>,
      %mul3A_865 = arith.constant 16 : i32
      %mul3A_866 = arith.muli %scan3A_282, %mul3A_865 : i32
      %swap3A_867 = arith.constant 0 : i32
      %swap3A_868 = arith.constant 45 : i32
      %swap3A_869 = arith.index_cast %swap3A_867 : i32 to index
      %swap3A_870 = arith.index_cast %swap3A_868 : i32 to index
      %swap3A_871 = arith.index_cast %mul3A_866 : i32 to index
      %swap3A_872 = tpu.vector_load %arg7[%swap3A_869, %swap3A_870, %swap3A_871] {strides = array<i32>} : memref<2x64x512xf32, #tpu.memory_space<vmem>>, vector<16xf32>,
      tpu.vector_store %arg7[%swap3A_869, %swap3A_870, %swap3A_871], %gather3A_768 {strides = array<i32>} : memref<2x64x512xf32, #tpu.memory_space<vmem>>, vector<16xf32>,
      %add3A_873 = arith.constant 54 : i32
      %add3A_874 = vector.broadcast %add3A_873 : i32 to vector<16xi32>
      %add3A_875 = arith.addi %mul3A_290, %add3A_874 : vector<16xi32>
      %gather3A_876 = tpu.vector_load_idx %arg5[%add3A_875] : memref<33280xf32, #tpu.memory_space<vmem>>[vector<16xi32>], vector<16xf32>,
      %mul3A_877 = arith.constant 16 : i32
      %mul3A_878 = arith.muli %scan3A_282, %mul3A_877 : i32
      %swap3A_879 = arith.constant 0 : i32
      %swap3A_880 = arith.constant 46 : i32
      %swap3A_881 = arith.index_cast %swap3A_879 : i32 to index
      %swap3A_882 = arith.index_cast %swap3A_880 : i32 to index
      %swap3A_883 = arith.index_cast %mul3A_878 : i32 to index
      %swap3A_884 = tpu.vector_load %arg7[%swap3A_881, %swap3A_882, %swap3A_883] {strides = array<i32>} : memref<2x64x512xf32, #tpu.memory_space<vmem>>, vector<16xf32>,
      tpu.vector_store %arg7[%swap3A_881, %swap3A_882, %swap3A_883], %gather3A_780 {strides = array<i32>} : memref<2x64x512xf32, #tpu.memory_space<vmem>>, vector<16xf32>,
      %add3A_885 = arith.constant 55 : i32
      %add3A_886 = vector.broadcast %add3A_885 : i32 to vector<16xi32>
      %add3A_887 = arith.addi %mul3A_290, %add3A_886 : vector<16xi32>
      %gather3A_888 = tpu.vector_load_idx %arg5[%add3A_887] : memref<33280xf32, #tpu.memory_space<vmem>>[vector<16xi32>], vector<16xf32>,
      %mul3A_889 = arith.constant 16 : i32
      %mul3A_890 = arith.muli %scan3A_282, %mul3A_889 : i32
      %swap3A_891 = arith.constant 0 : i32
      %swap3A_892 = arith.constant 47 : i32
      %swap3A_893 = arith.index_cast %swap3A_891 : i32 to index
      %swap3A_894 = arith.index_cast %swap3A_892 : i32 to index
      %swap3A_895 = arith.index_cast %mul3A_890 : i32 to index
      %swap3A_896 = tpu.vector_load %arg7[%swap3A_893, %swap3A_894, %swap3A_895] {strides = array<i32>} : memref<2x64x512xf32, #tpu.memory_space<vmem>>, vector<16xf32>,
      tpu.vector_store %arg7[%swap3A_893, %swap3A_894, %swap3A_895], %gather3A_792 {strides = array<i32>} : memref<2x64x512xf32, #tpu.memory_space<vmem>>, vector<16xf32>,
      %add3A_897 = arith.constant 56 : i32
      %add3A_898 = vector.broadcast %add3A_897 : i32 to vector<16xi32>
      %add3A_899 = arith.addi %mul3A_290, %add3A_898 : vector<16xi32>
      %gather3A_900 = tpu.vector_load_idx %arg5[%add3A_899] : memref<33280xf32, #tpu.memory_space<vmem>>[vector<16xi32>], vector<16xf32>,
      %mul3A_901 = arith.constant 16 : i32
      %mul3A_902 = arith.muli %scan3A_282, %mul3A_901 : i32
      %swap3A_903 = arith.constant 0 : i32
      %swap3A_904 = arith.constant 48 : i32
      %swap3A_905 = arith.index_cast %swap3A_903 : i32 to index
      %swap3A_906 = arith.index_cast %swap3A_904 : i32 to index
      %swap3A_907 = arith.index_cast %mul3A_902 : i32 to index
      %swap3A_908 = tpu.vector_load %arg7[%swap3A_905, %swap3A_906, %swap3A_907] {strides = array<i32>} : memref<2x64x512xf32, #tpu.memory_space<vmem>>, vector<16xf32>,
      tpu.vector_store %arg7[%swap3A_905, %swap3A_906, %swap3A_907], %gather3A_804 {strides = array<i32>} : memref<2x64x512xf32, #tpu.memory_space<vmem>>, vector<16xf32>,
      %add3A_909 = arith.constant 57 : i32
      %add3A_910 = vector.broadcast %add3A_909 : i32 to vector<16xi32>
      %add3A_911 = arith.addi %mul3A_290, %add3A_910 : vector<16xi32>
      %gather3A_912 = tpu.vector_load_idx %arg5[%add3A_911] : memref<33280xf32, #tpu.memory_space<vmem>>[vector<16xi32>], vector<16xf32>,
      %mul3A_913 = arith.constant 16 : i32
      %mul3A_914 = arith.muli %scan3A_282, %mul3A_913 : i32
      %swap3A_915 = arith.constant 0 : i32
      %swap3A_916 = arith.constant 49 : i32
      %swap3A_917 = arith.index_cast %swap3A_915 : i32 to index
      %swap3A_918 = arith.index_cast %swap3A_916 : i32 to index
      %swap3A_919 = arith.index_cast %mul3A_914 : i32 to index
      %swap3A_920 = tpu.vector_load %arg7[%swap3A_917, %swap3A_918, %swap3A_919] {strides = array<i32>} : memref<2x64x512xf32, #tpu.memory_space<vmem>>, vector<16xf32>,
      tpu.vector_store %arg7[%swap3A_917, %swap3A_918, %swap3A_919], %gather3A_816 {strides = array<i32>} : memref<2x64x512xf32, #tpu.memory_space<vmem>>, vector<16xf32>,
      %add3A_921 = arith.constant 58 : i32
      %add3A_922 = vector.broadcast %add3A_921 : i32 to vector<16xi32>
      %add3A_923 = arith.addi %mul3A_290, %add3A_922 : vector<16xi32>
      %gather3A_924 = tpu.vector_load_idx %arg5[%add3A_923] : memref<33280xf32, #tpu.memory_space<vmem>>[vector<16xi32>], vector<16xf32>,
      %mul3A_925 = arith.constant 16 : i32
      %mul3A_926 = arith.muli %scan3A_282, %mul3A_925 : i32
      %swap3A_927 = arith.constant 0 : i32
      %swap3A_928 = arith.constant 50 : i32
      %swap3A_929 = arith.index_cast %swap3A_927 : i32 to index
      %swap3A_930 = arith.index_cast %swap3A_928 : i32 to index
      %swap3A_931 = arith.index_cast %mul3A_926 : i32 to index
      %swap3A_932 = tpu.vector_load %arg7[%swap3A_929, %swap3A_930, %swap3A_931] {strides = array<i32>} : memref<2x64x512xf32, #tpu.memory_space<vmem>>, vector<16xf32>,
      tpu.vector_store %arg7[%swap3A_929, %swap3A_930, %swap3A_931], %gather3A_828 {strides = array<i32>} : memref<2x64x512xf32, #tpu.memory_space<vmem>>, vector<16xf32>,
      %add3A_933 = arith.constant 59 : i32
      %add3A_934 = vector.broadcast %add3A_933 : i32 to vector<16xi32>
      %add3A_935 = arith.addi %mul3A_290, %add3A_934 : vector<16xi32>
      %gather3A_936 = tpu.vector_load_idx %arg5[%add3A_935] : memref<33280xf32, #tpu.memory_space<vmem>>[vector<16xi32>], vector<16xf32>,
      %mul3A_937 = arith.constant 16 : i32
      %mul3A_938 = arith.muli %scan3A_282, %mul3A_937 : i32
      %swap3A_939 = arith.constant 0 : i32
      %swap3A_940 = arith.constant 51 : i32
      %swap3A_941 = arith.index_cast %swap3A_939 : i32 to index
      %swap3A_942 = arith.index_cast %swap3A_940 : i32 to index
      %swap3A_943 = arith.index_cast %mul3A_938 : i32 to index
      %swap3A_944 = tpu.vector_load %arg7[%swap3A_941, %swap3A_942, %swap3A_943] {strides = array<i32>} : memref<2x64x512xf32, #tpu.memory_space<vmem>>, vector<16xf32>,
      tpu.vector_store %arg7[%swap3A_941, %swap3A_942, %swap3A_943], %gather3A_840 {strides = array<i32>} : memref<2x64x512xf32, #tpu.memory_space<vmem>>, vector<16xf32>,
      %add3A_945 = arith.constant 60 : i32
      %add3A_946 = vector.broadcast %add3A_945 : i32 to vector<16xi32>
      %add3A_947 = arith.addi %mul3A_290, %add3A_946 : vector<16xi32>
      %gather3A_948 = tpu.vector_load_idx %arg5[%add3A_947] : memref<33280xf32, #tpu.memory_space<vmem>>[vector<16xi32>], vector<16xf32>,
      %mul3A_949 = arith.constant 16 : i32
      %mul3A_950 = arith.muli %scan3A_282, %mul3A_949 : i32
      %swap3A_951 = arith.constant 0 : i32
      %swap3A_952 = arith.constant 52 : i32
      %swap3A_953 = arith.index_cast %swap3A_951 : i32 to index
      %swap3A_954 = arith.index_cast %swap3A_952 : i32 to index
      %swap3A_955 = arith.index_cast %mul3A_950 : i32 to index
      %swap3A_956 = tpu.vector_load %arg7[%swap3A_953, %swap3A_954, %swap3A_955] {strides = array<i32>} : memref<2x64x512xf32, #tpu.memory_space<vmem>>, vector<16xf32>,
      tpu.vector_store %arg7[%swap3A_953, %swap3A_954, %swap3A_955], %gather3A_852 {strides = array<i32>} : memref<2x64x512xf32, #tpu.memory_space<vmem>>, vector<16xf32>,
      %add3A_957 = arith.constant 61 : i32
      %add3A_958 = vector.broadcast %add3A_957 : i32 to vector<16xi32>
      %add3A_959 = arith.addi %mul3A_290, %add3A_958 : vector<16xi32>
      %gather3A_960 = tpu.vector_load_idx %arg5[%add3A_959] : memref<33280xf32, #tpu.memory_space<vmem>>[vector<16xi32>], vector<16xf32>,
      %mul3A_961 = arith.constant 16 : i32
      %mul3A_962 = arith.muli %scan3A_282, %mul3A_961 : i32
      %swap3A_963 = arith.constant 0 : i32
      %swap3A_964 = arith.constant 53 : i32
      %swap3A_965 = arith.index_cast %swap3A_963 : i32 to index
      %swap3A_966 = arith.index_cast %swap3A_964 : i32 to index
      %swap3A_967 = arith.index_cast %mul3A_962 : i32 to index
      %swap3A_968 = tpu.vector_load %arg7[%swap3A_965, %swap3A_966, %swap3A_967] {strides = array<i32>} : memref<2x64x512xf32, #tpu.memory_space<vmem>>, vector<16xf32>,
      tpu.vector_store %arg7[%swap3A_965, %swap3A_966, %swap3A_967], %gather3A_864 {strides = array<i32>} : memref<2x64x512xf32, #tpu.memory_space<vmem>>, vector<16xf32>,
      %add3A_969 = arith.constant 62 : i32
      %add3A_970 = vector.broadcast %add3A_969 : i32 to vector<16xi32>
      %add3A_971 = arith.addi %mul3A_290, %add3A_970 : vector<16xi32>
      %gather3A_972 = tpu.vector_load_idx %arg5[%add3A_971] : memref<33280xf32, #tpu.memory_space<vmem>>[vector<16xi32>], vector<16xf32>,
      %mul3A_973 = arith.constant 16 : i32
      %mul3A_974 = arith.muli %scan3A_282, %mul3A_973 : i32
      %swap3A_975 = arith.constant 0 : i32
      %swap3A_976 = arith.constant 54 : i32
      %swap3A_977 = arith.index_cast %swap3A_975 : i32 to index
      %swap3A_978 = arith.index_cast %swap3A_976 : i32 to index
      %swap3A_979 = arith.index_cast %mul3A_974 : i32 to index
      %swap3A_980 = tpu.vector_load %arg7[%swap3A_977, %swap3A_978, %swap3A_979] {strides = array<i32>} : memref<2x64x512xf32, #tpu.memory_space<vmem>>, vector<16xf32>,
      tpu.vector_store %arg7[%swap3A_977, %swap3A_978, %swap3A_979], %gather3A_876 {strides = array<i32>} : memref<2x64x512xf32, #tpu.memory_space<vmem>>, vector<16xf32>,
      %add3A_981 = arith.constant 63 : i32
      %add3A_982 = vector.broadcast %add3A_981 : i32 to vector<16xi32>
      %add3A_983 = arith.addi %mul3A_290, %add3A_982 : vector<16xi32>
      %gather3A_984 = tpu.vector_load_idx %arg5[%add3A_983] : memref<33280xf32, #tpu.memory_space<vmem>>[vector<16xi32>], vector<16xf32>,
      %mul3A_985 = arith.constant 16 : i32
      %mul3A_986 = arith.muli %scan3A_282, %mul3A_985 : i32
      %swap3A_987 = arith.constant 0 : i32
      %swap3A_988 = arith.constant 55 : i32
      %swap3A_989 = arith.index_cast %swap3A_987 : i32 to index
      %swap3A_990 = arith.index_cast %swap3A_988 : i32 to index
      %swap3A_991 = arith.index_cast %mul3A_986 : i32 to index
      %swap3A_992 = tpu.vector_load %arg7[%swap3A_989, %swap3A_990, %swap3A_991] {strides = array<i32>} : memref<2x64x512xf32, #tpu.memory_space<vmem>>, vector<16xf32>,
      tpu.vector_store %arg7[%swap3A_989, %swap3A_990, %swap3A_991], %gather3A_888 {strides = array<i32>} : memref<2x64x512xf32, #tpu.memory_space<vmem>>, vector<16xf32>,
      %mul3A_993 = arith.constant 16 : i32
      %mul3A_994 = arith.muli %scan3A_282, %mul3A_993 : i32
      %swap3A_995 = arith.constant 0 : i32
      %swap3A_996 = arith.constant 56 : i32
      %swap3A_997 = arith.index_cast %swap3A_995 : i32 to index
      %swap3A_998 = arith.index_cast %swap3A_996 : i32 to index
      %swap3A_999 = arith.index_cast %mul3A_994 : i32 to index
      %swap3A_1000 = tpu.vector_load %arg7[%swap3A_997, %swap3A_998, %swap3A_999] {strides = array<i32>} : memref<2x64x512xf32, #tpu.memory_space<vmem>>, vector<16xf32>,
      tpu.vector_store %arg7[%swap3A_997, %swap3A_998, %swap3A_999], %gather3A_900 {strides = array<i32>} : memref<2x64x512xf32, #tpu.memory_space<vmem>>, vector<16xf32>,
      %mul3A_1001 = arith.constant 16 : i32
      %mul3A_1002 = arith.muli %scan3A_282, %mul3A_1001 : i32
      %swap3A_1003 = arith.constant 0 : i32
      %swap3A_1004 = arith.constant 57 : i32
      %swap3A_1005 = arith.index_cast %swap3A_1003 : i32 to index
      %swap3A_1006 = arith.index_cast %swap3A_1004 : i32 to index
      %swap3A_1007 = arith.index_cast %mul3A_1002 : i32 to index
      %swap3A_1008 = tpu.vector_load %arg7[%swap3A_1005, %swap3A_1006, %swap3A_1007] {strides = array<i32>} : memref<2x64x512xf32, #tpu.memory_space<vmem>>, vector<16xf32>,
      tpu.vector_store %arg7[%swap3A_1005, %swap3A_1006, %swap3A_1007], %gather3A_912 {strides = array<i32>} : memref<2x64x512xf32, #tpu.memory_space<vmem>>, vector<16xf32>,
      %mul3A_1009 = arith.constant 16 : i32
      %mul3A_1010 = arith.muli %scan3A_282, %mul3A_1009 : i32
      %swap3A_1011 = arith.constant 0 : i32
      %swap3A_1012 = arith.constant 58 : i32
      %swap3A_1013 = arith.index_cast %swap3A_1011 : i32 to index
      %swap3A_1014 = arith.index_cast %swap3A_1012 : i32 to index
      %swap3A_1015 = arith.index_cast %mul3A_1010 : i32 to index
      %swap3A_1016 = tpu.vector_load %arg7[%swap3A_1013, %swap3A_1014, %swap3A_1015] {strides = array<i32>} : memref<2x64x512xf32, #tpu.memory_space<vmem>>, vector<16xf32>,
      tpu.vector_store %arg7[%swap3A_1013, %swap3A_1014, %swap3A_1015], %gather3A_924 {strides = array<i32>} : memref<2x64x512xf32, #tpu.memory_space<vmem>>, vector<16xf32>,
      %mul3A_1017 = arith.constant 16 : i32
      %mul3A_1018 = arith.muli %scan3A_282, %mul3A_1017 : i32
      %swap3A_1019 = arith.constant 0 : i32
      %swap3A_1020 = arith.constant 59 : i32
      %swap3A_1021 = arith.index_cast %swap3A_1019 : i32 to index
      %swap3A_1022 = arith.index_cast %swap3A_1020 : i32 to index
      %swap3A_1023 = arith.index_cast %mul3A_1018 : i32 to index
      %swap3A_1024 = tpu.vector_load %arg7[%swap3A_1021, %swap3A_1022, %swap3A_1023] {strides = array<i32>} : memref<2x64x512xf32, #tpu.memory_space<vmem>>, vector<16xf32>,
      tpu.vector_store %arg7[%swap3A_1021, %swap3A_1022, %swap3A_1023], %gather3A_936 {strides = array<i32>} : memref<2x64x512xf32, #tpu.memory_space<vmem>>, vector<16xf32>,
      %mul3A_1025 = arith.constant 16 : i32
      %mul3A_1026 = arith.muli %scan3A_282, %mul3A_1025 : i32
      %swap3A_1027 = arith.constant 0 : i32
      %swap3A_1028 = arith.constant 60 : i32
      %swap3A_1029 = arith.index_cast %swap3A_1027 : i32 to index
      %swap3A_1030 = arith.index_cast %swap3A_1028 : i32 to index
      %swap3A_1031 = arith.index_cast %mul3A_1026 : i32 to index
      %swap3A_1032 = tpu.vector_load %arg7[%swap3A_1029, %swap3A_1030, %swap3A_1031] {strides = array<i32>} : memref<2x64x512xf32, #tpu.memory_space<vmem>>, vector<16xf32>,
      tpu.vector_store %arg7[%swap3A_1029, %swap3A_1030, %swap3A_1031], %gather3A_948 {strides = array<i32>} : memref<2x64x512xf32, #tpu.memory_space<vmem>>, vector<16xf32>,
      %mul3A_1033 = arith.constant 16 : i32
      %mul3A_1034 = arith.muli %scan3A_282, %mul3A_1033 : i32
      %swap3A_1035 = arith.constant 0 : i32
      %swap3A_1036 = arith.constant 61 : i32
      %swap3A_1037 = arith.index_cast %swap3A_1035 : i32 to index
      %swap3A_1038 = arith.index_cast %swap3A_1036 : i32 to index
      %swap3A_1039 = arith.index_cast %mul3A_1034 : i32 to index
      %swap3A_1040 = tpu.vector_load %arg7[%swap3A_1037, %swap3A_1038, %swap3A_1039] {strides = array<i32>} : memref<2x64x512xf32, #tpu.memory_space<vmem>>, vector<16xf32>,
      tpu.vector_store %arg7[%swap3A_1037, %swap3A_1038, %swap3A_1039], %gather3A_960 {strides = array<i32>} : memref<2x64x512xf32, #tpu.memory_space<vmem>>, vector<16xf32>,
      %mul3A_1041 = arith.constant 16 : i32
      %mul3A_1042 = arith.muli %scan3A_282, %mul3A_1041 : i32
      %swap3A_1043 = arith.constant 0 : i32
      %swap3A_1044 = arith.constant 62 : i32
      %swap3A_1045 = arith.index_cast %swap3A_1043 : i32 to index
      %swap3A_1046 = arith.index_cast %swap3A_1044 : i32 to index
      %swap3A_1047 = arith.index_cast %mul3A_1042 : i32 to index
      %swap3A_1048 = tpu.vector_load %arg7[%swap3A_1045, %swap3A_1046, %swap3A_1047] {strides = array<i32>} : memref<2x64x512xf32, #tpu.memory_space<vmem>>, vector<16xf32>,
      tpu.vector_store %arg7[%swap3A_1045, %swap3A_1046, %swap3A_1047], %gather3A_972 {strides = array<i32>} : memref<2x64x512xf32, #tpu.memory_space<vmem>>, vector<16xf32>,
      %mul3A_1049 = arith.constant 16 : i32
      %mul3A_1050 = arith.muli %scan3A_282, %mul3A_1049 : i32
      %swap3A_1051 = arith.constant 0 : i32
      %swap3A_1052 = arith.constant 63 : i32
      %swap3A_1053 = arith.index_cast %swap3A_1051 : i32 to index
      %swap3A_1054 = arith.index_cast %swap3A_1052 : i32 to index
      %swap3A_1055 = arith.index_cast %mul3A_1050 : i32 to index
      %swap3A_1056 = tpu.vector_load %arg7[%swap3A_1053, %swap3A_1054, %swap3A_1055] {strides = array<i32>} : memref<2x64x512xf32, #tpu.memory_space<vmem>>, vector<16xf32>,
      tpu.vector_store %arg7[%swap3A_1053, %swap3A_1054, %swap3A_1055], %gather3A_984 {strides = array<i32>} : memref<2x64x512xf32, #tpu.memory_space<vmem>>, vector<16xf32>,
    }
    %scan3A_74 = arith.constant 32 : i32
    %add3A_75 = arith.constant 0 : i32
    %add3A_76 = arith.addi %mul3A_32, %add3A_75 : i32
    %dma_start3A_77 = arith.constant 0 : i32
    %dma_start3A_78 = arith.constant 0 : i32
    %dma_start3A_79 = arith.constant 0 : i32
    %dma_start3A_80 = tpu.memref_slice %arg7[%dma_start3A_77, %dma_start3A_78, %dma_start3A_79] : memref<2x64x512xf32, #tpu.memory_space<vmem>> -> memref<1x64x512xf32, #tpu.memory_space<vmem>>
    %dma_start3A_81 = tpu.memref_squeeze %dma_start3A_80 : memref<1x64x512xf32, #tpu.memory_space<vmem>> -> memref<64x512xf32, #tpu.memory_space<vmem>>
    %dma_start3A_82 = arith.constant 0 : i32
    %dma_start3A_83 = tpu.memref_slice %arg4[%add3A_76, %dma_start3A_82, %mul3A_34] : memref<200x64x4096xf32, #tpu.memory_space<hbm>> -> memref<1x64x512xf32, #tpu.memory_space<hbm>>
    %dma_start3A_84 = tpu.memref_squeeze %dma_start3A_83 : memref<1x64x512xf32, #tpu.memory_space<hbm>> -> memref<64x512xf32, #tpu.memory_space<hbm>>
    %dma_start3A_85 = arith.constant 0 : i32
    %dma_start3A_86 = tpu.memref_slice %arg4[%add3A_76, %dma_start3A_85, %mul3A_34] : memref<200x64x4096xf32, #tpu.memory_space<hbm>> -> memref<1x64x512xf32, #tpu.memory_space<hbm>>
    %dma_start3A_87 = tpu.memref_squeeze %dma_start3A_86 : memref<1x64x512xf32, #tpu.memory_space<hbm>> -> memref<64x512xf32, #tpu.memory_space<hbm>>
    %dma_start3A_88 = arith.constant 0 : i32
    %dma_start3A_89 = arith.constant 0 : i32
    %dma_start3A_90 = tpu.memref_slice %arg7[%dma_start3A_77, %dma_start3A_88, %dma_start3A_89] : memref<2x64x512xf32, #tpu.memory_space<vmem>> -> memref<1x64x512xf32, #tpu.memory_space<vmem>>
    %dma_start3A_91 = tpu.memref_squeeze %dma_start3A_90 : memref<1x64x512xf32, #tpu.memory_space<vmem>> -> memref<64x512xf32, #tpu.memory_space<vmem>>
    tpu.enqueue_dma source(%dma_start3A_91 : memref<64x512xf32, #tpu.memory_space<vmem>>) target(%dma_start3A_87 : memref<64x512xf32, #tpu.memory_space<hbm>>) target_semaphore(%arg10 : memref<!tpu.dma_semaphore, #tpu.memory_space<semaphore_mem>>)
    %dma_wait3A_92 = arith.constant 1 : i32
    %dma_wait3A_93 = arith.constant 0 : i32
    %dma_wait3A_94 = tpu.memref_slice %arg6[%dma_wait3A_92, %dma_wait3A_93] : memref<2x512xi32, #tpu.memory_space<vmem>> -> memref<1x512xi32, #tpu.memory_space<vmem>>
    %dma_wait3A_95 = tpu.memref_squeeze %dma_wait3A_94 : memref<1x512xi32, #tpu.memory_space<vmem>> -> memref<512xi32, #tpu.memory_space<vmem>>
    %dma_wait3A_96 = tpu.memref_slice %arg2[%mul3A_34] : memref<819200xi32, #tpu.memory_space<hbm>> -> memref<512xi32, #tpu.memory_space<hbm>>
    %dma_wait3A_97 = arith.constant 0 : i32
    %dma_wait3A_98 = tpu.memref_slice %arg6[%dma_wait3A_92, %dma_wait3A_97] : memref<2x512xi32, #tpu.memory_space<vmem>> -> memref<1x512xi32, #tpu.memory_space<vmem>>
    %dma_wait3A_99 = tpu.memref_squeeze %dma_wait3A_98 : memref<1x512xi32, #tpu.memory_space<vmem>> -> memref<512xi32, #tpu.memory_space<vmem>>
    %dma_wait3A_100 = tpu.memref_slice %arg2[%mul3A_34] : memref<819200xi32, #tpu.memory_space<hbm>> -> memref<512xi32, #tpu.memory_space<hbm>>
    tpu.wait_dma2 semaphore(%arg9 : memref<!tpu.dma_semaphore, #tpu.memory_space<semaphore_mem>>) src(%dma_wait3A_100 : memref<512xi32, #tpu.memory_space<hbm>>) dst(%dma_wait3A_99 : memref<512xi32, #tpu.memory_space<vmem>>)
    %add3A_101 = arith.constant 2 : i32
    %add3A_102 = arith.addi %mul3A_32, %add3A_101 : i32
    %mul3A_103 = arith.constant 4096 : i32
    %mul3A_104 = arith.muli %add3A_102, %mul3A_103 : i32
    %add3A_105 = arith.addi %mul3A_104, %mul3A_34 : i32
    %dma_start3A_106 = arith.constant 0 : i32
    %dma_start3A_107 = arith.constant 0 : i32
    %dma_start3A_108 = tpu.memref_slice %arg6[%dma_start3A_106, %dma_start3A_107] : memref<2x512xi32, #tpu.memory_space<vmem>> -> memref<1x512xi32, #tpu.memory_space<vmem>>
    %dma_start3A_109 = tpu.memref_squeeze %dma_start3A_108 : memref<1x512xi32, #tpu.memory_space<vmem>> -> memref<512xi32, #tpu.memory_space<vmem>>
    %dma_start3A_110 = tpu.memref_slice %arg2[%add3A_105] : memref<819200xi32, #tpu.memory_space<hbm>> -> memref<512xi32, #tpu.memory_space<hbm>>
    %dma_start3A_111 = arith.constant 0 : i32
    %dma_start3A_112 = tpu.memref_slice %arg6[%dma_start3A_106, %dma_start3A_111] : memref<2x512xi32, #tpu.memory_space<vmem>> -> memref<1x512xi32, #tpu.memory_space<vmem>>
    %dma_start3A_113 = tpu.memref_squeeze %dma_start3A_112 : memref<1x512xi32, #tpu.memory_space<vmem>> -> memref<512xi32, #tpu.memory_space<vmem>>
    %dma_start3A_114 = tpu.memref_slice %arg2[%add3A_105] : memref<819200xi32, #tpu.memory_space<hbm>> -> memref<512xi32, #tpu.memory_space<hbm>>
    tpu.enqueue_dma source(%dma_start3A_114 : memref<512xi32, #tpu.memory_space<hbm>>) target(%dma_start3A_113 : memref<512xi32, #tpu.memory_space<vmem>>) target_semaphore(%arg8 : memref<!tpu.dma_semaphore, #tpu.memory_space<semaphore_mem>>)
    %scan3A_115 = arith.constant 0 : i32
    %scan3A_116 = arith.constant 0 : i32
    %scan3A_117 = arith.constant 32 : i32
    %scan3A_118 = arith.addi %scan3A_116, %scan3A_117 : i32
    %scan3A_119 = arith.constant 1 : i32
    scf.for %scan3A_282 = %scan3A_116 to %scan3A_118 step %scan3A_119  : i32 {
      %mul3A_283 = arith.constant 16 : i32
      %mul3A_284 = arith.muli %scan3A_282, %mul3A_283 : i32
      %get3A = arith.constant 1 : i32
      %get3A_285 = arith.index_cast %get3A : i32 to index
      %get3A_286 = arith.index_cast %mul3A_284 : i32 to index
      %get3A_287 = tpu.vector_load %arg6[%get3A_285, %get3A_286] {strides = array<i32>} : memref<2x512xi32, #tpu.memory_space<vmem>>, vector<16xi32>,
      %mul3A_288 = arith.constant 65 : i32
      %mul3A_289 = vector.broadcast %mul3A_288 : i32 to vector<16xi32>
      %mul3A_290 = arith.muli %get3A_287, %mul3A_289 : vector<16xi32>
      %add3A_291 = arith.constant 0 : i32
      %add3A_292 = vector.broadcast %add3A_291 : i32 to vector<16xi32>
      %add3A_293 = arith.addi %mul3A_290, %add3A_292 : vector<16xi32>
      %gather3A = tpu.vector_load_idx %arg5[%add3A_293] : memref<33280xf32, #tpu.memory_space<vmem>>[vector<16xi32>], vector<16xf32>,
      %add3A_294 = arith.constant 1 : i32
      %add3A_295 = vector.broadcast %add3A_294 : i32 to vector<16xi32>
      %add3A_296 = arith.addi %mul3A_290, %add3A_295 : vector<16xi32>
      %gather3A_297 = tpu.vector_load_idx %arg5[%add3A_296] : memref<33280xf32, #tpu.memory_space<vmem>>[vector<16xi32>], vector<16xf32>,
      %add3A_298 = arith.constant 2 : i32
      %add3A_299 = vector.broadcast %add3A_298 : i32 to vector<16xi32>
      %add3A_300 = arith.addi %mul3A_290, %add3A_299 : vector<16xi32>
      %gather3A_301 = tpu.vector_load_idx %arg5[%add3A_300] : memref<33280xf32, #tpu.memory_space<vmem>>[vector<16xi32>], vector<16xf32>,
      %add3A_302 = arith.constant 3 : i32
      %add3A_303 = vector.broadcast %add3A_302 : i32 to vector<16xi32>
      %add3A_304 = arith.addi %mul3A_290, %add3A_303 : vector<16xi32>
      %gather3A_305 = tpu.vector_load_idx %arg5[%add3A_304] : memref<33280xf32, #tpu.memory_space<vmem>>[vector<16xi32>], vector<16xf32>,
      %add3A_306 = arith.constant 4 : i32
      %add3A_307 = vector.broadcast %add3A_306 : i32 to vector<16xi32>
      %add3A_308 = arith.addi %mul3A_290, %add3A_307 : vector<16xi32>
      %gather3A_309 = tpu.vector_load_idx %arg5[%add3A_308] : memref<33280xf32, #tpu.memory_space<vmem>>[vector<16xi32>], vector<16xf32>,
      %add3A_310 = arith.constant 5 : i32
      %add3A_311 = vector.broadcast %add3A_310 : i32 to vector<16xi32>
      %add3A_312 = arith.addi %mul3A_290, %add3A_311 : vector<16xi32>
      %gather3A_313 = tpu.vector_load_idx %arg5[%add3A_312] : memref<33280xf32, #tpu.memory_space<vmem>>[vector<16xi32>], vector<16xf32>,
      %add3A_314 = arith.constant 6 : i32
      %add3A_315 = vector.broadcast %add3A_314 : i32 to vector<16xi32>
      %add3A_316 = arith.addi %mul3A_290, %add3A_315 : vector<16xi32>
      %gather3A_317 = tpu.vector_load_idx %arg5[%add3A_316] : memref<33280xf32, #tpu.memory_space<vmem>>[vector<16xi32>], vector<16xf32>,
      %add3A_318 = arith.constant 7 : i32
      %add3A_319 = vector.broadcast %add3A_318 : i32 to vector<16xi32>
      %add3A_320 = arith.addi %mul3A_290, %add3A_319 : vector<16xi32>
      %gather3A_321 = tpu.vector_load_idx %arg5[%add3A_320] : memref<33280xf32, #tpu.memory_space<vmem>>[vector<16xi32>], vector<16xf32>,
      %add3A_322 = arith.constant 8 : i32
      %add3A_323 = vector.broadcast %add3A_322 : i32 to vector<16xi32>
      %add3A_324 = arith.addi %mul3A_290, %add3A_323 : vector<16xi32>
      %gather3A_325 = tpu.vector_load_idx %arg5[%add3A_324] : memref<33280xf32, #tpu.memory_space<vmem>>[vector<16xi32>], vector<16xf32>,
      %mul3A_326 = arith.constant 16 : i32
      %mul3A_327 = arith.muli %scan3A_282, %mul3A_326 : i32
      %swap3A = arith.constant 1 : i32
      %swap3A_328 = arith.constant 0 : i32
      %swap3A_329 = arith.index_cast %swap3A : i32 to index
      %swap3A_330 = arith.index_cast %swap3A_328 : i32 to index
      %swap3A_331 = arith.index_cast %mul3A_327 : i32 to index
      %swap3A_332 = tpu.vector_load %arg7[%swap3A_329, %swap3A_330, %swap3A_331] {strides = array<i32>} : memref<2x64x512xf32, #tpu.memory_space<vmem>>, vector<16xf32>,
      tpu.vector_store %arg7[%swap3A_329, %swap3A_330, %swap3A_331], %gather3A {strides = array<i32>} : memref<2x64x512xf32, #tpu.memory_space<vmem>>, vector<16xf32>,
      %add3A_333 = arith.constant 9 : i32
      %add3A_334 = vector.broadcast %add3A_333 : i32 to vector<16xi32>
      %add3A_335 = arith.addi %mul3A_290, %add3A_334 : vector<16xi32>
      %gather3A_336 = tpu.vector_load_idx %arg5[%add3A_335] : memref<33280xf32, #tpu.memory_space<vmem>>[vector<16xi32>], vector<16xf32>,
      %mul3A_337 = arith.constant 16 : i32
      %mul3A_338 = arith.muli %scan3A_282, %mul3A_337 : i32
      %swap3A_339 = arith.constant 1 : i32
      %swap3A_340 = arith.constant 1 : i32
      %swap3A_341 = arith.index_cast %swap3A_339 : i32 to index
      %swap3A_342 = arith.index_cast %swap3A_340 : i32 to index
      %swap3A_343 = arith.index_cast %mul3A_338 : i32 to index
      %swap3A_344 = tpu.vector_load %arg7[%swap3A_341, %swap3A_342, %swap3A_343] {strides = array<i32>} : memref<2x64x512xf32, #tpu.memory_space<vmem>>, vector<16xf32>,
      tpu.vector_store %arg7[%swap3A_341, %swap3A_342, %swap3A_343], %gather3A_297 {strides = array<i32>} : memref<2x64x512xf32, #tpu.memory_space<vmem>>, vector<16xf32>,
      %add3A_345 = arith.constant 10 : i32
      %add3A_346 = vector.broadcast %add3A_345 : i32 to vector<16xi32>
      %add3A_347 = arith.addi %mul3A_290, %add3A_346 : vector<16xi32>
      %gather3A_348 = tpu.vector_load_idx %arg5[%add3A_347] : memref<33280xf32, #tpu.memory_space<vmem>>[vector<16xi32>], vector<16xf32>,
      %mul3A_349 = arith.constant 16 : i32
      %mul3A_350 = arith.muli %scan3A_282, %mul3A_349 : i32
      %swap3A_351 = arith.constant 1 : i32
      %swap3A_352 = arith.constant 2 : i32
      %swap3A_353 = arith.index_cast %swap3A_351 : i32 to index
      %swap3A_354 = arith.index_cast %swap3A_352 : i32 to index
      %swap3A_355 = arith.index_cast %mul3A_350 : i32 to index
      %swap3A_356 = tpu.vector_load %arg7[%swap3A_353, %swap3A_354, %swap3A_355] {strides = array<i32>} : memref<2x64x512xf32, #tpu.memory_space<vmem>>, vector<16xf32>,
      tpu.vector_store %arg7[%swap3A_353, %swap3A_354, %swap3A_355], %gather3A_301 {strides = array<i32>} : memref<2x64x512xf32, #tpu.memory_space<vmem>>, vector<16xf32>,
      %add3A_357 = arith.constant 11 : i32
      %add3A_358 = vector.broadcast %add3A_357 : i32 to vector<16xi32>
      %add3A_359 = arith.addi %mul3A_290, %add3A_358 : vector<16xi32>
      %gather3A_360 = tpu.vector_load_idx %arg5[%add3A_359] : memref<33280xf32, #tpu.memory_space<vmem>>[vector<16xi32>], vector<16xf32>,
      %mul3A_361 = arith.constant 16 : i32
      %mul3A_362 = arith.muli %scan3A_282, %mul3A_361 : i32
      %swap3A_363 = arith.constant 1 : i32
      %swap3A_364 = arith.constant 3 : i32
      %swap3A_365 = arith.index_cast %swap3A_363 : i32 to index
      %swap3A_366 = arith.index_cast %swap3A_364 : i32 to index
      %swap3A_367 = arith.index_cast %mul3A_362 : i32 to index
      %swap3A_368 = tpu.vector_load %arg7[%swap3A_365, %swap3A_366, %swap3A_367] {strides = array<i32>} : memref<2x64x512xf32, #tpu.memory_space<vmem>>, vector<16xf32>,
      tpu.vector_store %arg7[%swap3A_365, %swap3A_366, %swap3A_367], %gather3A_305 {strides = array<i32>} : memref<2x64x512xf32, #tpu.memory_space<vmem>>, vector<16xf32>,
      %add3A_369 = arith.constant 12 : i32
      %add3A_370 = vector.broadcast %add3A_369 : i32 to vector<16xi32>
      %add3A_371 = arith.addi %mul3A_290, %add3A_370 : vector<16xi32>
      %gather3A_372 = tpu.vector_load_idx %arg5[%add3A_371] : memref<33280xf32, #tpu.memory_space<vmem>>[vector<16xi32>], vector<16xf32>,
      %mul3A_373 = arith.constant 16 : i32
      %mul3A_374 = arith.muli %scan3A_282, %mul3A_373 : i32
      %swap3A_375 = arith.constant 1 : i32
      %swap3A_376 = arith.constant 4 : i32
      %swap3A_377 = arith.index_cast %swap3A_375 : i32 to index
      %swap3A_378 = arith.index_cast %swap3A_376 : i32 to index
      %swap3A_379 = arith.index_cast %mul3A_374 : i32 to index
      %swap3A_380 = tpu.vector_load %arg7[%swap3A_377, %swap3A_378, %swap3A_379] {strides = array<i32>} : memref<2x64x512xf32, #tpu.memory_space<vmem>>, vector<16xf32>,
      tpu.vector_store %arg7[%swap3A_377, %swap3A_378, %swap3A_379], %gather3A_309 {strides = array<i32>} : memref<2x64x512xf32, #tpu.memory_space<vmem>>, vector<16xf32>,
      %add3A_381 = arith.constant 13 : i32
      %add3A_382 = vector.broadcast %add3A_381 : i32 to vector<16xi32>
      %add3A_383 = arith.addi %mul3A_290, %add3A_382 : vector<16xi32>
      %gather3A_384 = tpu.vector_load_idx %arg5[%add3A_383] : memref<33280xf32, #tpu.memory_space<vmem>>[vector<16xi32>], vector<16xf32>,
      %mul3A_385 = arith.constant 16 : i32
      %mul3A_386 = arith.muli %scan3A_282, %mul3A_385 : i32
      %swap3A_387 = arith.constant 1 : i32
      %swap3A_388 = arith.constant 5 : i32
      %swap3A_389 = arith.index_cast %swap3A_387 : i32 to index
      %swap3A_390 = arith.index_cast %swap3A_388 : i32 to index
      %swap3A_391 = arith.index_cast %mul3A_386 : i32 to index
      %swap3A_392 = tpu.vector_load %arg7[%swap3A_389, %swap3A_390, %swap3A_391] {strides = array<i32>} : memref<2x64x512xf32, #tpu.memory_space<vmem>>, vector<16xf32>,
      tpu.vector_store %arg7[%swap3A_389, %swap3A_390, %swap3A_391], %gather3A_313 {strides = array<i32>} : memref<2x64x512xf32, #tpu.memory_space<vmem>>, vector<16xf32>,
      %add3A_393 = arith.constant 14 : i32
      %add3A_394 = vector.broadcast %add3A_393 : i32 to vector<16xi32>
      %add3A_395 = arith.addi %mul3A_290, %add3A_394 : vector<16xi32>
      %gather3A_396 = tpu.vector_load_idx %arg5[%add3A_395] : memref<33280xf32, #tpu.memory_space<vmem>>[vector<16xi32>], vector<16xf32>,
      %mul3A_397 = arith.constant 16 : i32
      %mul3A_398 = arith.muli %scan3A_282, %mul3A_397 : i32
      %swap3A_399 = arith.constant 1 : i32
      %swap3A_400 = arith.constant 6 : i32
      %swap3A_401 = arith.index_cast %swap3A_399 : i32 to index
      %swap3A_402 = arith.index_cast %swap3A_400 : i32 to index
      %swap3A_403 = arith.index_cast %mul3A_398 : i32 to index
      %swap3A_404 = tpu.vector_load %arg7[%swap3A_401, %swap3A_402, %swap3A_403] {strides = array<i32>} : memref<2x64x512xf32, #tpu.memory_space<vmem>>, vector<16xf32>,
      tpu.vector_store %arg7[%swap3A_401, %swap3A_402, %swap3A_403], %gather3A_317 {strides = array<i32>} : memref<2x64x512xf32, #tpu.memory_space<vmem>>, vector<16xf32>,
      %add3A_405 = arith.constant 15 : i32
      %add3A_406 = vector.broadcast %add3A_405 : i32 to vector<16xi32>
      %add3A_407 = arith.addi %mul3A_290, %add3A_406 : vector<16xi32>
      %gather3A_408 = tpu.vector_load_idx %arg5[%add3A_407] : memref<33280xf32, #tpu.memory_space<vmem>>[vector<16xi32>], vector<16xf32>,
      %mul3A_409 = arith.constant 16 : i32
      %mul3A_410 = arith.muli %scan3A_282, %mul3A_409 : i32
      %swap3A_411 = arith.constant 1 : i32
      %swap3A_412 = arith.constant 7 : i32
      %swap3A_413 = arith.index_cast %swap3A_411 : i32 to index
      %swap3A_414 = arith.index_cast %swap3A_412 : i32 to index
      %swap3A_415 = arith.index_cast %mul3A_410 : i32 to index
      %swap3A_416 = tpu.vector_load %arg7[%swap3A_413, %swap3A_414, %swap3A_415] {strides = array<i32>} : memref<2x64x512xf32, #tpu.memory_space<vmem>>, vector<16xf32>,
      tpu.vector_store %arg7[%swap3A_413, %swap3A_414, %swap3A_415], %gather3A_321 {strides = array<i32>} : memref<2x64x512xf32, #tpu.memory_space<vmem>>, vector<16xf32>,
      %add3A_417 = arith.constant 16 : i32
      %add3A_418 = vector.broadcast %add3A_417 : i32 to vector<16xi32>
      %add3A_419 = arith.addi %mul3A_290, %add3A_418 : vector<16xi32>
      %gather3A_420 = tpu.vector_load_idx %arg5[%add3A_419] : memref<33280xf32, #tpu.memory_space<vmem>>[vector<16xi32>], vector<16xf32>,
      %mul3A_421 = arith.constant 16 : i32
      %mul3A_422 = arith.muli %scan3A_282, %mul3A_421 : i32
      %swap3A_423 = arith.constant 1 : i32
      %swap3A_424 = arith.constant 8 : i32
      %swap3A_425 = arith.index_cast %swap3A_423 : i32 to index
      %swap3A_426 = arith.index_cast %swap3A_424 : i32 to index
      %swap3A_427 = arith.index_cast %mul3A_422 : i32 to index
      %swap3A_428 = tpu.vector_load %arg7[%swap3A_425, %swap3A_426, %swap3A_427] {strides = array<i32>} : memref<2x64x512xf32, #tpu.memory_space<vmem>>, vector<16xf32>,
      tpu.vector_store %arg7[%swap3A_425, %swap3A_426, %swap3A_427], %gather3A_325 {strides = array<i32>} : memref<2x64x512xf32, #tpu.memory_space<vmem>>, vector<16xf32>,
      %add3A_429 = arith.constant 17 : i32
      %add3A_430 = vector.broadcast %add3A_429 : i32 to vector<16xi32>
      %add3A_431 = arith.addi %mul3A_290, %add3A_430 : vector<16xi32>
      %gather3A_432 = tpu.vector_load_idx %arg5[%add3A_431] : memref<33280xf32, #tpu.memory_space<vmem>>[vector<16xi32>], vector<16xf32>,
      %mul3A_433 = arith.constant 16 : i32
      %mul3A_434 = arith.muli %scan3A_282, %mul3A_433 : i32
      %swap3A_435 = arith.constant 1 : i32
      %swap3A_436 = arith.constant 9 : i32
      %swap3A_437 = arith.index_cast %swap3A_435 : i32 to index
      %swap3A_438 = arith.index_cast %swap3A_436 : i32 to index
      %swap3A_439 = arith.index_cast %mul3A_434 : i32 to index
      %swap3A_440 = tpu.vector_load %arg7[%swap3A_437, %swap3A_438, %swap3A_439] {strides = array<i32>} : memref<2x64x512xf32, #tpu.memory_space<vmem>>, vector<16xf32>,
      tpu.vector_store %arg7[%swap3A_437, %swap3A_438, %swap3A_439], %gather3A_336 {strides = array<i32>} : memref<2x64x512xf32, #tpu.memory_space<vmem>>, vector<16xf32>,
      %add3A_441 = arith.constant 18 : i32
      %add3A_442 = vector.broadcast %add3A_441 : i32 to vector<16xi32>
      %add3A_443 = arith.addi %mul3A_290, %add3A_442 : vector<16xi32>
      %gather3A_444 = tpu.vector_load_idx %arg5[%add3A_443] : memref<33280xf32, #tpu.memory_space<vmem>>[vector<16xi32>], vector<16xf32>,
      %mul3A_445 = arith.constant 16 : i32
      %mul3A_446 = arith.muli %scan3A_282, %mul3A_445 : i32
      %swap3A_447 = arith.constant 1 : i32
      %swap3A_448 = arith.constant 10 : i32
      %swap3A_449 = arith.index_cast %swap3A_447 : i32 to index
      %swap3A_450 = arith.index_cast %swap3A_448 : i32 to index
      %swap3A_451 = arith.index_cast %mul3A_446 : i32 to index
      %swap3A_452 = tpu.vector_load %arg7[%swap3A_449, %swap3A_450, %swap3A_451] {strides = array<i32>} : memref<2x64x512xf32, #tpu.memory_space<vmem>>, vector<16xf32>,
      tpu.vector_store %arg7[%swap3A_449, %swap3A_450, %swap3A_451], %gather3A_348 {strides = array<i32>} : memref<2x64x512xf32, #tpu.memory_space<vmem>>, vector<16xf32>,
      %add3A_453 = arith.constant 19 : i32
      %add3A_454 = vector.broadcast %add3A_453 : i32 to vector<16xi32>
      %add3A_455 = arith.addi %mul3A_290, %add3A_454 : vector<16xi32>
      %gather3A_456 = tpu.vector_load_idx %arg5[%add3A_455] : memref<33280xf32, #tpu.memory_space<vmem>>[vector<16xi32>], vector<16xf32>,
      %mul3A_457 = arith.constant 16 : i32
      %mul3A_458 = arith.muli %scan3A_282, %mul3A_457 : i32
      %swap3A_459 = arith.constant 1 : i32
      %swap3A_460 = arith.constant 11 : i32
      %swap3A_461 = arith.index_cast %swap3A_459 : i32 to index
      %swap3A_462 = arith.index_cast %swap3A_460 : i32 to index
      %swap3A_463 = arith.index_cast %mul3A_458 : i32 to index
      %swap3A_464 = tpu.vector_load %arg7[%swap3A_461, %swap3A_462, %swap3A_463] {strides = array<i32>} : memref<2x64x512xf32, #tpu.memory_space<vmem>>, vector<16xf32>,
      tpu.vector_store %arg7[%swap3A_461, %swap3A_462, %swap3A_463], %gather3A_360 {strides = array<i32>} : memref<2x64x512xf32, #tpu.memory_space<vmem>>, vector<16xf32>,
      %add3A_465 = arith.constant 20 : i32
      %add3A_466 = vector.broadcast %add3A_465 : i32 to vector<16xi32>
      %add3A_467 = arith.addi %mul3A_290, %add3A_466 : vector<16xi32>
      %gather3A_468 = tpu.vector_load_idx %arg5[%add3A_467] : memref<33280xf32, #tpu.memory_space<vmem>>[vector<16xi32>], vector<16xf32>,
      %mul3A_469 = arith.constant 16 : i32
      %mul3A_470 = arith.muli %scan3A_282, %mul3A_469 : i32
      %swap3A_471 = arith.constant 1 : i32
      %swap3A_472 = arith.constant 12 : i32
      %swap3A_473 = arith.index_cast %swap3A_471 : i32 to index
      %swap3A_474 = arith.index_cast %swap3A_472 : i32 to index
      %swap3A_475 = arith.index_cast %mul3A_470 : i32 to index
      %swap3A_476 = tpu.vector_load %arg7[%swap3A_473, %swap3A_474, %swap3A_475] {strides = array<i32>} : memref<2x64x512xf32, #tpu.memory_space<vmem>>, vector<16xf32>,
      tpu.vector_store %arg7[%swap3A_473, %swap3A_474, %swap3A_475], %gather3A_372 {strides = array<i32>} : memref<2x64x512xf32, #tpu.memory_space<vmem>>, vector<16xf32>,
      %add3A_477 = arith.constant 21 : i32
      %add3A_478 = vector.broadcast %add3A_477 : i32 to vector<16xi32>
      %add3A_479 = arith.addi %mul3A_290, %add3A_478 : vector<16xi32>
      %gather3A_480 = tpu.vector_load_idx %arg5[%add3A_479] : memref<33280xf32, #tpu.memory_space<vmem>>[vector<16xi32>], vector<16xf32>,
      %mul3A_481 = arith.constant 16 : i32
      %mul3A_482 = arith.muli %scan3A_282, %mul3A_481 : i32
      %swap3A_483 = arith.constant 1 : i32
      %swap3A_484 = arith.constant 13 : i32
      %swap3A_485 = arith.index_cast %swap3A_483 : i32 to index
      %swap3A_486 = arith.index_cast %swap3A_484 : i32 to index
      %swap3A_487 = arith.index_cast %mul3A_482 : i32 to index
      %swap3A_488 = tpu.vector_load %arg7[%swap3A_485, %swap3A_486, %swap3A_487] {strides = array<i32>} : memref<2x64x512xf32, #tpu.memory_space<vmem>>, vector<16xf32>,
      tpu.vector_store %arg7[%swap3A_485, %swap3A_486, %swap3A_487], %gather3A_384 {strides = array<i32>} : memref<2x64x512xf32, #tpu.memory_space<vmem>>, vector<16xf32>,
      %add3A_489 = arith.constant 22 : i32
      %add3A_490 = vector.broadcast %add3A_489 : i32 to vector<16xi32>
      %add3A_491 = arith.addi %mul3A_290, %add3A_490 : vector<16xi32>
      %gather3A_492 = tpu.vector_load_idx %arg5[%add3A_491] : memref<33280xf32, #tpu.memory_space<vmem>>[vector<16xi32>], vector<16xf32>,
      %mul3A_493 = arith.constant 16 : i32
      %mul3A_494 = arith.muli %scan3A_282, %mul3A_493 : i32
      %swap3A_495 = arith.constant 1 : i32
      %swap3A_496 = arith.constant 14 : i32
      %swap3A_497 = arith.index_cast %swap3A_495 : i32 to index
      %swap3A_498 = arith.index_cast %swap3A_496 : i32 to index
      %swap3A_499 = arith.index_cast %mul3A_494 : i32 to index
      %swap3A_500 = tpu.vector_load %arg7[%swap3A_497, %swap3A_498, %swap3A_499] {strides = array<i32>} : memref<2x64x512xf32, #tpu.memory_space<vmem>>, vector<16xf32>,
      tpu.vector_store %arg7[%swap3A_497, %swap3A_498, %swap3A_499], %gather3A_396 {strides = array<i32>} : memref<2x64x512xf32, #tpu.memory_space<vmem>>, vector<16xf32>,
      %add3A_501 = arith.constant 23 : i32
      %add3A_502 = vector.broadcast %add3A_501 : i32 to vector<16xi32>
      %add3A_503 = arith.addi %mul3A_290, %add3A_502 : vector<16xi32>
      %gather3A_504 = tpu.vector_load_idx %arg5[%add3A_503] : memref<33280xf32, #tpu.memory_space<vmem>>[vector<16xi32>], vector<16xf32>,
      %mul3A_505 = arith.constant 16 : i32
      %mul3A_506 = arith.muli %scan3A_282, %mul3A_505 : i32
      %swap3A_507 = arith.constant 1 : i32
      %swap3A_508 = arith.constant 15 : i32
      %swap3A_509 = arith.index_cast %swap3A_507 : i32 to index
      %swap3A_510 = arith.index_cast %swap3A_508 : i32 to index
      %swap3A_511 = arith.index_cast %mul3A_506 : i32 to index
      %swap3A_512 = tpu.vector_load %arg7[%swap3A_509, %swap3A_510, %swap3A_511] {strides = array<i32>} : memref<2x64x512xf32, #tpu.memory_space<vmem>>, vector<16xf32>,
      tpu.vector_store %arg7[%swap3A_509, %swap3A_510, %swap3A_511], %gather3A_408 {strides = array<i32>} : memref<2x64x512xf32, #tpu.memory_space<vmem>>, vector<16xf32>,
      %add3A_513 = arith.constant 24 : i32
      %add3A_514 = vector.broadcast %add3A_513 : i32 to vector<16xi32>
      %add3A_515 = arith.addi %mul3A_290, %add3A_514 : vector<16xi32>
      %gather3A_516 = tpu.vector_load_idx %arg5[%add3A_515] : memref<33280xf32, #tpu.memory_space<vmem>>[vector<16xi32>], vector<16xf32>,
      %mul3A_517 = arith.constant 16 : i32
      %mul3A_518 = arith.muli %scan3A_282, %mul3A_517 : i32
      %swap3A_519 = arith.constant 1 : i32
      %swap3A_520 = arith.constant 16 : i32
      %swap3A_521 = arith.index_cast %swap3A_519 : i32 to index
      %swap3A_522 = arith.index_cast %swap3A_520 : i32 to index
      %swap3A_523 = arith.index_cast %mul3A_518 : i32 to index
      %swap3A_524 = tpu.vector_load %arg7[%swap3A_521, %swap3A_522, %swap3A_523] {strides = array<i32>} : memref<2x64x512xf32, #tpu.memory_space<vmem>>, vector<16xf32>,
      tpu.vector_store %arg7[%swap3A_521, %swap3A_522, %swap3A_523], %gather3A_420 {strides = array<i32>} : memref<2x64x512xf32, #tpu.memory_space<vmem>>, vector<16xf32>,
      %add3A_525 = arith.constant 25 : i32
      %add3A_526 = vector.broadcast %add3A_525 : i32 to vector<16xi32>
      %add3A_527 = arith.addi %mul3A_290, %add3A_526 : vector<16xi32>
      %gather3A_528 = tpu.vector_load_idx %arg5[%add3A_527] : memref<33280xf32, #tpu.memory_space<vmem>>[vector<16xi32>], vector<16xf32>,
      %mul3A_529 = arith.constant 16 : i32
      %mul3A_530 = arith.muli %scan3A_282, %mul3A_529 : i32
      %swap3A_531 = arith.constant 1 : i32
      %swap3A_532 = arith.constant 17 : i32
      %swap3A_533 = arith.index_cast %swap3A_531 : i32 to index
      %swap3A_534 = arith.index_cast %swap3A_532 : i32 to index
      %swap3A_535 = arith.index_cast %mul3A_530 : i32 to index
      %swap3A_536 = tpu.vector_load %arg7[%swap3A_533, %swap3A_534, %swap3A_535] {strides = array<i32>} : memref<2x64x512xf32, #tpu.memory_space<vmem>>, vector<16xf32>,
      tpu.vector_store %arg7[%swap3A_533, %swap3A_534, %swap3A_535], %gather3A_432 {strides = array<i32>} : memref<2x64x512xf32, #tpu.memory_space<vmem>>, vector<16xf32>,
      %add3A_537 = arith.constant 26 : i32
      %add3A_538 = vector.broadcast %add3A_537 : i32 to vector<16xi32>
      %add3A_539 = arith.addi %mul3A_290, %add3A_538 : vector<16xi32>
      %gather3A_540 = tpu.vector_load_idx %arg5[%add3A_539] : memref<33280xf32, #tpu.memory_space<vmem>>[vector<16xi32>], vector<16xf32>,
      %mul3A_541 = arith.constant 16 : i32
      %mul3A_542 = arith.muli %scan3A_282, %mul3A_541 : i32
      %swap3A_543 = arith.constant 1 : i32
      %swap3A_544 = arith.constant 18 : i32
      %swap3A_545 = arith.index_cast %swap3A_543 : i32 to index
      %swap3A_546 = arith.index_cast %swap3A_544 : i32 to index
      %swap3A_547 = arith.index_cast %mul3A_542 : i32 to index
      %swap3A_548 = tpu.vector_load %arg7[%swap3A_545, %swap3A_546, %swap3A_547] {strides = array<i32>} : memref<2x64x512xf32, #tpu.memory_space<vmem>>, vector<16xf32>,
      tpu.vector_store %arg7[%swap3A_545, %swap3A_546, %swap3A_547], %gather3A_444 {strides = array<i32>} : memref<2x64x512xf32, #tpu.memory_space<vmem>>, vector<16xf32>,
      %add3A_549 = arith.constant 27 : i32
      %add3A_550 = vector.broadcast %add3A_549 : i32 to vector<16xi32>
      %add3A_551 = arith.addi %mul3A_290, %add3A_550 : vector<16xi32>
      %gather3A_552 = tpu.vector_load_idx %arg5[%add3A_551] : memref<33280xf32, #tpu.memory_space<vmem>>[vector<16xi32>], vector<16xf32>,
      %mul3A_553 = arith.constant 16 : i32
      %mul3A_554 = arith.muli %scan3A_282, %mul3A_553 : i32
      %swap3A_555 = arith.constant 1 : i32
      %swap3A_556 = arith.constant 19 : i32
      %swap3A_557 = arith.index_cast %swap3A_555 : i32 to index
      %swap3A_558 = arith.index_cast %swap3A_556 : i32 to index
      %swap3A_559 = arith.index_cast %mul3A_554 : i32 to index
      %swap3A_560 = tpu.vector_load %arg7[%swap3A_557, %swap3A_558, %swap3A_559] {strides = array<i32>} : memref<2x64x512xf32, #tpu.memory_space<vmem>>, vector<16xf32>,
      tpu.vector_store %arg7[%swap3A_557, %swap3A_558, %swap3A_559], %gather3A_456 {strides = array<i32>} : memref<2x64x512xf32, #tpu.memory_space<vmem>>, vector<16xf32>,
      %add3A_561 = arith.constant 28 : i32
      %add3A_562 = vector.broadcast %add3A_561 : i32 to vector<16xi32>
      %add3A_563 = arith.addi %mul3A_290, %add3A_562 : vector<16xi32>
      %gather3A_564 = tpu.vector_load_idx %arg5[%add3A_563] : memref<33280xf32, #tpu.memory_space<vmem>>[vector<16xi32>], vector<16xf32>,
      %mul3A_565 = arith.constant 16 : i32
      %mul3A_566 = arith.muli %scan3A_282, %mul3A_565 : i32
      %swap3A_567 = arith.constant 1 : i32
      %swap3A_568 = arith.constant 20 : i32
      %swap3A_569 = arith.index_cast %swap3A_567 : i32 to index
      %swap3A_570 = arith.index_cast %swap3A_568 : i32 to index
      %swap3A_571 = arith.index_cast %mul3A_566 : i32 to index
      %swap3A_572 = tpu.vector_load %arg7[%swap3A_569, %swap3A_570, %swap3A_571] {strides = array<i32>} : memref<2x64x512xf32, #tpu.memory_space<vmem>>, vector<16xf32>,
      tpu.vector_store %arg7[%swap3A_569, %swap3A_570, %swap3A_571], %gather3A_468 {strides = array<i32>} : memref<2x64x512xf32, #tpu.memory_space<vmem>>, vector<16xf32>,
      %add3A_573 = arith.constant 29 : i32
      %add3A_574 = vector.broadcast %add3A_573 : i32 to vector<16xi32>
      %add3A_575 = arith.addi %mul3A_290, %add3A_574 : vector<16xi32>
      %gather3A_576 = tpu.vector_load_idx %arg5[%add3A_575] : memref<33280xf32, #tpu.memory_space<vmem>>[vector<16xi32>], vector<16xf32>,
      %mul3A_577 = arith.constant 16 : i32
      %mul3A_578 = arith.muli %scan3A_282, %mul3A_577 : i32
      %swap3A_579 = arith.constant 1 : i32
      %swap3A_580 = arith.constant 21 : i32
      %swap3A_581 = arith.index_cast %swap3A_579 : i32 to index
      %swap3A_582 = arith.index_cast %swap3A_580 : i32 to index
      %swap3A_583 = arith.index_cast %mul3A_578 : i32 to index
      %swap3A_584 = tpu.vector_load %arg7[%swap3A_581, %swap3A_582, %swap3A_583] {strides = array<i32>} : memref<2x64x512xf32, #tpu.memory_space<vmem>>, vector<16xf32>,
      tpu.vector_store %arg7[%swap3A_581, %swap3A_582, %swap3A_583], %gather3A_480 {strides = array<i32>} : memref<2x64x512xf32, #tpu.memory_space<vmem>>, vector<16xf32>,
      %add3A_585 = arith.constant 30 : i32
      %add3A_586 = vector.broadcast %add3A_585 : i32 to vector<16xi32>
      %add3A_587 = arith.addi %mul3A_290, %add3A_586 : vector<16xi32>
      %gather3A_588 = tpu.vector_load_idx %arg5[%add3A_587] : memref<33280xf32, #tpu.memory_space<vmem>>[vector<16xi32>], vector<16xf32>,
      %mul3A_589 = arith.constant 16 : i32
      %mul3A_590 = arith.muli %scan3A_282, %mul3A_589 : i32
      %swap3A_591 = arith.constant 1 : i32
      %swap3A_592 = arith.constant 22 : i32
      %swap3A_593 = arith.index_cast %swap3A_591 : i32 to index
      %swap3A_594 = arith.index_cast %swap3A_592 : i32 to index
      %swap3A_595 = arith.index_cast %mul3A_590 : i32 to index
      %swap3A_596 = tpu.vector_load %arg7[%swap3A_593, %swap3A_594, %swap3A_595] {strides = array<i32>} : memref<2x64x512xf32, #tpu.memory_space<vmem>>, vector<16xf32>,
      tpu.vector_store %arg7[%swap3A_593, %swap3A_594, %swap3A_595], %gather3A_492 {strides = array<i32>} : memref<2x64x512xf32, #tpu.memory_space<vmem>>, vector<16xf32>,
      %add3A_597 = arith.constant 31 : i32
      %add3A_598 = vector.broadcast %add3A_597 : i32 to vector<16xi32>
      %add3A_599 = arith.addi %mul3A_290, %add3A_598 : vector<16xi32>
      %gather3A_600 = tpu.vector_load_idx %arg5[%add3A_599] : memref<33280xf32, #tpu.memory_space<vmem>>[vector<16xi32>], vector<16xf32>,
      %mul3A_601 = arith.constant 16 : i32
      %mul3A_602 = arith.muli %scan3A_282, %mul3A_601 : i32
      %swap3A_603 = arith.constant 1 : i32
      %swap3A_604 = arith.constant 23 : i32
      %swap3A_605 = arith.index_cast %swap3A_603 : i32 to index
      %swap3A_606 = arith.index_cast %swap3A_604 : i32 to index
      %swap3A_607 = arith.index_cast %mul3A_602 : i32 to index
      %swap3A_608 = tpu.vector_load %arg7[%swap3A_605, %swap3A_606, %swap3A_607] {strides = array<i32>} : memref<2x64x512xf32, #tpu.memory_space<vmem>>, vector<16xf32>,
      tpu.vector_store %arg7[%swap3A_605, %swap3A_606, %swap3A_607], %gather3A_504 {strides = array<i32>} : memref<2x64x512xf32, #tpu.memory_space<vmem>>, vector<16xf32>,
      %add3A_609 = arith.constant 32 : i32
      %add3A_610 = vector.broadcast %add3A_609 : i32 to vector<16xi32>
      %add3A_611 = arith.addi %mul3A_290, %add3A_610 : vector<16xi32>
      %gather3A_612 = tpu.vector_load_idx %arg5[%add3A_611] : memref<33280xf32, #tpu.memory_space<vmem>>[vector<16xi32>], vector<16xf32>,
      %mul3A_613 = arith.constant 16 : i32
      %mul3A_614 = arith.muli %scan3A_282, %mul3A_613 : i32
      %swap3A_615 = arith.constant 1 : i32
      %swap3A_616 = arith.constant 24 : i32
      %swap3A_617 = arith.index_cast %swap3A_615 : i32 to index
      %swap3A_618 = arith.index_cast %swap3A_616 : i32 to index
      %swap3A_619 = arith.index_cast %mul3A_614 : i32 to index
      %swap3A_620 = tpu.vector_load %arg7[%swap3A_617, %swap3A_618, %swap3A_619] {strides = array<i32>} : memref<2x64x512xf32, #tpu.memory_space<vmem>>, vector<16xf32>,
      tpu.vector_store %arg7[%swap3A_617, %swap3A_618, %swap3A_619], %gather3A_516 {strides = array<i32>} : memref<2x64x512xf32, #tpu.memory_space<vmem>>, vector<16xf32>,
      %add3A_621 = arith.constant 33 : i32
      %add3A_622 = vector.broadcast %add3A_621 : i32 to vector<16xi32>
      %add3A_623 = arith.addi %mul3A_290, %add3A_622 : vector<16xi32>
      %gather3A_624 = tpu.vector_load_idx %arg5[%add3A_623] : memref<33280xf32, #tpu.memory_space<vmem>>[vector<16xi32>], vector<16xf32>,
      %mul3A_625 = arith.constant 16 : i32
      %mul3A_626 = arith.muli %scan3A_282, %mul3A_625 : i32
      %swap3A_627 = arith.constant 1 : i32
      %swap3A_628 = arith.constant 25 : i32
      %swap3A_629 = arith.index_cast %swap3A_627 : i32 to index
      %swap3A_630 = arith.index_cast %swap3A_628 : i32 to index
      %swap3A_631 = arith.index_cast %mul3A_626 : i32 to index
      %swap3A_632 = tpu.vector_load %arg7[%swap3A_629, %swap3A_630, %swap3A_631] {strides = array<i32>} : memref<2x64x512xf32, #tpu.memory_space<vmem>>, vector<16xf32>,
      tpu.vector_store %arg7[%swap3A_629, %swap3A_630, %swap3A_631], %gather3A_528 {strides = array<i32>} : memref<2x64x512xf32, #tpu.memory_space<vmem>>, vector<16xf32>,
      %add3A_633 = arith.constant 34 : i32
      %add3A_634 = vector.broadcast %add3A_633 : i32 to vector<16xi32>
      %add3A_635 = arith.addi %mul3A_290, %add3A_634 : vector<16xi32>
      %gather3A_636 = tpu.vector_load_idx %arg5[%add3A_635] : memref<33280xf32, #tpu.memory_space<vmem>>[vector<16xi32>], vector<16xf32>,
      %mul3A_637 = arith.constant 16 : i32
      %mul3A_638 = arith.muli %scan3A_282, %mul3A_637 : i32
      %swap3A_639 = arith.constant 1 : i32
      %swap3A_640 = arith.constant 26 : i32
      %swap3A_641 = arith.index_cast %swap3A_639 : i32 to index
      %swap3A_642 = arith.index_cast %swap3A_640 : i32 to index
      %swap3A_643 = arith.index_cast %mul3A_638 : i32 to index
      %swap3A_644 = tpu.vector_load %arg7[%swap3A_641, %swap3A_642, %swap3A_643] {strides = array<i32>} : memref<2x64x512xf32, #tpu.memory_space<vmem>>, vector<16xf32>,
      tpu.vector_store %arg7[%swap3A_641, %swap3A_642, %swap3A_643], %gather3A_540 {strides = array<i32>} : memref<2x64x512xf32, #tpu.memory_space<vmem>>, vector<16xf32>,
      %add3A_645 = arith.constant 35 : i32
      %add3A_646 = vector.broadcast %add3A_645 : i32 to vector<16xi32>
      %add3A_647 = arith.addi %mul3A_290, %add3A_646 : vector<16xi32>
      %gather3A_648 = tpu.vector_load_idx %arg5[%add3A_647] : memref<33280xf32, #tpu.memory_space<vmem>>[vector<16xi32>], vector<16xf32>,
      %mul3A_649 = arith.constant 16 : i32
      %mul3A_650 = arith.muli %scan3A_282, %mul3A_649 : i32
      %swap3A_651 = arith.constant 1 : i32
      %swap3A_652 = arith.constant 27 : i32
      %swap3A_653 = arith.index_cast %swap3A_651 : i32 to index
      %swap3A_654 = arith.index_cast %swap3A_652 : i32 to index
      %swap3A_655 = arith.index_cast %mul3A_650 : i32 to index
      %swap3A_656 = tpu.vector_load %arg7[%swap3A_653, %swap3A_654, %swap3A_655] {strides = array<i32>} : memref<2x64x512xf32, #tpu.memory_space<vmem>>, vector<16xf32>,
      tpu.vector_store %arg7[%swap3A_653, %swap3A_654, %swap3A_655], %gather3A_552 {strides = array<i32>} : memref<2x64x512xf32, #tpu.memory_space<vmem>>, vector<16xf32>,
      %add3A_657 = arith.constant 36 : i32
      %add3A_658 = vector.broadcast %add3A_657 : i32 to vector<16xi32>
      %add3A_659 = arith.addi %mul3A_290, %add3A_658 : vector<16xi32>
      %gather3A_660 = tpu.vector_load_idx %arg5[%add3A_659] : memref<33280xf32, #tpu.memory_space<vmem>>[vector<16xi32>], vector<16xf32>,
      %mul3A_661 = arith.constant 16 : i32
      %mul3A_662 = arith.muli %scan3A_282, %mul3A_661 : i32
      %swap3A_663 = arith.constant 1 : i32
      %swap3A_664 = arith.constant 28 : i32
      %swap3A_665 = arith.index_cast %swap3A_663 : i32 to index
      %swap3A_666 = arith.index_cast %swap3A_664 : i32 to index
      %swap3A_667 = arith.index_cast %mul3A_662 : i32 to index
      %swap3A_668 = tpu.vector_load %arg7[%swap3A_665, %swap3A_666, %swap3A_667] {strides = array<i32>} : memref<2x64x512xf32, #tpu.memory_space<vmem>>, vector<16xf32>,
      tpu.vector_store %arg7[%swap3A_665, %swap3A_666, %swap3A_667], %gather3A_564 {strides = array<i32>} : memref<2x64x512xf32, #tpu.memory_space<vmem>>, vector<16xf32>,
      %add3A_669 = arith.constant 37 : i32
      %add3A_670 = vector.broadcast %add3A_669 : i32 to vector<16xi32>
      %add3A_671 = arith.addi %mul3A_290, %add3A_670 : vector<16xi32>
      %gather3A_672 = tpu.vector_load_idx %arg5[%add3A_671] : memref<33280xf32, #tpu.memory_space<vmem>>[vector<16xi32>], vector<16xf32>,
      %mul3A_673 = arith.constant 16 : i32
      %mul3A_674 = arith.muli %scan3A_282, %mul3A_673 : i32
      %swap3A_675 = arith.constant 1 : i32
      %swap3A_676 = arith.constant 29 : i32
      %swap3A_677 = arith.index_cast %swap3A_675 : i32 to index
      %swap3A_678 = arith.index_cast %swap3A_676 : i32 to index
      %swap3A_679 = arith.index_cast %mul3A_674 : i32 to index
      %swap3A_680 = tpu.vector_load %arg7[%swap3A_677, %swap3A_678, %swap3A_679] {strides = array<i32>} : memref<2x64x512xf32, #tpu.memory_space<vmem>>, vector<16xf32>,
      tpu.vector_store %arg7[%swap3A_677, %swap3A_678, %swap3A_679], %gather3A_576 {strides = array<i32>} : memref<2x64x512xf32, #tpu.memory_space<vmem>>, vector<16xf32>,
      %add3A_681 = arith.constant 38 : i32
      %add3A_682 = vector.broadcast %add3A_681 : i32 to vector<16xi32>
      %add3A_683 = arith.addi %mul3A_290, %add3A_682 : vector<16xi32>
      %gather3A_684 = tpu.vector_load_idx %arg5[%add3A_683] : memref<33280xf32, #tpu.memory_space<vmem>>[vector<16xi32>], vector<16xf32>,
      %mul3A_685 = arith.constant 16 : i32
      %mul3A_686 = arith.muli %scan3A_282, %mul3A_685 : i32
      %swap3A_687 = arith.constant 1 : i32
      %swap3A_688 = arith.constant 30 : i32
      %swap3A_689 = arith.index_cast %swap3A_687 : i32 to index
      %swap3A_690 = arith.index_cast %swap3A_688 : i32 to index
      %swap3A_691 = arith.index_cast %mul3A_686 : i32 to index
      %swap3A_692 = tpu.vector_load %arg7[%swap3A_689, %swap3A_690, %swap3A_691] {strides = array<i32>} : memref<2x64x512xf32, #tpu.memory_space<vmem>>, vector<16xf32>,
      tpu.vector_store %arg7[%swap3A_689, %swap3A_690, %swap3A_691], %gather3A_588 {strides = array<i32>} : memref<2x64x512xf32, #tpu.memory_space<vmem>>, vector<16xf32>,
      %add3A_693 = arith.constant 39 : i32
      %add3A_694 = vector.broadcast %add3A_693 : i32 to vector<16xi32>
      %add3A_695 = arith.addi %mul3A_290, %add3A_694 : vector<16xi32>
      %gather3A_696 = tpu.vector_load_idx %arg5[%add3A_695] : memref<33280xf32, #tpu.memory_space<vmem>>[vector<16xi32>], vector<16xf32>,
      %mul3A_697 = arith.constant 16 : i32
      %mul3A_698 = arith.muli %scan3A_282, %mul3A_697 : i32
      %swap3A_699 = arith.constant 1 : i32
      %swap3A_700 = arith.constant 31 : i32
      %swap3A_701 = arith.index_cast %swap3A_699 : i32 to index
      %swap3A_702 = arith.index_cast %swap3A_700 : i32 to index
      %swap3A_703 = arith.index_cast %mul3A_698 : i32 to index
      %swap3A_704 = tpu.vector_load %arg7[%swap3A_701, %swap3A_702, %swap3A_703] {strides = array<i32>} : memref<2x64x512xf32, #tpu.memory_space<vmem>>, vector<16xf32>,
      tpu.vector_store %arg7[%swap3A_701, %swap3A_702, %swap3A_703], %gather3A_600 {strides = array<i32>} : memref<2x64x512xf32, #tpu.memory_space<vmem>>, vector<16xf32>,
      %add3A_705 = arith.constant 40 : i32
      %add3A_706 = vector.broadcast %add3A_705 : i32 to vector<16xi32>
      %add3A_707 = arith.addi %mul3A_290, %add3A_706 : vector<16xi32>
      %gather3A_708 = tpu.vector_load_idx %arg5[%add3A_707] : memref<33280xf32, #tpu.memory_space<vmem>>[vector<16xi32>], vector<16xf32>,
      %mul3A_709 = arith.constant 16 : i32
      %mul3A_710 = arith.muli %scan3A_282, %mul3A_709 : i32
      %swap3A_711 = arith.constant 1 : i32
      %swap3A_712 = arith.constant 32 : i32
      %swap3A_713 = arith.index_cast %swap3A_711 : i32 to index
      %swap3A_714 = arith.index_cast %swap3A_712 : i32 to index
      %swap3A_715 = arith.index_cast %mul3A_710 : i32 to index
      %swap3A_716 = tpu.vector_load %arg7[%swap3A_713, %swap3A_714, %swap3A_715] {strides = array<i32>} : memref<2x64x512xf32, #tpu.memory_space<vmem>>, vector<16xf32>,
      tpu.vector_store %arg7[%swap3A_713, %swap3A_714, %swap3A_715], %gather3A_612 {strides = array<i32>} : memref<2x64x512xf32, #tpu.memory_space<vmem>>, vector<16xf32>,
      %add3A_717 = arith.constant 41 : i32
      %add3A_718 = vector.broadcast %add3A_717 : i32 to vector<16xi32>
      %add3A_719 = arith.addi %mul3A_290, %add3A_718 : vector<16xi32>
      %gather3A_720 = tpu.vector_load_idx %arg5[%add3A_719] : memref<33280xf32, #tpu.memory_space<vmem>>[vector<16xi32>], vector<16xf32>,
      %mul3A_721 = arith.constant 16 : i32
      %mul3A_722 = arith.muli %scan3A_282, %mul3A_721 : i32
      %swap3A_723 = arith.constant 1 : i32
      %swap3A_724 = arith.constant 33 : i32
      %swap3A_725 = arith.index_cast %swap3A_723 : i32 to index
      %swap3A_726 = arith.index_cast %swap3A_724 : i32 to index
      %swap3A_727 = arith.index_cast %mul3A_722 : i32 to index
      %swap3A_728 = tpu.vector_load %arg7[%swap3A_725, %swap3A_726, %swap3A_727] {strides = array<i32>} : memref<2x64x512xf32, #tpu.memory_space<vmem>>, vector<16xf32>,
      tpu.vector_store %arg7[%swap3A_725, %swap3A_726, %swap3A_727], %gather3A_624 {strides = array<i32>} : memref<2x64x512xf32, #tpu.memory_space<vmem>>, vector<16xf32>,
      %add3A_729 = arith.constant 42 : i32
      %add3A_730 = vector.broadcast %add3A_729 : i32 to vector<16xi32>
      %add3A_731 = arith.addi %mul3A_290, %add3A_730 : vector<16xi32>
      %gather3A_732 = tpu.vector_load_idx %arg5[%add3A_731] : memref<33280xf32, #tpu.memory_space<vmem>>[vector<16xi32>], vector<16xf32>,
      %mul3A_733 = arith.constant 16 : i32
      %mul3A_734 = arith.muli %scan3A_282, %mul3A_733 : i32
      %swap3A_735 = arith.constant 1 : i32
      %swap3A_736 = arith.constant 34 : i32
      %swap3A_737 = arith.index_cast %swap3A_735 : i32 to index
      %swap3A_738 = arith.index_cast %swap3A_736 : i32 to index
      %swap3A_739 = arith.index_cast %mul3A_734 : i32 to index
      %swap3A_740 = tpu.vector_load %arg7[%swap3A_737, %swap3A_738, %swap3A_739] {strides = array<i32>} : memref<2x64x512xf32, #tpu.memory_space<vmem>>, vector<16xf32>,
      tpu.vector_store %arg7[%swap3A_737, %swap3A_738, %swap3A_739], %gather3A_636 {strides = array<i32>} : memref<2x64x512xf32, #tpu.memory_space<vmem>>, vector<16xf32>,
      %add3A_741 = arith.constant 43 : i32
      %add3A_742 = vector.broadcast %add3A_741 : i32 to vector<16xi32>
      %add3A_743 = arith.addi %mul3A_290, %add3A_742 : vector<16xi32>
      %gather3A_744 = tpu.vector_load_idx %arg5[%add3A_743] : memref<33280xf32, #tpu.memory_space<vmem>>[vector<16xi32>], vector<16xf32>,
      %mul3A_745 = arith.constant 16 : i32
      %mul3A_746 = arith.muli %scan3A_282, %mul3A_745 : i32
      %swap3A_747 = arith.constant 1 : i32
      %swap3A_748 = arith.constant 35 : i32
      %swap3A_749 = arith.index_cast %swap3A_747 : i32 to index
      %swap3A_750 = arith.index_cast %swap3A_748 : i32 to index
      %swap3A_751 = arith.index_cast %mul3A_746 : i32 to index
      %swap3A_752 = tpu.vector_load %arg7[%swap3A_749, %swap3A_750, %swap3A_751] {strides = array<i32>} : memref<2x64x512xf32, #tpu.memory_space<vmem>>, vector<16xf32>,
      tpu.vector_store %arg7[%swap3A_749, %swap3A_750, %swap3A_751], %gather3A_648 {strides = array<i32>} : memref<2x64x512xf32, #tpu.memory_space<vmem>>, vector<16xf32>,
      %add3A_753 = arith.constant 44 : i32
      %add3A_754 = vector.broadcast %add3A_753 : i32 to vector<16xi32>
      %add3A_755 = arith.addi %mul3A_290, %add3A_754 : vector<16xi32>
      %gather3A_756 = tpu.vector_load_idx %arg5[%add3A_755] : memref<33280xf32, #tpu.memory_space<vmem>>[vector<16xi32>], vector<16xf32>,
      %mul3A_757 = arith.constant 16 : i32
      %mul3A_758 = arith.muli %scan3A_282, %mul3A_757 : i32
      %swap3A_759 = arith.constant 1 : i32
      %swap3A_760 = arith.constant 36 : i32
      %swap3A_761 = arith.index_cast %swap3A_759 : i32 to index
      %swap3A_762 = arith.index_cast %swap3A_760 : i32 to index
      %swap3A_763 = arith.index_cast %mul3A_758 : i32 to index
      %swap3A_764 = tpu.vector_load %arg7[%swap3A_761, %swap3A_762, %swap3A_763] {strides = array<i32>} : memref<2x64x512xf32, #tpu.memory_space<vmem>>, vector<16xf32>,
      tpu.vector_store %arg7[%swap3A_761, %swap3A_762, %swap3A_763], %gather3A_660 {strides = array<i32>} : memref<2x64x512xf32, #tpu.memory_space<vmem>>, vector<16xf32>,
      %add3A_765 = arith.constant 45 : i32
      %add3A_766 = vector.broadcast %add3A_765 : i32 to vector<16xi32>
      %add3A_767 = arith.addi %mul3A_290, %add3A_766 : vector<16xi32>
      %gather3A_768 = tpu.vector_load_idx %arg5[%add3A_767] : memref<33280xf32, #tpu.memory_space<vmem>>[vector<16xi32>], vector<16xf32>,
      %mul3A_769 = arith.constant 16 : i32
      %mul3A_770 = arith.muli %scan3A_282, %mul3A_769 : i32
      %swap3A_771 = arith.constant 1 : i32
      %swap3A_772 = arith.constant 37 : i32
      %swap3A_773 = arith.index_cast %swap3A_771 : i32 to index
      %swap3A_774 = arith.index_cast %swap3A_772 : i32 to index
      %swap3A_775 = arith.index_cast %mul3A_770 : i32 to index
      %swap3A_776 = tpu.vector_load %arg7[%swap3A_773, %swap3A_774, %swap3A_775] {strides = array<i32>} : memref<2x64x512xf32, #tpu.memory_space<vmem>>, vector<16xf32>,
      tpu.vector_store %arg7[%swap3A_773, %swap3A_774, %swap3A_775], %gather3A_672 {strides = array<i32>} : memref<2x64x512xf32, #tpu.memory_space<vmem>>, vector<16xf32>,
      %add3A_777 = arith.constant 46 : i32
      %add3A_778 = vector.broadcast %add3A_777 : i32 to vector<16xi32>
      %add3A_779 = arith.addi %mul3A_290, %add3A_778 : vector<16xi32>
      %gather3A_780 = tpu.vector_load_idx %arg5[%add3A_779] : memref<33280xf32, #tpu.memory_space<vmem>>[vector<16xi32>], vector<16xf32>,
      %mul3A_781 = arith.constant 16 : i32
      %mul3A_782 = arith.muli %scan3A_282, %mul3A_781 : i32
      %swap3A_783 = arith.constant 1 : i32
      %swap3A_784 = arith.constant 38 : i32
      %swap3A_785 = arith.index_cast %swap3A_783 : i32 to index
      %swap3A_786 = arith.index_cast %swap3A_784 : i32 to index
      %swap3A_787 = arith.index_cast %mul3A_782 : i32 to index
      %swap3A_788 = tpu.vector_load %arg7[%swap3A_785, %swap3A_786, %swap3A_787] {strides = array<i32>} : memref<2x64x512xf32, #tpu.memory_space<vmem>>, vector<16xf32>,
      tpu.vector_store %arg7[%swap3A_785, %swap3A_786, %swap3A_787], %gather3A_684 {strides = array<i32>} : memref<2x64x512xf32, #tpu.memory_space<vmem>>, vector<16xf32>,
      %add3A_789 = arith.constant 47 : i32
      %add3A_790 = vector.broadcast %add3A_789 : i32 to vector<16xi32>
      %add3A_791 = arith.addi %mul3A_290, %add3A_790 : vector<16xi32>
      %gather3A_792 = tpu.vector_load_idx %arg5[%add3A_791] : memref<33280xf32, #tpu.memory_space<vmem>>[vector<16xi32>], vector<16xf32>,
      %mul3A_793 = arith.constant 16 : i32
      %mul3A_794 = arith.muli %scan3A_282, %mul3A_793 : i32
      %swap3A_795 = arith.constant 1 : i32
      %swap3A_796 = arith.constant 39 : i32
      %swap3A_797 = arith.index_cast %swap3A_795 : i32 to index
      %swap3A_798 = arith.index_cast %swap3A_796 : i32 to index
      %swap3A_799 = arith.index_cast %mul3A_794 : i32 to index
      %swap3A_800 = tpu.vector_load %arg7[%swap3A_797, %swap3A_798, %swap3A_799] {strides = array<i32>} : memref<2x64x512xf32, #tpu.memory_space<vmem>>, vector<16xf32>,
      tpu.vector_store %arg7[%swap3A_797, %swap3A_798, %swap3A_799], %gather3A_696 {strides = array<i32>} : memref<2x64x512xf32, #tpu.memory_space<vmem>>, vector<16xf32>,
      %add3A_801 = arith.constant 48 : i32
      %add3A_802 = vector.broadcast %add3A_801 : i32 to vector<16xi32>
      %add3A_803 = arith.addi %mul3A_290, %add3A_802 : vector<16xi32>
      %gather3A_804 = tpu.vector_load_idx %arg5[%add3A_803] : memref<33280xf32, #tpu.memory_space<vmem>>[vector<16xi32>], vector<16xf32>,
      %mul3A_805 = arith.constant 16 : i32
      %mul3A_806 = arith.muli %scan3A_282, %mul3A_805 : i32
      %swap3A_807 = arith.constant 1 : i32
      %swap3A_808 = arith.constant 40 : i32
      %swap3A_809 = arith.index_cast %swap3A_807 : i32 to index
      %swap3A_810 = arith.index_cast %swap3A_808 : i32 to index
      %swap3A_811 = arith.index_cast %mul3A_806 : i32 to index
      %swap3A_812 = tpu.vector_load %arg7[%swap3A_809, %swap3A_810, %swap3A_811] {strides = array<i32>} : memref<2x64x512xf32, #tpu.memory_space<vmem>>, vector<16xf32>,
      tpu.vector_store %arg7[%swap3A_809, %swap3A_810, %swap3A_811], %gather3A_708 {strides = array<i32>} : memref<2x64x512xf32, #tpu.memory_space<vmem>>, vector<16xf32>,
      %add3A_813 = arith.constant 49 : i32
      %add3A_814 = vector.broadcast %add3A_813 : i32 to vector<16xi32>
      %add3A_815 = arith.addi %mul3A_290, %add3A_814 : vector<16xi32>
      %gather3A_816 = tpu.vector_load_idx %arg5[%add3A_815] : memref<33280xf32, #tpu.memory_space<vmem>>[vector<16xi32>], vector<16xf32>,
      %mul3A_817 = arith.constant 16 : i32
      %mul3A_818 = arith.muli %scan3A_282, %mul3A_817 : i32
      %swap3A_819 = arith.constant 1 : i32
      %swap3A_820 = arith.constant 41 : i32
      %swap3A_821 = arith.index_cast %swap3A_819 : i32 to index
      %swap3A_822 = arith.index_cast %swap3A_820 : i32 to index
      %swap3A_823 = arith.index_cast %mul3A_818 : i32 to index
      %swap3A_824 = tpu.vector_load %arg7[%swap3A_821, %swap3A_822, %swap3A_823] {strides = array<i32>} : memref<2x64x512xf32, #tpu.memory_space<vmem>>, vector<16xf32>,
      tpu.vector_store %arg7[%swap3A_821, %swap3A_822, %swap3A_823], %gather3A_720 {strides = array<i32>} : memref<2x64x512xf32, #tpu.memory_space<vmem>>, vector<16xf32>,
      %add3A_825 = arith.constant 50 : i32
      %add3A_826 = vector.broadcast %add3A_825 : i32 to vector<16xi32>
      %add3A_827 = arith.addi %mul3A_290, %add3A_826 : vector<16xi32>
      %gather3A_828 = tpu.vector_load_idx %arg5[%add3A_827] : memref<33280xf32, #tpu.memory_space<vmem>>[vector<16xi32>], vector<16xf32>,
      %mul3A_829 = arith.constant 16 : i32
      %mul3A_830 = arith.muli %scan3A_282, %mul3A_829 : i32
      %swap3A_831 = arith.constant 1 : i32
      %swap3A_832 = arith.constant 42 : i32
      %swap3A_833 = arith.index_cast %swap3A_831 : i32 to index
      %swap3A_834 = arith.index_cast %swap3A_832 : i32 to index
      %swap3A_835 = arith.index_cast %mul3A_830 : i32 to index
      %swap3A_836 = tpu.vector_load %arg7[%swap3A_833, %swap3A_834, %swap3A_835] {strides = array<i32>} : memref<2x64x512xf32, #tpu.memory_space<vmem>>, vector<16xf32>,
      tpu.vector_store %arg7[%swap3A_833, %swap3A_834, %swap3A_835], %gather3A_732 {strides = array<i32>} : memref<2x64x512xf32, #tpu.memory_space<vmem>>, vector<16xf32>,
      %add3A_837 = arith.constant 51 : i32
      %add3A_838 = vector.broadcast %add3A_837 : i32 to vector<16xi32>
      %add3A_839 = arith.addi %mul3A_290, %add3A_838 : vector<16xi32>
      %gather3A_840 = tpu.vector_load_idx %arg5[%add3A_839] : memref<33280xf32, #tpu.memory_space<vmem>>[vector<16xi32>], vector<16xf32>,
      %mul3A_841 = arith.constant 16 : i32
      %mul3A_842 = arith.muli %scan3A_282, %mul3A_841 : i32
      %swap3A_843 = arith.constant 1 : i32
      %swap3A_844 = arith.constant 43 : i32
      %swap3A_845 = arith.index_cast %swap3A_843 : i32 to index
      %swap3A_846 = arith.index_cast %swap3A_844 : i32 to index
      %swap3A_847 = arith.index_cast %mul3A_842 : i32 to index
      %swap3A_848 = tpu.vector_load %arg7[%swap3A_845, %swap3A_846, %swap3A_847] {strides = array<i32>} : memref<2x64x512xf32, #tpu.memory_space<vmem>>, vector<16xf32>,
      tpu.vector_store %arg7[%swap3A_845, %swap3A_846, %swap3A_847], %gather3A_744 {strides = array<i32>} : memref<2x64x512xf32, #tpu.memory_space<vmem>>, vector<16xf32>,
      %add3A_849 = arith.constant 52 : i32
      %add3A_850 = vector.broadcast %add3A_849 : i32 to vector<16xi32>
      %add3A_851 = arith.addi %mul3A_290, %add3A_850 : vector<16xi32>
      %gather3A_852 = tpu.vector_load_idx %arg5[%add3A_851] : memref<33280xf32, #tpu.memory_space<vmem>>[vector<16xi32>], vector<16xf32>,
      %mul3A_853 = arith.constant 16 : i32
      %mul3A_854 = arith.muli %scan3A_282, %mul3A_853 : i32
      %swap3A_855 = arith.constant 1 : i32
      %swap3A_856 = arith.constant 44 : i32
      %swap3A_857 = arith.index_cast %swap3A_855 : i32 to index
      %swap3A_858 = arith.index_cast %swap3A_856 : i32 to index
      %swap3A_859 = arith.index_cast %mul3A_854 : i32 to index
      %swap3A_860 = tpu.vector_load %arg7[%swap3A_857, %swap3A_858, %swap3A_859] {strides = array<i32>} : memref<2x64x512xf32, #tpu.memory_space<vmem>>, vector<16xf32>,
      tpu.vector_store %arg7[%swap3A_857, %swap3A_858, %swap3A_859], %gather3A_756 {strides = array<i32>} : memref<2x64x512xf32, #tpu.memory_space<vmem>>, vector<16xf32>,
      %add3A_861 = arith.constant 53 : i32
      %add3A_862 = vector.broadcast %add3A_861 : i32 to vector<16xi32>
      %add3A_863 = arith.addi %mul3A_290, %add3A_862 : vector<16xi32>
      %gather3A_864 = tpu.vector_load_idx %arg5[%add3A_863] : memref<33280xf32, #tpu.memory_space<vmem>>[vector<16xi32>], vector<16xf32>,
      %mul3A_865 = arith.constant 16 : i32
      %mul3A_866 = arith.muli %scan3A_282, %mul3A_865 : i32
      %swap3A_867 = arith.constant 1 : i32
      %swap3A_868 = arith.constant 45 : i32
      %swap3A_869 = arith.index_cast %swap3A_867 : i32 to index
      %swap3A_870 = arith.index_cast %swap3A_868 : i32 to index
      %swap3A_871 = arith.index_cast %mul3A_866 : i32 to index
      %swap3A_872 = tpu.vector_load %arg7[%swap3A_869, %swap3A_870, %swap3A_871] {strides = array<i32>} : memref<2x64x512xf32, #tpu.memory_space<vmem>>, vector<16xf32>,
      tpu.vector_store %arg7[%swap3A_869, %swap3A_870, %swap3A_871], %gather3A_768 {strides = array<i32>} : memref<2x64x512xf32, #tpu.memory_space<vmem>>, vector<16xf32>,
      %add3A_873 = arith.constant 54 : i32
      %add3A_874 = vector.broadcast %add3A_873 : i32 to vector<16xi32>
      %add3A_875 = arith.addi %mul3A_290, %add3A_874 : vector<16xi32>
      %gather3A_876 = tpu.vector_load_idx %arg5[%add3A_875] : memref<33280xf32, #tpu.memory_space<vmem>>[vector<16xi32>], vector<16xf32>,
      %mul3A_877 = arith.constant 16 : i32
      %mul3A_878 = arith.muli %scan3A_282, %mul3A_877 : i32
      %swap3A_879 = arith.constant 1 : i32
      %swap3A_880 = arith.constant 46 : i32
      %swap3A_881 = arith.index_cast %swap3A_879 : i32 to index
      %swap3A_882 = arith.index_cast %swap3A_880 : i32 to index
      %swap3A_883 = arith.index_cast %mul3A_878 : i32 to index
      %swap3A_884 = tpu.vector_load %arg7[%swap3A_881, %swap3A_882, %swap3A_883] {strides = array<i32>} : memref<2x64x512xf32, #tpu.memory_space<vmem>>, vector<16xf32>,
      tpu.vector_store %arg7[%swap3A_881, %swap3A_882, %swap3A_883], %gather3A_780 {strides = array<i32>} : memref<2x64x512xf32, #tpu.memory_space<vmem>>, vector<16xf32>,
      %add3A_885 = arith.constant 55 : i32
      %add3A_886 = vector.broadcast %add3A_885 : i32 to vector<16xi32>
      %add3A_887 = arith.addi %mul3A_290, %add3A_886 : vector<16xi32>
      %gather3A_888 = tpu.vector_load_idx %arg5[%add3A_887] : memref<33280xf32, #tpu.memory_space<vmem>>[vector<16xi32>], vector<16xf32>,
      %mul3A_889 = arith.constant 16 : i32
      %mul3A_890 = arith.muli %scan3A_282, %mul3A_889 : i32
      %swap3A_891 = arith.constant 1 : i32
      %swap3A_892 = arith.constant 47 : i32
      %swap3A_893 = arith.index_cast %swap3A_891 : i32 to index
      %swap3A_894 = arith.index_cast %swap3A_892 : i32 to index
      %swap3A_895 = arith.index_cast %mul3A_890 : i32 to index
      %swap3A_896 = tpu.vector_load %arg7[%swap3A_893, %swap3A_894, %swap3A_895] {strides = array<i32>} : memref<2x64x512xf32, #tpu.memory_space<vmem>>, vector<16xf32>,
      tpu.vector_store %arg7[%swap3A_893, %swap3A_894, %swap3A_895], %gather3A_792 {strides = array<i32>} : memref<2x64x512xf32, #tpu.memory_space<vmem>>, vector<16xf32>,
      %add3A_897 = arith.constant 56 : i32
      %add3A_898 = vector.broadcast %add3A_897 : i32 to vector<16xi32>
      %add3A_899 = arith.addi %mul3A_290, %add3A_898 : vector<16xi32>
      %gather3A_900 = tpu.vector_load_idx %arg5[%add3A_899] : memref<33280xf32, #tpu.memory_space<vmem>>[vector<16xi32>], vector<16xf32>,
      %mul3A_901 = arith.constant 16 : i32
      %mul3A_902 = arith.muli %scan3A_282, %mul3A_901 : i32
      %swap3A_903 = arith.constant 1 : i32
      %swap3A_904 = arith.constant 48 : i32
      %swap3A_905 = arith.index_cast %swap3A_903 : i32 to index
      %swap3A_906 = arith.index_cast %swap3A_904 : i32 to index
      %swap3A_907 = arith.index_cast %mul3A_902 : i32 to index
      %swap3A_908 = tpu.vector_load %arg7[%swap3A_905, %swap3A_906, %swap3A_907] {strides = array<i32>} : memref<2x64x512xf32, #tpu.memory_space<vmem>>, vector<16xf32>,
      tpu.vector_store %arg7[%swap3A_905, %swap3A_906, %swap3A_907], %gather3A_804 {strides = array<i32>} : memref<2x64x512xf32, #tpu.memory_space<vmem>>, vector<16xf32>,
      %add3A_909 = arith.constant 57 : i32
      %add3A_910 = vector.broadcast %add3A_909 : i32 to vector<16xi32>
      %add3A_911 = arith.addi %mul3A_290, %add3A_910 : vector<16xi32>
      %gather3A_912 = tpu.vector_load_idx %arg5[%add3A_911] : memref<33280xf32, #tpu.memory_space<vmem>>[vector<16xi32>], vector<16xf32>,
      %mul3A_913 = arith.constant 16 : i32
      %mul3A_914 = arith.muli %scan3A_282, %mul3A_913 : i32
      %swap3A_915 = arith.constant 1 : i32
      %swap3A_916 = arith.constant 49 : i32
      %swap3A_917 = arith.index_cast %swap3A_915 : i32 to index
      %swap3A_918 = arith.index_cast %swap3A_916 : i32 to index
      %swap3A_919 = arith.index_cast %mul3A_914 : i32 to index
      %swap3A_920 = tpu.vector_load %arg7[%swap3A_917, %swap3A_918, %swap3A_919] {strides = array<i32>} : memref<2x64x512xf32, #tpu.memory_space<vmem>>, vector<16xf32>,
      tpu.vector_store %arg7[%swap3A_917, %swap3A_918, %swap3A_919], %gather3A_816 {strides = array<i32>} : memref<2x64x512xf32, #tpu.memory_space<vmem>>, vector<16xf32>,
      %add3A_921 = arith.constant 58 : i32
      %add3A_922 = vector.broadcast %add3A_921 : i32 to vector<16xi32>
      %add3A_923 = arith.addi %mul3A_290, %add3A_922 : vector<16xi32>
      %gather3A_924 = tpu.vector_load_idx %arg5[%add3A_923] : memref<33280xf32, #tpu.memory_space<vmem>>[vector<16xi32>], vector<16xf32>,
      %mul3A_925 = arith.constant 16 : i32
      %mul3A_926 = arith.muli %scan3A_282, %mul3A_925 : i32
      %swap3A_927 = arith.constant 1 : i32
      %swap3A_928 = arith.constant 50 : i32
      %swap3A_929 = arith.index_cast %swap3A_927 : i32 to index
      %swap3A_930 = arith.index_cast %swap3A_928 : i32 to index
      %swap3A_931 = arith.index_cast %mul3A_926 : i32 to index
      %swap3A_932 = tpu.vector_load %arg7[%swap3A_929, %swap3A_930, %swap3A_931] {strides = array<i32>} : memref<2x64x512xf32, #tpu.memory_space<vmem>>, vector<16xf32>,
      tpu.vector_store %arg7[%swap3A_929, %swap3A_930, %swap3A_931], %gather3A_828 {strides = array<i32>} : memref<2x64x512xf32, #tpu.memory_space<vmem>>, vector<16xf32>,
      %add3A_933 = arith.constant 59 : i32
      %add3A_934 = vector.broadcast %add3A_933 : i32 to vector<16xi32>
      %add3A_935 = arith.addi %mul3A_290, %add3A_934 : vector<16xi32>
      %gather3A_936 = tpu.vector_load_idx %arg5[%add3A_935] : memref<33280xf32, #tpu.memory_space<vmem>>[vector<16xi32>], vector<16xf32>,
      %mul3A_937 = arith.constant 16 : i32
      %mul3A_938 = arith.muli %scan3A_282, %mul3A_937 : i32
      %swap3A_939 = arith.constant 1 : i32
      %swap3A_940 = arith.constant 51 : i32
      %swap3A_941 = arith.index_cast %swap3A_939 : i32 to index
      %swap3A_942 = arith.index_cast %swap3A_940 : i32 to index
      %swap3A_943 = arith.index_cast %mul3A_938 : i32 to index
      %swap3A_944 = tpu.vector_load %arg7[%swap3A_941, %swap3A_942, %swap3A_943] {strides = array<i32>} : memref<2x64x512xf32, #tpu.memory_space<vmem>>, vector<16xf32>,
      tpu.vector_store %arg7[%swap3A_941, %swap3A_942, %swap3A_943], %gather3A_840 {strides = array<i32>} : memref<2x64x512xf32, #tpu.memory_space<vmem>>, vector<16xf32>,
      %add3A_945 = arith.constant 60 : i32
      %add3A_946 = vector.broadcast %add3A_945 : i32 to vector<16xi32>
      %add3A_947 = arith.addi %mul3A_290, %add3A_946 : vector<16xi32>
      %gather3A_948 = tpu.vector_load_idx %arg5[%add3A_947] : memref<33280xf32, #tpu.memory_space<vmem>>[vector<16xi32>], vector<16xf32>,
      %mul3A_949 = arith.constant 16 : i32
      %mul3A_950 = arith.muli %scan3A_282, %mul3A_949 : i32
      %swap3A_951 = arith.constant 1 : i32
      %swap3A_952 = arith.constant 52 : i32
      %swap3A_953 = arith.index_cast %swap3A_951 : i32 to index
      %swap3A_954 = arith.index_cast %swap3A_952 : i32 to index
      %swap3A_955 = arith.index_cast %mul3A_950 : i32 to index
      %swap3A_956 = tpu.vector_load %arg7[%swap3A_953, %swap3A_954, %swap3A_955] {strides = array<i32>} : memref<2x64x512xf32, #tpu.memory_space<vmem>>, vector<16xf32>,
      tpu.vector_store %arg7[%swap3A_953, %swap3A_954, %swap3A_955], %gather3A_852 {strides = array<i32>} : memref<2x64x512xf32, #tpu.memory_space<vmem>>, vector<16xf32>,
      %add3A_957 = arith.constant 61 : i32
      %add3A_958 = vector.broadcast %add3A_957 : i32 to vector<16xi32>
      %add3A_959 = arith.addi %mul3A_290, %add3A_958 : vector<16xi32>
      %gather3A_960 = tpu.vector_load_idx %arg5[%add3A_959] : memref<33280xf32, #tpu.memory_space<vmem>>[vector<16xi32>], vector<16xf32>,
      %mul3A_961 = arith.constant 16 : i32
      %mul3A_962 = arith.muli %scan3A_282, %mul3A_961 : i32
      %swap3A_963 = arith.constant 1 : i32
      %swap3A_964 = arith.constant 53 : i32
      %swap3A_965 = arith.index_cast %swap3A_963 : i32 to index
      %swap3A_966 = arith.index_cast %swap3A_964 : i32 to index
      %swap3A_967 = arith.index_cast %mul3A_962 : i32 to index
      %swap3A_968 = tpu.vector_load %arg7[%swap3A_965, %swap3A_966, %swap3A_967] {strides = array<i32>} : memref<2x64x512xf32, #tpu.memory_space<vmem>>, vector<16xf32>,
      tpu.vector_store %arg7[%swap3A_965, %swap3A_966, %swap3A_967], %gather3A_864 {strides = array<i32>} : memref<2x64x512xf32, #tpu.memory_space<vmem>>, vector<16xf32>,
      %add3A_969 = arith.constant 62 : i32
      %add3A_970 = vector.broadcast %add3A_969 : i32 to vector<16xi32>
      %add3A_971 = arith.addi %mul3A_290, %add3A_970 : vector<16xi32>
      %gather3A_972 = tpu.vector_load_idx %arg5[%add3A_971] : memref<33280xf32, #tpu.memory_space<vmem>>[vector<16xi32>], vector<16xf32>,
      %mul3A_973 = arith.constant 16 : i32
      %mul3A_974 = arith.muli %scan3A_282, %mul3A_973 : i32
      %swap3A_975 = arith.constant 1 : i32
      %swap3A_976 = arith.constant 54 : i32
      %swap3A_977 = arith.index_cast %swap3A_975 : i32 to index
      %swap3A_978 = arith.index_cast %swap3A_976 : i32 to index
      %swap3A_979 = arith.index_cast %mul3A_974 : i32 to index
      %swap3A_980 = tpu.vector_load %arg7[%swap3A_977, %swap3A_978, %swap3A_979] {strides = array<i32>} : memref<2x64x512xf32, #tpu.memory_space<vmem>>, vector<16xf32>,
      tpu.vector_store %arg7[%swap3A_977, %swap3A_978, %swap3A_979], %gather3A_876 {strides = array<i32>} : memref<2x64x512xf32, #tpu.memory_space<vmem>>, vector<16xf32>,
      %add3A_981 = arith.constant 63 : i32
      %add3A_982 = vector.broadcast %add3A_981 : i32 to vector<16xi32>
      %add3A_983 = arith.addi %mul3A_290, %add3A_982 : vector<16xi32>
      %gather3A_984 = tpu.vector_load_idx %arg5[%add3A_983] : memref<33280xf32, #tpu.memory_space<vmem>>[vector<16xi32>], vector<16xf32>,
      %mul3A_985 = arith.constant 16 : i32
      %mul3A_986 = arith.muli %scan3A_282, %mul3A_985 : i32
      %swap3A_987 = arith.constant 1 : i32
      %swap3A_988 = arith.constant 55 : i32
      %swap3A_989 = arith.index_cast %swap3A_987 : i32 to index
      %swap3A_990 = arith.index_cast %swap3A_988 : i32 to index
      %swap3A_991 = arith.index_cast %mul3A_986 : i32 to index
      %swap3A_992 = tpu.vector_load %arg7[%swap3A_989, %swap3A_990, %swap3A_991] {strides = array<i32>} : memref<2x64x512xf32, #tpu.memory_space<vmem>>, vector<16xf32>,
      tpu.vector_store %arg7[%swap3A_989, %swap3A_990, %swap3A_991], %gather3A_888 {strides = array<i32>} : memref<2x64x512xf32, #tpu.memory_space<vmem>>, vector<16xf32>,
      %mul3A_993 = arith.constant 16 : i32
      %mul3A_994 = arith.muli %scan3A_282, %mul3A_993 : i32
      %swap3A_995 = arith.constant 1 : i32
      %swap3A_996 = arith.constant 56 : i32
      %swap3A_997 = arith.index_cast %swap3A_995 : i32 to index
      %swap3A_998 = arith.index_cast %swap3A_996 : i32 to index
      %swap3A_999 = arith.index_cast %mul3A_994 : i32 to index
      %swap3A_1000 = tpu.vector_load %arg7[%swap3A_997, %swap3A_998, %swap3A_999] {strides = array<i32>} : memref<2x64x512xf32, #tpu.memory_space<vmem>>, vector<16xf32>,
      tpu.vector_store %arg7[%swap3A_997, %swap3A_998, %swap3A_999], %gather3A_900 {strides = array<i32>} : memref<2x64x512xf32, #tpu.memory_space<vmem>>, vector<16xf32>,
      %mul3A_1001 = arith.constant 16 : i32
      %mul3A_1002 = arith.muli %scan3A_282, %mul3A_1001 : i32
      %swap3A_1003 = arith.constant 1 : i32
      %swap3A_1004 = arith.constant 57 : i32
      %swap3A_1005 = arith.index_cast %swap3A_1003 : i32 to index
      %swap3A_1006 = arith.index_cast %swap3A_1004 : i32 to index
      %swap3A_1007 = arith.index_cast %mul3A_1002 : i32 to index
      %swap3A_1008 = tpu.vector_load %arg7[%swap3A_1005, %swap3A_1006, %swap3A_1007] {strides = array<i32>} : memref<2x64x512xf32, #tpu.memory_space<vmem>>, vector<16xf32>,
      tpu.vector_store %arg7[%swap3A_1005, %swap3A_1006, %swap3A_1007], %gather3A_912 {strides = array<i32>} : memref<2x64x512xf32, #tpu.memory_space<vmem>>, vector<16xf32>,
      %mul3A_1009 = arith.constant 16 : i32
      %mul3A_1010 = arith.muli %scan3A_282, %mul3A_1009 : i32
      %swap3A_1011 = arith.constant 1 : i32
      %swap3A_1012 = arith.constant 58 : i32
      %swap3A_1013 = arith.index_cast %swap3A_1011 : i32 to index
      %swap3A_1014 = arith.index_cast %swap3A_1012 : i32 to index
      %swap3A_1015 = arith.index_cast %mul3A_1010 : i32 to index
      %swap3A_1016 = tpu.vector_load %arg7[%swap3A_1013, %swap3A_1014, %swap3A_1015] {strides = array<i32>} : memref<2x64x512xf32, #tpu.memory_space<vmem>>, vector<16xf32>,
      tpu.vector_store %arg7[%swap3A_1013, %swap3A_1014, %swap3A_1015], %gather3A_924 {strides = array<i32>} : memref<2x64x512xf32, #tpu.memory_space<vmem>>, vector<16xf32>,
      %mul3A_1017 = arith.constant 16 : i32
      %mul3A_1018 = arith.muli %scan3A_282, %mul3A_1017 : i32
      %swap3A_1019 = arith.constant 1 : i32
      %swap3A_1020 = arith.constant 59 : i32
      %swap3A_1021 = arith.index_cast %swap3A_1019 : i32 to index
      %swap3A_1022 = arith.index_cast %swap3A_1020 : i32 to index
      %swap3A_1023 = arith.index_cast %mul3A_1018 : i32 to index
      %swap3A_1024 = tpu.vector_load %arg7[%swap3A_1021, %swap3A_1022, %swap3A_1023] {strides = array<i32>} : memref<2x64x512xf32, #tpu.memory_space<vmem>>, vector<16xf32>,
      tpu.vector_store %arg7[%swap3A_1021, %swap3A_1022, %swap3A_1023], %gather3A_936 {strides = array<i32>} : memref<2x64x512xf32, #tpu.memory_space<vmem>>, vector<16xf32>,
      %mul3A_1025 = arith.constant 16 : i32
      %mul3A_1026 = arith.muli %scan3A_282, %mul3A_1025 : i32
      %swap3A_1027 = arith.constant 1 : i32
      %swap3A_1028 = arith.constant 60 : i32
      %swap3A_1029 = arith.index_cast %swap3A_1027 : i32 to index
      %swap3A_1030 = arith.index_cast %swap3A_1028 : i32 to index
      %swap3A_1031 = arith.index_cast %mul3A_1026 : i32 to index
      %swap3A_1032 = tpu.vector_load %arg7[%swap3A_1029, %swap3A_1030, %swap3A_1031] {strides = array<i32>} : memref<2x64x512xf32, #tpu.memory_space<vmem>>, vector<16xf32>,
      tpu.vector_store %arg7[%swap3A_1029, %swap3A_1030, %swap3A_1031], %gather3A_948 {strides = array<i32>} : memref<2x64x512xf32, #tpu.memory_space<vmem>>, vector<16xf32>,
      %mul3A_1033 = arith.constant 16 : i32
      %mul3A_1034 = arith.muli %scan3A_282, %mul3A_1033 : i32
      %swap3A_1035 = arith.constant 1 : i32
      %swap3A_1036 = arith.constant 61 : i32
      %swap3A_1037 = arith.index_cast %swap3A_1035 : i32 to index
      %swap3A_1038 = arith.index_cast %swap3A_1036 : i32 to index
      %swap3A_1039 = arith.index_cast %mul3A_1034 : i32 to index
      %swap3A_1040 = tpu.vector_load %arg7[%swap3A_1037, %swap3A_1038, %swap3A_1039] {strides = array<i32>} : memref<2x64x512xf32, #tpu.memory_space<vmem>>, vector<16xf32>,
      tpu.vector_store %arg7[%swap3A_1037, %swap3A_1038, %swap3A_1039], %gather3A_960 {strides = array<i32>} : memref<2x64x512xf32, #tpu.memory_space<vmem>>, vector<16xf32>,
      %mul3A_1041 = arith.constant 16 : i32
      %mul3A_1042 = arith.muli %scan3A_282, %mul3A_1041 : i32
      %swap3A_1043 = arith.constant 1 : i32
      %swap3A_1044 = arith.constant 62 : i32
      %swap3A_1045 = arith.index_cast %swap3A_1043 : i32 to index
      %swap3A_1046 = arith.index_cast %swap3A_1044 : i32 to index
      %swap3A_1047 = arith.index_cast %mul3A_1042 : i32 to index
      %swap3A_1048 = tpu.vector_load %arg7[%swap3A_1045, %swap3A_1046, %swap3A_1047] {strides = array<i32>} : memref<2x64x512xf32, #tpu.memory_space<vmem>>, vector<16xf32>,
      tpu.vector_store %arg7[%swap3A_1045, %swap3A_1046, %swap3A_1047], %gather3A_972 {strides = array<i32>} : memref<2x64x512xf32, #tpu.memory_space<vmem>>, vector<16xf32>,
      %mul3A_1049 = arith.constant 16 : i32
      %mul3A_1050 = arith.muli %scan3A_282, %mul3A_1049 : i32
      %swap3A_1051 = arith.constant 1 : i32
      %swap3A_1052 = arith.constant 63 : i32
      %swap3A_1053 = arith.index_cast %swap3A_1051 : i32 to index
      %swap3A_1054 = arith.index_cast %swap3A_1052 : i32 to index
      %swap3A_1055 = arith.index_cast %mul3A_1050 : i32 to index
      %swap3A_1056 = tpu.vector_load %arg7[%swap3A_1053, %swap3A_1054, %swap3A_1055] {strides = array<i32>} : memref<2x64x512xf32, #tpu.memory_space<vmem>>, vector<16xf32>,
      tpu.vector_store %arg7[%swap3A_1053, %swap3A_1054, %swap3A_1055], %gather3A_984 {strides = array<i32>} : memref<2x64x512xf32, #tpu.memory_space<vmem>>, vector<16xf32>,
    }
    %scan3A_120 = arith.constant 32 : i32
    %add3A_121 = arith.constant 1 : i32
    %add3A_122 = arith.addi %mul3A_32, %add3A_121 : i32
    %dma_start3A_123 = arith.constant 1 : i32
    %dma_start3A_124 = arith.constant 0 : i32
    %dma_start3A_125 = arith.constant 0 : i32
    %dma_start3A_126 = tpu.memref_slice %arg7[%dma_start3A_123, %dma_start3A_124, %dma_start3A_125] : memref<2x64x512xf32, #tpu.memory_space<vmem>> -> memref<1x64x512xf32, #tpu.memory_space<vmem>>
    %dma_start3A_127 = tpu.memref_squeeze %dma_start3A_126 : memref<1x64x512xf32, #tpu.memory_space<vmem>> -> memref<64x512xf32, #tpu.memory_space<vmem>>
    %dma_start3A_128 = arith.constant 0 : i32
    %dma_start3A_129 = tpu.memref_slice %arg4[%add3A_122, %dma_start3A_128, %mul3A_34] : memref<200x64x4096xf32, #tpu.memory_space<hbm>> -> memref<1x64x512xf32, #tpu.memory_space<hbm>>
    %dma_start3A_130 = tpu.memref_squeeze %dma_start3A_129 : memref<1x64x512xf32, #tpu.memory_space<hbm>> -> memref<64x512xf32, #tpu.memory_space<hbm>>
    %dma_start3A_131 = arith.constant 0 : i32
    %dma_start3A_132 = tpu.memref_slice %arg4[%add3A_122, %dma_start3A_131, %mul3A_34] : memref<200x64x4096xf32, #tpu.memory_space<hbm>> -> memref<1x64x512xf32, #tpu.memory_space<hbm>>
    %dma_start3A_133 = tpu.memref_squeeze %dma_start3A_132 : memref<1x64x512xf32, #tpu.memory_space<hbm>> -> memref<64x512xf32, #tpu.memory_space<hbm>>
    %dma_start3A_134 = arith.constant 0 : i32
    %dma_start3A_135 = arith.constant 0 : i32
    %dma_start3A_136 = tpu.memref_slice %arg7[%dma_start3A_123, %dma_start3A_134, %dma_start3A_135] : memref<2x64x512xf32, #tpu.memory_space<vmem>> -> memref<1x64x512xf32, #tpu.memory_space<vmem>>
    %dma_start3A_137 = tpu.memref_squeeze %dma_start3A_136 : memref<1x64x512xf32, #tpu.memory_space<vmem>> -> memref<64x512xf32, #tpu.memory_space<vmem>>
    tpu.enqueue_dma source(%dma_start3A_137 : memref<64x512xf32, #tpu.memory_space<vmem>>) target(%dma_start3A_133 : memref<64x512xf32, #tpu.memory_space<hbm>>) target_semaphore(%arg11 : memref<!tpu.dma_semaphore, #tpu.memory_space<semaphore_mem>>)
    %scan3A_138 = arith.constant 0 : i32
    %scan3A_139 = arith.constant 1 : i32
    %scan3A_140 = arith.constant 23 : i32
    %scan3A_141 = arith.addi %scan3A_139, %scan3A_140 : i32
    %scan3A_142 = arith.constant 1 : i32
    scf.for %scan3A_282 = %scan3A_139 to %scan3A_141 step %scan3A_142  : i32 {
      %mul3A_283 = arith.constant 2 : i32
      %mul3A_284 = arith.muli %mul3A_283, %scan3A_282 : i32
      %dma_wait3A_285 = arith.constant 0 : i32
      %dma_wait3A_286 = arith.constant 0 : i32
      %dma_wait3A_287 = tpu.memref_slice %arg6[%dma_wait3A_285, %dma_wait3A_286] : memref<2x512xi32, #tpu.memory_space<vmem>> -> memref<1x512xi32, #tpu.memory_space<vmem>>
      %dma_wait3A_288 = tpu.memref_squeeze %dma_wait3A_287 : memref<1x512xi32, #tpu.memory_space<vmem>> -> memref<512xi32, #tpu.memory_space<vmem>>
      %dma_wait3A_289 = tpu.memref_slice %arg2[%mul3A_34] : memref<819200xi32, #tpu.memory_space<hbm>> -> memref<512xi32, #tpu.memory_space<hbm>>
      %dma_wait3A_290 = arith.constant 0 : i32
      %dma_wait3A_291 = tpu.memref_slice %arg6[%dma_wait3A_285, %dma_wait3A_290] : memref<2x512xi32, #tpu.memory_space<vmem>> -> memref<1x512xi32, #tpu.memory_space<vmem>>
      %dma_wait3A_292 = tpu.memref_squeeze %dma_wait3A_291 : memref<1x512xi32, #tpu.memory_space<vmem>> -> memref<512xi32, #tpu.memory_space<vmem>>
      %dma_wait3A_293 = tpu.memref_slice %arg2[%mul3A_34] : memref<819200xi32, #tpu.memory_space<hbm>> -> memref<512xi32, #tpu.memory_space<hbm>>
      tpu.wait_dma2 semaphore(%arg8 : memref<!tpu.dma_semaphore, #tpu.memory_space<semaphore_mem>>) src(%dma_wait3A_293 : memref<512xi32, #tpu.memory_space<hbm>>) dst(%dma_wait3A_292 : memref<512xi32, #tpu.memory_space<vmem>>)
      %add3A_294 = arith.constant 1 : i32
      %add3A_295 = arith.addi %mul3A_284, %add3A_294 : i32
      %add3A_296 = arith.addi %mul3A_32, %add3A_295 : i32
      %mul3A_297 = arith.constant 4096 : i32
      %mul3A_298 = arith.muli %add3A_296, %mul3A_297 : i32
      %add3A_299 = arith.addi %mul3A_298, %mul3A_34 : i32
      %dma_start3A_300 = arith.constant 1 : i32
      %dma_start3A_301 = arith.constant 0 : i32
      %dma_start3A_302 = tpu.memref_slice %arg6[%dma_start3A_300, %dma_start3A_301] : memref<2x512xi32, #tpu.memory_space<vmem>> -> memref<1x512xi32, #tpu.memory_space<vmem>>
      %dma_start3A_303 = tpu.memref_squeeze %dma_start3A_302 : memref<1x512xi32, #tpu.memory_space<vmem>> -> memref<512xi32, #tpu.memory_space<vmem>>
      %dma_start3A_304 = tpu.memref_slice %arg2[%add3A_299] : memref<819200xi32, #tpu.memory_space<hbm>> -> memref<512xi32, #tpu.memory_space<hbm>>
      %dma_start3A_305 = arith.constant 0 : i32
      %dma_start3A_306 = tpu.memref_slice %arg6[%dma_start3A_300, %dma_start3A_305] : memref<2x512xi32, #tpu.memory_space<vmem>> -> memref<1x512xi32, #tpu.memory_space<vmem>>
      %dma_start3A_307 = tpu.memref_squeeze %dma_start3A_306 : memref<1x512xi32, #tpu.memory_space<vmem>> -> memref<512xi32, #tpu.memory_space<vmem>>
      %dma_start3A_308 = tpu.memref_slice %arg2[%add3A_299] : memref<819200xi32, #tpu.memory_space<hbm>> -> memref<512xi32, #tpu.memory_space<hbm>>
      tpu.enqueue_dma source(%dma_start3A_308 : memref<512xi32, #tpu.memory_space<hbm>>) target(%dma_start3A_307 : memref<512xi32, #tpu.memory_space<vmem>>) target_semaphore(%arg9 : memref<!tpu.dma_semaphore, #tpu.memory_space<semaphore_mem>>)
      %dma_wait3A_309 = arith.constant 0 : i32
      %dma_wait3A_310 = arith.constant 0 : i32
      %dma_wait3A_311 = arith.constant 0 : i32
      %dma_wait3A_312 = tpu.memref_slice %arg7[%dma_wait3A_309, %dma_wait3A_310, %dma_wait3A_311] : memref<2x64x512xf32, #tpu.memory_space<vmem>> -> memref<1x64x512xf32, #tpu.memory_space<vmem>>
      %dma_wait3A_313 = tpu.memref_squeeze %dma_wait3A_312 : memref<1x64x512xf32, #tpu.memory_space<vmem>> -> memref<64x512xf32, #tpu.memory_space<vmem>>
      %dma_wait3A_314 = arith.constant 0 : i32
      %dma_wait3A_315 = tpu.memref_slice %arg4[%mul3A_32, %dma_wait3A_314, %mul3A_34] : memref<200x64x4096xf32, #tpu.memory_space<hbm>> -> memref<1x64x512xf32, #tpu.memory_space<hbm>>
      %dma_wait3A_316 = tpu.memref_squeeze %dma_wait3A_315 : memref<1x64x512xf32, #tpu.memory_space<hbm>> -> memref<64x512xf32, #tpu.memory_space<hbm>>
      %dma_wait3A_317 = arith.constant 0 : i32
      %dma_wait3A_318 = tpu.memref_slice %arg4[%mul3A_32, %dma_wait3A_317, %mul3A_34] : memref<200x64x4096xf32, #tpu.memory_space<hbm>> -> memref<1x64x512xf32, #tpu.memory_space<hbm>>
      %dma_wait3A_319 = tpu.memref_squeeze %dma_wait3A_318 : memref<1x64x512xf32, #tpu.memory_space<hbm>> -> memref<64x512xf32, #tpu.memory_space<hbm>>
      %dma_wait3A_320 = arith.constant 0 : i32
      %dma_wait3A_321 = arith.constant 0 : i32
      %dma_wait3A_322 = tpu.memref_slice %arg7[%dma_wait3A_309, %dma_wait3A_320, %dma_wait3A_321] : memref<2x64x512xf32, #tpu.memory_space<vmem>> -> memref<1x64x512xf32, #tpu.memory_space<vmem>>
      %dma_wait3A_323 = tpu.memref_squeeze %dma_wait3A_322 : memref<1x64x512xf32, #tpu.memory_space<vmem>> -> memref<64x512xf32, #tpu.memory_space<vmem>>
      tpu.wait_dma2 semaphore(%arg10 : memref<!tpu.dma_semaphore, #tpu.memory_space<semaphore_mem>>) src(%dma_wait3A_323 : memref<64x512xf32, #tpu.memory_space<vmem>>) dst(%dma_wait3A_319 : memref<64x512xf32, #tpu.memory_space<hbm>>)
      %scan3A_324 = arith.constant 0 : i32
      %scan3A_325 = arith.constant 0 : i32
      %scan3A_326 = arith.constant 32 : i32
      %scan3A_327 = arith.addi %scan3A_325, %scan3A_326 : i32
      %scan3A_328 = arith.constant 1 : i32
      scf.for %scan3A_409 = %scan3A_325 to %scan3A_327 step %scan3A_328  : i32 {
        %mul3A_410 = arith.constant 16 : i32
        %mul3A_411 = arith.muli %scan3A_409, %mul3A_410 : i32
        %get3A = arith.constant 0 : i32
        %get3A_412 = arith.index_cast %get3A : i32 to index
        %get3A_413 = arith.index_cast %mul3A_411 : i32 to index
        %get3A_414 = tpu.vector_load %arg6[%get3A_412, %get3A_413] {strides = array<i32>} : memref<2x512xi32, #tpu.memory_space<vmem>>, vector<16xi32>,
        %mul3A_415 = arith.constant 65 : i32
        %mul3A_416 = vector.broadcast %mul3A_415 : i32 to vector<16xi32>
        %mul3A_417 = arith.muli %get3A_414, %mul3A_416 : vector<16xi32>
        %add3A_418 = arith.constant 0 : i32
        %add3A_419 = vector.broadcast %add3A_418 : i32 to vector<16xi32>
        %add3A_420 = arith.addi %mul3A_417, %add3A_419 : vector<16xi32>
        %gather3A = tpu.vector_load_idx %arg5[%add3A_420] : memref<33280xf32, #tpu.memory_space<vmem>>[vector<16xi32>], vector<16xf32>,
        %add3A_421 = arith.constant 1 : i32
        %add3A_422 = vector.broadcast %add3A_421 : i32 to vector<16xi32>
        %add3A_423 = arith.addi %mul3A_417, %add3A_422 : vector<16xi32>
        %gather3A_424 = tpu.vector_load_idx %arg5[%add3A_423] : memref<33280xf32, #tpu.memory_space<vmem>>[vector<16xi32>], vector<16xf32>,
        %add3A_425 = arith.constant 2 : i32
        %add3A_426 = vector.broadcast %add3A_425 : i32 to vector<16xi32>
        %add3A_427 = arith.addi %mul3A_417, %add3A_426 : vector<16xi32>
        %gather3A_428 = tpu.vector_load_idx %arg5[%add3A_427] : memref<33280xf32, #tpu.memory_space<vmem>>[vector<16xi32>], vector<16xf32>,
        %add3A_429 = arith.constant 3 : i32
        %add3A_430 = vector.broadcast %add3A_429 : i32 to vector<16xi32>
        %add3A_431 = arith.addi %mul3A_417, %add3A_430 : vector<16xi32>
        %gather3A_432 = tpu.vector_load_idx %arg5[%add3A_431] : memref<33280xf32, #tpu.memory_space<vmem>>[vector<16xi32>], vector<16xf32>,
        %add3A_433 = arith.constant 4 : i32
        %add3A_434 = vector.broadcast %add3A_433 : i32 to vector<16xi32>
        %add3A_435 = arith.addi %mul3A_417, %add3A_434 : vector<16xi32>
        %gather3A_436 = tpu.vector_load_idx %arg5[%add3A_435] : memref<33280xf32, #tpu.memory_space<vmem>>[vector<16xi32>], vector<16xf32>,
        %add3A_437 = arith.constant 5 : i32
        %add3A_438 = vector.broadcast %add3A_437 : i32 to vector<16xi32>
        %add3A_439 = arith.addi %mul3A_417, %add3A_438 : vector<16xi32>
        %gather3A_440 = tpu.vector_load_idx %arg5[%add3A_439] : memref<33280xf32, #tpu.memory_space<vmem>>[vector<16xi32>], vector<16xf32>,
        %add3A_441 = arith.constant 6 : i32
        %add3A_442 = vector.broadcast %add3A_441 : i32 to vector<16xi32>
        %add3A_443 = arith.addi %mul3A_417, %add3A_442 : vector<16xi32>
        %gather3A_444 = tpu.vector_load_idx %arg5[%add3A_443] : memref<33280xf32, #tpu.memory_space<vmem>>[vector<16xi32>], vector<16xf32>,
        %add3A_445 = arith.constant 7 : i32
        %add3A_446 = vector.broadcast %add3A_445 : i32 to vector<16xi32>
        %add3A_447 = arith.addi %mul3A_417, %add3A_446 : vector<16xi32>
        %gather3A_448 = tpu.vector_load_idx %arg5[%add3A_447] : memref<33280xf32, #tpu.memory_space<vmem>>[vector<16xi32>], vector<16xf32>,
        %add3A_449 = arith.constant 8 : i32
        %add3A_450 = vector.broadcast %add3A_449 : i32 to vector<16xi32>
        %add3A_451 = arith.addi %mul3A_417, %add3A_450 : vector<16xi32>
        %gather3A_452 = tpu.vector_load_idx %arg5[%add3A_451] : memref<33280xf32, #tpu.memory_space<vmem>>[vector<16xi32>], vector<16xf32>,
        %mul3A_453 = arith.constant 16 : i32
        %mul3A_454 = arith.muli %scan3A_409, %mul3A_453 : i32
        %swap3A = arith.constant 0 : i32
        %swap3A_455 = arith.constant 0 : i32
        %swap3A_456 = arith.index_cast %swap3A : i32 to index
        %swap3A_457 = arith.index_cast %swap3A_455 : i32 to index
        %swap3A_458 = arith.index_cast %mul3A_454 : i32 to index
        %swap3A_459 = tpu.vector_load %arg7[%swap3A_456, %swap3A_457, %swap3A_458] {strides = array<i32>} : memref<2x64x512xf32, #tpu.memory_space<vmem>>, vector<16xf32>,
        tpu.vector_store %arg7[%swap3A_456, %swap3A_457, %swap3A_458], %gather3A {strides = array<i32>} : memref<2x64x512xf32, #tpu.memory_space<vmem>>, vector<16xf32>,
        %add3A_460 = arith.constant 9 : i32
        %add3A_461 = vector.broadcast %add3A_460 : i32 to vector<16xi32>
        %add3A_462 = arith.addi %mul3A_417, %add3A_461 : vector<16xi32>
        %gather3A_463 = tpu.vector_load_idx %arg5[%add3A_462] : memref<33280xf32, #tpu.memory_space<vmem>>[vector<16xi32>], vector<16xf32>,
        %mul3A_464 = arith.constant 16 : i32
        %mul3A_465 = arith.muli %scan3A_409, %mul3A_464 : i32
        %swap3A_466 = arith.constant 0 : i32
        %swap3A_467 = arith.constant 1 : i32
        %swap3A_468 = arith.index_cast %swap3A_466 : i32 to index
        %swap3A_469 = arith.index_cast %swap3A_467 : i32 to index
        %swap3A_470 = arith.index_cast %mul3A_465 : i32 to index
        %swap3A_471 = tpu.vector_load %arg7[%swap3A_468, %swap3A_469, %swap3A_470] {strides = array<i32>} : memref<2x64x512xf32, #tpu.memory_space<vmem>>, vector<16xf32>,
        tpu.vector_store %arg7[%swap3A_468, %swap3A_469, %swap3A_470], %gather3A_424 {strides = array<i32>} : memref<2x64x512xf32, #tpu.memory_space<vmem>>, vector<16xf32>,
        %add3A_472 = arith.constant 10 : i32
        %add3A_473 = vector.broadcast %add3A_472 : i32 to vector<16xi32>
        %add3A_474 = arith.addi %mul3A_417, %add3A_473 : vector<16xi32>
        %gather3A_475 = tpu.vector_load_idx %arg5[%add3A_474] : memref<33280xf32, #tpu.memory_space<vmem>>[vector<16xi32>], vector<16xf32>,
        %mul3A_476 = arith.constant 16 : i32
        %mul3A_477 = arith.muli %scan3A_409, %mul3A_476 : i32
        %swap3A_478 = arith.constant 0 : i32
        %swap3A_479 = arith.constant 2 : i32
        %swap3A_480 = arith.index_cast %swap3A_478 : i32 to index
        %swap3A_481 = arith.index_cast %swap3A_479 : i32 to index
        %swap3A_482 = arith.index_cast %mul3A_477 : i32 to index
        %swap3A_483 = tpu.vector_load %arg7[%swap3A_480, %swap3A_481, %swap3A_482] {strides = array<i32>} : memref<2x64x512xf32, #tpu.memory_space<vmem>>, vector<16xf32>,
        tpu.vector_store %arg7[%swap3A_480, %swap3A_481, %swap3A_482], %gather3A_428 {strides = array<i32>} : memref<2x64x512xf32, #tpu.memory_space<vmem>>, vector<16xf32>,
        %add3A_484 = arith.constant 11 : i32
        %add3A_485 = vector.broadcast %add3A_484 : i32 to vector<16xi32>
        %add3A_486 = arith.addi %mul3A_417, %add3A_485 : vector<16xi32>
        %gather3A_487 = tpu.vector_load_idx %arg5[%add3A_486] : memref<33280xf32, #tpu.memory_space<vmem>>[vector<16xi32>], vector<16xf32>,
        %mul3A_488 = arith.constant 16 : i32
        %mul3A_489 = arith.muli %scan3A_409, %mul3A_488 : i32
        %swap3A_490 = arith.constant 0 : i32
        %swap3A_491 = arith.constant 3 : i32
        %swap3A_492 = arith.index_cast %swap3A_490 : i32 to index
        %swap3A_493 = arith.index_cast %swap3A_491 : i32 to index
        %swap3A_494 = arith.index_cast %mul3A_489 : i32 to index
        %swap3A_495 = tpu.vector_load %arg7[%swap3A_492, %swap3A_493, %swap3A_494] {strides = array<i32>} : memref<2x64x512xf32, #tpu.memory_space<vmem>>, vector<16xf32>,
        tpu.vector_store %arg7[%swap3A_492, %swap3A_493, %swap3A_494], %gather3A_432 {strides = array<i32>} : memref<2x64x512xf32, #tpu.memory_space<vmem>>, vector<16xf32>,
        %add3A_496 = arith.constant 12 : i32
        %add3A_497 = vector.broadcast %add3A_496 : i32 to vector<16xi32>
        %add3A_498 = arith.addi %mul3A_417, %add3A_497 : vector<16xi32>
        %gather3A_499 = tpu.vector_load_idx %arg5[%add3A_498] : memref<33280xf32, #tpu.memory_space<vmem>>[vector<16xi32>], vector<16xf32>,
        %mul3A_500 = arith.constant 16 : i32
        %mul3A_501 = arith.muli %scan3A_409, %mul3A_500 : i32
        %swap3A_502 = arith.constant 0 : i32
        %swap3A_503 = arith.constant 4 : i32
        %swap3A_504 = arith.index_cast %swap3A_502 : i32 to index
        %swap3A_505 = arith.index_cast %swap3A_503 : i32 to index
        %swap3A_506 = arith.index_cast %mul3A_501 : i32 to index
        %swap3A_507 = tpu.vector_load %arg7[%swap3A_504, %swap3A_505, %swap3A_506] {strides = array<i32>} : memref<2x64x512xf32, #tpu.memory_space<vmem>>, vector<16xf32>,
        tpu.vector_store %arg7[%swap3A_504, %swap3A_505, %swap3A_506], %gather3A_436 {strides = array<i32>} : memref<2x64x512xf32, #tpu.memory_space<vmem>>, vector<16xf32>,
        %add3A_508 = arith.constant 13 : i32
        %add3A_509 = vector.broadcast %add3A_508 : i32 to vector<16xi32>
        %add3A_510 = arith.addi %mul3A_417, %add3A_509 : vector<16xi32>
        %gather3A_511 = tpu.vector_load_idx %arg5[%add3A_510] : memref<33280xf32, #tpu.memory_space<vmem>>[vector<16xi32>], vector<16xf32>,
        %mul3A_512 = arith.constant 16 : i32
        %mul3A_513 = arith.muli %scan3A_409, %mul3A_512 : i32
        %swap3A_514 = arith.constant 0 : i32
        %swap3A_515 = arith.constant 5 : i32
        %swap3A_516 = arith.index_cast %swap3A_514 : i32 to index
        %swap3A_517 = arith.index_cast %swap3A_515 : i32 to index
        %swap3A_518 = arith.index_cast %mul3A_513 : i32 to index
        %swap3A_519 = tpu.vector_load %arg7[%swap3A_516, %swap3A_517, %swap3A_518] {strides = array<i32>} : memref<2x64x512xf32, #tpu.memory_space<vmem>>, vector<16xf32>,
        tpu.vector_store %arg7[%swap3A_516, %swap3A_517, %swap3A_518], %gather3A_440 {strides = array<i32>} : memref<2x64x512xf32, #tpu.memory_space<vmem>>, vector<16xf32>,
        %add3A_520 = arith.constant 14 : i32
        %add3A_521 = vector.broadcast %add3A_520 : i32 to vector<16xi32>
        %add3A_522 = arith.addi %mul3A_417, %add3A_521 : vector<16xi32>
        %gather3A_523 = tpu.vector_load_idx %arg5[%add3A_522] : memref<33280xf32, #tpu.memory_space<vmem>>[vector<16xi32>], vector<16xf32>,
        %mul3A_524 = arith.constant 16 : i32
        %mul3A_525 = arith.muli %scan3A_409, %mul3A_524 : i32
        %swap3A_526 = arith.constant 0 : i32
        %swap3A_527 = arith.constant 6 : i32
        %swap3A_528 = arith.index_cast %swap3A_526 : i32 to index
        %swap3A_529 = arith.index_cast %swap3A_527 : i32 to index
        %swap3A_530 = arith.index_cast %mul3A_525 : i32 to index
        %swap3A_531 = tpu.vector_load %arg7[%swap3A_528, %swap3A_529, %swap3A_530] {strides = array<i32>} : memref<2x64x512xf32, #tpu.memory_space<vmem>>, vector<16xf32>,
        tpu.vector_store %arg7[%swap3A_528, %swap3A_529, %swap3A_530], %gather3A_444 {strides = array<i32>} : memref<2x64x512xf32, #tpu.memory_space<vmem>>, vector<16xf32>,
        %add3A_532 = arith.constant 15 : i32
        %add3A_533 = vector.broadcast %add3A_532 : i32 to vector<16xi32>
        %add3A_534 = arith.addi %mul3A_417, %add3A_533 : vector<16xi32>
        %gather3A_535 = tpu.vector_load_idx %arg5[%add3A_534] : memref<33280xf32, #tpu.memory_space<vmem>>[vector<16xi32>], vector<16xf32>,
        %mul3A_536 = arith.constant 16 : i32
        %mul3A_537 = arith.muli %scan3A_409, %mul3A_536 : i32
        %swap3A_538 = arith.constant 0 : i32
        %swap3A_539 = arith.constant 7 : i32
        %swap3A_540 = arith.index_cast %swap3A_538 : i32 to index
        %swap3A_541 = arith.index_cast %swap3A_539 : i32 to index
        %swap3A_542 = arith.index_cast %mul3A_537 : i32 to index
        %swap3A_543 = tpu.vector_load %arg7[%swap3A_540, %swap3A_541, %swap3A_542] {strides = array<i32>} : memref<2x64x512xf32, #tpu.memory_space<vmem>>, vector<16xf32>,
        tpu.vector_store %arg7[%swap3A_540, %swap3A_541, %swap3A_542], %gather3A_448 {strides = array<i32>} : memref<2x64x512xf32, #tpu.memory_space<vmem>>, vector<16xf32>,
        %add3A_544 = arith.constant 16 : i32
        %add3A_545 = vector.broadcast %add3A_544 : i32 to vector<16xi32>
        %add3A_546 = arith.addi %mul3A_417, %add3A_545 : vector<16xi32>
        %gather3A_547 = tpu.vector_load_idx %arg5[%add3A_546] : memref<33280xf32, #tpu.memory_space<vmem>>[vector<16xi32>], vector<16xf32>,
        %mul3A_548 = arith.constant 16 : i32
        %mul3A_549 = arith.muli %scan3A_409, %mul3A_548 : i32
        %swap3A_550 = arith.constant 0 : i32
        %swap3A_551 = arith.constant 8 : i32
        %swap3A_552 = arith.index_cast %swap3A_550 : i32 to index
        %swap3A_553 = arith.index_cast %swap3A_551 : i32 to index
        %swap3A_554 = arith.index_cast %mul3A_549 : i32 to index
        %swap3A_555 = tpu.vector_load %arg7[%swap3A_552, %swap3A_553, %swap3A_554] {strides = array<i32>} : memref<2x64x512xf32, #tpu.memory_space<vmem>>, vector<16xf32>,
        tpu.vector_store %arg7[%swap3A_552, %swap3A_553, %swap3A_554], %gather3A_452 {strides = array<i32>} : memref<2x64x512xf32, #tpu.memory_space<vmem>>, vector<16xf32>,
        %add3A_556 = arith.constant 17 : i32
        %add3A_557 = vector.broadcast %add3A_556 : i32 to vector<16xi32>
        %add3A_558 = arith.addi %mul3A_417, %add3A_557 : vector<16xi32>
        %gather3A_559 = tpu.vector_load_idx %arg5[%add3A_558] : memref<33280xf32, #tpu.memory_space<vmem>>[vector<16xi32>], vector<16xf32>,
        %mul3A_560 = arith.constant 16 : i32
        %mul3A_561 = arith.muli %scan3A_409, %mul3A_560 : i32
        %swap3A_562 = arith.constant 0 : i32
        %swap3A_563 = arith.constant 9 : i32
        %swap3A_564 = arith.index_cast %swap3A_562 : i32 to index
        %swap3A_565 = arith.index_cast %swap3A_563 : i32 to index
        %swap3A_566 = arith.index_cast %mul3A_561 : i32 to index
        %swap3A_567 = tpu.vector_load %arg7[%swap3A_564, %swap3A_565, %swap3A_566] {strides = array<i32>} : memref<2x64x512xf32, #tpu.memory_space<vmem>>, vector<16xf32>,
        tpu.vector_store %arg7[%swap3A_564, %swap3A_565, %swap3A_566], %gather3A_463 {strides = array<i32>} : memref<2x64x512xf32, #tpu.memory_space<vmem>>, vector<16xf32>,
        %add3A_568 = arith.constant 18 : i32
        %add3A_569 = vector.broadcast %add3A_568 : i32 to vector<16xi32>
        %add3A_570 = arith.addi %mul3A_417, %add3A_569 : vector<16xi32>
        %gather3A_571 = tpu.vector_load_idx %arg5[%add3A_570] : memref<33280xf32, #tpu.memory_space<vmem>>[vector<16xi32>], vector<16xf32>,
        %mul3A_572 = arith.constant 16 : i32
        %mul3A_573 = arith.muli %scan3A_409, %mul3A_572 : i32
        %swap3A_574 = arith.constant 0 : i32
        %swap3A_575 = arith.constant 10 : i32
        %swap3A_576 = arith.index_cast %swap3A_574 : i32 to index
        %swap3A_577 = arith.index_cast %swap3A_575 : i32 to index
        %swap3A_578 = arith.index_cast %mul3A_573 : i32 to index
        %swap3A_579 = tpu.vector_load %arg7[%swap3A_576, %swap3A_577, %swap3A_578] {strides = array<i32>} : memref<2x64x512xf32, #tpu.memory_space<vmem>>, vector<16xf32>,
        tpu.vector_store %arg7[%swap3A_576, %swap3A_577, %swap3A_578], %gather3A_475 {strides = array<i32>} : memref<2x64x512xf32, #tpu.memory_space<vmem>>, vector<16xf32>,
        %add3A_580 = arith.constant 19 : i32
        %add3A_581 = vector.broadcast %add3A_580 : i32 to vector<16xi32>
        %add3A_582 = arith.addi %mul3A_417, %add3A_581 : vector<16xi32>
        %gather3A_583 = tpu.vector_load_idx %arg5[%add3A_582] : memref<33280xf32, #tpu.memory_space<vmem>>[vector<16xi32>], vector<16xf32>,
        %mul3A_584 = arith.constant 16 : i32
        %mul3A_585 = arith.muli %scan3A_409, %mul3A_584 : i32
        %swap3A_586 = arith.constant 0 : i32
        %swap3A_587 = arith.constant 11 : i32
        %swap3A_588 = arith.index_cast %swap3A_586 : i32 to index
        %swap3A_589 = arith.index_cast %swap3A_587 : i32 to index
        %swap3A_590 = arith.index_cast %mul3A_585 : i32 to index
        %swap3A_591 = tpu.vector_load %arg7[%swap3A_588, %swap3A_589, %swap3A_590] {strides = array<i32>} : memref<2x64x512xf32, #tpu.memory_space<vmem>>, vector<16xf32>,
        tpu.vector_store %arg7[%swap3A_588, %swap3A_589, %swap3A_590], %gather3A_487 {strides = array<i32>} : memref<2x64x512xf32, #tpu.memory_space<vmem>>, vector<16xf32>,
        %add3A_592 = arith.constant 20 : i32
        %add3A_593 = vector.broadcast %add3A_592 : i32 to vector<16xi32>
        %add3A_594 = arith.addi %mul3A_417, %add3A_593 : vector<16xi32>
        %gather3A_595 = tpu.vector_load_idx %arg5[%add3A_594] : memref<33280xf32, #tpu.memory_space<vmem>>[vector<16xi32>], vector<16xf32>,
        %mul3A_596 = arith.constant 16 : i32
        %mul3A_597 = arith.muli %scan3A_409, %mul3A_596 : i32
        %swap3A_598 = arith.constant 0 : i32
        %swap3A_599 = arith.constant 12 : i32
        %swap3A_600 = arith.index_cast %swap3A_598 : i32 to index
        %swap3A_601 = arith.index_cast %swap3A_599 : i32 to index
        %swap3A_602 = arith.index_cast %mul3A_597 : i32 to index
        %swap3A_603 = tpu.vector_load %arg7[%swap3A_600, %swap3A_601, %swap3A_602] {strides = array<i32>} : memref<2x64x512xf32, #tpu.memory_space<vmem>>, vector<16xf32>,
        tpu.vector_store %arg7[%swap3A_600, %swap3A_601, %swap3A_602], %gather3A_499 {strides = array<i32>} : memref<2x64x512xf32, #tpu.memory_space<vmem>>, vector<16xf32>,
        %add3A_604 = arith.constant 21 : i32
        %add3A_605 = vector.broadcast %add3A_604 : i32 to vector<16xi32>
        %add3A_606 = arith.addi %mul3A_417, %add3A_605 : vector<16xi32>
        %gather3A_607 = tpu.vector_load_idx %arg5[%add3A_606] : memref<33280xf32, #tpu.memory_space<vmem>>[vector<16xi32>], vector<16xf32>,
        %mul3A_608 = arith.constant 16 : i32
        %mul3A_609 = arith.muli %scan3A_409, %mul3A_608 : i32
        %swap3A_610 = arith.constant 0 : i32
        %swap3A_611 = arith.constant 13 : i32
        %swap3A_612 = arith.index_cast %swap3A_610 : i32 to index
        %swap3A_613 = arith.index_cast %swap3A_611 : i32 to index
        %swap3A_614 = arith.index_cast %mul3A_609 : i32 to index
        %swap3A_615 = tpu.vector_load %arg7[%swap3A_612, %swap3A_613, %swap3A_614] {strides = array<i32>} : memref<2x64x512xf32, #tpu.memory_space<vmem>>, vector<16xf32>,
        tpu.vector_store %arg7[%swap3A_612, %swap3A_613, %swap3A_614], %gather3A_511 {strides = array<i32>} : memref<2x64x512xf32, #tpu.memory_space<vmem>>, vector<16xf32>,
        %add3A_616 = arith.constant 22 : i32
        %add3A_617 = vector.broadcast %add3A_616 : i32 to vector<16xi32>
        %add3A_618 = arith.addi %mul3A_417, %add3A_617 : vector<16xi32>
        %gather3A_619 = tpu.vector_load_idx %arg5[%add3A_618] : memref<33280xf32, #tpu.memory_space<vmem>>[vector<16xi32>], vector<16xf32>,
        %mul3A_620 = arith.constant 16 : i32
        %mul3A_621 = arith.muli %scan3A_409, %mul3A_620 : i32
        %swap3A_622 = arith.constant 0 : i32
        %swap3A_623 = arith.constant 14 : i32
        %swap3A_624 = arith.index_cast %swap3A_622 : i32 to index
        %swap3A_625 = arith.index_cast %swap3A_623 : i32 to index
        %swap3A_626 = arith.index_cast %mul3A_621 : i32 to index
        %swap3A_627 = tpu.vector_load %arg7[%swap3A_624, %swap3A_625, %swap3A_626] {strides = array<i32>} : memref<2x64x512xf32, #tpu.memory_space<vmem>>, vector<16xf32>,
        tpu.vector_store %arg7[%swap3A_624, %swap3A_625, %swap3A_626], %gather3A_523 {strides = array<i32>} : memref<2x64x512xf32, #tpu.memory_space<vmem>>, vector<16xf32>,
        %add3A_628 = arith.constant 23 : i32
        %add3A_629 = vector.broadcast %add3A_628 : i32 to vector<16xi32>
        %add3A_630 = arith.addi %mul3A_417, %add3A_629 : vector<16xi32>
        %gather3A_631 = tpu.vector_load_idx %arg5[%add3A_630] : memref<33280xf32, #tpu.memory_space<vmem>>[vector<16xi32>], vector<16xf32>,
        %mul3A_632 = arith.constant 16 : i32
        %mul3A_633 = arith.muli %scan3A_409, %mul3A_632 : i32
        %swap3A_634 = arith.constant 0 : i32
        %swap3A_635 = arith.constant 15 : i32
        %swap3A_636 = arith.index_cast %swap3A_634 : i32 to index
        %swap3A_637 = arith.index_cast %swap3A_635 : i32 to index
        %swap3A_638 = arith.index_cast %mul3A_633 : i32 to index
        %swap3A_639 = tpu.vector_load %arg7[%swap3A_636, %swap3A_637, %swap3A_638] {strides = array<i32>} : memref<2x64x512xf32, #tpu.memory_space<vmem>>, vector<16xf32>,
        tpu.vector_store %arg7[%swap3A_636, %swap3A_637, %swap3A_638], %gather3A_535 {strides = array<i32>} : memref<2x64x512xf32, #tpu.memory_space<vmem>>, vector<16xf32>,
        %add3A_640 = arith.constant 24 : i32
        %add3A_641 = vector.broadcast %add3A_640 : i32 to vector<16xi32>
        %add3A_642 = arith.addi %mul3A_417, %add3A_641 : vector<16xi32>
        %gather3A_643 = tpu.vector_load_idx %arg5[%add3A_642] : memref<33280xf32, #tpu.memory_space<vmem>>[vector<16xi32>], vector<16xf32>,
        %mul3A_644 = arith.constant 16 : i32
        %mul3A_645 = arith.muli %scan3A_409, %mul3A_644 : i32
        %swap3A_646 = arith.constant 0 : i32
        %swap3A_647 = arith.constant 16 : i32
        %swap3A_648 = arith.index_cast %swap3A_646 : i32 to index
        %swap3A_649 = arith.index_cast %swap3A_647 : i32 to index
        %swap3A_650 = arith.index_cast %mul3A_645 : i32 to index
        %swap3A_651 = tpu.vector_load %arg7[%swap3A_648, %swap3A_649, %swap3A_650] {strides = array<i32>} : memref<2x64x512xf32, #tpu.memory_space<vmem>>, vector<16xf32>,
        tpu.vector_store %arg7[%swap3A_648, %swap3A_649, %swap3A_650], %gather3A_547 {strides = array<i32>} : memref<2x64x512xf32, #tpu.memory_space<vmem>>, vector<16xf32>,
        %add3A_652 = arith.constant 25 : i32
        %add3A_653 = vector.broadcast %add3A_652 : i32 to vector<16xi32>
        %add3A_654 = arith.addi %mul3A_417, %add3A_653 : vector<16xi32>
        %gather3A_655 = tpu.vector_load_idx %arg5[%add3A_654] : memref<33280xf32, #tpu.memory_space<vmem>>[vector<16xi32>], vector<16xf32>,
        %mul3A_656 = arith.constant 16 : i32
        %mul3A_657 = arith.muli %scan3A_409, %mul3A_656 : i32
        %swap3A_658 = arith.constant 0 : i32
        %swap3A_659 = arith.constant 17 : i32
        %swap3A_660 = arith.index_cast %swap3A_658 : i32 to index
        %swap3A_661 = arith.index_cast %swap3A_659 : i32 to index
        %swap3A_662 = arith.index_cast %mul3A_657 : i32 to index
        %swap3A_663 = tpu.vector_load %arg7[%swap3A_660, %swap3A_661, %swap3A_662] {strides = array<i32>} : memref<2x64x512xf32, #tpu.memory_space<vmem>>, vector<16xf32>,
        tpu.vector_store %arg7[%swap3A_660, %swap3A_661, %swap3A_662], %gather3A_559 {strides = array<i32>} : memref<2x64x512xf32, #tpu.memory_space<vmem>>, vector<16xf32>,
        %add3A_664 = arith.constant 26 : i32
        %add3A_665 = vector.broadcast %add3A_664 : i32 to vector<16xi32>
        %add3A_666 = arith.addi %mul3A_417, %add3A_665 : vector<16xi32>
        %gather3A_667 = tpu.vector_load_idx %arg5[%add3A_666] : memref<33280xf32, #tpu.memory_space<vmem>>[vector<16xi32>], vector<16xf32>,
        %mul3A_668 = arith.constant 16 : i32
        %mul3A_669 = arith.muli %scan3A_409, %mul3A_668 : i32
        %swap3A_670 = arith.constant 0 : i32
        %swap3A_671 = arith.constant 18 : i32
        %swap3A_672 = arith.index_cast %swap3A_670 : i32 to index
        %swap3A_673 = arith.index_cast %swap3A_671 : i32 to index
        %swap3A_674 = arith.index_cast %mul3A_669 : i32 to index
        %swap3A_675 = tpu.vector_load %arg7[%swap3A_672, %swap3A_673, %swap3A_674] {strides = array<i32>} : memref<2x64x512xf32, #tpu.memory_space<vmem>>, vector<16xf32>,
        tpu.vector_store %arg7[%swap3A_672, %swap3A_673, %swap3A_674], %gather3A_571 {strides = array<i32>} : memref<2x64x512xf32, #tpu.memory_space<vmem>>, vector<16xf32>,
        %add3A_676 = arith.constant 27 : i32
        %add3A_677 = vector.broadcast %add3A_676 : i32 to vector<16xi32>
        %add3A_678 = arith.addi %mul3A_417, %add3A_677 : vector<16xi32>
        %gather3A_679 = tpu.vector_load_idx %arg5[%add3A_678] : memref<33280xf32, #tpu.memory_space<vmem>>[vector<16xi32>], vector<16xf32>,
        %mul3A_680 = arith.constant 16 : i32
        %mul3A_681 = arith.muli %scan3A_409, %mul3A_680 : i32
        %swap3A_682 = arith.constant 0 : i32
        %swap3A_683 = arith.constant 19 : i32
        %swap3A_684 = arith.index_cast %swap3A_682 : i32 to index
        %swap3A_685 = arith.index_cast %swap3A_683 : i32 to index
        %swap3A_686 = arith.index_cast %mul3A_681 : i32 to index
        %swap3A_687 = tpu.vector_load %arg7[%swap3A_684, %swap3A_685, %swap3A_686] {strides = array<i32>} : memref<2x64x512xf32, #tpu.memory_space<vmem>>, vector<16xf32>,
        tpu.vector_store %arg7[%swap3A_684, %swap3A_685, %swap3A_686], %gather3A_583 {strides = array<i32>} : memref<2x64x512xf32, #tpu.memory_space<vmem>>, vector<16xf32>,
        %add3A_688 = arith.constant 28 : i32
        %add3A_689 = vector.broadcast %add3A_688 : i32 to vector<16xi32>
        %add3A_690 = arith.addi %mul3A_417, %add3A_689 : vector<16xi32>
        %gather3A_691 = tpu.vector_load_idx %arg5[%add3A_690] : memref<33280xf32, #tpu.memory_space<vmem>>[vector<16xi32>], vector<16xf32>,
        %mul3A_692 = arith.constant 16 : i32
        %mul3A_693 = arith.muli %scan3A_409, %mul3A_692 : i32
        %swap3A_694 = arith.constant 0 : i32
        %swap3A_695 = arith.constant 20 : i32
        %swap3A_696 = arith.index_cast %swap3A_694 : i32 to index
        %swap3A_697 = arith.index_cast %swap3A_695 : i32 to index
        %swap3A_698 = arith.index_cast %mul3A_693 : i32 to index
        %swap3A_699 = tpu.vector_load %arg7[%swap3A_696, %swap3A_697, %swap3A_698] {strides = array<i32>} : memref<2x64x512xf32, #tpu.memory_space<vmem>>, vector<16xf32>,
        tpu.vector_store %arg7[%swap3A_696, %swap3A_697, %swap3A_698], %gather3A_595 {strides = array<i32>} : memref<2x64x512xf32, #tpu.memory_space<vmem>>, vector<16xf32>,
        %add3A_700 = arith.constant 29 : i32
        %add3A_701 = vector.broadcast %add3A_700 : i32 to vector<16xi32>
        %add3A_702 = arith.addi %mul3A_417, %add3A_701 : vector<16xi32>
        %gather3A_703 = tpu.vector_load_idx %arg5[%add3A_702] : memref<33280xf32, #tpu.memory_space<vmem>>[vector<16xi32>], vector<16xf32>,
        %mul3A_704 = arith.constant 16 : i32
        %mul3A_705 = arith.muli %scan3A_409, %mul3A_704 : i32
        %swap3A_706 = arith.constant 0 : i32
        %swap3A_707 = arith.constant 21 : i32
        %swap3A_708 = arith.index_cast %swap3A_706 : i32 to index
        %swap3A_709 = arith.index_cast %swap3A_707 : i32 to index
        %swap3A_710 = arith.index_cast %mul3A_705 : i32 to index
        %swap3A_711 = tpu.vector_load %arg7[%swap3A_708, %swap3A_709, %swap3A_710] {strides = array<i32>} : memref<2x64x512xf32, #tpu.memory_space<vmem>>, vector<16xf32>,
        tpu.vector_store %arg7[%swap3A_708, %swap3A_709, %swap3A_710], %gather3A_607 {strides = array<i32>} : memref<2x64x512xf32, #tpu.memory_space<vmem>>, vector<16xf32>,
        %add3A_712 = arith.constant 30 : i32
        %add3A_713 = vector.broadcast %add3A_712 : i32 to vector<16xi32>
        %add3A_714 = arith.addi %mul3A_417, %add3A_713 : vector<16xi32>
        %gather3A_715 = tpu.vector_load_idx %arg5[%add3A_714] : memref<33280xf32, #tpu.memory_space<vmem>>[vector<16xi32>], vector<16xf32>,
        %mul3A_716 = arith.constant 16 : i32
        %mul3A_717 = arith.muli %scan3A_409, %mul3A_716 : i32
        %swap3A_718 = arith.constant 0 : i32
        %swap3A_719 = arith.constant 22 : i32
        %swap3A_720 = arith.index_cast %swap3A_718 : i32 to index
        %swap3A_721 = arith.index_cast %swap3A_719 : i32 to index
        %swap3A_722 = arith.index_cast %mul3A_717 : i32 to index
        %swap3A_723 = tpu.vector_load %arg7[%swap3A_720, %swap3A_721, %swap3A_722] {strides = array<i32>} : memref<2x64x512xf32, #tpu.memory_space<vmem>>, vector<16xf32>,
        tpu.vector_store %arg7[%swap3A_720, %swap3A_721, %swap3A_722], %gather3A_619 {strides = array<i32>} : memref<2x64x512xf32, #tpu.memory_space<vmem>>, vector<16xf32>,
        %add3A_724 = arith.constant 31 : i32
        %add3A_725 = vector.broadcast %add3A_724 : i32 to vector<16xi32>
        %add3A_726 = arith.addi %mul3A_417, %add3A_725 : vector<16xi32>
        %gather3A_727 = tpu.vector_load_idx %arg5[%add3A_726] : memref<33280xf32, #tpu.memory_space<vmem>>[vector<16xi32>], vector<16xf32>,
        %mul3A_728 = arith.constant 16 : i32
        %mul3A_729 = arith.muli %scan3A_409, %mul3A_728 : i32
        %swap3A_730 = arith.constant 0 : i32
        %swap3A_731 = arith.constant 23 : i32
        %swap3A_732 = arith.index_cast %swap3A_730 : i32 to index
        %swap3A_733 = arith.index_cast %swap3A_731 : i32 to index
        %swap3A_734 = arith.index_cast %mul3A_729 : i32 to index
        %swap3A_735 = tpu.vector_load %arg7[%swap3A_732, %swap3A_733, %swap3A_734] {strides = array<i32>} : memref<2x64x512xf32, #tpu.memory_space<vmem>>, vector<16xf32>,
        tpu.vector_store %arg7[%swap3A_732, %swap3A_733, %swap3A_734], %gather3A_631 {strides = array<i32>} : memref<2x64x512xf32, #tpu.memory_space<vmem>>, vector<16xf32>,
        %add3A_736 = arith.constant 32 : i32
        %add3A_737 = vector.broadcast %add3A_736 : i32 to vector<16xi32>
        %add3A_738 = arith.addi %mul3A_417, %add3A_737 : vector<16xi32>
        %gather3A_739 = tpu.vector_load_idx %arg5[%add3A_738] : memref<33280xf32, #tpu.memory_space<vmem>>[vector<16xi32>], vector<16xf32>,
        %mul3A_740 = arith.constant 16 : i32
        %mul3A_741 = arith.muli %scan3A_409, %mul3A_740 : i32
        %swap3A_742 = arith.constant 0 : i32
        %swap3A_743 = arith.constant 24 : i32
        %swap3A_744 = arith.index_cast %swap3A_742 : i32 to index
        %swap3A_745 = arith.index_cast %swap3A_743 : i32 to index
        %swap3A_746 = arith.index_cast %mul3A_741 : i32 to index
        %swap3A_747 = tpu.vector_load %arg7[%swap3A_744, %swap3A_745, %swap3A_746] {strides = array<i32>} : memref<2x64x512xf32, #tpu.memory_space<vmem>>, vector<16xf32>,
        tpu.vector_store %arg7[%swap3A_744, %swap3A_745, %swap3A_746], %gather3A_643 {strides = array<i32>} : memref<2x64x512xf32, #tpu.memory_space<vmem>>, vector<16xf32>,
        %add3A_748 = arith.constant 33 : i32
        %add3A_749 = vector.broadcast %add3A_748 : i32 to vector<16xi32>
        %add3A_750 = arith.addi %mul3A_417, %add3A_749 : vector<16xi32>
        %gather3A_751 = tpu.vector_load_idx %arg5[%add3A_750] : memref<33280xf32, #tpu.memory_space<vmem>>[vector<16xi32>], vector<16xf32>,
        %mul3A_752 = arith.constant 16 : i32
        %mul3A_753 = arith.muli %scan3A_409, %mul3A_752 : i32
        %swap3A_754 = arith.constant 0 : i32
        %swap3A_755 = arith.constant 25 : i32
        %swap3A_756 = arith.index_cast %swap3A_754 : i32 to index
        %swap3A_757 = arith.index_cast %swap3A_755 : i32 to index
        %swap3A_758 = arith.index_cast %mul3A_753 : i32 to index
        %swap3A_759 = tpu.vector_load %arg7[%swap3A_756, %swap3A_757, %swap3A_758] {strides = array<i32>} : memref<2x64x512xf32, #tpu.memory_space<vmem>>, vector<16xf32>,
        tpu.vector_store %arg7[%swap3A_756, %swap3A_757, %swap3A_758], %gather3A_655 {strides = array<i32>} : memref<2x64x512xf32, #tpu.memory_space<vmem>>, vector<16xf32>,
        %add3A_760 = arith.constant 34 : i32
        %add3A_761 = vector.broadcast %add3A_760 : i32 to vector<16xi32>
        %add3A_762 = arith.addi %mul3A_417, %add3A_761 : vector<16xi32>
        %gather3A_763 = tpu.vector_load_idx %arg5[%add3A_762] : memref<33280xf32, #tpu.memory_space<vmem>>[vector<16xi32>], vector<16xf32>,
        %mul3A_764 = arith.constant 16 : i32
        %mul3A_765 = arith.muli %scan3A_409, %mul3A_764 : i32
        %swap3A_766 = arith.constant 0 : i32
        %swap3A_767 = arith.constant 26 : i32
        %swap3A_768 = arith.index_cast %swap3A_766 : i32 to index
        %swap3A_769 = arith.index_cast %swap3A_767 : i32 to index
        %swap3A_770 = arith.index_cast %mul3A_765 : i32 to index
        %swap3A_771 = tpu.vector_load %arg7[%swap3A_768, %swap3A_769, %swap3A_770] {strides = array<i32>} : memref<2x64x512xf32, #tpu.memory_space<vmem>>, vector<16xf32>,
        tpu.vector_store %arg7[%swap3A_768, %swap3A_769, %swap3A_770], %gather3A_667 {strides = array<i32>} : memref<2x64x512xf32, #tpu.memory_space<vmem>>, vector<16xf32>,
        %add3A_772 = arith.constant 35 : i32
        %add3A_773 = vector.broadcast %add3A_772 : i32 to vector<16xi32>
        %add3A_774 = arith.addi %mul3A_417, %add3A_773 : vector<16xi32>
        %gather3A_775 = tpu.vector_load_idx %arg5[%add3A_774] : memref<33280xf32, #tpu.memory_space<vmem>>[vector<16xi32>], vector<16xf32>,
        %mul3A_776 = arith.constant 16 : i32
        %mul3A_777 = arith.muli %scan3A_409, %mul3A_776 : i32
        %swap3A_778 = arith.constant 0 : i32
        %swap3A_779 = arith.constant 27 : i32
        %swap3A_780 = arith.index_cast %swap3A_778 : i32 to index
        %swap3A_781 = arith.index_cast %swap3A_779 : i32 to index
        %swap3A_782 = arith.index_cast %mul3A_777 : i32 to index
        %swap3A_783 = tpu.vector_load %arg7[%swap3A_780, %swap3A_781, %swap3A_782] {strides = array<i32>} : memref<2x64x512xf32, #tpu.memory_space<vmem>>, vector<16xf32>,
        tpu.vector_store %arg7[%swap3A_780, %swap3A_781, %swap3A_782], %gather3A_679 {strides = array<i32>} : memref<2x64x512xf32, #tpu.memory_space<vmem>>, vector<16xf32>,
        %add3A_784 = arith.constant 36 : i32
        %add3A_785 = vector.broadcast %add3A_784 : i32 to vector<16xi32>
        %add3A_786 = arith.addi %mul3A_417, %add3A_785 : vector<16xi32>
        %gather3A_787 = tpu.vector_load_idx %arg5[%add3A_786] : memref<33280xf32, #tpu.memory_space<vmem>>[vector<16xi32>], vector<16xf32>,
        %mul3A_788 = arith.constant 16 : i32
        %mul3A_789 = arith.muli %scan3A_409, %mul3A_788 : i32
        %swap3A_790 = arith.constant 0 : i32
        %swap3A_791 = arith.constant 28 : i32
        %swap3A_792 = arith.index_cast %swap3A_790 : i32 to index
        %swap3A_793 = arith.index_cast %swap3A_791 : i32 to index
        %swap3A_794 = arith.index_cast %mul3A_789 : i32 to index
        %swap3A_795 = tpu.vector_load %arg7[%swap3A_792, %swap3A_793, %swap3A_794] {strides = array<i32>} : memref<2x64x512xf32, #tpu.memory_space<vmem>>, vector<16xf32>,
        tpu.vector_store %arg7[%swap3A_792, %swap3A_793, %swap3A_794], %gather3A_691 {strides = array<i32>} : memref<2x64x512xf32, #tpu.memory_space<vmem>>, vector<16xf32>,
        %add3A_796 = arith.constant 37 : i32
        %add3A_797 = vector.broadcast %add3A_796 : i32 to vector<16xi32>
        %add3A_798 = arith.addi %mul3A_417, %add3A_797 : vector<16xi32>
        %gather3A_799 = tpu.vector_load_idx %arg5[%add3A_798] : memref<33280xf32, #tpu.memory_space<vmem>>[vector<16xi32>], vector<16xf32>,
        %mul3A_800 = arith.constant 16 : i32
        %mul3A_801 = arith.muli %scan3A_409, %mul3A_800 : i32
        %swap3A_802 = arith.constant 0 : i32
        %swap3A_803 = arith.constant 29 : i32
        %swap3A_804 = arith.index_cast %swap3A_802 : i32 to index
        %swap3A_805 = arith.index_cast %swap3A_803 : i32 to index
        %swap3A_806 = arith.index_cast %mul3A_801 : i32 to index
        %swap3A_807 = tpu.vector_load %arg7[%swap3A_804, %swap3A_805, %swap3A_806] {strides = array<i32>} : memref<2x64x512xf32, #tpu.memory_space<vmem>>, vector<16xf32>,
        tpu.vector_store %arg7[%swap3A_804, %swap3A_805, %swap3A_806], %gather3A_703 {strides = array<i32>} : memref<2x64x512xf32, #tpu.memory_space<vmem>>, vector<16xf32>,
        %add3A_808 = arith.constant 38 : i32
        %add3A_809 = vector.broadcast %add3A_808 : i32 to vector<16xi32>
        %add3A_810 = arith.addi %mul3A_417, %add3A_809 : vector<16xi32>
        %gather3A_811 = tpu.vector_load_idx %arg5[%add3A_810] : memref<33280xf32, #tpu.memory_space<vmem>>[vector<16xi32>], vector<16xf32>,
        %mul3A_812 = arith.constant 16 : i32
        %mul3A_813 = arith.muli %scan3A_409, %mul3A_812 : i32
        %swap3A_814 = arith.constant 0 : i32
        %swap3A_815 = arith.constant 30 : i32
        %swap3A_816 = arith.index_cast %swap3A_814 : i32 to index
        %swap3A_817 = arith.index_cast %swap3A_815 : i32 to index
        %swap3A_818 = arith.index_cast %mul3A_813 : i32 to index
        %swap3A_819 = tpu.vector_load %arg7[%swap3A_816, %swap3A_817, %swap3A_818] {strides = array<i32>} : memref<2x64x512xf32, #tpu.memory_space<vmem>>, vector<16xf32>,
        tpu.vector_store %arg7[%swap3A_816, %swap3A_817, %swap3A_818], %gather3A_715 {strides = array<i32>} : memref<2x64x512xf32, #tpu.memory_space<vmem>>, vector<16xf32>,
        %add3A_820 = arith.constant 39 : i32
        %add3A_821 = vector.broadcast %add3A_820 : i32 to vector<16xi32>
        %add3A_822 = arith.addi %mul3A_417, %add3A_821 : vector<16xi32>
        %gather3A_823 = tpu.vector_load_idx %arg5[%add3A_822] : memref<33280xf32, #tpu.memory_space<vmem>>[vector<16xi32>], vector<16xf32>,
        %mul3A_824 = arith.constant 16 : i32
        %mul3A_825 = arith.muli %scan3A_409, %mul3A_824 : i32
        %swap3A_826 = arith.constant 0 : i32
        %swap3A_827 = arith.constant 31 : i32
        %swap3A_828 = arith.index_cast %swap3A_826 : i32 to index
        %swap3A_829 = arith.index_cast %swap3A_827 : i32 to index
        %swap3A_830 = arith.index_cast %mul3A_825 : i32 to index
        %swap3A_831 = tpu.vector_load %arg7[%swap3A_828, %swap3A_829, %swap3A_830] {strides = array<i32>} : memref<2x64x512xf32, #tpu.memory_space<vmem>>, vector<16xf32>,
        tpu.vector_store %arg7[%swap3A_828, %swap3A_829, %swap3A_830], %gather3A_727 {strides = array<i32>} : memref<2x64x512xf32, #tpu.memory_space<vmem>>, vector<16xf32>,
        %add3A_832 = arith.constant 40 : i32
        %add3A_833 = vector.broadcast %add3A_832 : i32 to vector<16xi32>
        %add3A_834 = arith.addi %mul3A_417, %add3A_833 : vector<16xi32>
        %gather3A_835 = tpu.vector_load_idx %arg5[%add3A_834] : memref<33280xf32, #tpu.memory_space<vmem>>[vector<16xi32>], vector<16xf32>,
        %mul3A_836 = arith.constant 16 : i32
        %mul3A_837 = arith.muli %scan3A_409, %mul3A_836 : i32
        %swap3A_838 = arith.constant 0 : i32
        %swap3A_839 = arith.constant 32 : i32
        %swap3A_840 = arith.index_cast %swap3A_838 : i32 to index
        %swap3A_841 = arith.index_cast %swap3A_839 : i32 to index
        %swap3A_842 = arith.index_cast %mul3A_837 : i32 to index
        %swap3A_843 = tpu.vector_load %arg7[%swap3A_840, %swap3A_841, %swap3A_842] {strides = array<i32>} : memref<2x64x512xf32, #tpu.memory_space<vmem>>, vector<16xf32>,
        tpu.vector_store %arg7[%swap3A_840, %swap3A_841, %swap3A_842], %gather3A_739 {strides = array<i32>} : memref<2x64x512xf32, #tpu.memory_space<vmem>>, vector<16xf32>,
        %add3A_844 = arith.constant 41 : i32
        %add3A_845 = vector.broadcast %add3A_844 : i32 to vector<16xi32>
        %add3A_846 = arith.addi %mul3A_417, %add3A_845 : vector<16xi32>
        %gather3A_847 = tpu.vector_load_idx %arg5[%add3A_846] : memref<33280xf32, #tpu.memory_space<vmem>>[vector<16xi32>], vector<16xf32>,
        %mul3A_848 = arith.constant 16 : i32
        %mul3A_849 = arith.muli %scan3A_409, %mul3A_848 : i32
        %swap3A_850 = arith.constant 0 : i32
        %swap3A_851 = arith.constant 33 : i32
        %swap3A_852 = arith.index_cast %swap3A_850 : i32 to index
        %swap3A_853 = arith.index_cast %swap3A_851 : i32 to index
        %swap3A_854 = arith.index_cast %mul3A_849 : i32 to index
        %swap3A_855 = tpu.vector_load %arg7[%swap3A_852, %swap3A_853, %swap3A_854] {strides = array<i32>} : memref<2x64x512xf32, #tpu.memory_space<vmem>>, vector<16xf32>,
        tpu.vector_store %arg7[%swap3A_852, %swap3A_853, %swap3A_854], %gather3A_751 {strides = array<i32>} : memref<2x64x512xf32, #tpu.memory_space<vmem>>, vector<16xf32>,
        %add3A_856 = arith.constant 42 : i32
        %add3A_857 = vector.broadcast %add3A_856 : i32 to vector<16xi32>
        %add3A_858 = arith.addi %mul3A_417, %add3A_857 : vector<16xi32>
        %gather3A_859 = tpu.vector_load_idx %arg5[%add3A_858] : memref<33280xf32, #tpu.memory_space<vmem>>[vector<16xi32>], vector<16xf32>,
        %mul3A_860 = arith.constant 16 : i32
        %mul3A_861 = arith.muli %scan3A_409, %mul3A_860 : i32
        %swap3A_862 = arith.constant 0 : i32
        %swap3A_863 = arith.constant 34 : i32
        %swap3A_864 = arith.index_cast %swap3A_862 : i32 to index
        %swap3A_865 = arith.index_cast %swap3A_863 : i32 to index
        %swap3A_866 = arith.index_cast %mul3A_861 : i32 to index
        %swap3A_867 = tpu.vector_load %arg7[%swap3A_864, %swap3A_865, %swap3A_866] {strides = array<i32>} : memref<2x64x512xf32, #tpu.memory_space<vmem>>, vector<16xf32>,
        tpu.vector_store %arg7[%swap3A_864, %swap3A_865, %swap3A_866], %gather3A_763 {strides = array<i32>} : memref<2x64x512xf32, #tpu.memory_space<vmem>>, vector<16xf32>,
        %add3A_868 = arith.constant 43 : i32
        %add3A_869 = vector.broadcast %add3A_868 : i32 to vector<16xi32>
        %add3A_870 = arith.addi %mul3A_417, %add3A_869 : vector<16xi32>
        %gather3A_871 = tpu.vector_load_idx %arg5[%add3A_870] : memref<33280xf32, #tpu.memory_space<vmem>>[vector<16xi32>], vector<16xf32>,
        %mul3A_872 = arith.constant 16 : i32
        %mul3A_873 = arith.muli %scan3A_409, %mul3A_872 : i32
        %swap3A_874 = arith.constant 0 : i32
        %swap3A_875 = arith.constant 35 : i32
        %swap3A_876 = arith.index_cast %swap3A_874 : i32 to index
        %swap3A_877 = arith.index_cast %swap3A_875 : i32 to index
        %swap3A_878 = arith.index_cast %mul3A_873 : i32 to index
        %swap3A_879 = tpu.vector_load %arg7[%swap3A_876, %swap3A_877, %swap3A_878] {strides = array<i32>} : memref<2x64x512xf32, #tpu.memory_space<vmem>>, vector<16xf32>,
        tpu.vector_store %arg7[%swap3A_876, %swap3A_877, %swap3A_878], %gather3A_775 {strides = array<i32>} : memref<2x64x512xf32, #tpu.memory_space<vmem>>, vector<16xf32>,
        %add3A_880 = arith.constant 44 : i32
        %add3A_881 = vector.broadcast %add3A_880 : i32 to vector<16xi32>
        %add3A_882 = arith.addi %mul3A_417, %add3A_881 : vector<16xi32>
        %gather3A_883 = tpu.vector_load_idx %arg5[%add3A_882] : memref<33280xf32, #tpu.memory_space<vmem>>[vector<16xi32>], vector<16xf32>,
        %mul3A_884 = arith.constant 16 : i32
        %mul3A_885 = arith.muli %scan3A_409, %mul3A_884 : i32
        %swap3A_886 = arith.constant 0 : i32
        %swap3A_887 = arith.constant 36 : i32
        %swap3A_888 = arith.index_cast %swap3A_886 : i32 to index
        %swap3A_889 = arith.index_cast %swap3A_887 : i32 to index
        %swap3A_890 = arith.index_cast %mul3A_885 : i32 to index
        %swap3A_891 = tpu.vector_load %arg7[%swap3A_888, %swap3A_889, %swap3A_890] {strides = array<i32>} : memref<2x64x512xf32, #tpu.memory_space<vmem>>, vector<16xf32>,
        tpu.vector_store %arg7[%swap3A_888, %swap3A_889, %swap3A_890], %gather3A_787 {strides = array<i32>} : memref<2x64x512xf32, #tpu.memory_space<vmem>>, vector<16xf32>,
        %add3A_892 = arith.constant 45 : i32
        %add3A_893 = vector.broadcast %add3A_892 : i32 to vector<16xi32>
        %add3A_894 = arith.addi %mul3A_417, %add3A_893 : vector<16xi32>
        %gather3A_895 = tpu.vector_load_idx %arg5[%add3A_894] : memref<33280xf32, #tpu.memory_space<vmem>>[vector<16xi32>], vector<16xf32>,
        %mul3A_896 = arith.constant 16 : i32
        %mul3A_897 = arith.muli %scan3A_409, %mul3A_896 : i32
        %swap3A_898 = arith.constant 0 : i32
        %swap3A_899 = arith.constant 37 : i32
        %swap3A_900 = arith.index_cast %swap3A_898 : i32 to index
        %swap3A_901 = arith.index_cast %swap3A_899 : i32 to index
        %swap3A_902 = arith.index_cast %mul3A_897 : i32 to index
        %swap3A_903 = tpu.vector_load %arg7[%swap3A_900, %swap3A_901, %swap3A_902] {strides = array<i32>} : memref<2x64x512xf32, #tpu.memory_space<vmem>>, vector<16xf32>,
        tpu.vector_store %arg7[%swap3A_900, %swap3A_901, %swap3A_902], %gather3A_799 {strides = array<i32>} : memref<2x64x512xf32, #tpu.memory_space<vmem>>, vector<16xf32>,
        %add3A_904 = arith.constant 46 : i32
        %add3A_905 = vector.broadcast %add3A_904 : i32 to vector<16xi32>
        %add3A_906 = arith.addi %mul3A_417, %add3A_905 : vector<16xi32>
        %gather3A_907 = tpu.vector_load_idx %arg5[%add3A_906] : memref<33280xf32, #tpu.memory_space<vmem>>[vector<16xi32>], vector<16xf32>,
        %mul3A_908 = arith.constant 16 : i32
        %mul3A_909 = arith.muli %scan3A_409, %mul3A_908 : i32
        %swap3A_910 = arith.constant 0 : i32
        %swap3A_911 = arith.constant 38 : i32
        %swap3A_912 = arith.index_cast %swap3A_910 : i32 to index
        %swap3A_913 = arith.index_cast %swap3A_911 : i32 to index
        %swap3A_914 = arith.index_cast %mul3A_909 : i32 to index
        %swap3A_915 = tpu.vector_load %arg7[%swap3A_912, %swap3A_913, %swap3A_914] {strides = array<i32>} : memref<2x64x512xf32, #tpu.memory_space<vmem>>, vector<16xf32>,
        tpu.vector_store %arg7[%swap3A_912, %swap3A_913, %swap3A_914], %gather3A_811 {strides = array<i32>} : memref<2x64x512xf32, #tpu.memory_space<vmem>>, vector<16xf32>,
        %add3A_916 = arith.constant 47 : i32
        %add3A_917 = vector.broadcast %add3A_916 : i32 to vector<16xi32>
        %add3A_918 = arith.addi %mul3A_417, %add3A_917 : vector<16xi32>
        %gather3A_919 = tpu.vector_load_idx %arg5[%add3A_918] : memref<33280xf32, #tpu.memory_space<vmem>>[vector<16xi32>], vector<16xf32>,
        %mul3A_920 = arith.constant 16 : i32
        %mul3A_921 = arith.muli %scan3A_409, %mul3A_920 : i32
        %swap3A_922 = arith.constant 0 : i32
        %swap3A_923 = arith.constant 39 : i32
        %swap3A_924 = arith.index_cast %swap3A_922 : i32 to index
        %swap3A_925 = arith.index_cast %swap3A_923 : i32 to index
        %swap3A_926 = arith.index_cast %mul3A_921 : i32 to index
        %swap3A_927 = tpu.vector_load %arg7[%swap3A_924, %swap3A_925, %swap3A_926] {strides = array<i32>} : memref<2x64x512xf32, #tpu.memory_space<vmem>>, vector<16xf32>,
        tpu.vector_store %arg7[%swap3A_924, %swap3A_925, %swap3A_926], %gather3A_823 {strides = array<i32>} : memref<2x64x512xf32, #tpu.memory_space<vmem>>, vector<16xf32>,
        %add3A_928 = arith.constant 48 : i32
        %add3A_929 = vector.broadcast %add3A_928 : i32 to vector<16xi32>
        %add3A_930 = arith.addi %mul3A_417, %add3A_929 : vector<16xi32>
        %gather3A_931 = tpu.vector_load_idx %arg5[%add3A_930] : memref<33280xf32, #tpu.memory_space<vmem>>[vector<16xi32>], vector<16xf32>,
        %mul3A_932 = arith.constant 16 : i32
        %mul3A_933 = arith.muli %scan3A_409, %mul3A_932 : i32
        %swap3A_934 = arith.constant 0 : i32
        %swap3A_935 = arith.constant 40 : i32
        %swap3A_936 = arith.index_cast %swap3A_934 : i32 to index
        %swap3A_937 = arith.index_cast %swap3A_935 : i32 to index
        %swap3A_938 = arith.index_cast %mul3A_933 : i32 to index
        %swap3A_939 = tpu.vector_load %arg7[%swap3A_936, %swap3A_937, %swap3A_938] {strides = array<i32>} : memref<2x64x512xf32, #tpu.memory_space<vmem>>, vector<16xf32>,
        tpu.vector_store %arg7[%swap3A_936, %swap3A_937, %swap3A_938], %gather3A_835 {strides = array<i32>} : memref<2x64x512xf32, #tpu.memory_space<vmem>>, vector<16xf32>,
        %add3A_940 = arith.constant 49 : i32
        %add3A_941 = vector.broadcast %add3A_940 : i32 to vector<16xi32>
        %add3A_942 = arith.addi %mul3A_417, %add3A_941 : vector<16xi32>
        %gather3A_943 = tpu.vector_load_idx %arg5[%add3A_942] : memref<33280xf32, #tpu.memory_space<vmem>>[vector<16xi32>], vector<16xf32>,
        %mul3A_944 = arith.constant 16 : i32
        %mul3A_945 = arith.muli %scan3A_409, %mul3A_944 : i32
        %swap3A_946 = arith.constant 0 : i32
        %swap3A_947 = arith.constant 41 : i32
        %swap3A_948 = arith.index_cast %swap3A_946 : i32 to index
        %swap3A_949 = arith.index_cast %swap3A_947 : i32 to index
        %swap3A_950 = arith.index_cast %mul3A_945 : i32 to index
        %swap3A_951 = tpu.vector_load %arg7[%swap3A_948, %swap3A_949, %swap3A_950] {strides = array<i32>} : memref<2x64x512xf32, #tpu.memory_space<vmem>>, vector<16xf32>,
        tpu.vector_store %arg7[%swap3A_948, %swap3A_949, %swap3A_950], %gather3A_847 {strides = array<i32>} : memref<2x64x512xf32, #tpu.memory_space<vmem>>, vector<16xf32>,
        %add3A_952 = arith.constant 50 : i32
        %add3A_953 = vector.broadcast %add3A_952 : i32 to vector<16xi32>
        %add3A_954 = arith.addi %mul3A_417, %add3A_953 : vector<16xi32>
        %gather3A_955 = tpu.vector_load_idx %arg5[%add3A_954] : memref<33280xf32, #tpu.memory_space<vmem>>[vector<16xi32>], vector<16xf32>,
        %mul3A_956 = arith.constant 16 : i32
        %mul3A_957 = arith.muli %scan3A_409, %mul3A_956 : i32
        %swap3A_958 = arith.constant 0 : i32
        %swap3A_959 = arith.constant 42 : i32
        %swap3A_960 = arith.index_cast %swap3A_958 : i32 to index
        %swap3A_961 = arith.index_cast %swap3A_959 : i32 to index
        %swap3A_962 = arith.index_cast %mul3A_957 : i32 to index
        %swap3A_963 = tpu.vector_load %arg7[%swap3A_960, %swap3A_961, %swap3A_962] {strides = array<i32>} : memref<2x64x512xf32, #tpu.memory_space<vmem>>, vector<16xf32>,
        tpu.vector_store %arg7[%swap3A_960, %swap3A_961, %swap3A_962], %gather3A_859 {strides = array<i32>} : memref<2x64x512xf32, #tpu.memory_space<vmem>>, vector<16xf32>,
        %add3A_964 = arith.constant 51 : i32
        %add3A_965 = vector.broadcast %add3A_964 : i32 to vector<16xi32>
        %add3A_966 = arith.addi %mul3A_417, %add3A_965 : vector<16xi32>
        %gather3A_967 = tpu.vector_load_idx %arg5[%add3A_966] : memref<33280xf32, #tpu.memory_space<vmem>>[vector<16xi32>], vector<16xf32>,
        %mul3A_968 = arith.constant 16 : i32
        %mul3A_969 = arith.muli %scan3A_409, %mul3A_968 : i32
        %swap3A_970 = arith.constant 0 : i32
        %swap3A_971 = arith.constant 43 : i32
        %swap3A_972 = arith.index_cast %swap3A_970 : i32 to index
        %swap3A_973 = arith.index_cast %swap3A_971 : i32 to index
        %swap3A_974 = arith.index_cast %mul3A_969 : i32 to index
        %swap3A_975 = tpu.vector_load %arg7[%swap3A_972, %swap3A_973, %swap3A_974] {strides = array<i32>} : memref<2x64x512xf32, #tpu.memory_space<vmem>>, vector<16xf32>,
        tpu.vector_store %arg7[%swap3A_972, %swap3A_973, %swap3A_974], %gather3A_871 {strides = array<i32>} : memref<2x64x512xf32, #tpu.memory_space<vmem>>, vector<16xf32>,
        %add3A_976 = arith.constant 52 : i32
        %add3A_977 = vector.broadcast %add3A_976 : i32 to vector<16xi32>
        %add3A_978 = arith.addi %mul3A_417, %add3A_977 : vector<16xi32>
        %gather3A_979 = tpu.vector_load_idx %arg5[%add3A_978] : memref<33280xf32, #tpu.memory_space<vmem>>[vector<16xi32>], vector<16xf32>,
        %mul3A_980 = arith.constant 16 : i32
        %mul3A_981 = arith.muli %scan3A_409, %mul3A_980 : i32
        %swap3A_982 = arith.constant 0 : i32
        %swap3A_983 = arith.constant 44 : i32
        %swap3A_984 = arith.index_cast %swap3A_982 : i32 to index
        %swap3A_985 = arith.index_cast %swap3A_983 : i32 to index
        %swap3A_986 = arith.index_cast %mul3A_981 : i32 to index
        %swap3A_987 = tpu.vector_load %arg7[%swap3A_984, %swap3A_985, %swap3A_986] {strides = array<i32>} : memref<2x64x512xf32, #tpu.memory_space<vmem>>, vector<16xf32>,
        tpu.vector_store %arg7[%swap3A_984, %swap3A_985, %swap3A_986], %gather3A_883 {strides = array<i32>} : memref<2x64x512xf32, #tpu.memory_space<vmem>>, vector<16xf32>,
        %add3A_988 = arith.constant 53 : i32
        %add3A_989 = vector.broadcast %add3A_988 : i32 to vector<16xi32>
        %add3A_990 = arith.addi %mul3A_417, %add3A_989 : vector<16xi32>
        %gather3A_991 = tpu.vector_load_idx %arg5[%add3A_990] : memref<33280xf32, #tpu.memory_space<vmem>>[vector<16xi32>], vector<16xf32>,
        %mul3A_992 = arith.constant 16 : i32
        %mul3A_993 = arith.muli %scan3A_409, %mul3A_992 : i32
        %swap3A_994 = arith.constant 0 : i32
        %swap3A_995 = arith.constant 45 : i32
        %swap3A_996 = arith.index_cast %swap3A_994 : i32 to index
        %swap3A_997 = arith.index_cast %swap3A_995 : i32 to index
        %swap3A_998 = arith.index_cast %mul3A_993 : i32 to index
        %swap3A_999 = tpu.vector_load %arg7[%swap3A_996, %swap3A_997, %swap3A_998] {strides = array<i32>} : memref<2x64x512xf32, #tpu.memory_space<vmem>>, vector<16xf32>,
        tpu.vector_store %arg7[%swap3A_996, %swap3A_997, %swap3A_998], %gather3A_895 {strides = array<i32>} : memref<2x64x512xf32, #tpu.memory_space<vmem>>, vector<16xf32>,
        %add3A_1000 = arith.constant 54 : i32
        %add3A_1001 = vector.broadcast %add3A_1000 : i32 to vector<16xi32>
        %add3A_1002 = arith.addi %mul3A_417, %add3A_1001 : vector<16xi32>
        %gather3A_1003 = tpu.vector_load_idx %arg5[%add3A_1002] : memref<33280xf32, #tpu.memory_space<vmem>>[vector<16xi32>], vector<16xf32>,
        %mul3A_1004 = arith.constant 16 : i32
        %mul3A_1005 = arith.muli %scan3A_409, %mul3A_1004 : i32
        %swap3A_1006 = arith.constant 0 : i32
        %swap3A_1007 = arith.constant 46 : i32
        %swap3A_1008 = arith.index_cast %swap3A_1006 : i32 to index
        %swap3A_1009 = arith.index_cast %swap3A_1007 : i32 to index
        %swap3A_1010 = arith.index_cast %mul3A_1005 : i32 to index
        %swap3A_1011 = tpu.vector_load %arg7[%swap3A_1008, %swap3A_1009, %swap3A_1010] {strides = array<i32>} : memref<2x64x512xf32, #tpu.memory_space<vmem>>, vector<16xf32>,
        tpu.vector_store %arg7[%swap3A_1008, %swap3A_1009, %swap3A_1010], %gather3A_907 {strides = array<i32>} : memref<2x64x512xf32, #tpu.memory_space<vmem>>, vector<16xf32>,
        %add3A_1012 = arith.constant 55 : i32
        %add3A_1013 = vector.broadcast %add3A_1012 : i32 to vector<16xi32>
        %add3A_1014 = arith.addi %mul3A_417, %add3A_1013 : vector<16xi32>
        %gather3A_1015 = tpu.vector_load_idx %arg5[%add3A_1014] : memref<33280xf32, #tpu.memory_space<vmem>>[vector<16xi32>], vector<16xf32>,
        %mul3A_1016 = arith.constant 16 : i32
        %mul3A_1017 = arith.muli %scan3A_409, %mul3A_1016 : i32
        %swap3A_1018 = arith.constant 0 : i32
        %swap3A_1019 = arith.constant 47 : i32
        %swap3A_1020 = arith.index_cast %swap3A_1018 : i32 to index
        %swap3A_1021 = arith.index_cast %swap3A_1019 : i32 to index
        %swap3A_1022 = arith.index_cast %mul3A_1017 : i32 to index
        %swap3A_1023 = tpu.vector_load %arg7[%swap3A_1020, %swap3A_1021, %swap3A_1022] {strides = array<i32>} : memref<2x64x512xf32, #tpu.memory_space<vmem>>, vector<16xf32>,
        tpu.vector_store %arg7[%swap3A_1020, %swap3A_1021, %swap3A_1022], %gather3A_919 {strides = array<i32>} : memref<2x64x512xf32, #tpu.memory_space<vmem>>, vector<16xf32>,
        %add3A_1024 = arith.constant 56 : i32
        %add3A_1025 = vector.broadcast %add3A_1024 : i32 to vector<16xi32>
        %add3A_1026 = arith.addi %mul3A_417, %add3A_1025 : vector<16xi32>
        %gather3A_1027 = tpu.vector_load_idx %arg5[%add3A_1026] : memref<33280xf32, #tpu.memory_space<vmem>>[vector<16xi32>], vector<16xf32>,
        %mul3A_1028 = arith.constant 16 : i32
        %mul3A_1029 = arith.muli %scan3A_409, %mul3A_1028 : i32
        %swap3A_1030 = arith.constant 0 : i32
        %swap3A_1031 = arith.constant 48 : i32
        %swap3A_1032 = arith.index_cast %swap3A_1030 : i32 to index
        %swap3A_1033 = arith.index_cast %swap3A_1031 : i32 to index
        %swap3A_1034 = arith.index_cast %mul3A_1029 : i32 to index
        %swap3A_1035 = tpu.vector_load %arg7[%swap3A_1032, %swap3A_1033, %swap3A_1034] {strides = array<i32>} : memref<2x64x512xf32, #tpu.memory_space<vmem>>, vector<16xf32>,
        tpu.vector_store %arg7[%swap3A_1032, %swap3A_1033, %swap3A_1034], %gather3A_931 {strides = array<i32>} : memref<2x64x512xf32, #tpu.memory_space<vmem>>, vector<16xf32>,
        %add3A_1036 = arith.constant 57 : i32
        %add3A_1037 = vector.broadcast %add3A_1036 : i32 to vector<16xi32>
        %add3A_1038 = arith.addi %mul3A_417, %add3A_1037 : vector<16xi32>
        %gather3A_1039 = tpu.vector_load_idx %arg5[%add3A_1038] : memref<33280xf32, #tpu.memory_space<vmem>>[vector<16xi32>], vector<16xf32>,
        %mul3A_1040 = arith.constant 16 : i32
        %mul3A_1041 = arith.muli %scan3A_409, %mul3A_1040 : i32
        %swap3A_1042 = arith.constant 0 : i32
        %swap3A_1043 = arith.constant 49 : i32
        %swap3A_1044 = arith.index_cast %swap3A_1042 : i32 to index
        %swap3A_1045 = arith.index_cast %swap3A_1043 : i32 to index
        %swap3A_1046 = arith.index_cast %mul3A_1041 : i32 to index
        %swap3A_1047 = tpu.vector_load %arg7[%swap3A_1044, %swap3A_1045, %swap3A_1046] {strides = array<i32>} : memref<2x64x512xf32, #tpu.memory_space<vmem>>, vector<16xf32>,
        tpu.vector_store %arg7[%swap3A_1044, %swap3A_1045, %swap3A_1046], %gather3A_943 {strides = array<i32>} : memref<2x64x512xf32, #tpu.memory_space<vmem>>, vector<16xf32>,
        %add3A_1048 = arith.constant 58 : i32
        %add3A_1049 = vector.broadcast %add3A_1048 : i32 to vector<16xi32>
        %add3A_1050 = arith.addi %mul3A_417, %add3A_1049 : vector<16xi32>
        %gather3A_1051 = tpu.vector_load_idx %arg5[%add3A_1050] : memref<33280xf32, #tpu.memory_space<vmem>>[vector<16xi32>], vector<16xf32>,
        %mul3A_1052 = arith.constant 16 : i32
        %mul3A_1053 = arith.muli %scan3A_409, %mul3A_1052 : i32
        %swap3A_1054 = arith.constant 0 : i32
        %swap3A_1055 = arith.constant 50 : i32
        %swap3A_1056 = arith.index_cast %swap3A_1054 : i32 to index
        %swap3A_1057 = arith.index_cast %swap3A_1055 : i32 to index
        %swap3A_1058 = arith.index_cast %mul3A_1053 : i32 to index
        %swap3A_1059 = tpu.vector_load %arg7[%swap3A_1056, %swap3A_1057, %swap3A_1058] {strides = array<i32>} : memref<2x64x512xf32, #tpu.memory_space<vmem>>, vector<16xf32>,
        tpu.vector_store %arg7[%swap3A_1056, %swap3A_1057, %swap3A_1058], %gather3A_955 {strides = array<i32>} : memref<2x64x512xf32, #tpu.memory_space<vmem>>, vector<16xf32>,
        %add3A_1060 = arith.constant 59 : i32
        %add3A_1061 = vector.broadcast %add3A_1060 : i32 to vector<16xi32>
        %add3A_1062 = arith.addi %mul3A_417, %add3A_1061 : vector<16xi32>
        %gather3A_1063 = tpu.vector_load_idx %arg5[%add3A_1062] : memref<33280xf32, #tpu.memory_space<vmem>>[vector<16xi32>], vector<16xf32>,
        %mul3A_1064 = arith.constant 16 : i32
        %mul3A_1065 = arith.muli %scan3A_409, %mul3A_1064 : i32
        %swap3A_1066 = arith.constant 0 : i32
        %swap3A_1067 = arith.constant 51 : i32
        %swap3A_1068 = arith.index_cast %swap3A_1066 : i32 to index
        %swap3A_1069 = arith.index_cast %swap3A_1067 : i32 to index
        %swap3A_1070 = arith.index_cast %mul3A_1065 : i32 to index
        %swap3A_1071 = tpu.vector_load %arg7[%swap3A_1068, %swap3A_1069, %swap3A_1070] {strides = array<i32>} : memref<2x64x512xf32, #tpu.memory_space<vmem>>, vector<16xf32>,
        tpu.vector_store %arg7[%swap3A_1068, %swap3A_1069, %swap3A_1070], %gather3A_967 {strides = array<i32>} : memref<2x64x512xf32, #tpu.memory_space<vmem>>, vector<16xf32>,
        %add3A_1072 = arith.constant 60 : i32
        %add3A_1073 = vector.broadcast %add3A_1072 : i32 to vector<16xi32>
        %add3A_1074 = arith.addi %mul3A_417, %add3A_1073 : vector<16xi32>
        %gather3A_1075 = tpu.vector_load_idx %arg5[%add3A_1074] : memref<33280xf32, #tpu.memory_space<vmem>>[vector<16xi32>], vector<16xf32>,
        %mul3A_1076 = arith.constant 16 : i32
        %mul3A_1077 = arith.muli %scan3A_409, %mul3A_1076 : i32
        %swap3A_1078 = arith.constant 0 : i32
        %swap3A_1079 = arith.constant 52 : i32
        %swap3A_1080 = arith.index_cast %swap3A_1078 : i32 to index
        %swap3A_1081 = arith.index_cast %swap3A_1079 : i32 to index
        %swap3A_1082 = arith.index_cast %mul3A_1077 : i32 to index
        %swap3A_1083 = tpu.vector_load %arg7[%swap3A_1080, %swap3A_1081, %swap3A_1082] {strides = array<i32>} : memref<2x64x512xf32, #tpu.memory_space<vmem>>, vector<16xf32>,
        tpu.vector_store %arg7[%swap3A_1080, %swap3A_1081, %swap3A_1082], %gather3A_979 {strides = array<i32>} : memref<2x64x512xf32, #tpu.memory_space<vmem>>, vector<16xf32>,
        %add3A_1084 = arith.constant 61 : i32
        %add3A_1085 = vector.broadcast %add3A_1084 : i32 to vector<16xi32>
        %add3A_1086 = arith.addi %mul3A_417, %add3A_1085 : vector<16xi32>
        %gather3A_1087 = tpu.vector_load_idx %arg5[%add3A_1086] : memref<33280xf32, #tpu.memory_space<vmem>>[vector<16xi32>], vector<16xf32>,
        %mul3A_1088 = arith.constant 16 : i32
        %mul3A_1089 = arith.muli %scan3A_409, %mul3A_1088 : i32
        %swap3A_1090 = arith.constant 0 : i32
        %swap3A_1091 = arith.constant 53 : i32
        %swap3A_1092 = arith.index_cast %swap3A_1090 : i32 to index
        %swap3A_1093 = arith.index_cast %swap3A_1091 : i32 to index
        %swap3A_1094 = arith.index_cast %mul3A_1089 : i32 to index
        %swap3A_1095 = tpu.vector_load %arg7[%swap3A_1092, %swap3A_1093, %swap3A_1094] {strides = array<i32>} : memref<2x64x512xf32, #tpu.memory_space<vmem>>, vector<16xf32>,
        tpu.vector_store %arg7[%swap3A_1092, %swap3A_1093, %swap3A_1094], %gather3A_991 {strides = array<i32>} : memref<2x64x512xf32, #tpu.memory_space<vmem>>, vector<16xf32>,
        %add3A_1096 = arith.constant 62 : i32
        %add3A_1097 = vector.broadcast %add3A_1096 : i32 to vector<16xi32>
        %add3A_1098 = arith.addi %mul3A_417, %add3A_1097 : vector<16xi32>
        %gather3A_1099 = tpu.vector_load_idx %arg5[%add3A_1098] : memref<33280xf32, #tpu.memory_space<vmem>>[vector<16xi32>], vector<16xf32>,
        %mul3A_1100 = arith.constant 16 : i32
        %mul3A_1101 = arith.muli %scan3A_409, %mul3A_1100 : i32
        %swap3A_1102 = arith.constant 0 : i32
        %swap3A_1103 = arith.constant 54 : i32
        %swap3A_1104 = arith.index_cast %swap3A_1102 : i32 to index
        %swap3A_1105 = arith.index_cast %swap3A_1103 : i32 to index
        %swap3A_1106 = arith.index_cast %mul3A_1101 : i32 to index
        %swap3A_1107 = tpu.vector_load %arg7[%swap3A_1104, %swap3A_1105, %swap3A_1106] {strides = array<i32>} : memref<2x64x512xf32, #tpu.memory_space<vmem>>, vector<16xf32>,
        tpu.vector_store %arg7[%swap3A_1104, %swap3A_1105, %swap3A_1106], %gather3A_1003 {strides = array<i32>} : memref<2x64x512xf32, #tpu.memory_space<vmem>>, vector<16xf32>,
        %add3A_1108 = arith.constant 63 : i32
        %add3A_1109 = vector.broadcast %add3A_1108 : i32 to vector<16xi32>
        %add3A_1110 = arith.addi %mul3A_417, %add3A_1109 : vector<16xi32>
        %gather3A_1111 = tpu.vector_load_idx %arg5[%add3A_1110] : memref<33280xf32, #tpu.memory_space<vmem>>[vector<16xi32>], vector<16xf32>,
        %mul3A_1112 = arith.constant 16 : i32
        %mul3A_1113 = arith.muli %scan3A_409, %mul3A_1112 : i32
        %swap3A_1114 = arith.constant 0 : i32
        %swap3A_1115 = arith.constant 55 : i32
        %swap3A_1116 = arith.index_cast %swap3A_1114 : i32 to index
        %swap3A_1117 = arith.index_cast %swap3A_1115 : i32 to index
        %swap3A_1118 = arith.index_cast %mul3A_1113 : i32 to index
        %swap3A_1119 = tpu.vector_load %arg7[%swap3A_1116, %swap3A_1117, %swap3A_1118] {strides = array<i32>} : memref<2x64x512xf32, #tpu.memory_space<vmem>>, vector<16xf32>,
        tpu.vector_store %arg7[%swap3A_1116, %swap3A_1117, %swap3A_1118], %gather3A_1015 {strides = array<i32>} : memref<2x64x512xf32, #tpu.memory_space<vmem>>, vector<16xf32>,
        %mul3A_1120 = arith.constant 16 : i32
        %mul3A_1121 = arith.muli %scan3A_409, %mul3A_1120 : i32
        %swap3A_1122 = arith.constant 0 : i32
        %swap3A_1123 = arith.constant 56 : i32
        %swap3A_1124 = arith.index_cast %swap3A_1122 : i32 to index
        %swap3A_1125 = arith.index_cast %swap3A_1123 : i32 to index
        %swap3A_1126 = arith.index_cast %mul3A_1121 : i32 to index
        %swap3A_1127 = tpu.vector_load %arg7[%swap3A_1124, %swap3A_1125, %swap3A_1126] {strides = array<i32>} : memref<2x64x512xf32, #tpu.memory_space<vmem>>, vector<16xf32>,
        tpu.vector_store %arg7[%swap3A_1124, %swap3A_1125, %swap3A_1126], %gather3A_1027 {strides = array<i32>} : memref<2x64x512xf32, #tpu.memory_space<vmem>>, vector<16xf32>,
        %mul3A_1128 = arith.constant 16 : i32
        %mul3A_1129 = arith.muli %scan3A_409, %mul3A_1128 : i32
        %swap3A_1130 = arith.constant 0 : i32
        %swap3A_1131 = arith.constant 57 : i32
        %swap3A_1132 = arith.index_cast %swap3A_1130 : i32 to index
        %swap3A_1133 = arith.index_cast %swap3A_1131 : i32 to index
        %swap3A_1134 = arith.index_cast %mul3A_1129 : i32 to index
        %swap3A_1135 = tpu.vector_load %arg7[%swap3A_1132, %swap3A_1133, %swap3A_1134] {strides = array<i32>} : memref<2x64x512xf32, #tpu.memory_space<vmem>>, vector<16xf32>,
        tpu.vector_store %arg7[%swap3A_1132, %swap3A_1133, %swap3A_1134], %gather3A_1039 {strides = array<i32>} : memref<2x64x512xf32, #tpu.memory_space<vmem>>, vector<16xf32>,
        %mul3A_1136 = arith.constant 16 : i32
        %mul3A_1137 = arith.muli %scan3A_409, %mul3A_1136 : i32
        %swap3A_1138 = arith.constant 0 : i32
        %swap3A_1139 = arith.constant 58 : i32
        %swap3A_1140 = arith.index_cast %swap3A_1138 : i32 to index
        %swap3A_1141 = arith.index_cast %swap3A_1139 : i32 to index
        %swap3A_1142 = arith.index_cast %mul3A_1137 : i32 to index
        %swap3A_1143 = tpu.vector_load %arg7[%swap3A_1140, %swap3A_1141, %swap3A_1142] {strides = array<i32>} : memref<2x64x512xf32, #tpu.memory_space<vmem>>, vector<16xf32>,
        tpu.vector_store %arg7[%swap3A_1140, %swap3A_1141, %swap3A_1142], %gather3A_1051 {strides = array<i32>} : memref<2x64x512xf32, #tpu.memory_space<vmem>>, vector<16xf32>,
        %mul3A_1144 = arith.constant 16 : i32
        %mul3A_1145 = arith.muli %scan3A_409, %mul3A_1144 : i32
        %swap3A_1146 = arith.constant 0 : i32
        %swap3A_1147 = arith.constant 59 : i32
        %swap3A_1148 = arith.index_cast %swap3A_1146 : i32 to index
        %swap3A_1149 = arith.index_cast %swap3A_1147 : i32 to index
        %swap3A_1150 = arith.index_cast %mul3A_1145 : i32 to index
        %swap3A_1151 = tpu.vector_load %arg7[%swap3A_1148, %swap3A_1149, %swap3A_1150] {strides = array<i32>} : memref<2x64x512xf32, #tpu.memory_space<vmem>>, vector<16xf32>,
        tpu.vector_store %arg7[%swap3A_1148, %swap3A_1149, %swap3A_1150], %gather3A_1063 {strides = array<i32>} : memref<2x64x512xf32, #tpu.memory_space<vmem>>, vector<16xf32>,
        %mul3A_1152 = arith.constant 16 : i32
        %mul3A_1153 = arith.muli %scan3A_409, %mul3A_1152 : i32
        %swap3A_1154 = arith.constant 0 : i32
        %swap3A_1155 = arith.constant 60 : i32
        %swap3A_1156 = arith.index_cast %swap3A_1154 : i32 to index
        %swap3A_1157 = arith.index_cast %swap3A_1155 : i32 to index
        %swap3A_1158 = arith.index_cast %mul3A_1153 : i32 to index
        %swap3A_1159 = tpu.vector_load %arg7[%swap3A_1156, %swap3A_1157, %swap3A_1158] {strides = array<i32>} : memref<2x64x512xf32, #tpu.memory_space<vmem>>, vector<16xf32>,
        tpu.vector_store %arg7[%swap3A_1156, %swap3A_1157, %swap3A_1158], %gather3A_1075 {strides = array<i32>} : memref<2x64x512xf32, #tpu.memory_space<vmem>>, vector<16xf32>,
        %mul3A_1160 = arith.constant 16 : i32
        %mul3A_1161 = arith.muli %scan3A_409, %mul3A_1160 : i32
        %swap3A_1162 = arith.constant 0 : i32
        %swap3A_1163 = arith.constant 61 : i32
        %swap3A_1164 = arith.index_cast %swap3A_1162 : i32 to index
        %swap3A_1165 = arith.index_cast %swap3A_1163 : i32 to index
        %swap3A_1166 = arith.index_cast %mul3A_1161 : i32 to index
        %swap3A_1167 = tpu.vector_load %arg7[%swap3A_1164, %swap3A_1165, %swap3A_1166] {strides = array<i32>} : memref<2x64x512xf32, #tpu.memory_space<vmem>>, vector<16xf32>,
        tpu.vector_store %arg7[%swap3A_1164, %swap3A_1165, %swap3A_1166], %gather3A_1087 {strides = array<i32>} : memref<2x64x512xf32, #tpu.memory_space<vmem>>, vector<16xf32>,
        %mul3A_1168 = arith.constant 16 : i32
        %mul3A_1169 = arith.muli %scan3A_409, %mul3A_1168 : i32
        %swap3A_1170 = arith.constant 0 : i32
        %swap3A_1171 = arith.constant 62 : i32
        %swap3A_1172 = arith.index_cast %swap3A_1170 : i32 to index
        %swap3A_1173 = arith.index_cast %swap3A_1171 : i32 to index
        %swap3A_1174 = arith.index_cast %mul3A_1169 : i32 to index
        %swap3A_1175 = tpu.vector_load %arg7[%swap3A_1172, %swap3A_1173, %swap3A_1174] {strides = array<i32>} : memref<2x64x512xf32, #tpu.memory_space<vmem>>, vector<16xf32>,
        tpu.vector_store %arg7[%swap3A_1172, %swap3A_1173, %swap3A_1174], %gather3A_1099 {strides = array<i32>} : memref<2x64x512xf32, #tpu.memory_space<vmem>>, vector<16xf32>,
        %mul3A_1176 = arith.constant 16 : i32
        %mul3A_1177 = arith.muli %scan3A_409, %mul3A_1176 : i32
        %swap3A_1178 = arith.constant 0 : i32
        %swap3A_1179 = arith.constant 63 : i32
        %swap3A_1180 = arith.index_cast %swap3A_1178 : i32 to index
        %swap3A_1181 = arith.index_cast %swap3A_1179 : i32 to index
        %swap3A_1182 = arith.index_cast %mul3A_1177 : i32 to index
        %swap3A_1183 = tpu.vector_load %arg7[%swap3A_1180, %swap3A_1181, %swap3A_1182] {strides = array<i32>} : memref<2x64x512xf32, #tpu.memory_space<vmem>>, vector<16xf32>,
        tpu.vector_store %arg7[%swap3A_1180, %swap3A_1181, %swap3A_1182], %gather3A_1111 {strides = array<i32>} : memref<2x64x512xf32, #tpu.memory_space<vmem>>, vector<16xf32>,
      }
      %scan3A_329 = arith.constant 32 : i32
      %add3A_330 = arith.addi %mul3A_32, %mul3A_284 : i32
      %dma_start3A_331 = arith.constant 0 : i32
      %dma_start3A_332 = arith.constant 0 : i32
      %dma_start3A_333 = arith.constant 0 : i32
      %dma_start3A_334 = tpu.memref_slice %arg7[%dma_start3A_331, %dma_start3A_332, %dma_start3A_333] : memref<2x64x512xf32, #tpu.memory_space<vmem>> -> memref<1x64x512xf32, #tpu.memory_space<vmem>>
      %dma_start3A_335 = tpu.memref_squeeze %dma_start3A_334 : memref<1x64x512xf32, #tpu.memory_space<vmem>> -> memref<64x512xf32, #tpu.memory_space<vmem>>
      %dma_start3A_336 = arith.constant 0 : i32
      %dma_start3A_337 = tpu.memref_slice %arg4[%add3A_330, %dma_start3A_336, %mul3A_34] : memref<200x64x4096xf32, #tpu.memory_space<hbm>> -> memref<1x64x512xf32, #tpu.memory_space<hbm>>
      %dma_start3A_338 = tpu.memref_squeeze %dma_start3A_337 : memref<1x64x512xf32, #tpu.memory_space<hbm>> -> memref<64x512xf32, #tpu.memory_space<hbm>>
      %dma_start3A_339 = arith.constant 0 : i32
      %dma_start3A_340 = tpu.memref_slice %arg4[%add3A_330, %dma_start3A_339, %mul3A_34] : memref<200x64x4096xf32, #tpu.memory_space<hbm>> -> memref<1x64x512xf32, #tpu.memory_space<hbm>>
      %dma_start3A_341 = tpu.memref_squeeze %dma_start3A_340 : memref<1x64x512xf32, #tpu.memory_space<hbm>> -> memref<64x512xf32, #tpu.memory_space<hbm>>
      %dma_start3A_342 = arith.constant 0 : i32
      %dma_start3A_343 = arith.constant 0 : i32
      %dma_start3A_344 = tpu.memref_slice %arg7[%dma_start3A_331, %dma_start3A_342, %dma_start3A_343] : memref<2x64x512xf32, #tpu.memory_space<vmem>> -> memref<1x64x512xf32, #tpu.memory_space<vmem>>
      %dma_start3A_345 = tpu.memref_squeeze %dma_start3A_344 : memref<1x64x512xf32, #tpu.memory_space<vmem>> -> memref<64x512xf32, #tpu.memory_space<vmem>>
      tpu.enqueue_dma source(%dma_start3A_345 : memref<64x512xf32, #tpu.memory_space<vmem>>) target(%dma_start3A_341 : memref<64x512xf32, #tpu.memory_space<hbm>>) target_semaphore(%arg10 : memref<!tpu.dma_semaphore, #tpu.memory_space<semaphore_mem>>)
      %add3A_346 = arith.constant 1 : i32
      %add3A_347 = arith.addi %mul3A_284, %add3A_346 : i32
      %dma_wait3A_348 = arith.constant 1 : i32
      %dma_wait3A_349 = arith.constant 0 : i32
      %dma_wait3A_350 = tpu.memref_slice %arg6[%dma_wait3A_348, %dma_wait3A_349] : memref<2x512xi32, #tpu.memory_space<vmem>> -> memref<1x512xi32, #tpu.memory_space<vmem>>
      %dma_wait3A_351 = tpu.memref_squeeze %dma_wait3A_350 : memref<1x512xi32, #tpu.memory_space<vmem>> -> memref<512xi32, #tpu.memory_space<vmem>>
      %dma_wait3A_352 = tpu.memref_slice %arg2[%mul3A_34] : memref<819200xi32, #tpu.memory_space<hbm>> -> memref<512xi32, #tpu.memory_space<hbm>>
      %dma_wait3A_353 = arith.constant 0 : i32
      %dma_wait3A_354 = tpu.memref_slice %arg6[%dma_wait3A_348, %dma_wait3A_353] : memref<2x512xi32, #tpu.memory_space<vmem>> -> memref<1x512xi32, #tpu.memory_space<vmem>>
      %dma_wait3A_355 = tpu.memref_squeeze %dma_wait3A_354 : memref<1x512xi32, #tpu.memory_space<vmem>> -> memref<512xi32, #tpu.memory_space<vmem>>
      %dma_wait3A_356 = tpu.memref_slice %arg2[%mul3A_34] : memref<819200xi32, #tpu.memory_space<hbm>> -> memref<512xi32, #tpu.memory_space<hbm>>
      tpu.wait_dma2 semaphore(%arg9 : memref<!tpu.dma_semaphore, #tpu.memory_space<semaphore_mem>>) src(%dma_wait3A_356 : memref<512xi32, #tpu.memory_space<hbm>>) dst(%dma_wait3A_355 : memref<512xi32, #tpu.memory_space<vmem>>)
      %add3A_357 = arith.constant 1 : i32
      %add3A_358 = arith.addi %add3A_347, %add3A_357 : i32
      %add3A_359 = arith.addi %mul3A_32, %add3A_358 : i32
      %mul3A_360 = arith.constant 4096 : i32
      %mul3A_361 = arith.muli %add3A_359, %mul3A_360 : i32
      %add3A_362 = arith.addi %mul3A_361, %mul3A_34 : i32
      %dma_start3A_363 = arith.constant 0 : i32
      %dma_start3A_364 = arith.constant 0 : i32
      %dma_start3A_365 = tpu.memref_slice %arg6[%dma_start3A_363, %dma_start3A_364] : memref<2x512xi32, #tpu.memory_space<vmem>> -> memref<1x512xi32, #tpu.memory_space<vmem>>
      %dma_start3A_366 = tpu.memref_squeeze %dma_start3A_365 : memref<1x512xi32, #tpu.memory_space<vmem>> -> memref<512xi32, #tpu.memory_space<vmem>>
      %dma_start3A_367 = tpu.memref_slice %arg2[%add3A_362] : memref<819200xi32, #tpu.memory_space<hbm>> -> memref<512xi32, #tpu.memory_space<hbm>>
      %dma_start3A_368 = arith.constant 0 : i32
      %dma_start3A_369 = tpu.memref_slice %arg6[%dma_start3A_363, %dma_start3A_368] : memref<2x512xi32, #tpu.memory_space<vmem>> -> memref<1x512xi32, #tpu.memory_space<vmem>>
      %dma_start3A_370 = tpu.memref_squeeze %dma_start3A_369 : memref<1x512xi32, #tpu.memory_space<vmem>> -> memref<512xi32, #tpu.memory_space<vmem>>
      %dma_start3A_371 = tpu.memref_slice %arg2[%add3A_362] : memref<819200xi32, #tpu.memory_space<hbm>> -> memref<512xi32, #tpu.memory_space<hbm>>
      tpu.enqueue_dma source(%dma_start3A_371 : memref<512xi32, #tpu.memory_space<hbm>>) target(%dma_start3A_370 : memref<512xi32, #tpu.memory_space<vmem>>) target_semaphore(%arg8 : memref<!tpu.dma_semaphore, #tpu.memory_space<semaphore_mem>>)
      %dma_wait3A_372 = arith.constant 1 : i32
      %dma_wait3A_373 = arith.constant 0 : i32
      %dma_wait3A_374 = arith.constant 0 : i32
      %dma_wait3A_375 = tpu.memref_slice %arg7[%dma_wait3A_372, %dma_wait3A_373, %dma_wait3A_374] : memref<2x64x512xf32, #tpu.memory_space<vmem>> -> memref<1x64x512xf32, #tpu.memory_space<vmem>>
      %dma_wait3A_376 = tpu.memref_squeeze %dma_wait3A_375 : memref<1x64x512xf32, #tpu.memory_space<vmem>> -> memref<64x512xf32, #tpu.memory_space<vmem>>
      %dma_wait3A_377 = arith.constant 0 : i32
      %dma_wait3A_378 = tpu.memref_slice %arg4[%mul3A_32, %dma_wait3A_377, %mul3A_34] : memref<200x64x4096xf32, #tpu.memory_space<hbm>> -> memref<1x64x512xf32, #tpu.memory_space<hbm>>
      %dma_wait3A_379 = tpu.memref_squeeze %dma_wait3A_378 : memref<1x64x512xf32, #tpu.memory_space<hbm>> -> memref<64x512xf32, #tpu.memory_space<hbm>>
      %dma_wait3A_380 = arith.constant 0 : i32
      %dma_wait3A_381 = tpu.memref_slice %arg4[%mul3A_32, %dma_wait3A_380, %mul3A_34] : memref<200x64x4096xf32, #tpu.memory_space<hbm>> -> memref<1x64x512xf32, #tpu.memory_space<hbm>>
      %dma_wait3A_382 = tpu.memref_squeeze %dma_wait3A_381 : memref<1x64x512xf32, #tpu.memory_space<hbm>> -> memref<64x512xf32, #tpu.memory_space<hbm>>
      %dma_wait3A_383 = arith.constant 0 : i32
      %dma_wait3A_384 = arith.constant 0 : i32
      %dma_wait3A_385 = tpu.memref_slice %arg7[%dma_wait3A_372, %dma_wait3A_383, %dma_wait3A_384] : memref<2x64x512xf32, #tpu.memory_space<vmem>> -> memref<1x64x512xf32, #tpu.memory_space<vmem>>
      %dma_wait3A_386 = tpu.memref_squeeze %dma_wait3A_385 : memref<1x64x512xf32, #tpu.memory_space<vmem>> -> memref<64x512xf32, #tpu.memory_space<vmem>>
      tpu.wait_dma2 semaphore(%arg11 : memref<!tpu.dma_semaphore, #tpu.memory_space<semaphore_mem>>) src(%dma_wait3A_386 : memref<64x512xf32, #tpu.memory_space<vmem>>) dst(%dma_wait3A_382 : memref<64x512xf32, #tpu.memory_space<hbm>>)
      %scan3A_387 = arith.constant 0 : i32
      %scan3A_388 = arith.constant 0 : i32
      %scan3A_389 = arith.constant 32 : i32
      %scan3A_390 = arith.addi %scan3A_388, %scan3A_389 : i32
      %scan3A_391 = arith.constant 1 : i32
      scf.for %scan3A_409 = %scan3A_388 to %scan3A_390 step %scan3A_391  : i32 {
        %mul3A_410 = arith.constant 16 : i32
        %mul3A_411 = arith.muli %scan3A_409, %mul3A_410 : i32
        %get3A = arith.constant 1 : i32
        %get3A_412 = arith.index_cast %get3A : i32 to index
        %get3A_413 = arith.index_cast %mul3A_411 : i32 to index
        %get3A_414 = tpu.vector_load %arg6[%get3A_412, %get3A_413] {strides = array<i32>} : memref<2x512xi32, #tpu.memory_space<vmem>>, vector<16xi32>,
        %mul3A_415 = arith.constant 65 : i32
        %mul3A_416 = vector.broadcast %mul3A_415 : i32 to vector<16xi32>
        %mul3A_417 = arith.muli %get3A_414, %mul3A_416 : vector<16xi32>
        %add3A_418 = arith.constant 0 : i32
        %add3A_419 = vector.broadcast %add3A_418 : i32 to vector<16xi32>
        %add3A_420 = arith.addi %mul3A_417, %add3A_419 : vector<16xi32>
        %gather3A = tpu.vector_load_idx %arg5[%add3A_420] : memref<33280xf32, #tpu.memory_space<vmem>>[vector<16xi32>], vector<16xf32>,
        %add3A_421 = arith.constant 1 : i32
        %add3A_422 = vector.broadcast %add3A_421 : i32 to vector<16xi32>
        %add3A_423 = arith.addi %mul3A_417, %add3A_422 : vector<16xi32>
        %gather3A_424 = tpu.vector_load_idx %arg5[%add3A_423] : memref<33280xf32, #tpu.memory_space<vmem>>[vector<16xi32>], vector<16xf32>,
        %add3A_425 = arith.constant 2 : i32
        %add3A_426 = vector.broadcast %add3A_425 : i32 to vector<16xi32>
        %add3A_427 = arith.addi %mul3A_417, %add3A_426 : vector<16xi32>
        %gather3A_428 = tpu.vector_load_idx %arg5[%add3A_427] : memref<33280xf32, #tpu.memory_space<vmem>>[vector<16xi32>], vector<16xf32>,
        %add3A_429 = arith.constant 3 : i32
        %add3A_430 = vector.broadcast %add3A_429 : i32 to vector<16xi32>
        %add3A_431 = arith.addi %mul3A_417, %add3A_430 : vector<16xi32>
        %gather3A_432 = tpu.vector_load_idx %arg5[%add3A_431] : memref<33280xf32, #tpu.memory_space<vmem>>[vector<16xi32>], vector<16xf32>,
        %add3A_433 = arith.constant 4 : i32
        %add3A_434 = vector.broadcast %add3A_433 : i32 to vector<16xi32>
        %add3A_435 = arith.addi %mul3A_417, %add3A_434 : vector<16xi32>
        %gather3A_436 = tpu.vector_load_idx %arg5[%add3A_435] : memref<33280xf32, #tpu.memory_space<vmem>>[vector<16xi32>], vector<16xf32>,
        %add3A_437 = arith.constant 5 : i32
        %add3A_438 = vector.broadcast %add3A_437 : i32 to vector<16xi32>
        %add3A_439 = arith.addi %mul3A_417, %add3A_438 : vector<16xi32>
        %gather3A_440 = tpu.vector_load_idx %arg5[%add3A_439] : memref<33280xf32, #tpu.memory_space<vmem>>[vector<16xi32>], vector<16xf32>,
        %add3A_441 = arith.constant 6 : i32
        %add3A_442 = vector.broadcast %add3A_441 : i32 to vector<16xi32>
        %add3A_443 = arith.addi %mul3A_417, %add3A_442 : vector<16xi32>
        %gather3A_444 = tpu.vector_load_idx %arg5[%add3A_443] : memref<33280xf32, #tpu.memory_space<vmem>>[vector<16xi32>], vector<16xf32>,
        %add3A_445 = arith.constant 7 : i32
        %add3A_446 = vector.broadcast %add3A_445 : i32 to vector<16xi32>
        %add3A_447 = arith.addi %mul3A_417, %add3A_446 : vector<16xi32>
        %gather3A_448 = tpu.vector_load_idx %arg5[%add3A_447] : memref<33280xf32, #tpu.memory_space<vmem>>[vector<16xi32>], vector<16xf32>,
        %add3A_449 = arith.constant 8 : i32
        %add3A_450 = vector.broadcast %add3A_449 : i32 to vector<16xi32>
        %add3A_451 = arith.addi %mul3A_417, %add3A_450 : vector<16xi32>
        %gather3A_452 = tpu.vector_load_idx %arg5[%add3A_451] : memref<33280xf32, #tpu.memory_space<vmem>>[vector<16xi32>], vector<16xf32>,
        %mul3A_453 = arith.constant 16 : i32
        %mul3A_454 = arith.muli %scan3A_409, %mul3A_453 : i32
        %swap3A = arith.constant 1 : i32
        %swap3A_455 = arith.constant 0 : i32
        %swap3A_456 = arith.index_cast %swap3A : i32 to index
        %swap3A_457 = arith.index_cast %swap3A_455 : i32 to index
        %swap3A_458 = arith.index_cast %mul3A_454 : i32 to index
        %swap3A_459 = tpu.vector_load %arg7[%swap3A_456, %swap3A_457, %swap3A_458] {strides = array<i32>} : memref<2x64x512xf32, #tpu.memory_space<vmem>>, vector<16xf32>,
        tpu.vector_store %arg7[%swap3A_456, %swap3A_457, %swap3A_458], %gather3A {strides = array<i32>} : memref<2x64x512xf32, #tpu.memory_space<vmem>>, vector<16xf32>,
        %add3A_460 = arith.constant 9 : i32
        %add3A_461 = vector.broadcast %add3A_460 : i32 to vector<16xi32>
        %add3A_462 = arith.addi %mul3A_417, %add3A_461 : vector<16xi32>
        %gather3A_463 = tpu.vector_load_idx %arg5[%add3A_462] : memref<33280xf32, #tpu.memory_space<vmem>>[vector<16xi32>], vector<16xf32>,
        %mul3A_464 = arith.constant 16 : i32
        %mul3A_465 = arith.muli %scan3A_409, %mul3A_464 : i32
        %swap3A_466 = arith.constant 1 : i32
        %swap3A_467 = arith.constant 1 : i32
        %swap3A_468 = arith.index_cast %swap3A_466 : i32 to index
        %swap3A_469 = arith.index_cast %swap3A_467 : i32 to index
        %swap3A_470 = arith.index_cast %mul3A_465 : i32 to index
        %swap3A_471 = tpu.vector_load %arg7[%swap3A_468, %swap3A_469, %swap3A_470] {strides = array<i32>} : memref<2x64x512xf32, #tpu.memory_space<vmem>>, vector<16xf32>,
        tpu.vector_store %arg7[%swap3A_468, %swap3A_469, %swap3A_470], %gather3A_424 {strides = array<i32>} : memref<2x64x512xf32, #tpu.memory_space<vmem>>, vector<16xf32>,
        %add3A_472 = arith.constant 10 : i32
        %add3A_473 = vector.broadcast %add3A_472 : i32 to vector<16xi32>
        %add3A_474 = arith.addi %mul3A_417, %add3A_473 : vector<16xi32>
        %gather3A_475 = tpu.vector_load_idx %arg5[%add3A_474] : memref<33280xf32, #tpu.memory_space<vmem>>[vector<16xi32>], vector<16xf32>,
        %mul3A_476 = arith.constant 16 : i32
        %mul3A_477 = arith.muli %scan3A_409, %mul3A_476 : i32
        %swap3A_478 = arith.constant 1 : i32
        %swap3A_479 = arith.constant 2 : i32
        %swap3A_480 = arith.index_cast %swap3A_478 : i32 to index
        %swap3A_481 = arith.index_cast %swap3A_479 : i32 to index
        %swap3A_482 = arith.index_cast %mul3A_477 : i32 to index
        %swap3A_483 = tpu.vector_load %arg7[%swap3A_480, %swap3A_481, %swap3A_482] {strides = array<i32>} : memref<2x64x512xf32, #tpu.memory_space<vmem>>, vector<16xf32>,
        tpu.vector_store %arg7[%swap3A_480, %swap3A_481, %swap3A_482], %gather3A_428 {strides = array<i32>} : memref<2x64x512xf32, #tpu.memory_space<vmem>>, vector<16xf32>,
        %add3A_484 = arith.constant 11 : i32
        %add3A_485 = vector.broadcast %add3A_484 : i32 to vector<16xi32>
        %add3A_486 = arith.addi %mul3A_417, %add3A_485 : vector<16xi32>
        %gather3A_487 = tpu.vector_load_idx %arg5[%add3A_486] : memref<33280xf32, #tpu.memory_space<vmem>>[vector<16xi32>], vector<16xf32>,
        %mul3A_488 = arith.constant 16 : i32
        %mul3A_489 = arith.muli %scan3A_409, %mul3A_488 : i32
        %swap3A_490 = arith.constant 1 : i32
        %swap3A_491 = arith.constant 3 : i32
        %swap3A_492 = arith.index_cast %swap3A_490 : i32 to index
        %swap3A_493 = arith.index_cast %swap3A_491 : i32 to index
        %swap3A_494 = arith.index_cast %mul3A_489 : i32 to index
        %swap3A_495 = tpu.vector_load %arg7[%swap3A_492, %swap3A_493, %swap3A_494] {strides = array<i32>} : memref<2x64x512xf32, #tpu.memory_space<vmem>>, vector<16xf32>,
        tpu.vector_store %arg7[%swap3A_492, %swap3A_493, %swap3A_494], %gather3A_432 {strides = array<i32>} : memref<2x64x512xf32, #tpu.memory_space<vmem>>, vector<16xf32>,
        %add3A_496 = arith.constant 12 : i32
        %add3A_497 = vector.broadcast %add3A_496 : i32 to vector<16xi32>
        %add3A_498 = arith.addi %mul3A_417, %add3A_497 : vector<16xi32>
        %gather3A_499 = tpu.vector_load_idx %arg5[%add3A_498] : memref<33280xf32, #tpu.memory_space<vmem>>[vector<16xi32>], vector<16xf32>,
        %mul3A_500 = arith.constant 16 : i32
        %mul3A_501 = arith.muli %scan3A_409, %mul3A_500 : i32
        %swap3A_502 = arith.constant 1 : i32
        %swap3A_503 = arith.constant 4 : i32
        %swap3A_504 = arith.index_cast %swap3A_502 : i32 to index
        %swap3A_505 = arith.index_cast %swap3A_503 : i32 to index
        %swap3A_506 = arith.index_cast %mul3A_501 : i32 to index
        %swap3A_507 = tpu.vector_load %arg7[%swap3A_504, %swap3A_505, %swap3A_506] {strides = array<i32>} : memref<2x64x512xf32, #tpu.memory_space<vmem>>, vector<16xf32>,
        tpu.vector_store %arg7[%swap3A_504, %swap3A_505, %swap3A_506], %gather3A_436 {strides = array<i32>} : memref<2x64x512xf32, #tpu.memory_space<vmem>>, vector<16xf32>,
        %add3A_508 = arith.constant 13 : i32
        %add3A_509 = vector.broadcast %add3A_508 : i32 to vector<16xi32>
        %add3A_510 = arith.addi %mul3A_417, %add3A_509 : vector<16xi32>
        %gather3A_511 = tpu.vector_load_idx %arg5[%add3A_510] : memref<33280xf32, #tpu.memory_space<vmem>>[vector<16xi32>], vector<16xf32>,
        %mul3A_512 = arith.constant 16 : i32
        %mul3A_513 = arith.muli %scan3A_409, %mul3A_512 : i32
        %swap3A_514 = arith.constant 1 : i32
        %swap3A_515 = arith.constant 5 : i32
        %swap3A_516 = arith.index_cast %swap3A_514 : i32 to index
        %swap3A_517 = arith.index_cast %swap3A_515 : i32 to index
        %swap3A_518 = arith.index_cast %mul3A_513 : i32 to index
        %swap3A_519 = tpu.vector_load %arg7[%swap3A_516, %swap3A_517, %swap3A_518] {strides = array<i32>} : memref<2x64x512xf32, #tpu.memory_space<vmem>>, vector<16xf32>,
        tpu.vector_store %arg7[%swap3A_516, %swap3A_517, %swap3A_518], %gather3A_440 {strides = array<i32>} : memref<2x64x512xf32, #tpu.memory_space<vmem>>, vector<16xf32>,
        %add3A_520 = arith.constant 14 : i32
        %add3A_521 = vector.broadcast %add3A_520 : i32 to vector<16xi32>
        %add3A_522 = arith.addi %mul3A_417, %add3A_521 : vector<16xi32>
        %gather3A_523 = tpu.vector_load_idx %arg5[%add3A_522] : memref<33280xf32, #tpu.memory_space<vmem>>[vector<16xi32>], vector<16xf32>,
        %mul3A_524 = arith.constant 16 : i32
        %mul3A_525 = arith.muli %scan3A_409, %mul3A_524 : i32
        %swap3A_526 = arith.constant 1 : i32
        %swap3A_527 = arith.constant 6 : i32
        %swap3A_528 = arith.index_cast %swap3A_526 : i32 to index
        %swap3A_529 = arith.index_cast %swap3A_527 : i32 to index
        %swap3A_530 = arith.index_cast %mul3A_525 : i32 to index
        %swap3A_531 = tpu.vector_load %arg7[%swap3A_528, %swap3A_529, %swap3A_530] {strides = array<i32>} : memref<2x64x512xf32, #tpu.memory_space<vmem>>, vector<16xf32>,
        tpu.vector_store %arg7[%swap3A_528, %swap3A_529, %swap3A_530], %gather3A_444 {strides = array<i32>} : memref<2x64x512xf32, #tpu.memory_space<vmem>>, vector<16xf32>,
        %add3A_532 = arith.constant 15 : i32
        %add3A_533 = vector.broadcast %add3A_532 : i32 to vector<16xi32>
        %add3A_534 = arith.addi %mul3A_417, %add3A_533 : vector<16xi32>
        %gather3A_535 = tpu.vector_load_idx %arg5[%add3A_534] : memref<33280xf32, #tpu.memory_space<vmem>>[vector<16xi32>], vector<16xf32>,
        %mul3A_536 = arith.constant 16 : i32
        %mul3A_537 = arith.muli %scan3A_409, %mul3A_536 : i32
        %swap3A_538 = arith.constant 1 : i32
        %swap3A_539 = arith.constant 7 : i32
        %swap3A_540 = arith.index_cast %swap3A_538 : i32 to index
        %swap3A_541 = arith.index_cast %swap3A_539 : i32 to index
        %swap3A_542 = arith.index_cast %mul3A_537 : i32 to index
        %swap3A_543 = tpu.vector_load %arg7[%swap3A_540, %swap3A_541, %swap3A_542] {strides = array<i32>} : memref<2x64x512xf32, #tpu.memory_space<vmem>>, vector<16xf32>,
        tpu.vector_store %arg7[%swap3A_540, %swap3A_541, %swap3A_542], %gather3A_448 {strides = array<i32>} : memref<2x64x512xf32, #tpu.memory_space<vmem>>, vector<16xf32>,
        %add3A_544 = arith.constant 16 : i32
        %add3A_545 = vector.broadcast %add3A_544 : i32 to vector<16xi32>
        %add3A_546 = arith.addi %mul3A_417, %add3A_545 : vector<16xi32>
        %gather3A_547 = tpu.vector_load_idx %arg5[%add3A_546] : memref<33280xf32, #tpu.memory_space<vmem>>[vector<16xi32>], vector<16xf32>,
        %mul3A_548 = arith.constant 16 : i32
        %mul3A_549 = arith.muli %scan3A_409, %mul3A_548 : i32
        %swap3A_550 = arith.constant 1 : i32
        %swap3A_551 = arith.constant 8 : i32
        %swap3A_552 = arith.index_cast %swap3A_550 : i32 to index
        %swap3A_553 = arith.index_cast %swap3A_551 : i32 to index
        %swap3A_554 = arith.index_cast %mul3A_549 : i32 to index
        %swap3A_555 = tpu.vector_load %arg7[%swap3A_552, %swap3A_553, %swap3A_554] {strides = array<i32>} : memref<2x64x512xf32, #tpu.memory_space<vmem>>, vector<16xf32>,
        tpu.vector_store %arg7[%swap3A_552, %swap3A_553, %swap3A_554], %gather3A_452 {strides = array<i32>} : memref<2x64x512xf32, #tpu.memory_space<vmem>>, vector<16xf32>,
        %add3A_556 = arith.constant 17 : i32
        %add3A_557 = vector.broadcast %add3A_556 : i32 to vector<16xi32>
        %add3A_558 = arith.addi %mul3A_417, %add3A_557 : vector<16xi32>
        %gather3A_559 = tpu.vector_load_idx %arg5[%add3A_558] : memref<33280xf32, #tpu.memory_space<vmem>>[vector<16xi32>], vector<16xf32>,
        %mul3A_560 = arith.constant 16 : i32
        %mul3A_561 = arith.muli %scan3A_409, %mul3A_560 : i32
        %swap3A_562 = arith.constant 1 : i32
        %swap3A_563 = arith.constant 9 : i32
        %swap3A_564 = arith.index_cast %swap3A_562 : i32 to index
        %swap3A_565 = arith.index_cast %swap3A_563 : i32 to index
        %swap3A_566 = arith.index_cast %mul3A_561 : i32 to index
        %swap3A_567 = tpu.vector_load %arg7[%swap3A_564, %swap3A_565, %swap3A_566] {strides = array<i32>} : memref<2x64x512xf32, #tpu.memory_space<vmem>>, vector<16xf32>,
        tpu.vector_store %arg7[%swap3A_564, %swap3A_565, %swap3A_566], %gather3A_463 {strides = array<i32>} : memref<2x64x512xf32, #tpu.memory_space<vmem>>, vector<16xf32>,
        %add3A_568 = arith.constant 18 : i32
        %add3A_569 = vector.broadcast %add3A_568 : i32 to vector<16xi32>
        %add3A_570 = arith.addi %mul3A_417, %add3A_569 : vector<16xi32>
        %gather3A_571 = tpu.vector_load_idx %arg5[%add3A_570] : memref<33280xf32, #tpu.memory_space<vmem>>[vector<16xi32>], vector<16xf32>,
        %mul3A_572 = arith.constant 16 : i32
        %mul3A_573 = arith.muli %scan3A_409, %mul3A_572 : i32
        %swap3A_574 = arith.constant 1 : i32
        %swap3A_575 = arith.constant 10 : i32
        %swap3A_576 = arith.index_cast %swap3A_574 : i32 to index
        %swap3A_577 = arith.index_cast %swap3A_575 : i32 to index
        %swap3A_578 = arith.index_cast %mul3A_573 : i32 to index
        %swap3A_579 = tpu.vector_load %arg7[%swap3A_576, %swap3A_577, %swap3A_578] {strides = array<i32>} : memref<2x64x512xf32, #tpu.memory_space<vmem>>, vector<16xf32>,
        tpu.vector_store %arg7[%swap3A_576, %swap3A_577, %swap3A_578], %gather3A_475 {strides = array<i32>} : memref<2x64x512xf32, #tpu.memory_space<vmem>>, vector<16xf32>,
        %add3A_580 = arith.constant 19 : i32
        %add3A_581 = vector.broadcast %add3A_580 : i32 to vector<16xi32>
        %add3A_582 = arith.addi %mul3A_417, %add3A_581 : vector<16xi32>
        %gather3A_583 = tpu.vector_load_idx %arg5[%add3A_582] : memref<33280xf32, #tpu.memory_space<vmem>>[vector<16xi32>], vector<16xf32>,
        %mul3A_584 = arith.constant 16 : i32
        %mul3A_585 = arith.muli %scan3A_409, %mul3A_584 : i32
        %swap3A_586 = arith.constant 1 : i32
        %swap3A_587 = arith.constant 11 : i32
        %swap3A_588 = arith.index_cast %swap3A_586 : i32 to index
        %swap3A_589 = arith.index_cast %swap3A_587 : i32 to index
        %swap3A_590 = arith.index_cast %mul3A_585 : i32 to index
        %swap3A_591 = tpu.vector_load %arg7[%swap3A_588, %swap3A_589, %swap3A_590] {strides = array<i32>} : memref<2x64x512xf32, #tpu.memory_space<vmem>>, vector<16xf32>,
        tpu.vector_store %arg7[%swap3A_588, %swap3A_589, %swap3A_590], %gather3A_487 {strides = array<i32>} : memref<2x64x512xf32, #tpu.memory_space<vmem>>, vector<16xf32>,
        %add3A_592 = arith.constant 20 : i32
        %add3A_593 = vector.broadcast %add3A_592 : i32 to vector<16xi32>
        %add3A_594 = arith.addi %mul3A_417, %add3A_593 : vector<16xi32>
        %gather3A_595 = tpu.vector_load_idx %arg5[%add3A_594] : memref<33280xf32, #tpu.memory_space<vmem>>[vector<16xi32>], vector<16xf32>,
        %mul3A_596 = arith.constant 16 : i32
        %mul3A_597 = arith.muli %scan3A_409, %mul3A_596 : i32
        %swap3A_598 = arith.constant 1 : i32
        %swap3A_599 = arith.constant 12 : i32
        %swap3A_600 = arith.index_cast %swap3A_598 : i32 to index
        %swap3A_601 = arith.index_cast %swap3A_599 : i32 to index
        %swap3A_602 = arith.index_cast %mul3A_597 : i32 to index
        %swap3A_603 = tpu.vector_load %arg7[%swap3A_600, %swap3A_601, %swap3A_602] {strides = array<i32>} : memref<2x64x512xf32, #tpu.memory_space<vmem>>, vector<16xf32>,
        tpu.vector_store %arg7[%swap3A_600, %swap3A_601, %swap3A_602], %gather3A_499 {strides = array<i32>} : memref<2x64x512xf32, #tpu.memory_space<vmem>>, vector<16xf32>,
        %add3A_604 = arith.constant 21 : i32
        %add3A_605 = vector.broadcast %add3A_604 : i32 to vector<16xi32>
        %add3A_606 = arith.addi %mul3A_417, %add3A_605 : vector<16xi32>
        %gather3A_607 = tpu.vector_load_idx %arg5[%add3A_606] : memref<33280xf32, #tpu.memory_space<vmem>>[vector<16xi32>], vector<16xf32>,
        %mul3A_608 = arith.constant 16 : i32
        %mul3A_609 = arith.muli %scan3A_409, %mul3A_608 : i32
        %swap3A_610 = arith.constant 1 : i32
        %swap3A_611 = arith.constant 13 : i32
        %swap3A_612 = arith.index_cast %swap3A_610 : i32 to index
        %swap3A_613 = arith.index_cast %swap3A_611 : i32 to index
        %swap3A_614 = arith.index_cast %mul3A_609 : i32 to index
        %swap3A_615 = tpu.vector_load %arg7[%swap3A_612, %swap3A_613, %swap3A_614] {strides = array<i32>} : memref<2x64x512xf32, #tpu.memory_space<vmem>>, vector<16xf32>,
        tpu.vector_store %arg7[%swap3A_612, %swap3A_613, %swap3A_614], %gather3A_511 {strides = array<i32>} : memref<2x64x512xf32, #tpu.memory_space<vmem>>, vector<16xf32>,
        %add3A_616 = arith.constant 22 : i32
        %add3A_617 = vector.broadcast %add3A_616 : i32 to vector<16xi32>
        %add3A_618 = arith.addi %mul3A_417, %add3A_617 : vector<16xi32>
        %gather3A_619 = tpu.vector_load_idx %arg5[%add3A_618] : memref<33280xf32, #tpu.memory_space<vmem>>[vector<16xi32>], vector<16xf32>,
        %mul3A_620 = arith.constant 16 : i32
        %mul3A_621 = arith.muli %scan3A_409, %mul3A_620 : i32
        %swap3A_622 = arith.constant 1 : i32
        %swap3A_623 = arith.constant 14 : i32
        %swap3A_624 = arith.index_cast %swap3A_622 : i32 to index
        %swap3A_625 = arith.index_cast %swap3A_623 : i32 to index
        %swap3A_626 = arith.index_cast %mul3A_621 : i32 to index
        %swap3A_627 = tpu.vector_load %arg7[%swap3A_624, %swap3A_625, %swap3A_626] {strides = array<i32>} : memref<2x64x512xf32, #tpu.memory_space<vmem>>, vector<16xf32>,
        tpu.vector_store %arg7[%swap3A_624, %swap3A_625, %swap3A_626], %gather3A_523 {strides = array<i32>} : memref<2x64x512xf32, #tpu.memory_space<vmem>>, vector<16xf32>,
        %add3A_628 = arith.constant 23 : i32
        %add3A_629 = vector.broadcast %add3A_628 : i32 to vector<16xi32>
        %add3A_630 = arith.addi %mul3A_417, %add3A_629 : vector<16xi32>
        %gather3A_631 = tpu.vector_load_idx %arg5[%add3A_630] : memref<33280xf32, #tpu.memory_space<vmem>>[vector<16xi32>], vector<16xf32>,
        %mul3A_632 = arith.constant 16 : i32
        %mul3A_633 = arith.muli %scan3A_409, %mul3A_632 : i32
        %swap3A_634 = arith.constant 1 : i32
        %swap3A_635 = arith.constant 15 : i32
        %swap3A_636 = arith.index_cast %swap3A_634 : i32 to index
        %swap3A_637 = arith.index_cast %swap3A_635 : i32 to index
        %swap3A_638 = arith.index_cast %mul3A_633 : i32 to index
        %swap3A_639 = tpu.vector_load %arg7[%swap3A_636, %swap3A_637, %swap3A_638] {strides = array<i32>} : memref<2x64x512xf32, #tpu.memory_space<vmem>>, vector<16xf32>,
        tpu.vector_store %arg7[%swap3A_636, %swap3A_637, %swap3A_638], %gather3A_535 {strides = array<i32>} : memref<2x64x512xf32, #tpu.memory_space<vmem>>, vector<16xf32>,
        %add3A_640 = arith.constant 24 : i32
        %add3A_641 = vector.broadcast %add3A_640 : i32 to vector<16xi32>
        %add3A_642 = arith.addi %mul3A_417, %add3A_641 : vector<16xi32>
        %gather3A_643 = tpu.vector_load_idx %arg5[%add3A_642] : memref<33280xf32, #tpu.memory_space<vmem>>[vector<16xi32>], vector<16xf32>,
        %mul3A_644 = arith.constant 16 : i32
        %mul3A_645 = arith.muli %scan3A_409, %mul3A_644 : i32
        %swap3A_646 = arith.constant 1 : i32
        %swap3A_647 = arith.constant 16 : i32
        %swap3A_648 = arith.index_cast %swap3A_646 : i32 to index
        %swap3A_649 = arith.index_cast %swap3A_647 : i32 to index
        %swap3A_650 = arith.index_cast %mul3A_645 : i32 to index
        %swap3A_651 = tpu.vector_load %arg7[%swap3A_648, %swap3A_649, %swap3A_650] {strides = array<i32>} : memref<2x64x512xf32, #tpu.memory_space<vmem>>, vector<16xf32>,
        tpu.vector_store %arg7[%swap3A_648, %swap3A_649, %swap3A_650], %gather3A_547 {strides = array<i32>} : memref<2x64x512xf32, #tpu.memory_space<vmem>>, vector<16xf32>,
        %add3A_652 = arith.constant 25 : i32
        %add3A_653 = vector.broadcast %add3A_652 : i32 to vector<16xi32>
        %add3A_654 = arith.addi %mul3A_417, %add3A_653 : vector<16xi32>
        %gather3A_655 = tpu.vector_load_idx %arg5[%add3A_654] : memref<33280xf32, #tpu.memory_space<vmem>>[vector<16xi32>], vector<16xf32>,
        %mul3A_656 = arith.constant 16 : i32
        %mul3A_657 = arith.muli %scan3A_409, %mul3A_656 : i32
        %swap3A_658 = arith.constant 1 : i32
        %swap3A_659 = arith.constant 17 : i32
        %swap3A_660 = arith.index_cast %swap3A_658 : i32 to index
        %swap3A_661 = arith.index_cast %swap3A_659 : i32 to index
        %swap3A_662 = arith.index_cast %mul3A_657 : i32 to index
        %swap3A_663 = tpu.vector_load %arg7[%swap3A_660, %swap3A_661, %swap3A_662] {strides = array<i32>} : memref<2x64x512xf32, #tpu.memory_space<vmem>>, vector<16xf32>,
        tpu.vector_store %arg7[%swap3A_660, %swap3A_661, %swap3A_662], %gather3A_559 {strides = array<i32>} : memref<2x64x512xf32, #tpu.memory_space<vmem>>, vector<16xf32>,
        %add3A_664 = arith.constant 26 : i32
        %add3A_665 = vector.broadcast %add3A_664 : i32 to vector<16xi32>
        %add3A_666 = arith.addi %mul3A_417, %add3A_665 : vector<16xi32>
        %gather3A_667 = tpu.vector_load_idx %arg5[%add3A_666] : memref<33280xf32, #tpu.memory_space<vmem>>[vector<16xi32>], vector<16xf32>,
        %mul3A_668 = arith.constant 16 : i32
        %mul3A_669 = arith.muli %scan3A_409, %mul3A_668 : i32
        %swap3A_670 = arith.constant 1 : i32
        %swap3A_671 = arith.constant 18 : i32
        %swap3A_672 = arith.index_cast %swap3A_670 : i32 to index
        %swap3A_673 = arith.index_cast %swap3A_671 : i32 to index
        %swap3A_674 = arith.index_cast %mul3A_669 : i32 to index
        %swap3A_675 = tpu.vector_load %arg7[%swap3A_672, %swap3A_673, %swap3A_674] {strides = array<i32>} : memref<2x64x512xf32, #tpu.memory_space<vmem>>, vector<16xf32>,
        tpu.vector_store %arg7[%swap3A_672, %swap3A_673, %swap3A_674], %gather3A_571 {strides = array<i32>} : memref<2x64x512xf32, #tpu.memory_space<vmem>>, vector<16xf32>,
        %add3A_676 = arith.constant 27 : i32
        %add3A_677 = vector.broadcast %add3A_676 : i32 to vector<16xi32>
        %add3A_678 = arith.addi %mul3A_417, %add3A_677 : vector<16xi32>
        %gather3A_679 = tpu.vector_load_idx %arg5[%add3A_678] : memref<33280xf32, #tpu.memory_space<vmem>>[vector<16xi32>], vector<16xf32>,
        %mul3A_680 = arith.constant 16 : i32
        %mul3A_681 = arith.muli %scan3A_409, %mul3A_680 : i32
        %swap3A_682 = arith.constant 1 : i32
        %swap3A_683 = arith.constant 19 : i32
        %swap3A_684 = arith.index_cast %swap3A_682 : i32 to index
        %swap3A_685 = arith.index_cast %swap3A_683 : i32 to index
        %swap3A_686 = arith.index_cast %mul3A_681 : i32 to index
        %swap3A_687 = tpu.vector_load %arg7[%swap3A_684, %swap3A_685, %swap3A_686] {strides = array<i32>} : memref<2x64x512xf32, #tpu.memory_space<vmem>>, vector<16xf32>,
        tpu.vector_store %arg7[%swap3A_684, %swap3A_685, %swap3A_686], %gather3A_583 {strides = array<i32>} : memref<2x64x512xf32, #tpu.memory_space<vmem>>, vector<16xf32>,
        %add3A_688 = arith.constant 28 : i32
        %add3A_689 = vector.broadcast %add3A_688 : i32 to vector<16xi32>
        %add3A_690 = arith.addi %mul3A_417, %add3A_689 : vector<16xi32>
        %gather3A_691 = tpu.vector_load_idx %arg5[%add3A_690] : memref<33280xf32, #tpu.memory_space<vmem>>[vector<16xi32>], vector<16xf32>,
        %mul3A_692 = arith.constant 16 : i32
        %mul3A_693 = arith.muli %scan3A_409, %mul3A_692 : i32
        %swap3A_694 = arith.constant 1 : i32
        %swap3A_695 = arith.constant 20 : i32
        %swap3A_696 = arith.index_cast %swap3A_694 : i32 to index
        %swap3A_697 = arith.index_cast %swap3A_695 : i32 to index
        %swap3A_698 = arith.index_cast %mul3A_693 : i32 to index
        %swap3A_699 = tpu.vector_load %arg7[%swap3A_696, %swap3A_697, %swap3A_698] {strides = array<i32>} : memref<2x64x512xf32, #tpu.memory_space<vmem>>, vector<16xf32>,
        tpu.vector_store %arg7[%swap3A_696, %swap3A_697, %swap3A_698], %gather3A_595 {strides = array<i32>} : memref<2x64x512xf32, #tpu.memory_space<vmem>>, vector<16xf32>,
        %add3A_700 = arith.constant 29 : i32
        %add3A_701 = vector.broadcast %add3A_700 : i32 to vector<16xi32>
        %add3A_702 = arith.addi %mul3A_417, %add3A_701 : vector<16xi32>
        %gather3A_703 = tpu.vector_load_idx %arg5[%add3A_702] : memref<33280xf32, #tpu.memory_space<vmem>>[vector<16xi32>], vector<16xf32>,
        %mul3A_704 = arith.constant 16 : i32
        %mul3A_705 = arith.muli %scan3A_409, %mul3A_704 : i32
        %swap3A_706 = arith.constant 1 : i32
        %swap3A_707 = arith.constant 21 : i32
        %swap3A_708 = arith.index_cast %swap3A_706 : i32 to index
        %swap3A_709 = arith.index_cast %swap3A_707 : i32 to index
        %swap3A_710 = arith.index_cast %mul3A_705 : i32 to index
        %swap3A_711 = tpu.vector_load %arg7[%swap3A_708, %swap3A_709, %swap3A_710] {strides = array<i32>} : memref<2x64x512xf32, #tpu.memory_space<vmem>>, vector<16xf32>,
        tpu.vector_store %arg7[%swap3A_708, %swap3A_709, %swap3A_710], %gather3A_607 {strides = array<i32>} : memref<2x64x512xf32, #tpu.memory_space<vmem>>, vector<16xf32>,
        %add3A_712 = arith.constant 30 : i32
        %add3A_713 = vector.broadcast %add3A_712 : i32 to vector<16xi32>
        %add3A_714 = arith.addi %mul3A_417, %add3A_713 : vector<16xi32>
        %gather3A_715 = tpu.vector_load_idx %arg5[%add3A_714] : memref<33280xf32, #tpu.memory_space<vmem>>[vector<16xi32>], vector<16xf32>,
        %mul3A_716 = arith.constant 16 : i32
        %mul3A_717 = arith.muli %scan3A_409, %mul3A_716 : i32
        %swap3A_718 = arith.constant 1 : i32
        %swap3A_719 = arith.constant 22 : i32
        %swap3A_720 = arith.index_cast %swap3A_718 : i32 to index
        %swap3A_721 = arith.index_cast %swap3A_719 : i32 to index
        %swap3A_722 = arith.index_cast %mul3A_717 : i32 to index
        %swap3A_723 = tpu.vector_load %arg7[%swap3A_720, %swap3A_721, %swap3A_722] {strides = array<i32>} : memref<2x64x512xf32, #tpu.memory_space<vmem>>, vector<16xf32>,
        tpu.vector_store %arg7[%swap3A_720, %swap3A_721, %swap3A_722], %gather3A_619 {strides = array<i32>} : memref<2x64x512xf32, #tpu.memory_space<vmem>>, vector<16xf32>,
        %add3A_724 = arith.constant 31 : i32
        %add3A_725 = vector.broadcast %add3A_724 : i32 to vector<16xi32>
        %add3A_726 = arith.addi %mul3A_417, %add3A_725 : vector<16xi32>
        %gather3A_727 = tpu.vector_load_idx %arg5[%add3A_726] : memref<33280xf32, #tpu.memory_space<vmem>>[vector<16xi32>], vector<16xf32>,
        %mul3A_728 = arith.constant 16 : i32
        %mul3A_729 = arith.muli %scan3A_409, %mul3A_728 : i32
        %swap3A_730 = arith.constant 1 : i32
        %swap3A_731 = arith.constant 23 : i32
        %swap3A_732 = arith.index_cast %swap3A_730 : i32 to index
        %swap3A_733 = arith.index_cast %swap3A_731 : i32 to index
        %swap3A_734 = arith.index_cast %mul3A_729 : i32 to index
        %swap3A_735 = tpu.vector_load %arg7[%swap3A_732, %swap3A_733, %swap3A_734] {strides = array<i32>} : memref<2x64x512xf32, #tpu.memory_space<vmem>>, vector<16xf32>,
        tpu.vector_store %arg7[%swap3A_732, %swap3A_733, %swap3A_734], %gather3A_631 {strides = array<i32>} : memref<2x64x512xf32, #tpu.memory_space<vmem>>, vector<16xf32>,
        %add3A_736 = arith.constant 32 : i32
        %add3A_737 = vector.broadcast %add3A_736 : i32 to vector<16xi32>
        %add3A_738 = arith.addi %mul3A_417, %add3A_737 : vector<16xi32>
        %gather3A_739 = tpu.vector_load_idx %arg5[%add3A_738] : memref<33280xf32, #tpu.memory_space<vmem>>[vector<16xi32>], vector<16xf32>,
        %mul3A_740 = arith.constant 16 : i32
        %mul3A_741 = arith.muli %scan3A_409, %mul3A_740 : i32
        %swap3A_742 = arith.constant 1 : i32
        %swap3A_743 = arith.constant 24 : i32
        %swap3A_744 = arith.index_cast %swap3A_742 : i32 to index
        %swap3A_745 = arith.index_cast %swap3A_743 : i32 to index
        %swap3A_746 = arith.index_cast %mul3A_741 : i32 to index
        %swap3A_747 = tpu.vector_load %arg7[%swap3A_744, %swap3A_745, %swap3A_746] {strides = array<i32>} : memref<2x64x512xf32, #tpu.memory_space<vmem>>, vector<16xf32>,
        tpu.vector_store %arg7[%swap3A_744, %swap3A_745, %swap3A_746], %gather3A_643 {strides = array<i32>} : memref<2x64x512xf32, #tpu.memory_space<vmem>>, vector<16xf32>,
        %add3A_748 = arith.constant 33 : i32
        %add3A_749 = vector.broadcast %add3A_748 : i32 to vector<16xi32>
        %add3A_750 = arith.addi %mul3A_417, %add3A_749 : vector<16xi32>
        %gather3A_751 = tpu.vector_load_idx %arg5[%add3A_750] : memref<33280xf32, #tpu.memory_space<vmem>>[vector<16xi32>], vector<16xf32>,
        %mul3A_752 = arith.constant 16 : i32
        %mul3A_753 = arith.muli %scan3A_409, %mul3A_752 : i32
        %swap3A_754 = arith.constant 1 : i32
        %swap3A_755 = arith.constant 25 : i32
        %swap3A_756 = arith.index_cast %swap3A_754 : i32 to index
        %swap3A_757 = arith.index_cast %swap3A_755 : i32 to index
        %swap3A_758 = arith.index_cast %mul3A_753 : i32 to index
        %swap3A_759 = tpu.vector_load %arg7[%swap3A_756, %swap3A_757, %swap3A_758] {strides = array<i32>} : memref<2x64x512xf32, #tpu.memory_space<vmem>>, vector<16xf32>,
        tpu.vector_store %arg7[%swap3A_756, %swap3A_757, %swap3A_758], %gather3A_655 {strides = array<i32>} : memref<2x64x512xf32, #tpu.memory_space<vmem>>, vector<16xf32>,
        %add3A_760 = arith.constant 34 : i32
        %add3A_761 = vector.broadcast %add3A_760 : i32 to vector<16xi32>
        %add3A_762 = arith.addi %mul3A_417, %add3A_761 : vector<16xi32>
        %gather3A_763 = tpu.vector_load_idx %arg5[%add3A_762] : memref<33280xf32, #tpu.memory_space<vmem>>[vector<16xi32>], vector<16xf32>,
        %mul3A_764 = arith.constant 16 : i32
        %mul3A_765 = arith.muli %scan3A_409, %mul3A_764 : i32
        %swap3A_766 = arith.constant 1 : i32
        %swap3A_767 = arith.constant 26 : i32
        %swap3A_768 = arith.index_cast %swap3A_766 : i32 to index
        %swap3A_769 = arith.index_cast %swap3A_767 : i32 to index
        %swap3A_770 = arith.index_cast %mul3A_765 : i32 to index
        %swap3A_771 = tpu.vector_load %arg7[%swap3A_768, %swap3A_769, %swap3A_770] {strides = array<i32>} : memref<2x64x512xf32, #tpu.memory_space<vmem>>, vector<16xf32>,
        tpu.vector_store %arg7[%swap3A_768, %swap3A_769, %swap3A_770], %gather3A_667 {strides = array<i32>} : memref<2x64x512xf32, #tpu.memory_space<vmem>>, vector<16xf32>,
        %add3A_772 = arith.constant 35 : i32
        %add3A_773 = vector.broadcast %add3A_772 : i32 to vector<16xi32>
        %add3A_774 = arith.addi %mul3A_417, %add3A_773 : vector<16xi32>
        %gather3A_775 = tpu.vector_load_idx %arg5[%add3A_774] : memref<33280xf32, #tpu.memory_space<vmem>>[vector<16xi32>], vector<16xf32>,
        %mul3A_776 = arith.constant 16 : i32
        %mul3A_777 = arith.muli %scan3A_409, %mul3A_776 : i32
        %swap3A_778 = arith.constant 1 : i32
        %swap3A_779 = arith.constant 27 : i32
        %swap3A_780 = arith.index_cast %swap3A_778 : i32 to index
        %swap3A_781 = arith.index_cast %swap3A_779 : i32 to index
        %swap3A_782 = arith.index_cast %mul3A_777 : i32 to index
        %swap3A_783 = tpu.vector_load %arg7[%swap3A_780, %swap3A_781, %swap3A_782] {strides = array<i32>} : memref<2x64x512xf32, #tpu.memory_space<vmem>>, vector<16xf32>,
        tpu.vector_store %arg7[%swap3A_780, %swap3A_781, %swap3A_782], %gather3A_679 {strides = array<i32>} : memref<2x64x512xf32, #tpu.memory_space<vmem>>, vector<16xf32>,
        %add3A_784 = arith.constant 36 : i32
        %add3A_785 = vector.broadcast %add3A_784 : i32 to vector<16xi32>
        %add3A_786 = arith.addi %mul3A_417, %add3A_785 : vector<16xi32>
        %gather3A_787 = tpu.vector_load_idx %arg5[%add3A_786] : memref<33280xf32, #tpu.memory_space<vmem>>[vector<16xi32>], vector<16xf32>,
        %mul3A_788 = arith.constant 16 : i32
        %mul3A_789 = arith.muli %scan3A_409, %mul3A_788 : i32
        %swap3A_790 = arith.constant 1 : i32
        %swap3A_791 = arith.constant 28 : i32
        %swap3A_792 = arith.index_cast %swap3A_790 : i32 to index
        %swap3A_793 = arith.index_cast %swap3A_791 : i32 to index
        %swap3A_794 = arith.index_cast %mul3A_789 : i32 to index
        %swap3A_795 = tpu.vector_load %arg7[%swap3A_792, %swap3A_793, %swap3A_794] {strides = array<i32>} : memref<2x64x512xf32, #tpu.memory_space<vmem>>, vector<16xf32>,
        tpu.vector_store %arg7[%swap3A_792, %swap3A_793, %swap3A_794], %gather3A_691 {strides = array<i32>} : memref<2x64x512xf32, #tpu.memory_space<vmem>>, vector<16xf32>,
        %add3A_796 = arith.constant 37 : i32
        %add3A_797 = vector.broadcast %add3A_796 : i32 to vector<16xi32>
        %add3A_798 = arith.addi %mul3A_417, %add3A_797 : vector<16xi32>
        %gather3A_799 = tpu.vector_load_idx %arg5[%add3A_798] : memref<33280xf32, #tpu.memory_space<vmem>>[vector<16xi32>], vector<16xf32>,
        %mul3A_800 = arith.constant 16 : i32
        %mul3A_801 = arith.muli %scan3A_409, %mul3A_800 : i32
        %swap3A_802 = arith.constant 1 : i32
        %swap3A_803 = arith.constant 29 : i32
        %swap3A_804 = arith.index_cast %swap3A_802 : i32 to index
        %swap3A_805 = arith.index_cast %swap3A_803 : i32 to index
        %swap3A_806 = arith.index_cast %mul3A_801 : i32 to index
        %swap3A_807 = tpu.vector_load %arg7[%swap3A_804, %swap3A_805, %swap3A_806] {strides = array<i32>} : memref<2x64x512xf32, #tpu.memory_space<vmem>>, vector<16xf32>,
        tpu.vector_store %arg7[%swap3A_804, %swap3A_805, %swap3A_806], %gather3A_703 {strides = array<i32>} : memref<2x64x512xf32, #tpu.memory_space<vmem>>, vector<16xf32>,
        %add3A_808 = arith.constant 38 : i32
        %add3A_809 = vector.broadcast %add3A_808 : i32 to vector<16xi32>
        %add3A_810 = arith.addi %mul3A_417, %add3A_809 : vector<16xi32>
        %gather3A_811 = tpu.vector_load_idx %arg5[%add3A_810] : memref<33280xf32, #tpu.memory_space<vmem>>[vector<16xi32>], vector<16xf32>,
        %mul3A_812 = arith.constant 16 : i32
        %mul3A_813 = arith.muli %scan3A_409, %mul3A_812 : i32
        %swap3A_814 = arith.constant 1 : i32
        %swap3A_815 = arith.constant 30 : i32
        %swap3A_816 = arith.index_cast %swap3A_814 : i32 to index
        %swap3A_817 = arith.index_cast %swap3A_815 : i32 to index
        %swap3A_818 = arith.index_cast %mul3A_813 : i32 to index
        %swap3A_819 = tpu.vector_load %arg7[%swap3A_816, %swap3A_817, %swap3A_818] {strides = array<i32>} : memref<2x64x512xf32, #tpu.memory_space<vmem>>, vector<16xf32>,
        tpu.vector_store %arg7[%swap3A_816, %swap3A_817, %swap3A_818], %gather3A_715 {strides = array<i32>} : memref<2x64x512xf32, #tpu.memory_space<vmem>>, vector<16xf32>,
        %add3A_820 = arith.constant 39 : i32
        %add3A_821 = vector.broadcast %add3A_820 : i32 to vector<16xi32>
        %add3A_822 = arith.addi %mul3A_417, %add3A_821 : vector<16xi32>
        %gather3A_823 = tpu.vector_load_idx %arg5[%add3A_822] : memref<33280xf32, #tpu.memory_space<vmem>>[vector<16xi32>], vector<16xf32>,
        %mul3A_824 = arith.constant 16 : i32
        %mul3A_825 = arith.muli %scan3A_409, %mul3A_824 : i32
        %swap3A_826 = arith.constant 1 : i32
        %swap3A_827 = arith.constant 31 : i32
        %swap3A_828 = arith.index_cast %swap3A_826 : i32 to index
        %swap3A_829 = arith.index_cast %swap3A_827 : i32 to index
        %swap3A_830 = arith.index_cast %mul3A_825 : i32 to index
        %swap3A_831 = tpu.vector_load %arg7[%swap3A_828, %swap3A_829, %swap3A_830] {strides = array<i32>} : memref<2x64x512xf32, #tpu.memory_space<vmem>>, vector<16xf32>,
        tpu.vector_store %arg7[%swap3A_828, %swap3A_829, %swap3A_830], %gather3A_727 {strides = array<i32>} : memref<2x64x512xf32, #tpu.memory_space<vmem>>, vector<16xf32>,
        %add3A_832 = arith.constant 40 : i32
        %add3A_833 = vector.broadcast %add3A_832 : i32 to vector<16xi32>
        %add3A_834 = arith.addi %mul3A_417, %add3A_833 : vector<16xi32>
        %gather3A_835 = tpu.vector_load_idx %arg5[%add3A_834] : memref<33280xf32, #tpu.memory_space<vmem>>[vector<16xi32>], vector<16xf32>,
        %mul3A_836 = arith.constant 16 : i32
        %mul3A_837 = arith.muli %scan3A_409, %mul3A_836 : i32
        %swap3A_838 = arith.constant 1 : i32
        %swap3A_839 = arith.constant 32 : i32
        %swap3A_840 = arith.index_cast %swap3A_838 : i32 to index
        %swap3A_841 = arith.index_cast %swap3A_839 : i32 to index
        %swap3A_842 = arith.index_cast %mul3A_837 : i32 to index
        %swap3A_843 = tpu.vector_load %arg7[%swap3A_840, %swap3A_841, %swap3A_842] {strides = array<i32>} : memref<2x64x512xf32, #tpu.memory_space<vmem>>, vector<16xf32>,
        tpu.vector_store %arg7[%swap3A_840, %swap3A_841, %swap3A_842], %gather3A_739 {strides = array<i32>} : memref<2x64x512xf32, #tpu.memory_space<vmem>>, vector<16xf32>,
        %add3A_844 = arith.constant 41 : i32
        %add3A_845 = vector.broadcast %add3A_844 : i32 to vector<16xi32>
        %add3A_846 = arith.addi %mul3A_417, %add3A_845 : vector<16xi32>
        %gather3A_847 = tpu.vector_load_idx %arg5[%add3A_846] : memref<33280xf32, #tpu.memory_space<vmem>>[vector<16xi32>], vector<16xf32>,
        %mul3A_848 = arith.constant 16 : i32
        %mul3A_849 = arith.muli %scan3A_409, %mul3A_848 : i32
        %swap3A_850 = arith.constant 1 : i32
        %swap3A_851 = arith.constant 33 : i32
        %swap3A_852 = arith.index_cast %swap3A_850 : i32 to index
        %swap3A_853 = arith.index_cast %swap3A_851 : i32 to index
        %swap3A_854 = arith.index_cast %mul3A_849 : i32 to index
        %swap3A_855 = tpu.vector_load %arg7[%swap3A_852, %swap3A_853, %swap3A_854] {strides = array<i32>} : memref<2x64x512xf32, #tpu.memory_space<vmem>>, vector<16xf32>,
        tpu.vector_store %arg7[%swap3A_852, %swap3A_853, %swap3A_854], %gather3A_751 {strides = array<i32>} : memref<2x64x512xf32, #tpu.memory_space<vmem>>, vector<16xf32>,
        %add3A_856 = arith.constant 42 : i32
        %add3A_857 = vector.broadcast %add3A_856 : i32 to vector<16xi32>
        %add3A_858 = arith.addi %mul3A_417, %add3A_857 : vector<16xi32>
        %gather3A_859 = tpu.vector_load_idx %arg5[%add3A_858] : memref<33280xf32, #tpu.memory_space<vmem>>[vector<16xi32>], vector<16xf32>,
        %mul3A_860 = arith.constant 16 : i32
        %mul3A_861 = arith.muli %scan3A_409, %mul3A_860 : i32
        %swap3A_862 = arith.constant 1 : i32
        %swap3A_863 = arith.constant 34 : i32
        %swap3A_864 = arith.index_cast %swap3A_862 : i32 to index
        %swap3A_865 = arith.index_cast %swap3A_863 : i32 to index
        %swap3A_866 = arith.index_cast %mul3A_861 : i32 to index
        %swap3A_867 = tpu.vector_load %arg7[%swap3A_864, %swap3A_865, %swap3A_866] {strides = array<i32>} : memref<2x64x512xf32, #tpu.memory_space<vmem>>, vector<16xf32>,
        tpu.vector_store %arg7[%swap3A_864, %swap3A_865, %swap3A_866], %gather3A_763 {strides = array<i32>} : memref<2x64x512xf32, #tpu.memory_space<vmem>>, vector<16xf32>,
        %add3A_868 = arith.constant 43 : i32
        %add3A_869 = vector.broadcast %add3A_868 : i32 to vector<16xi32>
        %add3A_870 = arith.addi %mul3A_417, %add3A_869 : vector<16xi32>
        %gather3A_871 = tpu.vector_load_idx %arg5[%add3A_870] : memref<33280xf32, #tpu.memory_space<vmem>>[vector<16xi32>], vector<16xf32>,
        %mul3A_872 = arith.constant 16 : i32
        %mul3A_873 = arith.muli %scan3A_409, %mul3A_872 : i32
        %swap3A_874 = arith.constant 1 : i32
        %swap3A_875 = arith.constant 35 : i32
        %swap3A_876 = arith.index_cast %swap3A_874 : i32 to index
        %swap3A_877 = arith.index_cast %swap3A_875 : i32 to index
        %swap3A_878 = arith.index_cast %mul3A_873 : i32 to index
        %swap3A_879 = tpu.vector_load %arg7[%swap3A_876, %swap3A_877, %swap3A_878] {strides = array<i32>} : memref<2x64x512xf32, #tpu.memory_space<vmem>>, vector<16xf32>,
        tpu.vector_store %arg7[%swap3A_876, %swap3A_877, %swap3A_878], %gather3A_775 {strides = array<i32>} : memref<2x64x512xf32, #tpu.memory_space<vmem>>, vector<16xf32>,
        %add3A_880 = arith.constant 44 : i32
        %add3A_881 = vector.broadcast %add3A_880 : i32 to vector<16xi32>
        %add3A_882 = arith.addi %mul3A_417, %add3A_881 : vector<16xi32>
        %gather3A_883 = tpu.vector_load_idx %arg5[%add3A_882] : memref<33280xf32, #tpu.memory_space<vmem>>[vector<16xi32>], vector<16xf32>,
        %mul3A_884 = arith.constant 16 : i32
        %mul3A_885 = arith.muli %scan3A_409, %mul3A_884 : i32
        %swap3A_886 = arith.constant 1 : i32
        %swap3A_887 = arith.constant 36 : i32
        %swap3A_888 = arith.index_cast %swap3A_886 : i32 to index
        %swap3A_889 = arith.index_cast %swap3A_887 : i32 to index
        %swap3A_890 = arith.index_cast %mul3A_885 : i32 to index
        %swap3A_891 = tpu.vector_load %arg7[%swap3A_888, %swap3A_889, %swap3A_890] {strides = array<i32>} : memref<2x64x512xf32, #tpu.memory_space<vmem>>, vector<16xf32>,
        tpu.vector_store %arg7[%swap3A_888, %swap3A_889, %swap3A_890], %gather3A_787 {strides = array<i32>} : memref<2x64x512xf32, #tpu.memory_space<vmem>>, vector<16xf32>,
        %add3A_892 = arith.constant 45 : i32
        %add3A_893 = vector.broadcast %add3A_892 : i32 to vector<16xi32>
        %add3A_894 = arith.addi %mul3A_417, %add3A_893 : vector<16xi32>
        %gather3A_895 = tpu.vector_load_idx %arg5[%add3A_894] : memref<33280xf32, #tpu.memory_space<vmem>>[vector<16xi32>], vector<16xf32>,
        %mul3A_896 = arith.constant 16 : i32
        %mul3A_897 = arith.muli %scan3A_409, %mul3A_896 : i32
        %swap3A_898 = arith.constant 1 : i32
        %swap3A_899 = arith.constant 37 : i32
        %swap3A_900 = arith.index_cast %swap3A_898 : i32 to index
        %swap3A_901 = arith.index_cast %swap3A_899 : i32 to index
        %swap3A_902 = arith.index_cast %mul3A_897 : i32 to index
        %swap3A_903 = tpu.vector_load %arg7[%swap3A_900, %swap3A_901, %swap3A_902] {strides = array<i32>} : memref<2x64x512xf32, #tpu.memory_space<vmem>>, vector<16xf32>,
        tpu.vector_store %arg7[%swap3A_900, %swap3A_901, %swap3A_902], %gather3A_799 {strides = array<i32>} : memref<2x64x512xf32, #tpu.memory_space<vmem>>, vector<16xf32>,
        %add3A_904 = arith.constant 46 : i32
        %add3A_905 = vector.broadcast %add3A_904 : i32 to vector<16xi32>
        %add3A_906 = arith.addi %mul3A_417, %add3A_905 : vector<16xi32>
        %gather3A_907 = tpu.vector_load_idx %arg5[%add3A_906] : memref<33280xf32, #tpu.memory_space<vmem>>[vector<16xi32>], vector<16xf32>,
        %mul3A_908 = arith.constant 16 : i32
        %mul3A_909 = arith.muli %scan3A_409, %mul3A_908 : i32
        %swap3A_910 = arith.constant 1 : i32
        %swap3A_911 = arith.constant 38 : i32
        %swap3A_912 = arith.index_cast %swap3A_910 : i32 to index
        %swap3A_913 = arith.index_cast %swap3A_911 : i32 to index
        %swap3A_914 = arith.index_cast %mul3A_909 : i32 to index
        %swap3A_915 = tpu.vector_load %arg7[%swap3A_912, %swap3A_913, %swap3A_914] {strides = array<i32>} : memref<2x64x512xf32, #tpu.memory_space<vmem>>, vector<16xf32>,
        tpu.vector_store %arg7[%swap3A_912, %swap3A_913, %swap3A_914], %gather3A_811 {strides = array<i32>} : memref<2x64x512xf32, #tpu.memory_space<vmem>>, vector<16xf32>,
        %add3A_916 = arith.constant 47 : i32
        %add3A_917 = vector.broadcast %add3A_916 : i32 to vector<16xi32>
        %add3A_918 = arith.addi %mul3A_417, %add3A_917 : vector<16xi32>
        %gather3A_919 = tpu.vector_load_idx %arg5[%add3A_918] : memref<33280xf32, #tpu.memory_space<vmem>>[vector<16xi32>], vector<16xf32>,
        %mul3A_920 = arith.constant 16 : i32
        %mul3A_921 = arith.muli %scan3A_409, %mul3A_920 : i32
        %swap3A_922 = arith.constant 1 : i32
        %swap3A_923 = arith.constant 39 : i32
        %swap3A_924 = arith.index_cast %swap3A_922 : i32 to index
        %swap3A_925 = arith.index_cast %swap3A_923 : i32 to index
        %swap3A_926 = arith.index_cast %mul3A_921 : i32 to index
        %swap3A_927 = tpu.vector_load %arg7[%swap3A_924, %swap3A_925, %swap3A_926] {strides = array<i32>} : memref<2x64x512xf32, #tpu.memory_space<vmem>>, vector<16xf32>,
        tpu.vector_store %arg7[%swap3A_924, %swap3A_925, %swap3A_926], %gather3A_823 {strides = array<i32>} : memref<2x64x512xf32, #tpu.memory_space<vmem>>, vector<16xf32>,
        %add3A_928 = arith.constant 48 : i32
        %add3A_929 = vector.broadcast %add3A_928 : i32 to vector<16xi32>
        %add3A_930 = arith.addi %mul3A_417, %add3A_929 : vector<16xi32>
        %gather3A_931 = tpu.vector_load_idx %arg5[%add3A_930] : memref<33280xf32, #tpu.memory_space<vmem>>[vector<16xi32>], vector<16xf32>,
        %mul3A_932 = arith.constant 16 : i32
        %mul3A_933 = arith.muli %scan3A_409, %mul3A_932 : i32
        %swap3A_934 = arith.constant 1 : i32
        %swap3A_935 = arith.constant 40 : i32
        %swap3A_936 = arith.index_cast %swap3A_934 : i32 to index
        %swap3A_937 = arith.index_cast %swap3A_935 : i32 to index
        %swap3A_938 = arith.index_cast %mul3A_933 : i32 to index
        %swap3A_939 = tpu.vector_load %arg7[%swap3A_936, %swap3A_937, %swap3A_938] {strides = array<i32>} : memref<2x64x512xf32, #tpu.memory_space<vmem>>, vector<16xf32>,
        tpu.vector_store %arg7[%swap3A_936, %swap3A_937, %swap3A_938], %gather3A_835 {strides = array<i32>} : memref<2x64x512xf32, #tpu.memory_space<vmem>>, vector<16xf32>,
        %add3A_940 = arith.constant 49 : i32
        %add3A_941 = vector.broadcast %add3A_940 : i32 to vector<16xi32>
        %add3A_942 = arith.addi %mul3A_417, %add3A_941 : vector<16xi32>
        %gather3A_943 = tpu.vector_load_idx %arg5[%add3A_942] : memref<33280xf32, #tpu.memory_space<vmem>>[vector<16xi32>], vector<16xf32>,
        %mul3A_944 = arith.constant 16 : i32
        %mul3A_945 = arith.muli %scan3A_409, %mul3A_944 : i32
        %swap3A_946 = arith.constant 1 : i32
        %swap3A_947 = arith.constant 41 : i32
        %swap3A_948 = arith.index_cast %swap3A_946 : i32 to index
        %swap3A_949 = arith.index_cast %swap3A_947 : i32 to index
        %swap3A_950 = arith.index_cast %mul3A_945 : i32 to index
        %swap3A_951 = tpu.vector_load %arg7[%swap3A_948, %swap3A_949, %swap3A_950] {strides = array<i32>} : memref<2x64x512xf32, #tpu.memory_space<vmem>>, vector<16xf32>,
        tpu.vector_store %arg7[%swap3A_948, %swap3A_949, %swap3A_950], %gather3A_847 {strides = array<i32>} : memref<2x64x512xf32, #tpu.memory_space<vmem>>, vector<16xf32>,
        %add3A_952 = arith.constant 50 : i32
        %add3A_953 = vector.broadcast %add3A_952 : i32 to vector<16xi32>
        %add3A_954 = arith.addi %mul3A_417, %add3A_953 : vector<16xi32>
        %gather3A_955 = tpu.vector_load_idx %arg5[%add3A_954] : memref<33280xf32, #tpu.memory_space<vmem>>[vector<16xi32>], vector<16xf32>,
        %mul3A_956 = arith.constant 16 : i32
        %mul3A_957 = arith.muli %scan3A_409, %mul3A_956 : i32
        %swap3A_958 = arith.constant 1 : i32
        %swap3A_959 = arith.constant 42 : i32
        %swap3A_960 = arith.index_cast %swap3A_958 : i32 to index
        %swap3A_961 = arith.index_cast %swap3A_959 : i32 to index
        %swap3A_962 = arith.index_cast %mul3A_957 : i32 to index
        %swap3A_963 = tpu.vector_load %arg7[%swap3A_960, %swap3A_961, %swap3A_962] {strides = array<i32>} : memref<2x64x512xf32, #tpu.memory_space<vmem>>, vector<16xf32>,
        tpu.vector_store %arg7[%swap3A_960, %swap3A_961, %swap3A_962], %gather3A_859 {strides = array<i32>} : memref<2x64x512xf32, #tpu.memory_space<vmem>>, vector<16xf32>,
        %add3A_964 = arith.constant 51 : i32
        %add3A_965 = vector.broadcast %add3A_964 : i32 to vector<16xi32>
        %add3A_966 = arith.addi %mul3A_417, %add3A_965 : vector<16xi32>
        %gather3A_967 = tpu.vector_load_idx %arg5[%add3A_966] : memref<33280xf32, #tpu.memory_space<vmem>>[vector<16xi32>], vector<16xf32>,
        %mul3A_968 = arith.constant 16 : i32
        %mul3A_969 = arith.muli %scan3A_409, %mul3A_968 : i32
        %swap3A_970 = arith.constant 1 : i32
        %swap3A_971 = arith.constant 43 : i32
        %swap3A_972 = arith.index_cast %swap3A_970 : i32 to index
        %swap3A_973 = arith.index_cast %swap3A_971 : i32 to index
        %swap3A_974 = arith.index_cast %mul3A_969 : i32 to index
        %swap3A_975 = tpu.vector_load %arg7[%swap3A_972, %swap3A_973, %swap3A_974] {strides = array<i32>} : memref<2x64x512xf32, #tpu.memory_space<vmem>>, vector<16xf32>,
        tpu.vector_store %arg7[%swap3A_972, %swap3A_973, %swap3A_974], %gather3A_871 {strides = array<i32>} : memref<2x64x512xf32, #tpu.memory_space<vmem>>, vector<16xf32>,
        %add3A_976 = arith.constant 52 : i32
        %add3A_977 = vector.broadcast %add3A_976 : i32 to vector<16xi32>
        %add3A_978 = arith.addi %mul3A_417, %add3A_977 : vector<16xi32>
        %gather3A_979 = tpu.vector_load_idx %arg5[%add3A_978] : memref<33280xf32, #tpu.memory_space<vmem>>[vector<16xi32>], vector<16xf32>,
        %mul3A_980 = arith.constant 16 : i32
        %mul3A_981 = arith.muli %scan3A_409, %mul3A_980 : i32
        %swap3A_982 = arith.constant 1 : i32
        %swap3A_983 = arith.constant 44 : i32
        %swap3A_984 = arith.index_cast %swap3A_982 : i32 to index
        %swap3A_985 = arith.index_cast %swap3A_983 : i32 to index
        %swap3A_986 = arith.index_cast %mul3A_981 : i32 to index
        %swap3A_987 = tpu.vector_load %arg7[%swap3A_984, %swap3A_985, %swap3A_986] {strides = array<i32>} : memref<2x64x512xf32, #tpu.memory_space<vmem>>, vector<16xf32>,
        tpu.vector_store %arg7[%swap3A_984, %swap3A_985, %swap3A_986], %gather3A_883 {strides = array<i32>} : memref<2x64x512xf32, #tpu.memory_space<vmem>>, vector<16xf32>,
        %add3A_988 = arith.constant 53 : i32
        %add3A_989 = vector.broadcast %add3A_988 : i32 to vector<16xi32>
        %add3A_990 = arith.addi %mul3A_417, %add3A_989 : vector<16xi32>
        %gather3A_991 = tpu.vector_load_idx %arg5[%add3A_990] : memref<33280xf32, #tpu.memory_space<vmem>>[vector<16xi32>], vector<16xf32>,
        %mul3A_992 = arith.constant 16 : i32
        %mul3A_993 = arith.muli %scan3A_409, %mul3A_992 : i32
        %swap3A_994 = arith.constant 1 : i32
        %swap3A_995 = arith.constant 45 : i32
        %swap3A_996 = arith.index_cast %swap3A_994 : i32 to index
        %swap3A_997 = arith.index_cast %swap3A_995 : i32 to index
        %swap3A_998 = arith.index_cast %mul3A_993 : i32 to index
        %swap3A_999 = tpu.vector_load %arg7[%swap3A_996, %swap3A_997, %swap3A_998] {strides = array<i32>} : memref<2x64x512xf32, #tpu.memory_space<vmem>>, vector<16xf32>,
        tpu.vector_store %arg7[%swap3A_996, %swap3A_997, %swap3A_998], %gather3A_895 {strides = array<i32>} : memref<2x64x512xf32, #tpu.memory_space<vmem>>, vector<16xf32>,
        %add3A_1000 = arith.constant 54 : i32
        %add3A_1001 = vector.broadcast %add3A_1000 : i32 to vector<16xi32>
        %add3A_1002 = arith.addi %mul3A_417, %add3A_1001 : vector<16xi32>
        %gather3A_1003 = tpu.vector_load_idx %arg5[%add3A_1002] : memref<33280xf32, #tpu.memory_space<vmem>>[vector<16xi32>], vector<16xf32>,
        %mul3A_1004 = arith.constant 16 : i32
        %mul3A_1005 = arith.muli %scan3A_409, %mul3A_1004 : i32
        %swap3A_1006 = arith.constant 1 : i32
        %swap3A_1007 = arith.constant 46 : i32
        %swap3A_1008 = arith.index_cast %swap3A_1006 : i32 to index
        %swap3A_1009 = arith.index_cast %swap3A_1007 : i32 to index
        %swap3A_1010 = arith.index_cast %mul3A_1005 : i32 to index
        %swap3A_1011 = tpu.vector_load %arg7[%swap3A_1008, %swap3A_1009, %swap3A_1010] {strides = array<i32>} : memref<2x64x512xf32, #tpu.memory_space<vmem>>, vector<16xf32>,
        tpu.vector_store %arg7[%swap3A_1008, %swap3A_1009, %swap3A_1010], %gather3A_907 {strides = array<i32>} : memref<2x64x512xf32, #tpu.memory_space<vmem>>, vector<16xf32>,
        %add3A_1012 = arith.constant 55 : i32
        %add3A_1013 = vector.broadcast %add3A_1012 : i32 to vector<16xi32>
        %add3A_1014 = arith.addi %mul3A_417, %add3A_1013 : vector<16xi32>
        %gather3A_1015 = tpu.vector_load_idx %arg5[%add3A_1014] : memref<33280xf32, #tpu.memory_space<vmem>>[vector<16xi32>], vector<16xf32>,
        %mul3A_1016 = arith.constant 16 : i32
        %mul3A_1017 = arith.muli %scan3A_409, %mul3A_1016 : i32
        %swap3A_1018 = arith.constant 1 : i32
        %swap3A_1019 = arith.constant 47 : i32
        %swap3A_1020 = arith.index_cast %swap3A_1018 : i32 to index
        %swap3A_1021 = arith.index_cast %swap3A_1019 : i32 to index
        %swap3A_1022 = arith.index_cast %mul3A_1017 : i32 to index
        %swap3A_1023 = tpu.vector_load %arg7[%swap3A_1020, %swap3A_1021, %swap3A_1022] {strides = array<i32>} : memref<2x64x512xf32, #tpu.memory_space<vmem>>, vector<16xf32>,
        tpu.vector_store %arg7[%swap3A_1020, %swap3A_1021, %swap3A_1022], %gather3A_919 {strides = array<i32>} : memref<2x64x512xf32, #tpu.memory_space<vmem>>, vector<16xf32>,
        %add3A_1024 = arith.constant 56 : i32
        %add3A_1025 = vector.broadcast %add3A_1024 : i32 to vector<16xi32>
        %add3A_1026 = arith.addi %mul3A_417, %add3A_1025 : vector<16xi32>
        %gather3A_1027 = tpu.vector_load_idx %arg5[%add3A_1026] : memref<33280xf32, #tpu.memory_space<vmem>>[vector<16xi32>], vector<16xf32>,
        %mul3A_1028 = arith.constant 16 : i32
        %mul3A_1029 = arith.muli %scan3A_409, %mul3A_1028 : i32
        %swap3A_1030 = arith.constant 1 : i32
        %swap3A_1031 = arith.constant 48 : i32
        %swap3A_1032 = arith.index_cast %swap3A_1030 : i32 to index
        %swap3A_1033 = arith.index_cast %swap3A_1031 : i32 to index
        %swap3A_1034 = arith.index_cast %mul3A_1029 : i32 to index
        %swap3A_1035 = tpu.vector_load %arg7[%swap3A_1032, %swap3A_1033, %swap3A_1034] {strides = array<i32>} : memref<2x64x512xf32, #tpu.memory_space<vmem>>, vector<16xf32>,
        tpu.vector_store %arg7[%swap3A_1032, %swap3A_1033, %swap3A_1034], %gather3A_931 {strides = array<i32>} : memref<2x64x512xf32, #tpu.memory_space<vmem>>, vector<16xf32>,
        %add3A_1036 = arith.constant 57 : i32
        %add3A_1037 = vector.broadcast %add3A_1036 : i32 to vector<16xi32>
        %add3A_1038 = arith.addi %mul3A_417, %add3A_1037 : vector<16xi32>
        %gather3A_1039 = tpu.vector_load_idx %arg5[%add3A_1038] : memref<33280xf32, #tpu.memory_space<vmem>>[vector<16xi32>], vector<16xf32>,
        %mul3A_1040 = arith.constant 16 : i32
        %mul3A_1041 = arith.muli %scan3A_409, %mul3A_1040 : i32
        %swap3A_1042 = arith.constant 1 : i32
        %swap3A_1043 = arith.constant 49 : i32
        %swap3A_1044 = arith.index_cast %swap3A_1042 : i32 to index
        %swap3A_1045 = arith.index_cast %swap3A_1043 : i32 to index
        %swap3A_1046 = arith.index_cast %mul3A_1041 : i32 to index
        %swap3A_1047 = tpu.vector_load %arg7[%swap3A_1044, %swap3A_1045, %swap3A_1046] {strides = array<i32>} : memref<2x64x512xf32, #tpu.memory_space<vmem>>, vector<16xf32>,
        tpu.vector_store %arg7[%swap3A_1044, %swap3A_1045, %swap3A_1046], %gather3A_943 {strides = array<i32>} : memref<2x64x512xf32, #tpu.memory_space<vmem>>, vector<16xf32>,
        %add3A_1048 = arith.constant 58 : i32
        %add3A_1049 = vector.broadcast %add3A_1048 : i32 to vector<16xi32>
        %add3A_1050 = arith.addi %mul3A_417, %add3A_1049 : vector<16xi32>
        %gather3A_1051 = tpu.vector_load_idx %arg5[%add3A_1050] : memref<33280xf32, #tpu.memory_space<vmem>>[vector<16xi32>], vector<16xf32>,
        %mul3A_1052 = arith.constant 16 : i32
        %mul3A_1053 = arith.muli %scan3A_409, %mul3A_1052 : i32
        %swap3A_1054 = arith.constant 1 : i32
        %swap3A_1055 = arith.constant 50 : i32
        %swap3A_1056 = arith.index_cast %swap3A_1054 : i32 to index
        %swap3A_1057 = arith.index_cast %swap3A_1055 : i32 to index
        %swap3A_1058 = arith.index_cast %mul3A_1053 : i32 to index
        %swap3A_1059 = tpu.vector_load %arg7[%swap3A_1056, %swap3A_1057, %swap3A_1058] {strides = array<i32>} : memref<2x64x512xf32, #tpu.memory_space<vmem>>, vector<16xf32>,
        tpu.vector_store %arg7[%swap3A_1056, %swap3A_1057, %swap3A_1058], %gather3A_955 {strides = array<i32>} : memref<2x64x512xf32, #tpu.memory_space<vmem>>, vector<16xf32>,
        %add3A_1060 = arith.constant 59 : i32
        %add3A_1061 = vector.broadcast %add3A_1060 : i32 to vector<16xi32>
        %add3A_1062 = arith.addi %mul3A_417, %add3A_1061 : vector<16xi32>
        %gather3A_1063 = tpu.vector_load_idx %arg5[%add3A_1062] : memref<33280xf32, #tpu.memory_space<vmem>>[vector<16xi32>], vector<16xf32>,
        %mul3A_1064 = arith.constant 16 : i32
        %mul3A_1065 = arith.muli %scan3A_409, %mul3A_1064 : i32
        %swap3A_1066 = arith.constant 1 : i32
        %swap3A_1067 = arith.constant 51 : i32
        %swap3A_1068 = arith.index_cast %swap3A_1066 : i32 to index
        %swap3A_1069 = arith.index_cast %swap3A_1067 : i32 to index
        %swap3A_1070 = arith.index_cast %mul3A_1065 : i32 to index
        %swap3A_1071 = tpu.vector_load %arg7[%swap3A_1068, %swap3A_1069, %swap3A_1070] {strides = array<i32>} : memref<2x64x512xf32, #tpu.memory_space<vmem>>, vector<16xf32>,
        tpu.vector_store %arg7[%swap3A_1068, %swap3A_1069, %swap3A_1070], %gather3A_967 {strides = array<i32>} : memref<2x64x512xf32, #tpu.memory_space<vmem>>, vector<16xf32>,
        %add3A_1072 = arith.constant 60 : i32
        %add3A_1073 = vector.broadcast %add3A_1072 : i32 to vector<16xi32>
        %add3A_1074 = arith.addi %mul3A_417, %add3A_1073 : vector<16xi32>
        %gather3A_1075 = tpu.vector_load_idx %arg5[%add3A_1074] : memref<33280xf32, #tpu.memory_space<vmem>>[vector<16xi32>], vector<16xf32>,
        %mul3A_1076 = arith.constant 16 : i32
        %mul3A_1077 = arith.muli %scan3A_409, %mul3A_1076 : i32
        %swap3A_1078 = arith.constant 1 : i32
        %swap3A_1079 = arith.constant 52 : i32
        %swap3A_1080 = arith.index_cast %swap3A_1078 : i32 to index
        %swap3A_1081 = arith.index_cast %swap3A_1079 : i32 to index
        %swap3A_1082 = arith.index_cast %mul3A_1077 : i32 to index
        %swap3A_1083 = tpu.vector_load %arg7[%swap3A_1080, %swap3A_1081, %swap3A_1082] {strides = array<i32>} : memref<2x64x512xf32, #tpu.memory_space<vmem>>, vector<16xf32>,
        tpu.vector_store %arg7[%swap3A_1080, %swap3A_1081, %swap3A_1082], %gather3A_979 {strides = array<i32>} : memref<2x64x512xf32, #tpu.memory_space<vmem>>, vector<16xf32>,
        %add3A_1084 = arith.constant 61 : i32
        %add3A_1085 = vector.broadcast %add3A_1084 : i32 to vector<16xi32>
        %add3A_1086 = arith.addi %mul3A_417, %add3A_1085 : vector<16xi32>
        %gather3A_1087 = tpu.vector_load_idx %arg5[%add3A_1086] : memref<33280xf32, #tpu.memory_space<vmem>>[vector<16xi32>], vector<16xf32>,
        %mul3A_1088 = arith.constant 16 : i32
        %mul3A_1089 = arith.muli %scan3A_409, %mul3A_1088 : i32
        %swap3A_1090 = arith.constant 1 : i32
        %swap3A_1091 = arith.constant 53 : i32
        %swap3A_1092 = arith.index_cast %swap3A_1090 : i32 to index
        %swap3A_1093 = arith.index_cast %swap3A_1091 : i32 to index
        %swap3A_1094 = arith.index_cast %mul3A_1089 : i32 to index
        %swap3A_1095 = tpu.vector_load %arg7[%swap3A_1092, %swap3A_1093, %swap3A_1094] {strides = array<i32>} : memref<2x64x512xf32, #tpu.memory_space<vmem>>, vector<16xf32>,
        tpu.vector_store %arg7[%swap3A_1092, %swap3A_1093, %swap3A_1094], %gather3A_991 {strides = array<i32>} : memref<2x64x512xf32, #tpu.memory_space<vmem>>, vector<16xf32>,
        %add3A_1096 = arith.constant 62 : i32
        %add3A_1097 = vector.broadcast %add3A_1096 : i32 to vector<16xi32>
        %add3A_1098 = arith.addi %mul3A_417, %add3A_1097 : vector<16xi32>
        %gather3A_1099 = tpu.vector_load_idx %arg5[%add3A_1098] : memref<33280xf32, #tpu.memory_space<vmem>>[vector<16xi32>], vector<16xf32>,
        %mul3A_1100 = arith.constant 16 : i32
        %mul3A_1101 = arith.muli %scan3A_409, %mul3A_1100 : i32
        %swap3A_1102 = arith.constant 1 : i32
        %swap3A_1103 = arith.constant 54 : i32
        %swap3A_1104 = arith.index_cast %swap3A_1102 : i32 to index
        %swap3A_1105 = arith.index_cast %swap3A_1103 : i32 to index
        %swap3A_1106 = arith.index_cast %mul3A_1101 : i32 to index
        %swap3A_1107 = tpu.vector_load %arg7[%swap3A_1104, %swap3A_1105, %swap3A_1106] {strides = array<i32>} : memref<2x64x512xf32, #tpu.memory_space<vmem>>, vector<16xf32>,
        tpu.vector_store %arg7[%swap3A_1104, %swap3A_1105, %swap3A_1106], %gather3A_1003 {strides = array<i32>} : memref<2x64x512xf32, #tpu.memory_space<vmem>>, vector<16xf32>,
        %add3A_1108 = arith.constant 63 : i32
        %add3A_1109 = vector.broadcast %add3A_1108 : i32 to vector<16xi32>
        %add3A_1110 = arith.addi %mul3A_417, %add3A_1109 : vector<16xi32>
        %gather3A_1111 = tpu.vector_load_idx %arg5[%add3A_1110] : memref<33280xf32, #tpu.memory_space<vmem>>[vector<16xi32>], vector<16xf32>,
        %mul3A_1112 = arith.constant 16 : i32
        %mul3A_1113 = arith.muli %scan3A_409, %mul3A_1112 : i32
        %swap3A_1114 = arith.constant 1 : i32
        %swap3A_1115 = arith.constant 55 : i32
        %swap3A_1116 = arith.index_cast %swap3A_1114 : i32 to index
        %swap3A_1117 = arith.index_cast %swap3A_1115 : i32 to index
        %swap3A_1118 = arith.index_cast %mul3A_1113 : i32 to index
        %swap3A_1119 = tpu.vector_load %arg7[%swap3A_1116, %swap3A_1117, %swap3A_1118] {strides = array<i32>} : memref<2x64x512xf32, #tpu.memory_space<vmem>>, vector<16xf32>,
        tpu.vector_store %arg7[%swap3A_1116, %swap3A_1117, %swap3A_1118], %gather3A_1015 {strides = array<i32>} : memref<2x64x512xf32, #tpu.memory_space<vmem>>, vector<16xf32>,
        %mul3A_1120 = arith.constant 16 : i32
        %mul3A_1121 = arith.muli %scan3A_409, %mul3A_1120 : i32
        %swap3A_1122 = arith.constant 1 : i32
        %swap3A_1123 = arith.constant 56 : i32
        %swap3A_1124 = arith.index_cast %swap3A_1122 : i32 to index
        %swap3A_1125 = arith.index_cast %swap3A_1123 : i32 to index
        %swap3A_1126 = arith.index_cast %mul3A_1121 : i32 to index
        %swap3A_1127 = tpu.vector_load %arg7[%swap3A_1124, %swap3A_1125, %swap3A_1126] {strides = array<i32>} : memref<2x64x512xf32, #tpu.memory_space<vmem>>, vector<16xf32>,
        tpu.vector_store %arg7[%swap3A_1124, %swap3A_1125, %swap3A_1126], %gather3A_1027 {strides = array<i32>} : memref<2x64x512xf32, #tpu.memory_space<vmem>>, vector<16xf32>,
        %mul3A_1128 = arith.constant 16 : i32
        %mul3A_1129 = arith.muli %scan3A_409, %mul3A_1128 : i32
        %swap3A_1130 = arith.constant 1 : i32
        %swap3A_1131 = arith.constant 57 : i32
        %swap3A_1132 = arith.index_cast %swap3A_1130 : i32 to index
        %swap3A_1133 = arith.index_cast %swap3A_1131 : i32 to index
        %swap3A_1134 = arith.index_cast %mul3A_1129 : i32 to index
        %swap3A_1135 = tpu.vector_load %arg7[%swap3A_1132, %swap3A_1133, %swap3A_1134] {strides = array<i32>} : memref<2x64x512xf32, #tpu.memory_space<vmem>>, vector<16xf32>,
        tpu.vector_store %arg7[%swap3A_1132, %swap3A_1133, %swap3A_1134], %gather3A_1039 {strides = array<i32>} : memref<2x64x512xf32, #tpu.memory_space<vmem>>, vector<16xf32>,
        %mul3A_1136 = arith.constant 16 : i32
        %mul3A_1137 = arith.muli %scan3A_409, %mul3A_1136 : i32
        %swap3A_1138 = arith.constant 1 : i32
        %swap3A_1139 = arith.constant 58 : i32
        %swap3A_1140 = arith.index_cast %swap3A_1138 : i32 to index
        %swap3A_1141 = arith.index_cast %swap3A_1139 : i32 to index
        %swap3A_1142 = arith.index_cast %mul3A_1137 : i32 to index
        %swap3A_1143 = tpu.vector_load %arg7[%swap3A_1140, %swap3A_1141, %swap3A_1142] {strides = array<i32>} : memref<2x64x512xf32, #tpu.memory_space<vmem>>, vector<16xf32>,
        tpu.vector_store %arg7[%swap3A_1140, %swap3A_1141, %swap3A_1142], %gather3A_1051 {strides = array<i32>} : memref<2x64x512xf32, #tpu.memory_space<vmem>>, vector<16xf32>,
        %mul3A_1144 = arith.constant 16 : i32
        %mul3A_1145 = arith.muli %scan3A_409, %mul3A_1144 : i32
        %swap3A_1146 = arith.constant 1 : i32
        %swap3A_1147 = arith.constant 59 : i32
        %swap3A_1148 = arith.index_cast %swap3A_1146 : i32 to index
        %swap3A_1149 = arith.index_cast %swap3A_1147 : i32 to index
        %swap3A_1150 = arith.index_cast %mul3A_1145 : i32 to index
        %swap3A_1151 = tpu.vector_load %arg7[%swap3A_1148, %swap3A_1149, %swap3A_1150] {strides = array<i32>} : memref<2x64x512xf32, #tpu.memory_space<vmem>>, vector<16xf32>,
        tpu.vector_store %arg7[%swap3A_1148, %swap3A_1149, %swap3A_1150], %gather3A_1063 {strides = array<i32>} : memref<2x64x512xf32, #tpu.memory_space<vmem>>, vector<16xf32>,
        %mul3A_1152 = arith.constant 16 : i32
        %mul3A_1153 = arith.muli %scan3A_409, %mul3A_1152 : i32
        %swap3A_1154 = arith.constant 1 : i32
        %swap3A_1155 = arith.constant 60 : i32
        %swap3A_1156 = arith.index_cast %swap3A_1154 : i32 to index
        %swap3A_1157 = arith.index_cast %swap3A_1155 : i32 to index
        %swap3A_1158 = arith.index_cast %mul3A_1153 : i32 to index
        %swap3A_1159 = tpu.vector_load %arg7[%swap3A_1156, %swap3A_1157, %swap3A_1158] {strides = array<i32>} : memref<2x64x512xf32, #tpu.memory_space<vmem>>, vector<16xf32>,
        tpu.vector_store %arg7[%swap3A_1156, %swap3A_1157, %swap3A_1158], %gather3A_1075 {strides = array<i32>} : memref<2x64x512xf32, #tpu.memory_space<vmem>>, vector<16xf32>,
        %mul3A_1160 = arith.constant 16 : i32
        %mul3A_1161 = arith.muli %scan3A_409, %mul3A_1160 : i32
        %swap3A_1162 = arith.constant 1 : i32
        %swap3A_1163 = arith.constant 61 : i32
        %swap3A_1164 = arith.index_cast %swap3A_1162 : i32 to index
        %swap3A_1165 = arith.index_cast %swap3A_1163 : i32 to index
        %swap3A_1166 = arith.index_cast %mul3A_1161 : i32 to index
        %swap3A_1167 = tpu.vector_load %arg7[%swap3A_1164, %swap3A_1165, %swap3A_1166] {strides = array<i32>} : memref<2x64x512xf32, #tpu.memory_space<vmem>>, vector<16xf32>,
        tpu.vector_store %arg7[%swap3A_1164, %swap3A_1165, %swap3A_1166], %gather3A_1087 {strides = array<i32>} : memref<2x64x512xf32, #tpu.memory_space<vmem>>, vector<16xf32>,
        %mul3A_1168 = arith.constant 16 : i32
        %mul3A_1169 = arith.muli %scan3A_409, %mul3A_1168 : i32
        %swap3A_1170 = arith.constant 1 : i32
        %swap3A_1171 = arith.constant 62 : i32
        %swap3A_1172 = arith.index_cast %swap3A_1170 : i32 to index
        %swap3A_1173 = arith.index_cast %swap3A_1171 : i32 to index
        %swap3A_1174 = arith.index_cast %mul3A_1169 : i32 to index
        %swap3A_1175 = tpu.vector_load %arg7[%swap3A_1172, %swap3A_1173, %swap3A_1174] {strides = array<i32>} : memref<2x64x512xf32, #tpu.memory_space<vmem>>, vector<16xf32>,
        tpu.vector_store %arg7[%swap3A_1172, %swap3A_1173, %swap3A_1174], %gather3A_1099 {strides = array<i32>} : memref<2x64x512xf32, #tpu.memory_space<vmem>>, vector<16xf32>,
        %mul3A_1176 = arith.constant 16 : i32
        %mul3A_1177 = arith.muli %scan3A_409, %mul3A_1176 : i32
        %swap3A_1178 = arith.constant 1 : i32
        %swap3A_1179 = arith.constant 63 : i32
        %swap3A_1180 = arith.index_cast %swap3A_1178 : i32 to index
        %swap3A_1181 = arith.index_cast %swap3A_1179 : i32 to index
        %swap3A_1182 = arith.index_cast %mul3A_1177 : i32 to index
        %swap3A_1183 = tpu.vector_load %arg7[%swap3A_1180, %swap3A_1181, %swap3A_1182] {strides = array<i32>} : memref<2x64x512xf32, #tpu.memory_space<vmem>>, vector<16xf32>,
        tpu.vector_store %arg7[%swap3A_1180, %swap3A_1181, %swap3A_1182], %gather3A_1111 {strides = array<i32>} : memref<2x64x512xf32, #tpu.memory_space<vmem>>, vector<16xf32>,
      }
      %scan3A_392 = arith.constant 32 : i32
      %add3A_393 = arith.addi %mul3A_32, %add3A_347 : i32
      %dma_start3A_394 = arith.constant 1 : i32
      %dma_start3A_395 = arith.constant 0 : i32
      %dma_start3A_396 = arith.constant 0 : i32
      %dma_start3A_397 = tpu.memref_slice %arg7[%dma_start3A_394, %dma_start3A_395, %dma_start3A_396] : memref<2x64x512xf32, #tpu.memory_space<vmem>> -> memref<1x64x512xf32, #tpu.memory_space<vmem>>
      %dma_start3A_398 = tpu.memref_squeeze %dma_start3A_397 : memref<1x64x512xf32, #tpu.memory_space<vmem>> -> memref<64x512xf32, #tpu.memory_space<vmem>>
      %dma_start3A_399 = arith.constant 0 : i32
      %dma_start3A_400 = tpu.memref_slice %arg4[%add3A_393, %dma_start3A_399, %mul3A_34] : memref<200x64x4096xf32, #tpu.memory_space<hbm>> -> memref<1x64x512xf32, #tpu.memory_space<hbm>>
      %dma_start3A_401 = tpu.memref_squeeze %dma_start3A_400 : memref<1x64x512xf32, #tpu.memory_space<hbm>> -> memref<64x512xf32, #tpu.memory_space<hbm>>
      %dma_start3A_402 = arith.constant 0 : i32
      %dma_start3A_403 = tpu.memref_slice %arg4[%add3A_393, %dma_start3A_402, %mul3A_34] : memref<200x64x4096xf32, #tpu.memory_space<hbm>> -> memref<1x64x512xf32, #tpu.memory_space<hbm>>
      %dma_start3A_404 = tpu.memref_squeeze %dma_start3A_403 : memref<1x64x512xf32, #tpu.memory_space<hbm>> -> memref<64x512xf32, #tpu.memory_space<hbm>>
      %dma_start3A_405 = arith.constant 0 : i32
      %dma_start3A_406 = arith.constant 0 : i32
      %dma_start3A_407 = tpu.memref_slice %arg7[%dma_start3A_394, %dma_start3A_405, %dma_start3A_406] : memref<2x64x512xf32, #tpu.memory_space<vmem>> -> memref<1x64x512xf32, #tpu.memory_space<vmem>>
      %dma_start3A_408 = tpu.memref_squeeze %dma_start3A_407 : memref<1x64x512xf32, #tpu.memory_space<vmem>> -> memref<64x512xf32, #tpu.memory_space<vmem>>
      tpu.enqueue_dma source(%dma_start3A_408 : memref<64x512xf32, #tpu.memory_space<vmem>>) target(%dma_start3A_404 : memref<64x512xf32, #tpu.memory_space<hbm>>) target_semaphore(%arg11 : memref<!tpu.dma_semaphore, #tpu.memory_space<semaphore_mem>>)
    }
    %scan3A_143 = arith.constant 23 : i32
    %dma_wait3A_144 = arith.constant 0 : i32
    %dma_wait3A_145 = arith.constant 0 : i32
    %dma_wait3A_146 = tpu.memref_slice %arg6[%dma_wait3A_144, %dma_wait3A_145] : memref<2x512xi32, #tpu.memory_space<vmem>> -> memref<1x512xi32, #tpu.memory_space<vmem>>
    %dma_wait3A_147 = tpu.memref_squeeze %dma_wait3A_146 : memref<1x512xi32, #tpu.memory_space<vmem>> -> memref<512xi32, #tpu.memory_space<vmem>>
    %dma_wait3A_148 = tpu.memref_slice %arg2[%mul3A_34] : memref<819200xi32, #tpu.memory_space<hbm>> -> memref<512xi32, #tpu.memory_space<hbm>>
    %dma_wait3A_149 = arith.constant 0 : i32
    %dma_wait3A_150 = tpu.memref_slice %arg6[%dma_wait3A_144, %dma_wait3A_149] : memref<2x512xi32, #tpu.memory_space<vmem>> -> memref<1x512xi32, #tpu.memory_space<vmem>>
    %dma_wait3A_151 = tpu.memref_squeeze %dma_wait3A_150 : memref<1x512xi32, #tpu.memory_space<vmem>> -> memref<512xi32, #tpu.memory_space<vmem>>
    %dma_wait3A_152 = tpu.memref_slice %arg2[%mul3A_34] : memref<819200xi32, #tpu.memory_space<hbm>> -> memref<512xi32, #tpu.memory_space<hbm>>
    tpu.wait_dma2 semaphore(%arg8 : memref<!tpu.dma_semaphore, #tpu.memory_space<semaphore_mem>>) src(%dma_wait3A_152 : memref<512xi32, #tpu.memory_space<hbm>>) dst(%dma_wait3A_151 : memref<512xi32, #tpu.memory_space<vmem>>)
    %add3A_153 = arith.constant 49 : i32
    %add3A_154 = arith.addi %mul3A_32, %add3A_153 : i32
    %mul3A_155 = arith.constant 4096 : i32
    %mul3A_156 = arith.muli %add3A_154, %mul3A_155 : i32
    %add3A_157 = arith.addi %mul3A_156, %mul3A_34 : i32
    %dma_start3A_158 = arith.constant 1 : i32
    %dma_start3A_159 = arith.constant 0 : i32
    %dma_start3A_160 = tpu.memref_slice %arg6[%dma_start3A_158, %dma_start3A_159] : memref<2x512xi32, #tpu.memory_space<vmem>> -> memref<1x512xi32, #tpu.memory_space<vmem>>
    %dma_start3A_161 = tpu.memref_squeeze %dma_start3A_160 : memref<1x512xi32, #tpu.memory_space<vmem>> -> memref<512xi32, #tpu.memory_space<vmem>>
    %dma_start3A_162 = tpu.memref_slice %arg2[%add3A_157] : memref<819200xi32, #tpu.memory_space<hbm>> -> memref<512xi32, #tpu.memory_space<hbm>>
    %dma_start3A_163 = arith.constant 0 : i32
    %dma_start3A_164 = tpu.memref_slice %arg6[%dma_start3A_158, %dma_start3A_163] : memref<2x512xi32, #tpu.memory_space<vmem>> -> memref<1x512xi32, #tpu.memory_space<vmem>>
    %dma_start3A_165 = tpu.memref_squeeze %dma_start3A_164 : memref<1x512xi32, #tpu.memory_space<vmem>> -> memref<512xi32, #tpu.memory_space<vmem>>
    %dma_start3A_166 = tpu.memref_slice %arg2[%add3A_157] : memref<819200xi32, #tpu.memory_space<hbm>> -> memref<512xi32, #tpu.memory_space<hbm>>
    tpu.enqueue_dma source(%dma_start3A_166 : memref<512xi32, #tpu.memory_space<hbm>>) target(%dma_start3A_165 : memref<512xi32, #tpu.memory_space<vmem>>) target_semaphore(%arg9 : memref<!tpu.dma_semaphore, #tpu.memory_space<semaphore_mem>>)
    %dma_wait3A_167 = arith.constant 0 : i32
    %dma_wait3A_168 = arith.constant 0 : i32
    %dma_wait3A_169 = arith.constant 0 : i32
    %dma_wait3A_170 = tpu.memref_slice %arg7[%dma_wait3A_167, %dma_wait3A_168, %dma_wait3A_169] : memref<2x64x512xf32, #tpu.memory_space<vmem>> -> memref<1x64x512xf32, #tpu.memory_space<vmem>>
    %dma_wait3A_171 = tpu.memref_squeeze %dma_wait3A_170 : memref<1x64x512xf32, #tpu.memory_space<vmem>> -> memref<64x512xf32, #tpu.memory_space<vmem>>
    %dma_wait3A_172 = arith.constant 0 : i32
    %dma_wait3A_173 = tpu.memref_slice %arg4[%mul3A_32, %dma_wait3A_172, %mul3A_34] : memref<200x64x4096xf32, #tpu.memory_space<hbm>> -> memref<1x64x512xf32, #tpu.memory_space<hbm>>
    %dma_wait3A_174 = tpu.memref_squeeze %dma_wait3A_173 : memref<1x64x512xf32, #tpu.memory_space<hbm>> -> memref<64x512xf32, #tpu.memory_space<hbm>>
    %dma_wait3A_175 = arith.constant 0 : i32
    %dma_wait3A_176 = tpu.memref_slice %arg4[%mul3A_32, %dma_wait3A_175, %mul3A_34] : memref<200x64x4096xf32, #tpu.memory_space<hbm>> -> memref<1x64x512xf32, #tpu.memory_space<hbm>>
    %dma_wait3A_177 = tpu.memref_squeeze %dma_wait3A_176 : memref<1x64x512xf32, #tpu.memory_space<hbm>> -> memref<64x512xf32, #tpu.memory_space<hbm>>
    %dma_wait3A_178 = arith.constant 0 : i32
    %dma_wait3A_179 = arith.constant 0 : i32
    %dma_wait3A_180 = tpu.memref_slice %arg7[%dma_wait3A_167, %dma_wait3A_178, %dma_wait3A_179] : memref<2x64x512xf32, #tpu.memory_space<vmem>> -> memref<1x64x512xf32, #tpu.memory_space<vmem>>
    %dma_wait3A_181 = tpu.memref_squeeze %dma_wait3A_180 : memref<1x64x512xf32, #tpu.memory_space<vmem>> -> memref<64x512xf32, #tpu.memory_space<vmem>>
    tpu.wait_dma2 semaphore(%arg10 : memref<!tpu.dma_semaphore, #tpu.memory_space<semaphore_mem>>) src(%dma_wait3A_181 : memref<64x512xf32, #tpu.memory_space<vmem>>) dst(%dma_wait3A_177 : memref<64x512xf32, #tpu.memory_space<hbm>>)
    %scan3A_182 = arith.constant 0 : i32
    %scan3A_183 = arith.constant 0 : i32
    %scan3A_184 = arith.constant 32 : i32
    %scan3A_185 = arith.addi %scan3A_183, %scan3A_184 : i32
    %scan3A_186 = arith.constant 1 : i32
    scf.for %scan3A_282 = %scan3A_183 to %scan3A_185 step %scan3A_186  : i32 {
      %mul3A_283 = arith.constant 16 : i32
      %mul3A_284 = arith.muli %scan3A_282, %mul3A_283 : i32
      %get3A = arith.constant 0 : i32
      %get3A_285 = arith.index_cast %get3A : i32 to index
      %get3A_286 = arith.index_cast %mul3A_284 : i32 to index
      %get3A_287 = tpu.vector_load %arg6[%get3A_285, %get3A_286] {strides = array<i32>} : memref<2x512xi32, #tpu.memory_space<vmem>>, vector<16xi32>,
      %mul3A_288 = arith.constant 65 : i32
      %mul3A_289 = vector.broadcast %mul3A_288 : i32 to vector<16xi32>
      %mul3A_290 = arith.muli %get3A_287, %mul3A_289 : vector<16xi32>
      %add3A_291 = arith.constant 0 : i32
      %add3A_292 = vector.broadcast %add3A_291 : i32 to vector<16xi32>
      %add3A_293 = arith.addi %mul3A_290, %add3A_292 : vector<16xi32>
      %gather3A = tpu.vector_load_idx %arg5[%add3A_293] : memref<33280xf32, #tpu.memory_space<vmem>>[vector<16xi32>], vector<16xf32>,
      %add3A_294 = arith.constant 1 : i32
      %add3A_295 = vector.broadcast %add3A_294 : i32 to vector<16xi32>
      %add3A_296 = arith.addi %mul3A_290, %add3A_295 : vector<16xi32>
      %gather3A_297 = tpu.vector_load_idx %arg5[%add3A_296] : memref<33280xf32, #tpu.memory_space<vmem>>[vector<16xi32>], vector<16xf32>,
      %add3A_298 = arith.constant 2 : i32
      %add3A_299 = vector.broadcast %add3A_298 : i32 to vector<16xi32>
      %add3A_300 = arith.addi %mul3A_290, %add3A_299 : vector<16xi32>
      %gather3A_301 = tpu.vector_load_idx %arg5[%add3A_300] : memref<33280xf32, #tpu.memory_space<vmem>>[vector<16xi32>], vector<16xf32>,
      %add3A_302 = arith.constant 3 : i32
      %add3A_303 = vector.broadcast %add3A_302 : i32 to vector<16xi32>
      %add3A_304 = arith.addi %mul3A_290, %add3A_303 : vector<16xi32>
      %gather3A_305 = tpu.vector_load_idx %arg5[%add3A_304] : memref<33280xf32, #tpu.memory_space<vmem>>[vector<16xi32>], vector<16xf32>,
      %add3A_306 = arith.constant 4 : i32
      %add3A_307 = vector.broadcast %add3A_306 : i32 to vector<16xi32>
      %add3A_308 = arith.addi %mul3A_290, %add3A_307 : vector<16xi32>
      %gather3A_309 = tpu.vector_load_idx %arg5[%add3A_308] : memref<33280xf32, #tpu.memory_space<vmem>>[vector<16xi32>], vector<16xf32>,
      %add3A_310 = arith.constant 5 : i32
      %add3A_311 = vector.broadcast %add3A_310 : i32 to vector<16xi32>
      %add3A_312 = arith.addi %mul3A_290, %add3A_311 : vector<16xi32>
      %gather3A_313 = tpu.vector_load_idx %arg5[%add3A_312] : memref<33280xf32, #tpu.memory_space<vmem>>[vector<16xi32>], vector<16xf32>,
      %add3A_314 = arith.constant 6 : i32
      %add3A_315 = vector.broadcast %add3A_314 : i32 to vector<16xi32>
      %add3A_316 = arith.addi %mul3A_290, %add3A_315 : vector<16xi32>
      %gather3A_317 = tpu.vector_load_idx %arg5[%add3A_316] : memref<33280xf32, #tpu.memory_space<vmem>>[vector<16xi32>], vector<16xf32>,
      %add3A_318 = arith.constant 7 : i32
      %add3A_319 = vector.broadcast %add3A_318 : i32 to vector<16xi32>
      %add3A_320 = arith.addi %mul3A_290, %add3A_319 : vector<16xi32>
      %gather3A_321 = tpu.vector_load_idx %arg5[%add3A_320] : memref<33280xf32, #tpu.memory_space<vmem>>[vector<16xi32>], vector<16xf32>,
      %add3A_322 = arith.constant 8 : i32
      %add3A_323 = vector.broadcast %add3A_322 : i32 to vector<16xi32>
      %add3A_324 = arith.addi %mul3A_290, %add3A_323 : vector<16xi32>
      %gather3A_325 = tpu.vector_load_idx %arg5[%add3A_324] : memref<33280xf32, #tpu.memory_space<vmem>>[vector<16xi32>], vector<16xf32>,
      %mul3A_326 = arith.constant 16 : i32
      %mul3A_327 = arith.muli %scan3A_282, %mul3A_326 : i32
      %swap3A = arith.constant 0 : i32
      %swap3A_328 = arith.constant 0 : i32
      %swap3A_329 = arith.index_cast %swap3A : i32 to index
      %swap3A_330 = arith.index_cast %swap3A_328 : i32 to index
      %swap3A_331 = arith.index_cast %mul3A_327 : i32 to index
      %swap3A_332 = tpu.vector_load %arg7[%swap3A_329, %swap3A_330, %swap3A_331] {strides = array<i32>} : memref<2x64x512xf32, #tpu.memory_space<vmem>>, vector<16xf32>,
      tpu.vector_store %arg7[%swap3A_329, %swap3A_330, %swap3A_331], %gather3A {strides = array<i32>} : memref<2x64x512xf32, #tpu.memory_space<vmem>>, vector<16xf32>,
      %add3A_333 = arith.constant 9 : i32
      %add3A_334 = vector.broadcast %add3A_333 : i32 to vector<16xi32>
      %add3A_335 = arith.addi %mul3A_290, %add3A_334 : vector<16xi32>
      %gather3A_336 = tpu.vector_load_idx %arg5[%add3A_335] : memref<33280xf32, #tpu.memory_space<vmem>>[vector<16xi32>], vector<16xf32>,
      %mul3A_337 = arith.constant 16 : i32
      %mul3A_338 = arith.muli %scan3A_282, %mul3A_337 : i32
      %swap3A_339 = arith.constant 0 : i32
      %swap3A_340 = arith.constant 1 : i32
      %swap3A_341 = arith.index_cast %swap3A_339 : i32 to index
      %swap3A_342 = arith.index_cast %swap3A_340 : i32 to index
      %swap3A_343 = arith.index_cast %mul3A_338 : i32 to index
      %swap3A_344 = tpu.vector_load %arg7[%swap3A_341, %swap3A_342, %swap3A_343] {strides = array<i32>} : memref<2x64x512xf32, #tpu.memory_space<vmem>>, vector<16xf32>,
      tpu.vector_store %arg7[%swap3A_341, %swap3A_342, %swap3A_343], %gather3A_297 {strides = array<i32>} : memref<2x64x512xf32, #tpu.memory_space<vmem>>, vector<16xf32>,
      %add3A_345 = arith.constant 10 : i32
      %add3A_346 = vector.broadcast %add3A_345 : i32 to vector<16xi32>
      %add3A_347 = arith.addi %mul3A_290, %add3A_346 : vector<16xi32>
      %gather3A_348 = tpu.vector_load_idx %arg5[%add3A_347] : memref<33280xf32, #tpu.memory_space<vmem>>[vector<16xi32>], vector<16xf32>,
      %mul3A_349 = arith.constant 16 : i32
      %mul3A_350 = arith.muli %scan3A_282, %mul3A_349 : i32
      %swap3A_351 = arith.constant 0 : i32
      %swap3A_352 = arith.constant 2 : i32
      %swap3A_353 = arith.index_cast %swap3A_351 : i32 to index
      %swap3A_354 = arith.index_cast %swap3A_352 : i32 to index
      %swap3A_355 = arith.index_cast %mul3A_350 : i32 to index
      %swap3A_356 = tpu.vector_load %arg7[%swap3A_353, %swap3A_354, %swap3A_355] {strides = array<i32>} : memref<2x64x512xf32, #tpu.memory_space<vmem>>, vector<16xf32>,
      tpu.vector_store %arg7[%swap3A_353, %swap3A_354, %swap3A_355], %gather3A_301 {strides = array<i32>} : memref<2x64x512xf32, #tpu.memory_space<vmem>>, vector<16xf32>,
      %add3A_357 = arith.constant 11 : i32
      %add3A_358 = vector.broadcast %add3A_357 : i32 to vector<16xi32>
      %add3A_359 = arith.addi %mul3A_290, %add3A_358 : vector<16xi32>
      %gather3A_360 = tpu.vector_load_idx %arg5[%add3A_359] : memref<33280xf32, #tpu.memory_space<vmem>>[vector<16xi32>], vector<16xf32>,
      %mul3A_361 = arith.constant 16 : i32
      %mul3A_362 = arith.muli %scan3A_282, %mul3A_361 : i32
      %swap3A_363 = arith.constant 0 : i32
      %swap3A_364 = arith.constant 3 : i32
      %swap3A_365 = arith.index_cast %swap3A_363 : i32 to index
      %swap3A_366 = arith.index_cast %swap3A_364 : i32 to index
      %swap3A_367 = arith.index_cast %mul3A_362 : i32 to index
      %swap3A_368 = tpu.vector_load %arg7[%swap3A_365, %swap3A_366, %swap3A_367] {strides = array<i32>} : memref<2x64x512xf32, #tpu.memory_space<vmem>>, vector<16xf32>,
      tpu.vector_store %arg7[%swap3A_365, %swap3A_366, %swap3A_367], %gather3A_305 {strides = array<i32>} : memref<2x64x512xf32, #tpu.memory_space<vmem>>, vector<16xf32>,
      %add3A_369 = arith.constant 12 : i32
      %add3A_370 = vector.broadcast %add3A_369 : i32 to vector<16xi32>
      %add3A_371 = arith.addi %mul3A_290, %add3A_370 : vector<16xi32>
      %gather3A_372 = tpu.vector_load_idx %arg5[%add3A_371] : memref<33280xf32, #tpu.memory_space<vmem>>[vector<16xi32>], vector<16xf32>,
      %mul3A_373 = arith.constant 16 : i32
      %mul3A_374 = arith.muli %scan3A_282, %mul3A_373 : i32
      %swap3A_375 = arith.constant 0 : i32
      %swap3A_376 = arith.constant 4 : i32
      %swap3A_377 = arith.index_cast %swap3A_375 : i32 to index
      %swap3A_378 = arith.index_cast %swap3A_376 : i32 to index
      %swap3A_379 = arith.index_cast %mul3A_374 : i32 to index
      %swap3A_380 = tpu.vector_load %arg7[%swap3A_377, %swap3A_378, %swap3A_379] {strides = array<i32>} : memref<2x64x512xf32, #tpu.memory_space<vmem>>, vector<16xf32>,
      tpu.vector_store %arg7[%swap3A_377, %swap3A_378, %swap3A_379], %gather3A_309 {strides = array<i32>} : memref<2x64x512xf32, #tpu.memory_space<vmem>>, vector<16xf32>,
      %add3A_381 = arith.constant 13 : i32
      %add3A_382 = vector.broadcast %add3A_381 : i32 to vector<16xi32>
      %add3A_383 = arith.addi %mul3A_290, %add3A_382 : vector<16xi32>
      %gather3A_384 = tpu.vector_load_idx %arg5[%add3A_383] : memref<33280xf32, #tpu.memory_space<vmem>>[vector<16xi32>], vector<16xf32>,
      %mul3A_385 = arith.constant 16 : i32
      %mul3A_386 = arith.muli %scan3A_282, %mul3A_385 : i32
      %swap3A_387 = arith.constant 0 : i32
      %swap3A_388 = arith.constant 5 : i32
      %swap3A_389 = arith.index_cast %swap3A_387 : i32 to index
      %swap3A_390 = arith.index_cast %swap3A_388 : i32 to index
      %swap3A_391 = arith.index_cast %mul3A_386 : i32 to index
      %swap3A_392 = tpu.vector_load %arg7[%swap3A_389, %swap3A_390, %swap3A_391] {strides = array<i32>} : memref<2x64x512xf32, #tpu.memory_space<vmem>>, vector<16xf32>,
      tpu.vector_store %arg7[%swap3A_389, %swap3A_390, %swap3A_391], %gather3A_313 {strides = array<i32>} : memref<2x64x512xf32, #tpu.memory_space<vmem>>, vector<16xf32>,
      %add3A_393 = arith.constant 14 : i32
      %add3A_394 = vector.broadcast %add3A_393 : i32 to vector<16xi32>
      %add3A_395 = arith.addi %mul3A_290, %add3A_394 : vector<16xi32>
      %gather3A_396 = tpu.vector_load_idx %arg5[%add3A_395] : memref<33280xf32, #tpu.memory_space<vmem>>[vector<16xi32>], vector<16xf32>,
      %mul3A_397 = arith.constant 16 : i32
      %mul3A_398 = arith.muli %scan3A_282, %mul3A_397 : i32
      %swap3A_399 = arith.constant 0 : i32
      %swap3A_400 = arith.constant 6 : i32
      %swap3A_401 = arith.index_cast %swap3A_399 : i32 to index
      %swap3A_402 = arith.index_cast %swap3A_400 : i32 to index
      %swap3A_403 = arith.index_cast %mul3A_398 : i32 to index
      %swap3A_404 = tpu.vector_load %arg7[%swap3A_401, %swap3A_402, %swap3A_403] {strides = array<i32>} : memref<2x64x512xf32, #tpu.memory_space<vmem>>, vector<16xf32>,
      tpu.vector_store %arg7[%swap3A_401, %swap3A_402, %swap3A_403], %gather3A_317 {strides = array<i32>} : memref<2x64x512xf32, #tpu.memory_space<vmem>>, vector<16xf32>,
      %add3A_405 = arith.constant 15 : i32
      %add3A_406 = vector.broadcast %add3A_405 : i32 to vector<16xi32>
      %add3A_407 = arith.addi %mul3A_290, %add3A_406 : vector<16xi32>
      %gather3A_408 = tpu.vector_load_idx %arg5[%add3A_407] : memref<33280xf32, #tpu.memory_space<vmem>>[vector<16xi32>], vector<16xf32>,
      %mul3A_409 = arith.constant 16 : i32
      %mul3A_410 = arith.muli %scan3A_282, %mul3A_409 : i32
      %swap3A_411 = arith.constant 0 : i32
      %swap3A_412 = arith.constant 7 : i32
      %swap3A_413 = arith.index_cast %swap3A_411 : i32 to index
      %swap3A_414 = arith.index_cast %swap3A_412 : i32 to index
      %swap3A_415 = arith.index_cast %mul3A_410 : i32 to index
      %swap3A_416 = tpu.vector_load %arg7[%swap3A_413, %swap3A_414, %swap3A_415] {strides = array<i32>} : memref<2x64x512xf32, #tpu.memory_space<vmem>>, vector<16xf32>,
      tpu.vector_store %arg7[%swap3A_413, %swap3A_414, %swap3A_415], %gather3A_321 {strides = array<i32>} : memref<2x64x512xf32, #tpu.memory_space<vmem>>, vector<16xf32>,
      %add3A_417 = arith.constant 16 : i32
      %add3A_418 = vector.broadcast %add3A_417 : i32 to vector<16xi32>
      %add3A_419 = arith.addi %mul3A_290, %add3A_418 : vector<16xi32>
      %gather3A_420 = tpu.vector_load_idx %arg5[%add3A_419] : memref<33280xf32, #tpu.memory_space<vmem>>[vector<16xi32>], vector<16xf32>,
      %mul3A_421 = arith.constant 16 : i32
      %mul3A_422 = arith.muli %scan3A_282, %mul3A_421 : i32
      %swap3A_423 = arith.constant 0 : i32
      %swap3A_424 = arith.constant 8 : i32
      %swap3A_425 = arith.index_cast %swap3A_423 : i32 to index
      %swap3A_426 = arith.index_cast %swap3A_424 : i32 to index
      %swap3A_427 = arith.index_cast %mul3A_422 : i32 to index
      %swap3A_428 = tpu.vector_load %arg7[%swap3A_425, %swap3A_426, %swap3A_427] {strides = array<i32>} : memref<2x64x512xf32, #tpu.memory_space<vmem>>, vector<16xf32>,
      tpu.vector_store %arg7[%swap3A_425, %swap3A_426, %swap3A_427], %gather3A_325 {strides = array<i32>} : memref<2x64x512xf32, #tpu.memory_space<vmem>>, vector<16xf32>,
      %add3A_429 = arith.constant 17 : i32
      %add3A_430 = vector.broadcast %add3A_429 : i32 to vector<16xi32>
      %add3A_431 = arith.addi %mul3A_290, %add3A_430 : vector<16xi32>
      %gather3A_432 = tpu.vector_load_idx %arg5[%add3A_431] : memref<33280xf32, #tpu.memory_space<vmem>>[vector<16xi32>], vector<16xf32>,
      %mul3A_433 = arith.constant 16 : i32
      %mul3A_434 = arith.muli %scan3A_282, %mul3A_433 : i32
      %swap3A_435 = arith.constant 0 : i32
      %swap3A_436 = arith.constant 9 : i32
      %swap3A_437 = arith.index_cast %swap3A_435 : i32 to index
      %swap3A_438 = arith.index_cast %swap3A_436 : i32 to index
      %swap3A_439 = arith.index_cast %mul3A_434 : i32 to index
      %swap3A_440 = tpu.vector_load %arg7[%swap3A_437, %swap3A_438, %swap3A_439] {strides = array<i32>} : memref<2x64x512xf32, #tpu.memory_space<vmem>>, vector<16xf32>,
      tpu.vector_store %arg7[%swap3A_437, %swap3A_438, %swap3A_439], %gather3A_336 {strides = array<i32>} : memref<2x64x512xf32, #tpu.memory_space<vmem>>, vector<16xf32>,
      %add3A_441 = arith.constant 18 : i32
      %add3A_442 = vector.broadcast %add3A_441 : i32 to vector<16xi32>
      %add3A_443 = arith.addi %mul3A_290, %add3A_442 : vector<16xi32>
      %gather3A_444 = tpu.vector_load_idx %arg5[%add3A_443] : memref<33280xf32, #tpu.memory_space<vmem>>[vector<16xi32>], vector<16xf32>,
      %mul3A_445 = arith.constant 16 : i32
      %mul3A_446 = arith.muli %scan3A_282, %mul3A_445 : i32
      %swap3A_447 = arith.constant 0 : i32
      %swap3A_448 = arith.constant 10 : i32
      %swap3A_449 = arith.index_cast %swap3A_447 : i32 to index
      %swap3A_450 = arith.index_cast %swap3A_448 : i32 to index
      %swap3A_451 = arith.index_cast %mul3A_446 : i32 to index
      %swap3A_452 = tpu.vector_load %arg7[%swap3A_449, %swap3A_450, %swap3A_451] {strides = array<i32>} : memref<2x64x512xf32, #tpu.memory_space<vmem>>, vector<16xf32>,
      tpu.vector_store %arg7[%swap3A_449, %swap3A_450, %swap3A_451], %gather3A_348 {strides = array<i32>} : memref<2x64x512xf32, #tpu.memory_space<vmem>>, vector<16xf32>,
      %add3A_453 = arith.constant 19 : i32
      %add3A_454 = vector.broadcast %add3A_453 : i32 to vector<16xi32>
      %add3A_455 = arith.addi %mul3A_290, %add3A_454 : vector<16xi32>
      %gather3A_456 = tpu.vector_load_idx %arg5[%add3A_455] : memref<33280xf32, #tpu.memory_space<vmem>>[vector<16xi32>], vector<16xf32>,
      %mul3A_457 = arith.constant 16 : i32
      %mul3A_458 = arith.muli %scan3A_282, %mul3A_457 : i32
      %swap3A_459 = arith.constant 0 : i32
      %swap3A_460 = arith.constant 11 : i32
      %swap3A_461 = arith.index_cast %swap3A_459 : i32 to index
      %swap3A_462 = arith.index_cast %swap3A_460 : i32 to index
      %swap3A_463 = arith.index_cast %mul3A_458 : i32 to index
      %swap3A_464 = tpu.vector_load %arg7[%swap3A_461, %swap3A_462, %swap3A_463] {strides = array<i32>} : memref<2x64x512xf32, #tpu.memory_space<vmem>>, vector<16xf32>,
      tpu.vector_store %arg7[%swap3A_461, %swap3A_462, %swap3A_463], %gather3A_360 {strides = array<i32>} : memref<2x64x512xf32, #tpu.memory_space<vmem>>, vector<16xf32>,
      %add3A_465 = arith.constant 20 : i32
      %add3A_466 = vector.broadcast %add3A_465 : i32 to vector<16xi32>
      %add3A_467 = arith.addi %mul3A_290, %add3A_466 : vector<16xi32>
      %gather3A_468 = tpu.vector_load_idx %arg5[%add3A_467] : memref<33280xf32, #tpu.memory_space<vmem>>[vector<16xi32>], vector<16xf32>,
      %mul3A_469 = arith.constant 16 : i32
      %mul3A_470 = arith.muli %scan3A_282, %mul3A_469 : i32
      %swap3A_471 = arith.constant 0 : i32
      %swap3A_472 = arith.constant 12 : i32
      %swap3A_473 = arith.index_cast %swap3A_471 : i32 to index
      %swap3A_474 = arith.index_cast %swap3A_472 : i32 to index
      %swap3A_475 = arith.index_cast %mul3A_470 : i32 to index
      %swap3A_476 = tpu.vector_load %arg7[%swap3A_473, %swap3A_474, %swap3A_475] {strides = array<i32>} : memref<2x64x512xf32, #tpu.memory_space<vmem>>, vector<16xf32>,
      tpu.vector_store %arg7[%swap3A_473, %swap3A_474, %swap3A_475], %gather3A_372 {strides = array<i32>} : memref<2x64x512xf32, #tpu.memory_space<vmem>>, vector<16xf32>,
      %add3A_477 = arith.constant 21 : i32
      %add3A_478 = vector.broadcast %add3A_477 : i32 to vector<16xi32>
      %add3A_479 = arith.addi %mul3A_290, %add3A_478 : vector<16xi32>
      %gather3A_480 = tpu.vector_load_idx %arg5[%add3A_479] : memref<33280xf32, #tpu.memory_space<vmem>>[vector<16xi32>], vector<16xf32>,
      %mul3A_481 = arith.constant 16 : i32
      %mul3A_482 = arith.muli %scan3A_282, %mul3A_481 : i32
      %swap3A_483 = arith.constant 0 : i32
      %swap3A_484 = arith.constant 13 : i32
      %swap3A_485 = arith.index_cast %swap3A_483 : i32 to index
      %swap3A_486 = arith.index_cast %swap3A_484 : i32 to index
      %swap3A_487 = arith.index_cast %mul3A_482 : i32 to index
      %swap3A_488 = tpu.vector_load %arg7[%swap3A_485, %swap3A_486, %swap3A_487] {strides = array<i32>} : memref<2x64x512xf32, #tpu.memory_space<vmem>>, vector<16xf32>,
      tpu.vector_store %arg7[%swap3A_485, %swap3A_486, %swap3A_487], %gather3A_384 {strides = array<i32>} : memref<2x64x512xf32, #tpu.memory_space<vmem>>, vector<16xf32>,
      %add3A_489 = arith.constant 22 : i32
      %add3A_490 = vector.broadcast %add3A_489 : i32 to vector<16xi32>
      %add3A_491 = arith.addi %mul3A_290, %add3A_490 : vector<16xi32>
      %gather3A_492 = tpu.vector_load_idx %arg5[%add3A_491] : memref<33280xf32, #tpu.memory_space<vmem>>[vector<16xi32>], vector<16xf32>,
      %mul3A_493 = arith.constant 16 : i32
      %mul3A_494 = arith.muli %scan3A_282, %mul3A_493 : i32
      %swap3A_495 = arith.constant 0 : i32
      %swap3A_496 = arith.constant 14 : i32
      %swap3A_497 = arith.index_cast %swap3A_495 : i32 to index
      %swap3A_498 = arith.index_cast %swap3A_496 : i32 to index
      %swap3A_499 = arith.index_cast %mul3A_494 : i32 to index
      %swap3A_500 = tpu.vector_load %arg7[%swap3A_497, %swap3A_498, %swap3A_499] {strides = array<i32>} : memref<2x64x512xf32, #tpu.memory_space<vmem>>, vector<16xf32>,
      tpu.vector_store %arg7[%swap3A_497, %swap3A_498, %swap3A_499], %gather3A_396 {strides = array<i32>} : memref<2x64x512xf32, #tpu.memory_space<vmem>>, vector<16xf32>,
      %add3A_501 = arith.constant 23 : i32
      %add3A_502 = vector.broadcast %add3A_501 : i32 to vector<16xi32>
      %add3A_503 = arith.addi %mul3A_290, %add3A_502 : vector<16xi32>
      %gather3A_504 = tpu.vector_load_idx %arg5[%add3A_503] : memref<33280xf32, #tpu.memory_space<vmem>>[vector<16xi32>], vector<16xf32>,
      %mul3A_505 = arith.constant 16 : i32
      %mul3A_506 = arith.muli %scan3A_282, %mul3A_505 : i32
      %swap3A_507 = arith.constant 0 : i32
      %swap3A_508 = arith.constant 15 : i32
      %swap3A_509 = arith.index_cast %swap3A_507 : i32 to index
      %swap3A_510 = arith.index_cast %swap3A_508 : i32 to index
      %swap3A_511 = arith.index_cast %mul3A_506 : i32 to index
      %swap3A_512 = tpu.vector_load %arg7[%swap3A_509, %swap3A_510, %swap3A_511] {strides = array<i32>} : memref<2x64x512xf32, #tpu.memory_space<vmem>>, vector<16xf32>,
      tpu.vector_store %arg7[%swap3A_509, %swap3A_510, %swap3A_511], %gather3A_408 {strides = array<i32>} : memref<2x64x512xf32, #tpu.memory_space<vmem>>, vector<16xf32>,
      %add3A_513 = arith.constant 24 : i32
      %add3A_514 = vector.broadcast %add3A_513 : i32 to vector<16xi32>
      %add3A_515 = arith.addi %mul3A_290, %add3A_514 : vector<16xi32>
      %gather3A_516 = tpu.vector_load_idx %arg5[%add3A_515] : memref<33280xf32, #tpu.memory_space<vmem>>[vector<16xi32>], vector<16xf32>,
      %mul3A_517 = arith.constant 16 : i32
      %mul3A_518 = arith.muli %scan3A_282, %mul3A_517 : i32
      %swap3A_519 = arith.constant 0 : i32
      %swap3A_520 = arith.constant 16 : i32
      %swap3A_521 = arith.index_cast %swap3A_519 : i32 to index
      %swap3A_522 = arith.index_cast %swap3A_520 : i32 to index
      %swap3A_523 = arith.index_cast %mul3A_518 : i32 to index
      %swap3A_524 = tpu.vector_load %arg7[%swap3A_521, %swap3A_522, %swap3A_523] {strides = array<i32>} : memref<2x64x512xf32, #tpu.memory_space<vmem>>, vector<16xf32>,
      tpu.vector_store %arg7[%swap3A_521, %swap3A_522, %swap3A_523], %gather3A_420 {strides = array<i32>} : memref<2x64x512xf32, #tpu.memory_space<vmem>>, vector<16xf32>,
      %add3A_525 = arith.constant 25 : i32
      %add3A_526 = vector.broadcast %add3A_525 : i32 to vector<16xi32>
      %add3A_527 = arith.addi %mul3A_290, %add3A_526 : vector<16xi32>
      %gather3A_528 = tpu.vector_load_idx %arg5[%add3A_527] : memref<33280xf32, #tpu.memory_space<vmem>>[vector<16xi32>], vector<16xf32>,
      %mul3A_529 = arith.constant 16 : i32
      %mul3A_530 = arith.muli %scan3A_282, %mul3A_529 : i32
      %swap3A_531 = arith.constant 0 : i32
      %swap3A_532 = arith.constant 17 : i32
      %swap3A_533 = arith.index_cast %swap3A_531 : i32 to index
      %swap3A_534 = arith.index_cast %swap3A_532 : i32 to index
      %swap3A_535 = arith.index_cast %mul3A_530 : i32 to index
      %swap3A_536 = tpu.vector_load %arg7[%swap3A_533, %swap3A_534, %swap3A_535] {strides = array<i32>} : memref<2x64x512xf32, #tpu.memory_space<vmem>>, vector<16xf32>,
      tpu.vector_store %arg7[%swap3A_533, %swap3A_534, %swap3A_535], %gather3A_432 {strides = array<i32>} : memref<2x64x512xf32, #tpu.memory_space<vmem>>, vector<16xf32>,
      %add3A_537 = arith.constant 26 : i32
      %add3A_538 = vector.broadcast %add3A_537 : i32 to vector<16xi32>
      %add3A_539 = arith.addi %mul3A_290, %add3A_538 : vector<16xi32>
      %gather3A_540 = tpu.vector_load_idx %arg5[%add3A_539] : memref<33280xf32, #tpu.memory_space<vmem>>[vector<16xi32>], vector<16xf32>,
      %mul3A_541 = arith.constant 16 : i32
      %mul3A_542 = arith.muli %scan3A_282, %mul3A_541 : i32
      %swap3A_543 = arith.constant 0 : i32
      %swap3A_544 = arith.constant 18 : i32
      %swap3A_545 = arith.index_cast %swap3A_543 : i32 to index
      %swap3A_546 = arith.index_cast %swap3A_544 : i32 to index
      %swap3A_547 = arith.index_cast %mul3A_542 : i32 to index
      %swap3A_548 = tpu.vector_load %arg7[%swap3A_545, %swap3A_546, %swap3A_547] {strides = array<i32>} : memref<2x64x512xf32, #tpu.memory_space<vmem>>, vector<16xf32>,
      tpu.vector_store %arg7[%swap3A_545, %swap3A_546, %swap3A_547], %gather3A_444 {strides = array<i32>} : memref<2x64x512xf32, #tpu.memory_space<vmem>>, vector<16xf32>,
      %add3A_549 = arith.constant 27 : i32
      %add3A_550 = vector.broadcast %add3A_549 : i32 to vector<16xi32>
      %add3A_551 = arith.addi %mul3A_290, %add3A_550 : vector<16xi32>
      %gather3A_552 = tpu.vector_load_idx %arg5[%add3A_551] : memref<33280xf32, #tpu.memory_space<vmem>>[vector<16xi32>], vector<16xf32>,
      %mul3A_553 = arith.constant 16 : i32
      %mul3A_554 = arith.muli %scan3A_282, %mul3A_553 : i32
      %swap3A_555 = arith.constant 0 : i32
      %swap3A_556 = arith.constant 19 : i32
      %swap3A_557 = arith.index_cast %swap3A_555 : i32 to index
      %swap3A_558 = arith.index_cast %swap3A_556 : i32 to index
      %swap3A_559 = arith.index_cast %mul3A_554 : i32 to index
      %swap3A_560 = tpu.vector_load %arg7[%swap3A_557, %swap3A_558, %swap3A_559] {strides = array<i32>} : memref<2x64x512xf32, #tpu.memory_space<vmem>>, vector<16xf32>,
      tpu.vector_store %arg7[%swap3A_557, %swap3A_558, %swap3A_559], %gather3A_456 {strides = array<i32>} : memref<2x64x512xf32, #tpu.memory_space<vmem>>, vector<16xf32>,
      %add3A_561 = arith.constant 28 : i32
      %add3A_562 = vector.broadcast %add3A_561 : i32 to vector<16xi32>
      %add3A_563 = arith.addi %mul3A_290, %add3A_562 : vector<16xi32>
      %gather3A_564 = tpu.vector_load_idx %arg5[%add3A_563] : memref<33280xf32, #tpu.memory_space<vmem>>[vector<16xi32>], vector<16xf32>,
      %mul3A_565 = arith.constant 16 : i32
      %mul3A_566 = arith.muli %scan3A_282, %mul3A_565 : i32
      %swap3A_567 = arith.constant 0 : i32
      %swap3A_568 = arith.constant 20 : i32
      %swap3A_569 = arith.index_cast %swap3A_567 : i32 to index
      %swap3A_570 = arith.index_cast %swap3A_568 : i32 to index
      %swap3A_571 = arith.index_cast %mul3A_566 : i32 to index
      %swap3A_572 = tpu.vector_load %arg7[%swap3A_569, %swap3A_570, %swap3A_571] {strides = array<i32>} : memref<2x64x512xf32, #tpu.memory_space<vmem>>, vector<16xf32>,
      tpu.vector_store %arg7[%swap3A_569, %swap3A_570, %swap3A_571], %gather3A_468 {strides = array<i32>} : memref<2x64x512xf32, #tpu.memory_space<vmem>>, vector<16xf32>,
      %add3A_573 = arith.constant 29 : i32
      %add3A_574 = vector.broadcast %add3A_573 : i32 to vector<16xi32>
      %add3A_575 = arith.addi %mul3A_290, %add3A_574 : vector<16xi32>
      %gather3A_576 = tpu.vector_load_idx %arg5[%add3A_575] : memref<33280xf32, #tpu.memory_space<vmem>>[vector<16xi32>], vector<16xf32>,
      %mul3A_577 = arith.constant 16 : i32
      %mul3A_578 = arith.muli %scan3A_282, %mul3A_577 : i32
      %swap3A_579 = arith.constant 0 : i32
      %swap3A_580 = arith.constant 21 : i32
      %swap3A_581 = arith.index_cast %swap3A_579 : i32 to index
      %swap3A_582 = arith.index_cast %swap3A_580 : i32 to index
      %swap3A_583 = arith.index_cast %mul3A_578 : i32 to index
      %swap3A_584 = tpu.vector_load %arg7[%swap3A_581, %swap3A_582, %swap3A_583] {strides = array<i32>} : memref<2x64x512xf32, #tpu.memory_space<vmem>>, vector<16xf32>,
      tpu.vector_store %arg7[%swap3A_581, %swap3A_582, %swap3A_583], %gather3A_480 {strides = array<i32>} : memref<2x64x512xf32, #tpu.memory_space<vmem>>, vector<16xf32>,
      %add3A_585 = arith.constant 30 : i32
      %add3A_586 = vector.broadcast %add3A_585 : i32 to vector<16xi32>
      %add3A_587 = arith.addi %mul3A_290, %add3A_586 : vector<16xi32>
      %gather3A_588 = tpu.vector_load_idx %arg5[%add3A_587] : memref<33280xf32, #tpu.memory_space<vmem>>[vector<16xi32>], vector<16xf32>,
      %mul3A_589 = arith.constant 16 : i32
      %mul3A_590 = arith.muli %scan3A_282, %mul3A_589 : i32
      %swap3A_591 = arith.constant 0 : i32
      %swap3A_592 = arith.constant 22 : i32
      %swap3A_593 = arith.index_cast %swap3A_591 : i32 to index
      %swap3A_594 = arith.index_cast %swap3A_592 : i32 to index
      %swap3A_595 = arith.index_cast %mul3A_590 : i32 to index
      %swap3A_596 = tpu.vector_load %arg7[%swap3A_593, %swap3A_594, %swap3A_595] {strides = array<i32>} : memref<2x64x512xf32, #tpu.memory_space<vmem>>, vector<16xf32>,
      tpu.vector_store %arg7[%swap3A_593, %swap3A_594, %swap3A_595], %gather3A_492 {strides = array<i32>} : memref<2x64x512xf32, #tpu.memory_space<vmem>>, vector<16xf32>,
      %add3A_597 = arith.constant 31 : i32
      %add3A_598 = vector.broadcast %add3A_597 : i32 to vector<16xi32>
      %add3A_599 = arith.addi %mul3A_290, %add3A_598 : vector<16xi32>
      %gather3A_600 = tpu.vector_load_idx %arg5[%add3A_599] : memref<33280xf32, #tpu.memory_space<vmem>>[vector<16xi32>], vector<16xf32>,
      %mul3A_601 = arith.constant 16 : i32
      %mul3A_602 = arith.muli %scan3A_282, %mul3A_601 : i32
      %swap3A_603 = arith.constant 0 : i32
      %swap3A_604 = arith.constant 23 : i32
      %swap3A_605 = arith.index_cast %swap3A_603 : i32 to index
      %swap3A_606 = arith.index_cast %swap3A_604 : i32 to index
      %swap3A_607 = arith.index_cast %mul3A_602 : i32 to index
      %swap3A_608 = tpu.vector_load %arg7[%swap3A_605, %swap3A_606, %swap3A_607] {strides = array<i32>} : memref<2x64x512xf32, #tpu.memory_space<vmem>>, vector<16xf32>,
      tpu.vector_store %arg7[%swap3A_605, %swap3A_606, %swap3A_607], %gather3A_504 {strides = array<i32>} : memref<2x64x512xf32, #tpu.memory_space<vmem>>, vector<16xf32>,
      %add3A_609 = arith.constant 32 : i32
      %add3A_610 = vector.broadcast %add3A_609 : i32 to vector<16xi32>
      %add3A_611 = arith.addi %mul3A_290, %add3A_610 : vector<16xi32>
      %gather3A_612 = tpu.vector_load_idx %arg5[%add3A_611] : memref<33280xf32, #tpu.memory_space<vmem>>[vector<16xi32>], vector<16xf32>,
      %mul3A_613 = arith.constant 16 : i32
      %mul3A_614 = arith.muli %scan3A_282, %mul3A_613 : i32
      %swap3A_615 = arith.constant 0 : i32
      %swap3A_616 = arith.constant 24 : i32
      %swap3A_617 = arith.index_cast %swap3A_615 : i32 to index
      %swap3A_618 = arith.index_cast %swap3A_616 : i32 to index
      %swap3A_619 = arith.index_cast %mul3A_614 : i32 to index
      %swap3A_620 = tpu.vector_load %arg7[%swap3A_617, %swap3A_618, %swap3A_619] {strides = array<i32>} : memref<2x64x512xf32, #tpu.memory_space<vmem>>, vector<16xf32>,
      tpu.vector_store %arg7[%swap3A_617, %swap3A_618, %swap3A_619], %gather3A_516 {strides = array<i32>} : memref<2x64x512xf32, #tpu.memory_space<vmem>>, vector<16xf32>,
      %add3A_621 = arith.constant 33 : i32
      %add3A_622 = vector.broadcast %add3A_621 : i32 to vector<16xi32>
      %add3A_623 = arith.addi %mul3A_290, %add3A_622 : vector<16xi32>
      %gather3A_624 = tpu.vector_load_idx %arg5[%add3A_623] : memref<33280xf32, #tpu.memory_space<vmem>>[vector<16xi32>], vector<16xf32>,
      %mul3A_625 = arith.constant 16 : i32
      %mul3A_626 = arith.muli %scan3A_282, %mul3A_625 : i32
      %swap3A_627 = arith.constant 0 : i32
      %swap3A_628 = arith.constant 25 : i32
      %swap3A_629 = arith.index_cast %swap3A_627 : i32 to index
      %swap3A_630 = arith.index_cast %swap3A_628 : i32 to index
      %swap3A_631 = arith.index_cast %mul3A_626 : i32 to index
      %swap3A_632 = tpu.vector_load %arg7[%swap3A_629, %swap3A_630, %swap3A_631] {strides = array<i32>} : memref<2x64x512xf32, #tpu.memory_space<vmem>>, vector<16xf32>,
      tpu.vector_store %arg7[%swap3A_629, %swap3A_630, %swap3A_631], %gather3A_528 {strides = array<i32>} : memref<2x64x512xf32, #tpu.memory_space<vmem>>, vector<16xf32>,
      %add3A_633 = arith.constant 34 : i32
      %add3A_634 = vector.broadcast %add3A_633 : i32 to vector<16xi32>
      %add3A_635 = arith.addi %mul3A_290, %add3A_634 : vector<16xi32>
      %gather3A_636 = tpu.vector_load_idx %arg5[%add3A_635] : memref<33280xf32, #tpu.memory_space<vmem>>[vector<16xi32>], vector<16xf32>,
      %mul3A_637 = arith.constant 16 : i32
      %mul3A_638 = arith.muli %scan3A_282, %mul3A_637 : i32
      %swap3A_639 = arith.constant 0 : i32
      %swap3A_640 = arith.constant 26 : i32
      %swap3A_641 = arith.index_cast %swap3A_639 : i32 to index
      %swap3A_642 = arith.index_cast %swap3A_640 : i32 to index
      %swap3A_643 = arith.index_cast %mul3A_638 : i32 to index
      %swap3A_644 = tpu.vector_load %arg7[%swap3A_641, %swap3A_642, %swap3A_643] {strides = array<i32>} : memref<2x64x512xf32, #tpu.memory_space<vmem>>, vector<16xf32>,
      tpu.vector_store %arg7[%swap3A_641, %swap3A_642, %swap3A_643], %gather3A_540 {strides = array<i32>} : memref<2x64x512xf32, #tpu.memory_space<vmem>>, vector<16xf32>,
      %add3A_645 = arith.constant 35 : i32
      %add3A_646 = vector.broadcast %add3A_645 : i32 to vector<16xi32>
      %add3A_647 = arith.addi %mul3A_290, %add3A_646 : vector<16xi32>
      %gather3A_648 = tpu.vector_load_idx %arg5[%add3A_647] : memref<33280xf32, #tpu.memory_space<vmem>>[vector<16xi32>], vector<16xf32>,
      %mul3A_649 = arith.constant 16 : i32
      %mul3A_650 = arith.muli %scan3A_282, %mul3A_649 : i32
      %swap3A_651 = arith.constant 0 : i32
      %swap3A_652 = arith.constant 27 : i32
      %swap3A_653 = arith.index_cast %swap3A_651 : i32 to index
      %swap3A_654 = arith.index_cast %swap3A_652 : i32 to index
      %swap3A_655 = arith.index_cast %mul3A_650 : i32 to index
      %swap3A_656 = tpu.vector_load %arg7[%swap3A_653, %swap3A_654, %swap3A_655] {strides = array<i32>} : memref<2x64x512xf32, #tpu.memory_space<vmem>>, vector<16xf32>,
      tpu.vector_store %arg7[%swap3A_653, %swap3A_654, %swap3A_655], %gather3A_552 {strides = array<i32>} : memref<2x64x512xf32, #tpu.memory_space<vmem>>, vector<16xf32>,
      %add3A_657 = arith.constant 36 : i32
      %add3A_658 = vector.broadcast %add3A_657 : i32 to vector<16xi32>
      %add3A_659 = arith.addi %mul3A_290, %add3A_658 : vector<16xi32>
      %gather3A_660 = tpu.vector_load_idx %arg5[%add3A_659] : memref<33280xf32, #tpu.memory_space<vmem>>[vector<16xi32>], vector<16xf32>,
      %mul3A_661 = arith.constant 16 : i32
      %mul3A_662 = arith.muli %scan3A_282, %mul3A_661 : i32
      %swap3A_663 = arith.constant 0 : i32
      %swap3A_664 = arith.constant 28 : i32
      %swap3A_665 = arith.index_cast %swap3A_663 : i32 to index
      %swap3A_666 = arith.index_cast %swap3A_664 : i32 to index
      %swap3A_667 = arith.index_cast %mul3A_662 : i32 to index
      %swap3A_668 = tpu.vector_load %arg7[%swap3A_665, %swap3A_666, %swap3A_667] {strides = array<i32>} : memref<2x64x512xf32, #tpu.memory_space<vmem>>, vector<16xf32>,
      tpu.vector_store %arg7[%swap3A_665, %swap3A_666, %swap3A_667], %gather3A_564 {strides = array<i32>} : memref<2x64x512xf32, #tpu.memory_space<vmem>>, vector<16xf32>,
      %add3A_669 = arith.constant 37 : i32
      %add3A_670 = vector.broadcast %add3A_669 : i32 to vector<16xi32>
      %add3A_671 = arith.addi %mul3A_290, %add3A_670 : vector<16xi32>
      %gather3A_672 = tpu.vector_load_idx %arg5[%add3A_671] : memref<33280xf32, #tpu.memory_space<vmem>>[vector<16xi32>], vector<16xf32>,
      %mul3A_673 = arith.constant 16 : i32
      %mul3A_674 = arith.muli %scan3A_282, %mul3A_673 : i32
      %swap3A_675 = arith.constant 0 : i32
      %swap3A_676 = arith.constant 29 : i32
      %swap3A_677 = arith.index_cast %swap3A_675 : i32 to index
      %swap3A_678 = arith.index_cast %swap3A_676 : i32 to index
      %swap3A_679 = arith.index_cast %mul3A_674 : i32 to index
      %swap3A_680 = tpu.vector_load %arg7[%swap3A_677, %swap3A_678, %swap3A_679] {strides = array<i32>} : memref<2x64x512xf32, #tpu.memory_space<vmem>>, vector<16xf32>,
      tpu.vector_store %arg7[%swap3A_677, %swap3A_678, %swap3A_679], %gather3A_576 {strides = array<i32>} : memref<2x64x512xf32, #tpu.memory_space<vmem>>, vector<16xf32>,
      %add3A_681 = arith.constant 38 : i32
      %add3A_682 = vector.broadcast %add3A_681 : i32 to vector<16xi32>
      %add3A_683 = arith.addi %mul3A_290, %add3A_682 : vector<16xi32>
      %gather3A_684 = tpu.vector_load_idx %arg5[%add3A_683] : memref<33280xf32, #tpu.memory_space<vmem>>[vector<16xi32>], vector<16xf32>,
      %mul3A_685 = arith.constant 16 : i32
      %mul3A_686 = arith.muli %scan3A_282, %mul3A_685 : i32
      %swap3A_687 = arith.constant 0 : i32
      %swap3A_688 = arith.constant 30 : i32
      %swap3A_689 = arith.index_cast %swap3A_687 : i32 to index
      %swap3A_690 = arith.index_cast %swap3A_688 : i32 to index
      %swap3A_691 = arith.index_cast %mul3A_686 : i32 to index
      %swap3A_692 = tpu.vector_load %arg7[%swap3A_689, %swap3A_690, %swap3A_691] {strides = array<i32>} : memref<2x64x512xf32, #tpu.memory_space<vmem>>, vector<16xf32>,
      tpu.vector_store %arg7[%swap3A_689, %swap3A_690, %swap3A_691], %gather3A_588 {strides = array<i32>} : memref<2x64x512xf32, #tpu.memory_space<vmem>>, vector<16xf32>,
      %add3A_693 = arith.constant 39 : i32
      %add3A_694 = vector.broadcast %add3A_693 : i32 to vector<16xi32>
      %add3A_695 = arith.addi %mul3A_290, %add3A_694 : vector<16xi32>
      %gather3A_696 = tpu.vector_load_idx %arg5[%add3A_695] : memref<33280xf32, #tpu.memory_space<vmem>>[vector<16xi32>], vector<16xf32>,
      %mul3A_697 = arith.constant 16 : i32
      %mul3A_698 = arith.muli %scan3A_282, %mul3A_697 : i32
      %swap3A_699 = arith.constant 0 : i32
      %swap3A_700 = arith.constant 31 : i32
      %swap3A_701 = arith.index_cast %swap3A_699 : i32 to index
      %swap3A_702 = arith.index_cast %swap3A_700 : i32 to index
      %swap3A_703 = arith.index_cast %mul3A_698 : i32 to index
      %swap3A_704 = tpu.vector_load %arg7[%swap3A_701, %swap3A_702, %swap3A_703] {strides = array<i32>} : memref<2x64x512xf32, #tpu.memory_space<vmem>>, vector<16xf32>,
      tpu.vector_store %arg7[%swap3A_701, %swap3A_702, %swap3A_703], %gather3A_600 {strides = array<i32>} : memref<2x64x512xf32, #tpu.memory_space<vmem>>, vector<16xf32>,
      %add3A_705 = arith.constant 40 : i32
      %add3A_706 = vector.broadcast %add3A_705 : i32 to vector<16xi32>
      %add3A_707 = arith.addi %mul3A_290, %add3A_706 : vector<16xi32>
      %gather3A_708 = tpu.vector_load_idx %arg5[%add3A_707] : memref<33280xf32, #tpu.memory_space<vmem>>[vector<16xi32>], vector<16xf32>,
      %mul3A_709 = arith.constant 16 : i32
      %mul3A_710 = arith.muli %scan3A_282, %mul3A_709 : i32
      %swap3A_711 = arith.constant 0 : i32
      %swap3A_712 = arith.constant 32 : i32
      %swap3A_713 = arith.index_cast %swap3A_711 : i32 to index
      %swap3A_714 = arith.index_cast %swap3A_712 : i32 to index
      %swap3A_715 = arith.index_cast %mul3A_710 : i32 to index
      %swap3A_716 = tpu.vector_load %arg7[%swap3A_713, %swap3A_714, %swap3A_715] {strides = array<i32>} : memref<2x64x512xf32, #tpu.memory_space<vmem>>, vector<16xf32>,
      tpu.vector_store %arg7[%swap3A_713, %swap3A_714, %swap3A_715], %gather3A_612 {strides = array<i32>} : memref<2x64x512xf32, #tpu.memory_space<vmem>>, vector<16xf32>,
      %add3A_717 = arith.constant 41 : i32
      %add3A_718 = vector.broadcast %add3A_717 : i32 to vector<16xi32>
      %add3A_719 = arith.addi %mul3A_290, %add3A_718 : vector<16xi32>
      %gather3A_720 = tpu.vector_load_idx %arg5[%add3A_719] : memref<33280xf32, #tpu.memory_space<vmem>>[vector<16xi32>], vector<16xf32>,
      %mul3A_721 = arith.constant 16 : i32
      %mul3A_722 = arith.muli %scan3A_282, %mul3A_721 : i32
      %swap3A_723 = arith.constant 0 : i32
      %swap3A_724 = arith.constant 33 : i32
      %swap3A_725 = arith.index_cast %swap3A_723 : i32 to index
      %swap3A_726 = arith.index_cast %swap3A_724 : i32 to index
      %swap3A_727 = arith.index_cast %mul3A_722 : i32 to index
      %swap3A_728 = tpu.vector_load %arg7[%swap3A_725, %swap3A_726, %swap3A_727] {strides = array<i32>} : memref<2x64x512xf32, #tpu.memory_space<vmem>>, vector<16xf32>,
      tpu.vector_store %arg7[%swap3A_725, %swap3A_726, %swap3A_727], %gather3A_624 {strides = array<i32>} : memref<2x64x512xf32, #tpu.memory_space<vmem>>, vector<16xf32>,
      %add3A_729 = arith.constant 42 : i32
      %add3A_730 = vector.broadcast %add3A_729 : i32 to vector<16xi32>
      %add3A_731 = arith.addi %mul3A_290, %add3A_730 : vector<16xi32>
      %gather3A_732 = tpu.vector_load_idx %arg5[%add3A_731] : memref<33280xf32, #tpu.memory_space<vmem>>[vector<16xi32>], vector<16xf32>,
      %mul3A_733 = arith.constant 16 : i32
      %mul3A_734 = arith.muli %scan3A_282, %mul3A_733 : i32
      %swap3A_735 = arith.constant 0 : i32
      %swap3A_736 = arith.constant 34 : i32
      %swap3A_737 = arith.index_cast %swap3A_735 : i32 to index
      %swap3A_738 = arith.index_cast %swap3A_736 : i32 to index
      %swap3A_739 = arith.index_cast %mul3A_734 : i32 to index
      %swap3A_740 = tpu.vector_load %arg7[%swap3A_737, %swap3A_738, %swap3A_739] {strides = array<i32>} : memref<2x64x512xf32, #tpu.memory_space<vmem>>, vector<16xf32>,
      tpu.vector_store %arg7[%swap3A_737, %swap3A_738, %swap3A_739], %gather3A_636 {strides = array<i32>} : memref<2x64x512xf32, #tpu.memory_space<vmem>>, vector<16xf32>,
      %add3A_741 = arith.constant 43 : i32
      %add3A_742 = vector.broadcast %add3A_741 : i32 to vector<16xi32>
      %add3A_743 = arith.addi %mul3A_290, %add3A_742 : vector<16xi32>
      %gather3A_744 = tpu.vector_load_idx %arg5[%add3A_743] : memref<33280xf32, #tpu.memory_space<vmem>>[vector<16xi32>], vector<16xf32>,
      %mul3A_745 = arith.constant 16 : i32
      %mul3A_746 = arith.muli %scan3A_282, %mul3A_745 : i32
      %swap3A_747 = arith.constant 0 : i32
      %swap3A_748 = arith.constant 35 : i32
      %swap3A_749 = arith.index_cast %swap3A_747 : i32 to index
      %swap3A_750 = arith.index_cast %swap3A_748 : i32 to index
      %swap3A_751 = arith.index_cast %mul3A_746 : i32 to index
      %swap3A_752 = tpu.vector_load %arg7[%swap3A_749, %swap3A_750, %swap3A_751] {strides = array<i32>} : memref<2x64x512xf32, #tpu.memory_space<vmem>>, vector<16xf32>,
      tpu.vector_store %arg7[%swap3A_749, %swap3A_750, %swap3A_751], %gather3A_648 {strides = array<i32>} : memref<2x64x512xf32, #tpu.memory_space<vmem>>, vector<16xf32>,
      %add3A_753 = arith.constant 44 : i32
      %add3A_754 = vector.broadcast %add3A_753 : i32 to vector<16xi32>
      %add3A_755 = arith.addi %mul3A_290, %add3A_754 : vector<16xi32>
      %gather3A_756 = tpu.vector_load_idx %arg5[%add3A_755] : memref<33280xf32, #tpu.memory_space<vmem>>[vector<16xi32>], vector<16xf32>,
      %mul3A_757 = arith.constant 16 : i32
      %mul3A_758 = arith.muli %scan3A_282, %mul3A_757 : i32
      %swap3A_759 = arith.constant 0 : i32
      %swap3A_760 = arith.constant 36 : i32
      %swap3A_761 = arith.index_cast %swap3A_759 : i32 to index
      %swap3A_762 = arith.index_cast %swap3A_760 : i32 to index
      %swap3A_763 = arith.index_cast %mul3A_758 : i32 to index
      %swap3A_764 = tpu.vector_load %arg7[%swap3A_761, %swap3A_762, %swap3A_763] {strides = array<i32>} : memref<2x64x512xf32, #tpu.memory_space<vmem>>, vector<16xf32>,
      tpu.vector_store %arg7[%swap3A_761, %swap3A_762, %swap3A_763], %gather3A_660 {strides = array<i32>} : memref<2x64x512xf32, #tpu.memory_space<vmem>>, vector<16xf32>,
      %add3A_765 = arith.constant 45 : i32
      %add3A_766 = vector.broadcast %add3A_765 : i32 to vector<16xi32>
      %add3A_767 = arith.addi %mul3A_290, %add3A_766 : vector<16xi32>
      %gather3A_768 = tpu.vector_load_idx %arg5[%add3A_767] : memref<33280xf32, #tpu.memory_space<vmem>>[vector<16xi32>], vector<16xf32>,
      %mul3A_769 = arith.constant 16 : i32
      %mul3A_770 = arith.muli %scan3A_282, %mul3A_769 : i32
      %swap3A_771 = arith.constant 0 : i32
      %swap3A_772 = arith.constant 37 : i32
      %swap3A_773 = arith.index_cast %swap3A_771 : i32 to index
      %swap3A_774 = arith.index_cast %swap3A_772 : i32 to index
      %swap3A_775 = arith.index_cast %mul3A_770 : i32 to index
      %swap3A_776 = tpu.vector_load %arg7[%swap3A_773, %swap3A_774, %swap3A_775] {strides = array<i32>} : memref<2x64x512xf32, #tpu.memory_space<vmem>>, vector<16xf32>,
      tpu.vector_store %arg7[%swap3A_773, %swap3A_774, %swap3A_775], %gather3A_672 {strides = array<i32>} : memref<2x64x512xf32, #tpu.memory_space<vmem>>, vector<16xf32>,
      %add3A_777 = arith.constant 46 : i32
      %add3A_778 = vector.broadcast %add3A_777 : i32 to vector<16xi32>
      %add3A_779 = arith.addi %mul3A_290, %add3A_778 : vector<16xi32>
      %gather3A_780 = tpu.vector_load_idx %arg5[%add3A_779] : memref<33280xf32, #tpu.memory_space<vmem>>[vector<16xi32>], vector<16xf32>,
      %mul3A_781 = arith.constant 16 : i32
      %mul3A_782 = arith.muli %scan3A_282, %mul3A_781 : i32
      %swap3A_783 = arith.constant 0 : i32
      %swap3A_784 = arith.constant 38 : i32
      %swap3A_785 = arith.index_cast %swap3A_783 : i32 to index
      %swap3A_786 = arith.index_cast %swap3A_784 : i32 to index
      %swap3A_787 = arith.index_cast %mul3A_782 : i32 to index
      %swap3A_788 = tpu.vector_load %arg7[%swap3A_785, %swap3A_786, %swap3A_787] {strides = array<i32>} : memref<2x64x512xf32, #tpu.memory_space<vmem>>, vector<16xf32>,
      tpu.vector_store %arg7[%swap3A_785, %swap3A_786, %swap3A_787], %gather3A_684 {strides = array<i32>} : memref<2x64x512xf32, #tpu.memory_space<vmem>>, vector<16xf32>,
      %add3A_789 = arith.constant 47 : i32
      %add3A_790 = vector.broadcast %add3A_789 : i32 to vector<16xi32>
      %add3A_791 = arith.addi %mul3A_290, %add3A_790 : vector<16xi32>
      %gather3A_792 = tpu.vector_load_idx %arg5[%add3A_791] : memref<33280xf32, #tpu.memory_space<vmem>>[vector<16xi32>], vector<16xf32>,
      %mul3A_793 = arith.constant 16 : i32
      %mul3A_794 = arith.muli %scan3A_282, %mul3A_793 : i32
      %swap3A_795 = arith.constant 0 : i32
      %swap3A_796 = arith.constant 39 : i32
      %swap3A_797 = arith.index_cast %swap3A_795 : i32 to index
      %swap3A_798 = arith.index_cast %swap3A_796 : i32 to index
      %swap3A_799 = arith.index_cast %mul3A_794 : i32 to index
      %swap3A_800 = tpu.vector_load %arg7[%swap3A_797, %swap3A_798, %swap3A_799] {strides = array<i32>} : memref<2x64x512xf32, #tpu.memory_space<vmem>>, vector<16xf32>,
      tpu.vector_store %arg7[%swap3A_797, %swap3A_798, %swap3A_799], %gather3A_696 {strides = array<i32>} : memref<2x64x512xf32, #tpu.memory_space<vmem>>, vector<16xf32>,
      %add3A_801 = arith.constant 48 : i32
      %add3A_802 = vector.broadcast %add3A_801 : i32 to vector<16xi32>
      %add3A_803 = arith.addi %mul3A_290, %add3A_802 : vector<16xi32>
      %gather3A_804 = tpu.vector_load_idx %arg5[%add3A_803] : memref<33280xf32, #tpu.memory_space<vmem>>[vector<16xi32>], vector<16xf32>,
      %mul3A_805 = arith.constant 16 : i32
      %mul3A_806 = arith.muli %scan3A_282, %mul3A_805 : i32
      %swap3A_807 = arith.constant 0 : i32
      %swap3A_808 = arith.constant 40 : i32
      %swap3A_809 = arith.index_cast %swap3A_807 : i32 to index
      %swap3A_810 = arith.index_cast %swap3A_808 : i32 to index
      %swap3A_811 = arith.index_cast %mul3A_806 : i32 to index
      %swap3A_812 = tpu.vector_load %arg7[%swap3A_809, %swap3A_810, %swap3A_811] {strides = array<i32>} : memref<2x64x512xf32, #tpu.memory_space<vmem>>, vector<16xf32>,
      tpu.vector_store %arg7[%swap3A_809, %swap3A_810, %swap3A_811], %gather3A_708 {strides = array<i32>} : memref<2x64x512xf32, #tpu.memory_space<vmem>>, vector<16xf32>,
      %add3A_813 = arith.constant 49 : i32
      %add3A_814 = vector.broadcast %add3A_813 : i32 to vector<16xi32>
      %add3A_815 = arith.addi %mul3A_290, %add3A_814 : vector<16xi32>
      %gather3A_816 = tpu.vector_load_idx %arg5[%add3A_815] : memref<33280xf32, #tpu.memory_space<vmem>>[vector<16xi32>], vector<16xf32>,
      %mul3A_817 = arith.constant 16 : i32
      %mul3A_818 = arith.muli %scan3A_282, %mul3A_817 : i32
      %swap3A_819 = arith.constant 0 : i32
      %swap3A_820 = arith.constant 41 : i32
      %swap3A_821 = arith.index_cast %swap3A_819 : i32 to index
      %swap3A_822 = arith.index_cast %swap3A_820 : i32 to index
      %swap3A_823 = arith.index_cast %mul3A_818 : i32 to index
      %swap3A_824 = tpu.vector_load %arg7[%swap3A_821, %swap3A_822, %swap3A_823] {strides = array<i32>} : memref<2x64x512xf32, #tpu.memory_space<vmem>>, vector<16xf32>,
      tpu.vector_store %arg7[%swap3A_821, %swap3A_822, %swap3A_823], %gather3A_720 {strides = array<i32>} : memref<2x64x512xf32, #tpu.memory_space<vmem>>, vector<16xf32>,
      %add3A_825 = arith.constant 50 : i32
      %add3A_826 = vector.broadcast %add3A_825 : i32 to vector<16xi32>
      %add3A_827 = arith.addi %mul3A_290, %add3A_826 : vector<16xi32>
      %gather3A_828 = tpu.vector_load_idx %arg5[%add3A_827] : memref<33280xf32, #tpu.memory_space<vmem>>[vector<16xi32>], vector<16xf32>,
      %mul3A_829 = arith.constant 16 : i32
      %mul3A_830 = arith.muli %scan3A_282, %mul3A_829 : i32
      %swap3A_831 = arith.constant 0 : i32
      %swap3A_832 = arith.constant 42 : i32
      %swap3A_833 = arith.index_cast %swap3A_831 : i32 to index
      %swap3A_834 = arith.index_cast %swap3A_832 : i32 to index
      %swap3A_835 = arith.index_cast %mul3A_830 : i32 to index
      %swap3A_836 = tpu.vector_load %arg7[%swap3A_833, %swap3A_834, %swap3A_835] {strides = array<i32>} : memref<2x64x512xf32, #tpu.memory_space<vmem>>, vector<16xf32>,
      tpu.vector_store %arg7[%swap3A_833, %swap3A_834, %swap3A_835], %gather3A_732 {strides = array<i32>} : memref<2x64x512xf32, #tpu.memory_space<vmem>>, vector<16xf32>,
      %add3A_837 = arith.constant 51 : i32
      %add3A_838 = vector.broadcast %add3A_837 : i32 to vector<16xi32>
      %add3A_839 = arith.addi %mul3A_290, %add3A_838 : vector<16xi32>
      %gather3A_840 = tpu.vector_load_idx %arg5[%add3A_839] : memref<33280xf32, #tpu.memory_space<vmem>>[vector<16xi32>], vector<16xf32>,
      %mul3A_841 = arith.constant 16 : i32
      %mul3A_842 = arith.muli %scan3A_282, %mul3A_841 : i32
      %swap3A_843 = arith.constant 0 : i32
      %swap3A_844 = arith.constant 43 : i32
      %swap3A_845 = arith.index_cast %swap3A_843 : i32 to index
      %swap3A_846 = arith.index_cast %swap3A_844 : i32 to index
      %swap3A_847 = arith.index_cast %mul3A_842 : i32 to index
      %swap3A_848 = tpu.vector_load %arg7[%swap3A_845, %swap3A_846, %swap3A_847] {strides = array<i32>} : memref<2x64x512xf32, #tpu.memory_space<vmem>>, vector<16xf32>,
      tpu.vector_store %arg7[%swap3A_845, %swap3A_846, %swap3A_847], %gather3A_744 {strides = array<i32>} : memref<2x64x512xf32, #tpu.memory_space<vmem>>, vector<16xf32>,
      %add3A_849 = arith.constant 52 : i32
      %add3A_850 = vector.broadcast %add3A_849 : i32 to vector<16xi32>
      %add3A_851 = arith.addi %mul3A_290, %add3A_850 : vector<16xi32>
      %gather3A_852 = tpu.vector_load_idx %arg5[%add3A_851] : memref<33280xf32, #tpu.memory_space<vmem>>[vector<16xi32>], vector<16xf32>,
      %mul3A_853 = arith.constant 16 : i32
      %mul3A_854 = arith.muli %scan3A_282, %mul3A_853 : i32
      %swap3A_855 = arith.constant 0 : i32
      %swap3A_856 = arith.constant 44 : i32
      %swap3A_857 = arith.index_cast %swap3A_855 : i32 to index
      %swap3A_858 = arith.index_cast %swap3A_856 : i32 to index
      %swap3A_859 = arith.index_cast %mul3A_854 : i32 to index
      %swap3A_860 = tpu.vector_load %arg7[%swap3A_857, %swap3A_858, %swap3A_859] {strides = array<i32>} : memref<2x64x512xf32, #tpu.memory_space<vmem>>, vector<16xf32>,
      tpu.vector_store %arg7[%swap3A_857, %swap3A_858, %swap3A_859], %gather3A_756 {strides = array<i32>} : memref<2x64x512xf32, #tpu.memory_space<vmem>>, vector<16xf32>,
      %add3A_861 = arith.constant 53 : i32
      %add3A_862 = vector.broadcast %add3A_861 : i32 to vector<16xi32>
      %add3A_863 = arith.addi %mul3A_290, %add3A_862 : vector<16xi32>
      %gather3A_864 = tpu.vector_load_idx %arg5[%add3A_863] : memref<33280xf32, #tpu.memory_space<vmem>>[vector<16xi32>], vector<16xf32>,
      %mul3A_865 = arith.constant 16 : i32
      %mul3A_866 = arith.muli %scan3A_282, %mul3A_865 : i32
      %swap3A_867 = arith.constant 0 : i32
      %swap3A_868 = arith.constant 45 : i32
      %swap3A_869 = arith.index_cast %swap3A_867 : i32 to index
      %swap3A_870 = arith.index_cast %swap3A_868 : i32 to index
      %swap3A_871 = arith.index_cast %mul3A_866 : i32 to index
      %swap3A_872 = tpu.vector_load %arg7[%swap3A_869, %swap3A_870, %swap3A_871] {strides = array<i32>} : memref<2x64x512xf32, #tpu.memory_space<vmem>>, vector<16xf32>,
      tpu.vector_store %arg7[%swap3A_869, %swap3A_870, %swap3A_871], %gather3A_768 {strides = array<i32>} : memref<2x64x512xf32, #tpu.memory_space<vmem>>, vector<16xf32>,
      %add3A_873 = arith.constant 54 : i32
      %add3A_874 = vector.broadcast %add3A_873 : i32 to vector<16xi32>
      %add3A_875 = arith.addi %mul3A_290, %add3A_874 : vector<16xi32>
      %gather3A_876 = tpu.vector_load_idx %arg5[%add3A_875] : memref<33280xf32, #tpu.memory_space<vmem>>[vector<16xi32>], vector<16xf32>,
      %mul3A_877 = arith.constant 16 : i32
      %mul3A_878 = arith.muli %scan3A_282, %mul3A_877 : i32
      %swap3A_879 = arith.constant 0 : i32
      %swap3A_880 = arith.constant 46 : i32
      %swap3A_881 = arith.index_cast %swap3A_879 : i32 to index
      %swap3A_882 = arith.index_cast %swap3A_880 : i32 to index
      %swap3A_883 = arith.index_cast %mul3A_878 : i32 to index
      %swap3A_884 = tpu.vector_load %arg7[%swap3A_881, %swap3A_882, %swap3A_883] {strides = array<i32>} : memref<2x64x512xf32, #tpu.memory_space<vmem>>, vector<16xf32>,
      tpu.vector_store %arg7[%swap3A_881, %swap3A_882, %swap3A_883], %gather3A_780 {strides = array<i32>} : memref<2x64x512xf32, #tpu.memory_space<vmem>>, vector<16xf32>,
      %add3A_885 = arith.constant 55 : i32
      %add3A_886 = vector.broadcast %add3A_885 : i32 to vector<16xi32>
      %add3A_887 = arith.addi %mul3A_290, %add3A_886 : vector<16xi32>
      %gather3A_888 = tpu.vector_load_idx %arg5[%add3A_887] : memref<33280xf32, #tpu.memory_space<vmem>>[vector<16xi32>], vector<16xf32>,
      %mul3A_889 = arith.constant 16 : i32
      %mul3A_890 = arith.muli %scan3A_282, %mul3A_889 : i32
      %swap3A_891 = arith.constant 0 : i32
      %swap3A_892 = arith.constant 47 : i32
      %swap3A_893 = arith.index_cast %swap3A_891 : i32 to index
      %swap3A_894 = arith.index_cast %swap3A_892 : i32 to index
      %swap3A_895 = arith.index_cast %mul3A_890 : i32 to index
      %swap3A_896 = tpu.vector_load %arg7[%swap3A_893, %swap3A_894, %swap3A_895] {strides = array<i32>} : memref<2x64x512xf32, #tpu.memory_space<vmem>>, vector<16xf32>,
      tpu.vector_store %arg7[%swap3A_893, %swap3A_894, %swap3A_895], %gather3A_792 {strides = array<i32>} : memref<2x64x512xf32, #tpu.memory_space<vmem>>, vector<16xf32>,
      %add3A_897 = arith.constant 56 : i32
      %add3A_898 = vector.broadcast %add3A_897 : i32 to vector<16xi32>
      %add3A_899 = arith.addi %mul3A_290, %add3A_898 : vector<16xi32>
      %gather3A_900 = tpu.vector_load_idx %arg5[%add3A_899] : memref<33280xf32, #tpu.memory_space<vmem>>[vector<16xi32>], vector<16xf32>,
      %mul3A_901 = arith.constant 16 : i32
      %mul3A_902 = arith.muli %scan3A_282, %mul3A_901 : i32
      %swap3A_903 = arith.constant 0 : i32
      %swap3A_904 = arith.constant 48 : i32
      %swap3A_905 = arith.index_cast %swap3A_903 : i32 to index
      %swap3A_906 = arith.index_cast %swap3A_904 : i32 to index
      %swap3A_907 = arith.index_cast %mul3A_902 : i32 to index
      %swap3A_908 = tpu.vector_load %arg7[%swap3A_905, %swap3A_906, %swap3A_907] {strides = array<i32>} : memref<2x64x512xf32, #tpu.memory_space<vmem>>, vector<16xf32>,
      tpu.vector_store %arg7[%swap3A_905, %swap3A_906, %swap3A_907], %gather3A_804 {strides = array<i32>} : memref<2x64x512xf32, #tpu.memory_space<vmem>>, vector<16xf32>,
      %add3A_909 = arith.constant 57 : i32
      %add3A_910 = vector.broadcast %add3A_909 : i32 to vector<16xi32>
      %add3A_911 = arith.addi %mul3A_290, %add3A_910 : vector<16xi32>
      %gather3A_912 = tpu.vector_load_idx %arg5[%add3A_911] : memref<33280xf32, #tpu.memory_space<vmem>>[vector<16xi32>], vector<16xf32>,
      %mul3A_913 = arith.constant 16 : i32
      %mul3A_914 = arith.muli %scan3A_282, %mul3A_913 : i32
      %swap3A_915 = arith.constant 0 : i32
      %swap3A_916 = arith.constant 49 : i32
      %swap3A_917 = arith.index_cast %swap3A_915 : i32 to index
      %swap3A_918 = arith.index_cast %swap3A_916 : i32 to index
      %swap3A_919 = arith.index_cast %mul3A_914 : i32 to index
      %swap3A_920 = tpu.vector_load %arg7[%swap3A_917, %swap3A_918, %swap3A_919] {strides = array<i32>} : memref<2x64x512xf32, #tpu.memory_space<vmem>>, vector<16xf32>,
      tpu.vector_store %arg7[%swap3A_917, %swap3A_918, %swap3A_919], %gather3A_816 {strides = array<i32>} : memref<2x64x512xf32, #tpu.memory_space<vmem>>, vector<16xf32>,
      %add3A_921 = arith.constant 58 : i32
      %add3A_922 = vector.broadcast %add3A_921 : i32 to vector<16xi32>
      %add3A_923 = arith.addi %mul3A_290, %add3A_922 : vector<16xi32>
      %gather3A_924 = tpu.vector_load_idx %arg5[%add3A_923] : memref<33280xf32, #tpu.memory_space<vmem>>[vector<16xi32>], vector<16xf32>,
      %mul3A_925 = arith.constant 16 : i32
      %mul3A_926 = arith.muli %scan3A_282, %mul3A_925 : i32
      %swap3A_927 = arith.constant 0 : i32
      %swap3A_928 = arith.constant 50 : i32
      %swap3A_929 = arith.index_cast %swap3A_927 : i32 to index
      %swap3A_930 = arith.index_cast %swap3A_928 : i32 to index
      %swap3A_931 = arith.index_cast %mul3A_926 : i32 to index
      %swap3A_932 = tpu.vector_load %arg7[%swap3A_929, %swap3A_930, %swap3A_931] {strides = array<i32>} : memref<2x64x512xf32, #tpu.memory_space<vmem>>, vector<16xf32>,
      tpu.vector_store %arg7[%swap3A_929, %swap3A_930, %swap3A_931], %gather3A_828 {strides = array<i32>} : memref<2x64x512xf32, #tpu.memory_space<vmem>>, vector<16xf32>,
      %add3A_933 = arith.constant 59 : i32
      %add3A_934 = vector.broadcast %add3A_933 : i32 to vector<16xi32>
      %add3A_935 = arith.addi %mul3A_290, %add3A_934 : vector<16xi32>
      %gather3A_936 = tpu.vector_load_idx %arg5[%add3A_935] : memref<33280xf32, #tpu.memory_space<vmem>>[vector<16xi32>], vector<16xf32>,
      %mul3A_937 = arith.constant 16 : i32
      %mul3A_938 = arith.muli %scan3A_282, %mul3A_937 : i32
      %swap3A_939 = arith.constant 0 : i32
      %swap3A_940 = arith.constant 51 : i32
      %swap3A_941 = arith.index_cast %swap3A_939 : i32 to index
      %swap3A_942 = arith.index_cast %swap3A_940 : i32 to index
      %swap3A_943 = arith.index_cast %mul3A_938 : i32 to index
      %swap3A_944 = tpu.vector_load %arg7[%swap3A_941, %swap3A_942, %swap3A_943] {strides = array<i32>} : memref<2x64x512xf32, #tpu.memory_space<vmem>>, vector<16xf32>,
      tpu.vector_store %arg7[%swap3A_941, %swap3A_942, %swap3A_943], %gather3A_840 {strides = array<i32>} : memref<2x64x512xf32, #tpu.memory_space<vmem>>, vector<16xf32>,
      %add3A_945 = arith.constant 60 : i32
      %add3A_946 = vector.broadcast %add3A_945 : i32 to vector<16xi32>
      %add3A_947 = arith.addi %mul3A_290, %add3A_946 : vector<16xi32>
      %gather3A_948 = tpu.vector_load_idx %arg5[%add3A_947] : memref<33280xf32, #tpu.memory_space<vmem>>[vector<16xi32>], vector<16xf32>,
      %mul3A_949 = arith.constant 16 : i32
      %mul3A_950 = arith.muli %scan3A_282, %mul3A_949 : i32
      %swap3A_951 = arith.constant 0 : i32
      %swap3A_952 = arith.constant 52 : i32
      %swap3A_953 = arith.index_cast %swap3A_951 : i32 to index
      %swap3A_954 = arith.index_cast %swap3A_952 : i32 to index
      %swap3A_955 = arith.index_cast %mul3A_950 : i32 to index
      %swap3A_956 = tpu.vector_load %arg7[%swap3A_953, %swap3A_954, %swap3A_955] {strides = array<i32>} : memref<2x64x512xf32, #tpu.memory_space<vmem>>, vector<16xf32>,
      tpu.vector_store %arg7[%swap3A_953, %swap3A_954, %swap3A_955], %gather3A_852 {strides = array<i32>} : memref<2x64x512xf32, #tpu.memory_space<vmem>>, vector<16xf32>,
      %add3A_957 = arith.constant 61 : i32
      %add3A_958 = vector.broadcast %add3A_957 : i32 to vector<16xi32>
      %add3A_959 = arith.addi %mul3A_290, %add3A_958 : vector<16xi32>
      %gather3A_960 = tpu.vector_load_idx %arg5[%add3A_959] : memref<33280xf32, #tpu.memory_space<vmem>>[vector<16xi32>], vector<16xf32>,
      %mul3A_961 = arith.constant 16 : i32
      %mul3A_962 = arith.muli %scan3A_282, %mul3A_961 : i32
      %swap3A_963 = arith.constant 0 : i32
      %swap3A_964 = arith.constant 53 : i32
      %swap3A_965 = arith.index_cast %swap3A_963 : i32 to index
      %swap3A_966 = arith.index_cast %swap3A_964 : i32 to index
      %swap3A_967 = arith.index_cast %mul3A_962 : i32 to index
      %swap3A_968 = tpu.vector_load %arg7[%swap3A_965, %swap3A_966, %swap3A_967] {strides = array<i32>} : memref<2x64x512xf32, #tpu.memory_space<vmem>>, vector<16xf32>,
      tpu.vector_store %arg7[%swap3A_965, %swap3A_966, %swap3A_967], %gather3A_864 {strides = array<i32>} : memref<2x64x512xf32, #tpu.memory_space<vmem>>, vector<16xf32>,
      %add3A_969 = arith.constant 62 : i32
      %add3A_970 = vector.broadcast %add3A_969 : i32 to vector<16xi32>
      %add3A_971 = arith.addi %mul3A_290, %add3A_970 : vector<16xi32>
      %gather3A_972 = tpu.vector_load_idx %arg5[%add3A_971] : memref<33280xf32, #tpu.memory_space<vmem>>[vector<16xi32>], vector<16xf32>,
      %mul3A_973 = arith.constant 16 : i32
      %mul3A_974 = arith.muli %scan3A_282, %mul3A_973 : i32
      %swap3A_975 = arith.constant 0 : i32
      %swap3A_976 = arith.constant 54 : i32
      %swap3A_977 = arith.index_cast %swap3A_975 : i32 to index
      %swap3A_978 = arith.index_cast %swap3A_976 : i32 to index
      %swap3A_979 = arith.index_cast %mul3A_974 : i32 to index
      %swap3A_980 = tpu.vector_load %arg7[%swap3A_977, %swap3A_978, %swap3A_979] {strides = array<i32>} : memref<2x64x512xf32, #tpu.memory_space<vmem>>, vector<16xf32>,
      tpu.vector_store %arg7[%swap3A_977, %swap3A_978, %swap3A_979], %gather3A_876 {strides = array<i32>} : memref<2x64x512xf32, #tpu.memory_space<vmem>>, vector<16xf32>,
      %add3A_981 = arith.constant 63 : i32
      %add3A_982 = vector.broadcast %add3A_981 : i32 to vector<16xi32>
      %add3A_983 = arith.addi %mul3A_290, %add3A_982 : vector<16xi32>
      %gather3A_984 = tpu.vector_load_idx %arg5[%add3A_983] : memref<33280xf32, #tpu.memory_space<vmem>>[vector<16xi32>], vector<16xf32>,
      %mul3A_985 = arith.constant 16 : i32
      %mul3A_986 = arith.muli %scan3A_282, %mul3A_985 : i32
      %swap3A_987 = arith.constant 0 : i32
      %swap3A_988 = arith.constant 55 : i32
      %swap3A_989 = arith.index_cast %swap3A_987 : i32 to index
      %swap3A_990 = arith.index_cast %swap3A_988 : i32 to index
      %swap3A_991 = arith.index_cast %mul3A_986 : i32 to index
      %swap3A_992 = tpu.vector_load %arg7[%swap3A_989, %swap3A_990, %swap3A_991] {strides = array<i32>} : memref<2x64x512xf32, #tpu.memory_space<vmem>>, vector<16xf32>,
      tpu.vector_store %arg7[%swap3A_989, %swap3A_990, %swap3A_991], %gather3A_888 {strides = array<i32>} : memref<2x64x512xf32, #tpu.memory_space<vmem>>, vector<16xf32>,
      %mul3A_993 = arith.constant 16 : i32
      %mul3A_994 = arith.muli %scan3A_282, %mul3A_993 : i32
      %swap3A_995 = arith.constant 0 : i32
      %swap3A_996 = arith.constant 56 : i32
      %swap3A_997 = arith.index_cast %swap3A_995 : i32 to index
      %swap3A_998 = arith.index_cast %swap3A_996 : i32 to index
      %swap3A_999 = arith.index_cast %mul3A_994 : i32 to index
      %swap3A_1000 = tpu.vector_load %arg7[%swap3A_997, %swap3A_998, %swap3A_999] {strides = array<i32>} : memref<2x64x512xf32, #tpu.memory_space<vmem>>, vector<16xf32>,
      tpu.vector_store %arg7[%swap3A_997, %swap3A_998, %swap3A_999], %gather3A_900 {strides = array<i32>} : memref<2x64x512xf32, #tpu.memory_space<vmem>>, vector<16xf32>,
      %mul3A_1001 = arith.constant 16 : i32
      %mul3A_1002 = arith.muli %scan3A_282, %mul3A_1001 : i32
      %swap3A_1003 = arith.constant 0 : i32
      %swap3A_1004 = arith.constant 57 : i32
      %swap3A_1005 = arith.index_cast %swap3A_1003 : i32 to index
      %swap3A_1006 = arith.index_cast %swap3A_1004 : i32 to index
      %swap3A_1007 = arith.index_cast %mul3A_1002 : i32 to index
      %swap3A_1008 = tpu.vector_load %arg7[%swap3A_1005, %swap3A_1006, %swap3A_1007] {strides = array<i32>} : memref<2x64x512xf32, #tpu.memory_space<vmem>>, vector<16xf32>,
      tpu.vector_store %arg7[%swap3A_1005, %swap3A_1006, %swap3A_1007], %gather3A_912 {strides = array<i32>} : memref<2x64x512xf32, #tpu.memory_space<vmem>>, vector<16xf32>,
      %mul3A_1009 = arith.constant 16 : i32
      %mul3A_1010 = arith.muli %scan3A_282, %mul3A_1009 : i32
      %swap3A_1011 = arith.constant 0 : i32
      %swap3A_1012 = arith.constant 58 : i32
      %swap3A_1013 = arith.index_cast %swap3A_1011 : i32 to index
      %swap3A_1014 = arith.index_cast %swap3A_1012 : i32 to index
      %swap3A_1015 = arith.index_cast %mul3A_1010 : i32 to index
      %swap3A_1016 = tpu.vector_load %arg7[%swap3A_1013, %swap3A_1014, %swap3A_1015] {strides = array<i32>} : memref<2x64x512xf32, #tpu.memory_space<vmem>>, vector<16xf32>,
      tpu.vector_store %arg7[%swap3A_1013, %swap3A_1014, %swap3A_1015], %gather3A_924 {strides = array<i32>} : memref<2x64x512xf32, #tpu.memory_space<vmem>>, vector<16xf32>,
      %mul3A_1017 = arith.constant 16 : i32
      %mul3A_1018 = arith.muli %scan3A_282, %mul3A_1017 : i32
      %swap3A_1019 = arith.constant 0 : i32
      %swap3A_1020 = arith.constant 59 : i32
      %swap3A_1021 = arith.index_cast %swap3A_1019 : i32 to index
      %swap3A_1022 = arith.index_cast %swap3A_1020 : i32 to index
      %swap3A_1023 = arith.index_cast %mul3A_1018 : i32 to index
      %swap3A_1024 = tpu.vector_load %arg7[%swap3A_1021, %swap3A_1022, %swap3A_1023] {strides = array<i32>} : memref<2x64x512xf32, #tpu.memory_space<vmem>>, vector<16xf32>,
      tpu.vector_store %arg7[%swap3A_1021, %swap3A_1022, %swap3A_1023], %gather3A_936 {strides = array<i32>} : memref<2x64x512xf32, #tpu.memory_space<vmem>>, vector<16xf32>,
      %mul3A_1025 = arith.constant 16 : i32
      %mul3A_1026 = arith.muli %scan3A_282, %mul3A_1025 : i32
      %swap3A_1027 = arith.constant 0 : i32
      %swap3A_1028 = arith.constant 60 : i32
      %swap3A_1029 = arith.index_cast %swap3A_1027 : i32 to index
      %swap3A_1030 = arith.index_cast %swap3A_1028 : i32 to index
      %swap3A_1031 = arith.index_cast %mul3A_1026 : i32 to index
      %swap3A_1032 = tpu.vector_load %arg7[%swap3A_1029, %swap3A_1030, %swap3A_1031] {strides = array<i32>} : memref<2x64x512xf32, #tpu.memory_space<vmem>>, vector<16xf32>,
      tpu.vector_store %arg7[%swap3A_1029, %swap3A_1030, %swap3A_1031], %gather3A_948 {strides = array<i32>} : memref<2x64x512xf32, #tpu.memory_space<vmem>>, vector<16xf32>,
      %mul3A_1033 = arith.constant 16 : i32
      %mul3A_1034 = arith.muli %scan3A_282, %mul3A_1033 : i32
      %swap3A_1035 = arith.constant 0 : i32
      %swap3A_1036 = arith.constant 61 : i32
      %swap3A_1037 = arith.index_cast %swap3A_1035 : i32 to index
      %swap3A_1038 = arith.index_cast %swap3A_1036 : i32 to index
      %swap3A_1039 = arith.index_cast %mul3A_1034 : i32 to index
      %swap3A_1040 = tpu.vector_load %arg7[%swap3A_1037, %swap3A_1038, %swap3A_1039] {strides = array<i32>} : memref<2x64x512xf32, #tpu.memory_space<vmem>>, vector<16xf32>,
      tpu.vector_store %arg7[%swap3A_1037, %swap3A_1038, %swap3A_1039], %gather3A_960 {strides = array<i32>} : memref<2x64x512xf32, #tpu.memory_space<vmem>>, vector<16xf32>,
      %mul3A_1041 = arith.constant 16 : i32
      %mul3A_1042 = arith.muli %scan3A_282, %mul3A_1041 : i32
      %swap3A_1043 = arith.constant 0 : i32
      %swap3A_1044 = arith.constant 62 : i32
      %swap3A_1045 = arith.index_cast %swap3A_1043 : i32 to index
      %swap3A_1046 = arith.index_cast %swap3A_1044 : i32 to index
      %swap3A_1047 = arith.index_cast %mul3A_1042 : i32 to index
      %swap3A_1048 = tpu.vector_load %arg7[%swap3A_1045, %swap3A_1046, %swap3A_1047] {strides = array<i32>} : memref<2x64x512xf32, #tpu.memory_space<vmem>>, vector<16xf32>,
      tpu.vector_store %arg7[%swap3A_1045, %swap3A_1046, %swap3A_1047], %gather3A_972 {strides = array<i32>} : memref<2x64x512xf32, #tpu.memory_space<vmem>>, vector<16xf32>,
      %mul3A_1049 = arith.constant 16 : i32
      %mul3A_1050 = arith.muli %scan3A_282, %mul3A_1049 : i32
      %swap3A_1051 = arith.constant 0 : i32
      %swap3A_1052 = arith.constant 63 : i32
      %swap3A_1053 = arith.index_cast %swap3A_1051 : i32 to index
      %swap3A_1054 = arith.index_cast %swap3A_1052 : i32 to index
      %swap3A_1055 = arith.index_cast %mul3A_1050 : i32 to index
      %swap3A_1056 = tpu.vector_load %arg7[%swap3A_1053, %swap3A_1054, %swap3A_1055] {strides = array<i32>} : memref<2x64x512xf32, #tpu.memory_space<vmem>>, vector<16xf32>,
      tpu.vector_store %arg7[%swap3A_1053, %swap3A_1054, %swap3A_1055], %gather3A_984 {strides = array<i32>} : memref<2x64x512xf32, #tpu.memory_space<vmem>>, vector<16xf32>,
    }
    %scan3A_187 = arith.constant 32 : i32
    %add3A_188 = arith.constant 48 : i32
    %add3A_189 = arith.addi %mul3A_32, %add3A_188 : i32
    %dma_start3A_190 = arith.constant 0 : i32
    %dma_start3A_191 = arith.constant 0 : i32
    %dma_start3A_192 = arith.constant 0 : i32
    %dma_start3A_193 = tpu.memref_slice %arg7[%dma_start3A_190, %dma_start3A_191, %dma_start3A_192] : memref<2x64x512xf32, #tpu.memory_space<vmem>> -> memref<1x64x512xf32, #tpu.memory_space<vmem>>
    %dma_start3A_194 = tpu.memref_squeeze %dma_start3A_193 : memref<1x64x512xf32, #tpu.memory_space<vmem>> -> memref<64x512xf32, #tpu.memory_space<vmem>>
    %dma_start3A_195 = arith.constant 0 : i32
    %dma_start3A_196 = tpu.memref_slice %arg4[%add3A_189, %dma_start3A_195, %mul3A_34] : memref<200x64x4096xf32, #tpu.memory_space<hbm>> -> memref<1x64x512xf32, #tpu.memory_space<hbm>>
    %dma_start3A_197 = tpu.memref_squeeze %dma_start3A_196 : memref<1x64x512xf32, #tpu.memory_space<hbm>> -> memref<64x512xf32, #tpu.memory_space<hbm>>
    %dma_start3A_198 = arith.constant 0 : i32
    %dma_start3A_199 = tpu.memref_slice %arg4[%add3A_189, %dma_start3A_198, %mul3A_34] : memref<200x64x4096xf32, #tpu.memory_space<hbm>> -> memref<1x64x512xf32, #tpu.memory_space<hbm>>
    %dma_start3A_200 = tpu.memref_squeeze %dma_start3A_199 : memref<1x64x512xf32, #tpu.memory_space<hbm>> -> memref<64x512xf32, #tpu.memory_space<hbm>>
    %dma_start3A_201 = arith.constant 0 : i32
    %dma_start3A_202 = arith.constant 0 : i32
    %dma_start3A_203 = tpu.memref_slice %arg7[%dma_start3A_190, %dma_start3A_201, %dma_start3A_202] : memref<2x64x512xf32, #tpu.memory_space<vmem>> -> memref<1x64x512xf32, #tpu.memory_space<vmem>>
    %dma_start3A_204 = tpu.memref_squeeze %dma_start3A_203 : memref<1x64x512xf32, #tpu.memory_space<vmem>> -> memref<64x512xf32, #tpu.memory_space<vmem>>
    tpu.enqueue_dma source(%dma_start3A_204 : memref<64x512xf32, #tpu.memory_space<vmem>>) target(%dma_start3A_200 : memref<64x512xf32, #tpu.memory_space<hbm>>) target_semaphore(%arg10 : memref<!tpu.dma_semaphore, #tpu.memory_space<semaphore_mem>>)
    %dma_wait3A_205 = arith.constant 1 : i32
    %dma_wait3A_206 = arith.constant 0 : i32
    %dma_wait3A_207 = tpu.memref_slice %arg6[%dma_wait3A_205, %dma_wait3A_206] : memref<2x512xi32, #tpu.memory_space<vmem>> -> memref<1x512xi32, #tpu.memory_space<vmem>>
    %dma_wait3A_208 = tpu.memref_squeeze %dma_wait3A_207 : memref<1x512xi32, #tpu.memory_space<vmem>> -> memref<512xi32, #tpu.memory_space<vmem>>
    %dma_wait3A_209 = tpu.memref_slice %arg2[%mul3A_34] : memref<819200xi32, #tpu.memory_space<hbm>> -> memref<512xi32, #tpu.memory_space<hbm>>
    %dma_wait3A_210 = arith.constant 0 : i32
    %dma_wait3A_211 = tpu.memref_slice %arg6[%dma_wait3A_205, %dma_wait3A_210] : memref<2x512xi32, #tpu.memory_space<vmem>> -> memref<1x512xi32, #tpu.memory_space<vmem>>
    %dma_wait3A_212 = tpu.memref_squeeze %dma_wait3A_211 : memref<1x512xi32, #tpu.memory_space<vmem>> -> memref<512xi32, #tpu.memory_space<vmem>>
    %dma_wait3A_213 = tpu.memref_slice %arg2[%mul3A_34] : memref<819200xi32, #tpu.memory_space<hbm>> -> memref<512xi32, #tpu.memory_space<hbm>>
    tpu.wait_dma2 semaphore(%arg9 : memref<!tpu.dma_semaphore, #tpu.memory_space<semaphore_mem>>) src(%dma_wait3A_213 : memref<512xi32, #tpu.memory_space<hbm>>) dst(%dma_wait3A_212 : memref<512xi32, #tpu.memory_space<vmem>>)
    %dma_wait3A_214 = arith.constant 1 : i32
    %dma_wait3A_215 = arith.constant 0 : i32
    %dma_wait3A_216 = arith.constant 0 : i32
    %dma_wait3A_217 = tpu.memref_slice %arg7[%dma_wait3A_214, %dma_wait3A_215, %dma_wait3A_216] : memref<2x64x512xf32, #tpu.memory_space<vmem>> -> memref<1x64x512xf32, #tpu.memory_space<vmem>>
    %dma_wait3A_218 = tpu.memref_squeeze %dma_wait3A_217 : memref<1x64x512xf32, #tpu.memory_space<vmem>> -> memref<64x512xf32, #tpu.memory_space<vmem>>
    %dma_wait3A_219 = arith.constant 0 : i32
    %dma_wait3A_220 = tpu.memref_slice %arg4[%mul3A_32, %dma_wait3A_219, %mul3A_34] : memref<200x64x4096xf32, #tpu.memory_space<hbm>> -> memref<1x64x512xf32, #tpu.memory_space<hbm>>
    %dma_wait3A_221 = tpu.memref_squeeze %dma_wait3A_220 : memref<1x64x512xf32, #tpu.memory_space<hbm>> -> memref<64x512xf32, #tpu.memory_space<hbm>>
    %dma_wait3A_222 = arith.constant 0 : i32
    %dma_wait3A_223 = tpu.memref_slice %arg4[%mul3A_32, %dma_wait3A_222, %mul3A_34] : memref<200x64x4096xf32, #tpu.memory_space<hbm>> -> memref<1x64x512xf32, #tpu.memory_space<hbm>>
    %dma_wait3A_224 = tpu.memref_squeeze %dma_wait3A_223 : memref<1x64x512xf32, #tpu.memory_space<hbm>> -> memref<64x512xf32, #tpu.memory_space<hbm>>
    %dma_wait3A_225 = arith.constant 0 : i32
    %dma_wait3A_226 = arith.constant 0 : i32
    %dma_wait3A_227 = tpu.memref_slice %arg7[%dma_wait3A_214, %dma_wait3A_225, %dma_wait3A_226] : memref<2x64x512xf32, #tpu.memory_space<vmem>> -> memref<1x64x512xf32, #tpu.memory_space<vmem>>
    %dma_wait3A_228 = tpu.memref_squeeze %dma_wait3A_227 : memref<1x64x512xf32, #tpu.memory_space<vmem>> -> memref<64x512xf32, #tpu.memory_space<vmem>>
    tpu.wait_dma2 semaphore(%arg11 : memref<!tpu.dma_semaphore, #tpu.memory_space<semaphore_mem>>) src(%dma_wait3A_228 : memref<64x512xf32, #tpu.memory_space<vmem>>) dst(%dma_wait3A_224 : memref<64x512xf32, #tpu.memory_space<hbm>>)
    %scan3A_229 = arith.constant 0 : i32
    %scan3A_230 = arith.constant 0 : i32
    %scan3A_231 = arith.constant 32 : i32
    %scan3A_232 = arith.addi %scan3A_230, %scan3A_231 : i32
    %scan3A_233 = arith.constant 1 : i32
    scf.for %scan3A_282 = %scan3A_230 to %scan3A_232 step %scan3A_233  : i32 {
      %mul3A_283 = arith.constant 16 : i32
      %mul3A_284 = arith.muli %scan3A_282, %mul3A_283 : i32
      %get3A = arith.constant 1 : i32
      %get3A_285 = arith.index_cast %get3A : i32 to index
      %get3A_286 = arith.index_cast %mul3A_284 : i32 to index
      %get3A_287 = tpu.vector_load %arg6[%get3A_285, %get3A_286] {strides = array<i32>} : memref<2x512xi32, #tpu.memory_space<vmem>>, vector<16xi32>,
      %mul3A_288 = arith.constant 65 : i32
      %mul3A_289 = vector.broadcast %mul3A_288 : i32 to vector<16xi32>
      %mul3A_290 = arith.muli %get3A_287, %mul3A_289 : vector<16xi32>
      %add3A_291 = arith.constant 0 : i32
      %add3A_292 = vector.broadcast %add3A_291 : i32 to vector<16xi32>
      %add3A_293 = arith.addi %mul3A_290, %add3A_292 : vector<16xi32>
      %gather3A = tpu.vector_load_idx %arg5[%add3A_293] : memref<33280xf32, #tpu.memory_space<vmem>>[vector<16xi32>], vector<16xf32>,
      %add3A_294 = arith.constant 1 : i32
      %add3A_295 = vector.broadcast %add3A_294 : i32 to vector<16xi32>
      %add3A_296 = arith.addi %mul3A_290, %add3A_295 : vector<16xi32>
      %gather3A_297 = tpu.vector_load_idx %arg5[%add3A_296] : memref<33280xf32, #tpu.memory_space<vmem>>[vector<16xi32>], vector<16xf32>,
      %add3A_298 = arith.constant 2 : i32
      %add3A_299 = vector.broadcast %add3A_298 : i32 to vector<16xi32>
      %add3A_300 = arith.addi %mul3A_290, %add3A_299 : vector<16xi32>
      %gather3A_301 = tpu.vector_load_idx %arg5[%add3A_300] : memref<33280xf32, #tpu.memory_space<vmem>>[vector<16xi32>], vector<16xf32>,
      %add3A_302 = arith.constant 3 : i32
      %add3A_303 = vector.broadcast %add3A_302 : i32 to vector<16xi32>
      %add3A_304 = arith.addi %mul3A_290, %add3A_303 : vector<16xi32>
      %gather3A_305 = tpu.vector_load_idx %arg5[%add3A_304] : memref<33280xf32, #tpu.memory_space<vmem>>[vector<16xi32>], vector<16xf32>,
      %add3A_306 = arith.constant 4 : i32
      %add3A_307 = vector.broadcast %add3A_306 : i32 to vector<16xi32>
      %add3A_308 = arith.addi %mul3A_290, %add3A_307 : vector<16xi32>
      %gather3A_309 = tpu.vector_load_idx %arg5[%add3A_308] : memref<33280xf32, #tpu.memory_space<vmem>>[vector<16xi32>], vector<16xf32>,
      %add3A_310 = arith.constant 5 : i32
      %add3A_311 = vector.broadcast %add3A_310 : i32 to vector<16xi32>
      %add3A_312 = arith.addi %mul3A_290, %add3A_311 : vector<16xi32>
      %gather3A_313 = tpu.vector_load_idx %arg5[%add3A_312] : memref<33280xf32, #tpu.memory_space<vmem>>[vector<16xi32>], vector<16xf32>,
      %add3A_314 = arith.constant 6 : i32
      %add3A_315 = vector.broadcast %add3A_314 : i32 to vector<16xi32>
      %add3A_316 = arith.addi %mul3A_290, %add3A_315 : vector<16xi32>
      %gather3A_317 = tpu.vector_load_idx %arg5[%add3A_316] : memref<33280xf32, #tpu.memory_space<vmem>>[vector<16xi32>], vector<16xf32>,
      %add3A_318 = arith.constant 7 : i32
      %add3A_319 = vector.broadcast %add3A_318 : i32 to vector<16xi32>
      %add3A_320 = arith.addi %mul3A_290, %add3A_319 : vector<16xi32>
      %gather3A_321 = tpu.vector_load_idx %arg5[%add3A_320] : memref<33280xf32, #tpu.memory_space<vmem>>[vector<16xi32>], vector<16xf32>,
      %add3A_322 = arith.constant 8 : i32
      %add3A_323 = vector.broadcast %add3A_322 : i32 to vector<16xi32>
      %add3A_324 = arith.addi %mul3A_290, %add3A_323 : vector<16xi32>
      %gather3A_325 = tpu.vector_load_idx %arg5[%add3A_324] : memref<33280xf32, #tpu.memory_space<vmem>>[vector<16xi32>], vector<16xf32>,
      %mul3A_326 = arith.constant 16 : i32
      %mul3A_327 = arith.muli %scan3A_282, %mul3A_326 : i32
      %swap3A = arith.constant 1 : i32
      %swap3A_328 = arith.constant 0 : i32
      %swap3A_329 = arith.index_cast %swap3A : i32 to index
      %swap3A_330 = arith.index_cast %swap3A_328 : i32 to index
      %swap3A_331 = arith.index_cast %mul3A_327 : i32 to index
      %swap3A_332 = tpu.vector_load %arg7[%swap3A_329, %swap3A_330, %swap3A_331] {strides = array<i32>} : memref<2x64x512xf32, #tpu.memory_space<vmem>>, vector<16xf32>,
      tpu.vector_store %arg7[%swap3A_329, %swap3A_330, %swap3A_331], %gather3A {strides = array<i32>} : memref<2x64x512xf32, #tpu.memory_space<vmem>>, vector<16xf32>,
      %add3A_333 = arith.constant 9 : i32
      %add3A_334 = vector.broadcast %add3A_333 : i32 to vector<16xi32>
      %add3A_335 = arith.addi %mul3A_290, %add3A_334 : vector<16xi32>
      %gather3A_336 = tpu.vector_load_idx %arg5[%add3A_335] : memref<33280xf32, #tpu.memory_space<vmem>>[vector<16xi32>], vector<16xf32>,
      %mul3A_337 = arith.constant 16 : i32
      %mul3A_338 = arith.muli %scan3A_282, %mul3A_337 : i32
      %swap3A_339 = arith.constant 1 : i32
      %swap3A_340 = arith.constant 1 : i32
      %swap3A_341 = arith.index_cast %swap3A_339 : i32 to index
      %swap3A_342 = arith.index_cast %swap3A_340 : i32 to index
      %swap3A_343 = arith.index_cast %mul3A_338 : i32 to index
      %swap3A_344 = tpu.vector_load %arg7[%swap3A_341, %swap3A_342, %swap3A_343] {strides = array<i32>} : memref<2x64x512xf32, #tpu.memory_space<vmem>>, vector<16xf32>,
      tpu.vector_store %arg7[%swap3A_341, %swap3A_342, %swap3A_343], %gather3A_297 {strides = array<i32>} : memref<2x64x512xf32, #tpu.memory_space<vmem>>, vector<16xf32>,
      %add3A_345 = arith.constant 10 : i32
      %add3A_346 = vector.broadcast %add3A_345 : i32 to vector<16xi32>
      %add3A_347 = arith.addi %mul3A_290, %add3A_346 : vector<16xi32>
      %gather3A_348 = tpu.vector_load_idx %arg5[%add3A_347] : memref<33280xf32, #tpu.memory_space<vmem>>[vector<16xi32>], vector<16xf32>,
      %mul3A_349 = arith.constant 16 : i32
      %mul3A_350 = arith.muli %scan3A_282, %mul3A_349 : i32
      %swap3A_351 = arith.constant 1 : i32
      %swap3A_352 = arith.constant 2 : i32
      %swap3A_353 = arith.index_cast %swap3A_351 : i32 to index
      %swap3A_354 = arith.index_cast %swap3A_352 : i32 to index
      %swap3A_355 = arith.index_cast %mul3A_350 : i32 to index
      %swap3A_356 = tpu.vector_load %arg7[%swap3A_353, %swap3A_354, %swap3A_355] {strides = array<i32>} : memref<2x64x512xf32, #tpu.memory_space<vmem>>, vector<16xf32>,
      tpu.vector_store %arg7[%swap3A_353, %swap3A_354, %swap3A_355], %gather3A_301 {strides = array<i32>} : memref<2x64x512xf32, #tpu.memory_space<vmem>>, vector<16xf32>,
      %add3A_357 = arith.constant 11 : i32
      %add3A_358 = vector.broadcast %add3A_357 : i32 to vector<16xi32>
      %add3A_359 = arith.addi %mul3A_290, %add3A_358 : vector<16xi32>
      %gather3A_360 = tpu.vector_load_idx %arg5[%add3A_359] : memref<33280xf32, #tpu.memory_space<vmem>>[vector<16xi32>], vector<16xf32>,
      %mul3A_361 = arith.constant 16 : i32
      %mul3A_362 = arith.muli %scan3A_282, %mul3A_361 : i32
      %swap3A_363 = arith.constant 1 : i32
      %swap3A_364 = arith.constant 3 : i32
      %swap3A_365 = arith.index_cast %swap3A_363 : i32 to index
      %swap3A_366 = arith.index_cast %swap3A_364 : i32 to index
      %swap3A_367 = arith.index_cast %mul3A_362 : i32 to index
      %swap3A_368 = tpu.vector_load %arg7[%swap3A_365, %swap3A_366, %swap3A_367] {strides = array<i32>} : memref<2x64x512xf32, #tpu.memory_space<vmem>>, vector<16xf32>,
      tpu.vector_store %arg7[%swap3A_365, %swap3A_366, %swap3A_367], %gather3A_305 {strides = array<i32>} : memref<2x64x512xf32, #tpu.memory_space<vmem>>, vector<16xf32>,
      %add3A_369 = arith.constant 12 : i32
      %add3A_370 = vector.broadcast %add3A_369 : i32 to vector<16xi32>
      %add3A_371 = arith.addi %mul3A_290, %add3A_370 : vector<16xi32>
      %gather3A_372 = tpu.vector_load_idx %arg5[%add3A_371] : memref<33280xf32, #tpu.memory_space<vmem>>[vector<16xi32>], vector<16xf32>,
      %mul3A_373 = arith.constant 16 : i32
      %mul3A_374 = arith.muli %scan3A_282, %mul3A_373 : i32
      %swap3A_375 = arith.constant 1 : i32
      %swap3A_376 = arith.constant 4 : i32
      %swap3A_377 = arith.index_cast %swap3A_375 : i32 to index
      %swap3A_378 = arith.index_cast %swap3A_376 : i32 to index
      %swap3A_379 = arith.index_cast %mul3A_374 : i32 to index
      %swap3A_380 = tpu.vector_load %arg7[%swap3A_377, %swap3A_378, %swap3A_379] {strides = array<i32>} : memref<2x64x512xf32, #tpu.memory_space<vmem>>, vector<16xf32>,
      tpu.vector_store %arg7[%swap3A_377, %swap3A_378, %swap3A_379], %gather3A_309 {strides = array<i32>} : memref<2x64x512xf32, #tpu.memory_space<vmem>>, vector<16xf32>,
      %add3A_381 = arith.constant 13 : i32
      %add3A_382 = vector.broadcast %add3A_381 : i32 to vector<16xi32>
      %add3A_383 = arith.addi %mul3A_290, %add3A_382 : vector<16xi32>
      %gather3A_384 = tpu.vector_load_idx %arg5[%add3A_383] : memref<33280xf32, #tpu.memory_space<vmem>>[vector<16xi32>], vector<16xf32>,
      %mul3A_385 = arith.constant 16 : i32
      %mul3A_386 = arith.muli %scan3A_282, %mul3A_385 : i32
      %swap3A_387 = arith.constant 1 : i32
      %swap3A_388 = arith.constant 5 : i32
      %swap3A_389 = arith.index_cast %swap3A_387 : i32 to index
      %swap3A_390 = arith.index_cast %swap3A_388 : i32 to index
      %swap3A_391 = arith.index_cast %mul3A_386 : i32 to index
      %swap3A_392 = tpu.vector_load %arg7[%swap3A_389, %swap3A_390, %swap3A_391] {strides = array<i32>} : memref<2x64x512xf32, #tpu.memory_space<vmem>>, vector<16xf32>,
      tpu.vector_store %arg7[%swap3A_389, %swap3A_390, %swap3A_391], %gather3A_313 {strides = array<i32>} : memref<2x64x512xf32, #tpu.memory_space<vmem>>, vector<16xf32>,
      %add3A_393 = arith.constant 14 : i32
      %add3A_394 = vector.broadcast %add3A_393 : i32 to vector<16xi32>
      %add3A_395 = arith.addi %mul3A_290, %add3A_394 : vector<16xi32>
      %gather3A_396 = tpu.vector_load_idx %arg5[%add3A_395] : memref<33280xf32, #tpu.memory_space<vmem>>[vector<16xi32>], vector<16xf32>,
      %mul3A_397 = arith.constant 16 : i32
      %mul3A_398 = arith.muli %scan3A_282, %mul3A_397 : i32
      %swap3A_399 = arith.constant 1 : i32
      %swap3A_400 = arith.constant 6 : i32
      %swap3A_401 = arith.index_cast %swap3A_399 : i32 to index
      %swap3A_402 = arith.index_cast %swap3A_400 : i32 to index
      %swap3A_403 = arith.index_cast %mul3A_398 : i32 to index
      %swap3A_404 = tpu.vector_load %arg7[%swap3A_401, %swap3A_402, %swap3A_403] {strides = array<i32>} : memref<2x64x512xf32, #tpu.memory_space<vmem>>, vector<16xf32>,
      tpu.vector_store %arg7[%swap3A_401, %swap3A_402, %swap3A_403], %gather3A_317 {strides = array<i32>} : memref<2x64x512xf32, #tpu.memory_space<vmem>>, vector<16xf32>,
      %add3A_405 = arith.constant 15 : i32
      %add3A_406 = vector.broadcast %add3A_405 : i32 to vector<16xi32>
      %add3A_407 = arith.addi %mul3A_290, %add3A_406 : vector<16xi32>
      %gather3A_408 = tpu.vector_load_idx %arg5[%add3A_407] : memref<33280xf32, #tpu.memory_space<vmem>>[vector<16xi32>], vector<16xf32>,
      %mul3A_409 = arith.constant 16 : i32
      %mul3A_410 = arith.muli %scan3A_282, %mul3A_409 : i32
      %swap3A_411 = arith.constant 1 : i32
      %swap3A_412 = arith.constant 7 : i32
      %swap3A_413 = arith.index_cast %swap3A_411 : i32 to index
      %swap3A_414 = arith.index_cast %swap3A_412 : i32 to index
      %swap3A_415 = arith.index_cast %mul3A_410 : i32 to index
      %swap3A_416 = tpu.vector_load %arg7[%swap3A_413, %swap3A_414, %swap3A_415] {strides = array<i32>} : memref<2x64x512xf32, #tpu.memory_space<vmem>>, vector<16xf32>,
      tpu.vector_store %arg7[%swap3A_413, %swap3A_414, %swap3A_415], %gather3A_321 {strides = array<i32>} : memref<2x64x512xf32, #tpu.memory_space<vmem>>, vector<16xf32>,
      %add3A_417 = arith.constant 16 : i32
      %add3A_418 = vector.broadcast %add3A_417 : i32 to vector<16xi32>
      %add3A_419 = arith.addi %mul3A_290, %add3A_418 : vector<16xi32>
      %gather3A_420 = tpu.vector_load_idx %arg5[%add3A_419] : memref<33280xf32, #tpu.memory_space<vmem>>[vector<16xi32>], vector<16xf32>,
      %mul3A_421 = arith.constant 16 : i32
      %mul3A_422 = arith.muli %scan3A_282, %mul3A_421 : i32
      %swap3A_423 = arith.constant 1 : i32
      %swap3A_424 = arith.constant 8 : i32
      %swap3A_425 = arith.index_cast %swap3A_423 : i32 to index
      %swap3A_426 = arith.index_cast %swap3A_424 : i32 to index
      %swap3A_427 = arith.index_cast %mul3A_422 : i32 to index
      %swap3A_428 = tpu.vector_load %arg7[%swap3A_425, %swap3A_426, %swap3A_427] {strides = array<i32>} : memref<2x64x512xf32, #tpu.memory_space<vmem>>, vector<16xf32>,
      tpu.vector_store %arg7[%swap3A_425, %swap3A_426, %swap3A_427], %gather3A_325 {strides = array<i32>} : memref<2x64x512xf32, #tpu.memory_space<vmem>>, vector<16xf32>,
      %add3A_429 = arith.constant 17 : i32
      %add3A_430 = vector.broadcast %add3A_429 : i32 to vector<16xi32>
      %add3A_431 = arith.addi %mul3A_290, %add3A_430 : vector<16xi32>
      %gather3A_432 = tpu.vector_load_idx %arg5[%add3A_431] : memref<33280xf32, #tpu.memory_space<vmem>>[vector<16xi32>], vector<16xf32>,
      %mul3A_433 = arith.constant 16 : i32
      %mul3A_434 = arith.muli %scan3A_282, %mul3A_433 : i32
      %swap3A_435 = arith.constant 1 : i32
      %swap3A_436 = arith.constant 9 : i32
      %swap3A_437 = arith.index_cast %swap3A_435 : i32 to index
      %swap3A_438 = arith.index_cast %swap3A_436 : i32 to index
      %swap3A_439 = arith.index_cast %mul3A_434 : i32 to index
      %swap3A_440 = tpu.vector_load %arg7[%swap3A_437, %swap3A_438, %swap3A_439] {strides = array<i32>} : memref<2x64x512xf32, #tpu.memory_space<vmem>>, vector<16xf32>,
      tpu.vector_store %arg7[%swap3A_437, %swap3A_438, %swap3A_439], %gather3A_336 {strides = array<i32>} : memref<2x64x512xf32, #tpu.memory_space<vmem>>, vector<16xf32>,
      %add3A_441 = arith.constant 18 : i32
      %add3A_442 = vector.broadcast %add3A_441 : i32 to vector<16xi32>
      %add3A_443 = arith.addi %mul3A_290, %add3A_442 : vector<16xi32>
      %gather3A_444 = tpu.vector_load_idx %arg5[%add3A_443] : memref<33280xf32, #tpu.memory_space<vmem>>[vector<16xi32>], vector<16xf32>,
      %mul3A_445 = arith.constant 16 : i32
      %mul3A_446 = arith.muli %scan3A_282, %mul3A_445 : i32
      %swap3A_447 = arith.constant 1 : i32
      %swap3A_448 = arith.constant 10 : i32
      %swap3A_449 = arith.index_cast %swap3A_447 : i32 to index
      %swap3A_450 = arith.index_cast %swap3A_448 : i32 to index
      %swap3A_451 = arith.index_cast %mul3A_446 : i32 to index
      %swap3A_452 = tpu.vector_load %arg7[%swap3A_449, %swap3A_450, %swap3A_451] {strides = array<i32>} : memref<2x64x512xf32, #tpu.memory_space<vmem>>, vector<16xf32>,
      tpu.vector_store %arg7[%swap3A_449, %swap3A_450, %swap3A_451], %gather3A_348 {strides = array<i32>} : memref<2x64x512xf32, #tpu.memory_space<vmem>>, vector<16xf32>,
      %add3A_453 = arith.constant 19 : i32
      %add3A_454 = vector.broadcast %add3A_453 : i32 to vector<16xi32>
      %add3A_455 = arith.addi %mul3A_290, %add3A_454 : vector<16xi32>
      %gather3A_456 = tpu.vector_load_idx %arg5[%add3A_455] : memref<33280xf32, #tpu.memory_space<vmem>>[vector<16xi32>], vector<16xf32>,
      %mul3A_457 = arith.constant 16 : i32
      %mul3A_458 = arith.muli %scan3A_282, %mul3A_457 : i32
      %swap3A_459 = arith.constant 1 : i32
      %swap3A_460 = arith.constant 11 : i32
      %swap3A_461 = arith.index_cast %swap3A_459 : i32 to index
      %swap3A_462 = arith.index_cast %swap3A_460 : i32 to index
      %swap3A_463 = arith.index_cast %mul3A_458 : i32 to index
      %swap3A_464 = tpu.vector_load %arg7[%swap3A_461, %swap3A_462, %swap3A_463] {strides = array<i32>} : memref<2x64x512xf32, #tpu.memory_space<vmem>>, vector<16xf32>,
      tpu.vector_store %arg7[%swap3A_461, %swap3A_462, %swap3A_463], %gather3A_360 {strides = array<i32>} : memref<2x64x512xf32, #tpu.memory_space<vmem>>, vector<16xf32>,
      %add3A_465 = arith.constant 20 : i32
      %add3A_466 = vector.broadcast %add3A_465 : i32 to vector<16xi32>
      %add3A_467 = arith.addi %mul3A_290, %add3A_466 : vector<16xi32>
      %gather3A_468 = tpu.vector_load_idx %arg5[%add3A_467] : memref<33280xf32, #tpu.memory_space<vmem>>[vector<16xi32>], vector<16xf32>,
      %mul3A_469 = arith.constant 16 : i32
      %mul3A_470 = arith.muli %scan3A_282, %mul3A_469 : i32
      %swap3A_471 = arith.constant 1 : i32
      %swap3A_472 = arith.constant 12 : i32
      %swap3A_473 = arith.index_cast %swap3A_471 : i32 to index
      %swap3A_474 = arith.index_cast %swap3A_472 : i32 to index
      %swap3A_475 = arith.index_cast %mul3A_470 : i32 to index
      %swap3A_476 = tpu.vector_load %arg7[%swap3A_473, %swap3A_474, %swap3A_475] {strides = array<i32>} : memref<2x64x512xf32, #tpu.memory_space<vmem>>, vector<16xf32>,
      tpu.vector_store %arg7[%swap3A_473, %swap3A_474, %swap3A_475], %gather3A_372 {strides = array<i32>} : memref<2x64x512xf32, #tpu.memory_space<vmem>>, vector<16xf32>,
      %add3A_477 = arith.constant 21 : i32
      %add3A_478 = vector.broadcast %add3A_477 : i32 to vector<16xi32>
      %add3A_479 = arith.addi %mul3A_290, %add3A_478 : vector<16xi32>
      %gather3A_480 = tpu.vector_load_idx %arg5[%add3A_479] : memref<33280xf32, #tpu.memory_space<vmem>>[vector<16xi32>], vector<16xf32>,
      %mul3A_481 = arith.constant 16 : i32
      %mul3A_482 = arith.muli %scan3A_282, %mul3A_481 : i32
      %swap3A_483 = arith.constant 1 : i32
      %swap3A_484 = arith.constant 13 : i32
      %swap3A_485 = arith.index_cast %swap3A_483 : i32 to index
      %swap3A_486 = arith.index_cast %swap3A_484 : i32 to index
      %swap3A_487 = arith.index_cast %mul3A_482 : i32 to index
      %swap3A_488 = tpu.vector_load %arg7[%swap3A_485, %swap3A_486, %swap3A_487] {strides = array<i32>} : memref<2x64x512xf32, #tpu.memory_space<vmem>>, vector<16xf32>,
      tpu.vector_store %arg7[%swap3A_485, %swap3A_486, %swap3A_487], %gather3A_384 {strides = array<i32>} : memref<2x64x512xf32, #tpu.memory_space<vmem>>, vector<16xf32>,
      %add3A_489 = arith.constant 22 : i32
      %add3A_490 = vector.broadcast %add3A_489 : i32 to vector<16xi32>
      %add3A_491 = arith.addi %mul3A_290, %add3A_490 : vector<16xi32>
      %gather3A_492 = tpu.vector_load_idx %arg5[%add3A_491] : memref<33280xf32, #tpu.memory_space<vmem>>[vector<16xi32>], vector<16xf32>,
      %mul3A_493 = arith.constant 16 : i32
      %mul3A_494 = arith.muli %scan3A_282, %mul3A_493 : i32
      %swap3A_495 = arith.constant 1 : i32
      %swap3A_496 = arith.constant 14 : i32
      %swap3A_497 = arith.index_cast %swap3A_495 : i32 to index
      %swap3A_498 = arith.index_cast %swap3A_496 : i32 to index
      %swap3A_499 = arith.index_cast %mul3A_494 : i32 to index
      %swap3A_500 = tpu.vector_load %arg7[%swap3A_497, %swap3A_498, %swap3A_499] {strides = array<i32>} : memref<2x64x512xf32, #tpu.memory_space<vmem>>, vector<16xf32>,
      tpu.vector_store %arg7[%swap3A_497, %swap3A_498, %swap3A_499], %gather3A_396 {strides = array<i32>} : memref<2x64x512xf32, #tpu.memory_space<vmem>>, vector<16xf32>,
      %add3A_501 = arith.constant 23 : i32
      %add3A_502 = vector.broadcast %add3A_501 : i32 to vector<16xi32>
      %add3A_503 = arith.addi %mul3A_290, %add3A_502 : vector<16xi32>
      %gather3A_504 = tpu.vector_load_idx %arg5[%add3A_503] : memref<33280xf32, #tpu.memory_space<vmem>>[vector<16xi32>], vector<16xf32>,
      %mul3A_505 = arith.constant 16 : i32
      %mul3A_506 = arith.muli %scan3A_282, %mul3A_505 : i32
      %swap3A_507 = arith.constant 1 : i32
      %swap3A_508 = arith.constant 15 : i32
      %swap3A_509 = arith.index_cast %swap3A_507 : i32 to index
      %swap3A_510 = arith.index_cast %swap3A_508 : i32 to index
      %swap3A_511 = arith.index_cast %mul3A_506 : i32 to index
      %swap3A_512 = tpu.vector_load %arg7[%swap3A_509, %swap3A_510, %swap3A_511] {strides = array<i32>} : memref<2x64x512xf32, #tpu.memory_space<vmem>>, vector<16xf32>,
      tpu.vector_store %arg7[%swap3A_509, %swap3A_510, %swap3A_511], %gather3A_408 {strides = array<i32>} : memref<2x64x512xf32, #tpu.memory_space<vmem>>, vector<16xf32>,
      %add3A_513 = arith.constant 24 : i32
      %add3A_514 = vector.broadcast %add3A_513 : i32 to vector<16xi32>
      %add3A_515 = arith.addi %mul3A_290, %add3A_514 : vector<16xi32>
      %gather3A_516 = tpu.vector_load_idx %arg5[%add3A_515] : memref<33280xf32, #tpu.memory_space<vmem>>[vector<16xi32>], vector<16xf32>,
      %mul3A_517 = arith.constant 16 : i32
      %mul3A_518 = arith.muli %scan3A_282, %mul3A_517 : i32
      %swap3A_519 = arith.constant 1 : i32
      %swap3A_520 = arith.constant 16 : i32
      %swap3A_521 = arith.index_cast %swap3A_519 : i32 to index
      %swap3A_522 = arith.index_cast %swap3A_520 : i32 to index
      %swap3A_523 = arith.index_cast %mul3A_518 : i32 to index
      %swap3A_524 = tpu.vector_load %arg7[%swap3A_521, %swap3A_522, %swap3A_523] {strides = array<i32>} : memref<2x64x512xf32, #tpu.memory_space<vmem>>, vector<16xf32>,
      tpu.vector_store %arg7[%swap3A_521, %swap3A_522, %swap3A_523], %gather3A_420 {strides = array<i32>} : memref<2x64x512xf32, #tpu.memory_space<vmem>>, vector<16xf32>,
      %add3A_525 = arith.constant 25 : i32
      %add3A_526 = vector.broadcast %add3A_525 : i32 to vector<16xi32>
      %add3A_527 = arith.addi %mul3A_290, %add3A_526 : vector<16xi32>
      %gather3A_528 = tpu.vector_load_idx %arg5[%add3A_527] : memref<33280xf32, #tpu.memory_space<vmem>>[vector<16xi32>], vector<16xf32>,
      %mul3A_529 = arith.constant 16 : i32
      %mul3A_530 = arith.muli %scan3A_282, %mul3A_529 : i32
      %swap3A_531 = arith.constant 1 : i32
      %swap3A_532 = arith.constant 17 : i32
      %swap3A_533 = arith.index_cast %swap3A_531 : i32 to index
      %swap3A_534 = arith.index_cast %swap3A_532 : i32 to index
      %swap3A_535 = arith.index_cast %mul3A_530 : i32 to index
      %swap3A_536 = tpu.vector_load %arg7[%swap3A_533, %swap3A_534, %swap3A_535] {strides = array<i32>} : memref<2x64x512xf32, #tpu.memory_space<vmem>>, vector<16xf32>,
      tpu.vector_store %arg7[%swap3A_533, %swap3A_534, %swap3A_535], %gather3A_432 {strides = array<i32>} : memref<2x64x512xf32, #tpu.memory_space<vmem>>, vector<16xf32>,
      %add3A_537 = arith.constant 26 : i32
      %add3A_538 = vector.broadcast %add3A_537 : i32 to vector<16xi32>
      %add3A_539 = arith.addi %mul3A_290, %add3A_538 : vector<16xi32>
      %gather3A_540 = tpu.vector_load_idx %arg5[%add3A_539] : memref<33280xf32, #tpu.memory_space<vmem>>[vector<16xi32>], vector<16xf32>,
      %mul3A_541 = arith.constant 16 : i32
      %mul3A_542 = arith.muli %scan3A_282, %mul3A_541 : i32
      %swap3A_543 = arith.constant 1 : i32
      %swap3A_544 = arith.constant 18 : i32
      %swap3A_545 = arith.index_cast %swap3A_543 : i32 to index
      %swap3A_546 = arith.index_cast %swap3A_544 : i32 to index
      %swap3A_547 = arith.index_cast %mul3A_542 : i32 to index
      %swap3A_548 = tpu.vector_load %arg7[%swap3A_545, %swap3A_546, %swap3A_547] {strides = array<i32>} : memref<2x64x512xf32, #tpu.memory_space<vmem>>, vector<16xf32>,
      tpu.vector_store %arg7[%swap3A_545, %swap3A_546, %swap3A_547], %gather3A_444 {strides = array<i32>} : memref<2x64x512xf32, #tpu.memory_space<vmem>>, vector<16xf32>,
      %add3A_549 = arith.constant 27 : i32
      %add3A_550 = vector.broadcast %add3A_549 : i32 to vector<16xi32>
      %add3A_551 = arith.addi %mul3A_290, %add3A_550 : vector<16xi32>
      %gather3A_552 = tpu.vector_load_idx %arg5[%add3A_551] : memref<33280xf32, #tpu.memory_space<vmem>>[vector<16xi32>], vector<16xf32>,
      %mul3A_553 = arith.constant 16 : i32
      %mul3A_554 = arith.muli %scan3A_282, %mul3A_553 : i32
      %swap3A_555 = arith.constant 1 : i32
      %swap3A_556 = arith.constant 19 : i32
      %swap3A_557 = arith.index_cast %swap3A_555 : i32 to index
      %swap3A_558 = arith.index_cast %swap3A_556 : i32 to index
      %swap3A_559 = arith.index_cast %mul3A_554 : i32 to index
      %swap3A_560 = tpu.vector_load %arg7[%swap3A_557, %swap3A_558, %swap3A_559] {strides = array<i32>} : memref<2x64x512xf32, #tpu.memory_space<vmem>>, vector<16xf32>,
      tpu.vector_store %arg7[%swap3A_557, %swap3A_558, %swap3A_559], %gather3A_456 {strides = array<i32>} : memref<2x64x512xf32, #tpu.memory_space<vmem>>, vector<16xf32>,
      %add3A_561 = arith.constant 28 : i32
      %add3A_562 = vector.broadcast %add3A_561 : i32 to vector<16xi32>
      %add3A_563 = arith.addi %mul3A_290, %add3A_562 : vector<16xi32>
      %gather3A_564 = tpu.vector_load_idx %arg5[%add3A_563] : memref<33280xf32, #tpu.memory_space<vmem>>[vector<16xi32>], vector<16xf32>,
      %mul3A_565 = arith.constant 16 : i32
      %mul3A_566 = arith.muli %scan3A_282, %mul3A_565 : i32
      %swap3A_567 = arith.constant 1 : i32
      %swap3A_568 = arith.constant 20 : i32
      %swap3A_569 = arith.index_cast %swap3A_567 : i32 to index
      %swap3A_570 = arith.index_cast %swap3A_568 : i32 to index
      %swap3A_571 = arith.index_cast %mul3A_566 : i32 to index
      %swap3A_572 = tpu.vector_load %arg7[%swap3A_569, %swap3A_570, %swap3A_571] {strides = array<i32>} : memref<2x64x512xf32, #tpu.memory_space<vmem>>, vector<16xf32>,
      tpu.vector_store %arg7[%swap3A_569, %swap3A_570, %swap3A_571], %gather3A_468 {strides = array<i32>} : memref<2x64x512xf32, #tpu.memory_space<vmem>>, vector<16xf32>,
      %add3A_573 = arith.constant 29 : i32
      %add3A_574 = vector.broadcast %add3A_573 : i32 to vector<16xi32>
      %add3A_575 = arith.addi %mul3A_290, %add3A_574 : vector<16xi32>
      %gather3A_576 = tpu.vector_load_idx %arg5[%add3A_575] : memref<33280xf32, #tpu.memory_space<vmem>>[vector<16xi32>], vector<16xf32>,
      %mul3A_577 = arith.constant 16 : i32
      %mul3A_578 = arith.muli %scan3A_282, %mul3A_577 : i32
      %swap3A_579 = arith.constant 1 : i32
      %swap3A_580 = arith.constant 21 : i32
      %swap3A_581 = arith.index_cast %swap3A_579 : i32 to index
      %swap3A_582 = arith.index_cast %swap3A_580 : i32 to index
      %swap3A_583 = arith.index_cast %mul3A_578 : i32 to index
      %swap3A_584 = tpu.vector_load %arg7[%swap3A_581, %swap3A_582, %swap3A_583] {strides = array<i32>} : memref<2x64x512xf32, #tpu.memory_space<vmem>>, vector<16xf32>,
      tpu.vector_store %arg7[%swap3A_581, %swap3A_582, %swap3A_583], %gather3A_480 {strides = array<i32>} : memref<2x64x512xf32, #tpu.memory_space<vmem>>, vector<16xf32>,
      %add3A_585 = arith.constant 30 : i32
      %add3A_586 = vector.broadcast %add3A_585 : i32 to vector<16xi32>
      %add3A_587 = arith.addi %mul3A_290, %add3A_586 : vector<16xi32>
      %gather3A_588 = tpu.vector_load_idx %arg5[%add3A_587] : memref<33280xf32, #tpu.memory_space<vmem>>[vector<16xi32>], vector<16xf32>,
      %mul3A_589 = arith.constant 16 : i32
      %mul3A_590 = arith.muli %scan3A_282, %mul3A_589 : i32
      %swap3A_591 = arith.constant 1 : i32
      %swap3A_592 = arith.constant 22 : i32
      %swap3A_593 = arith.index_cast %swap3A_591 : i32 to index
      %swap3A_594 = arith.index_cast %swap3A_592 : i32 to index
      %swap3A_595 = arith.index_cast %mul3A_590 : i32 to index
      %swap3A_596 = tpu.vector_load %arg7[%swap3A_593, %swap3A_594, %swap3A_595] {strides = array<i32>} : memref<2x64x512xf32, #tpu.memory_space<vmem>>, vector<16xf32>,
      tpu.vector_store %arg7[%swap3A_593, %swap3A_594, %swap3A_595], %gather3A_492 {strides = array<i32>} : memref<2x64x512xf32, #tpu.memory_space<vmem>>, vector<16xf32>,
      %add3A_597 = arith.constant 31 : i32
      %add3A_598 = vector.broadcast %add3A_597 : i32 to vector<16xi32>
      %add3A_599 = arith.addi %mul3A_290, %add3A_598 : vector<16xi32>
      %gather3A_600 = tpu.vector_load_idx %arg5[%add3A_599] : memref<33280xf32, #tpu.memory_space<vmem>>[vector<16xi32>], vector<16xf32>,
      %mul3A_601 = arith.constant 16 : i32
      %mul3A_602 = arith.muli %scan3A_282, %mul3A_601 : i32
      %swap3A_603 = arith.constant 1 : i32
      %swap3A_604 = arith.constant 23 : i32
      %swap3A_605 = arith.index_cast %swap3A_603 : i32 to index
      %swap3A_606 = arith.index_cast %swap3A_604 : i32 to index
      %swap3A_607 = arith.index_cast %mul3A_602 : i32 to index
      %swap3A_608 = tpu.vector_load %arg7[%swap3A_605, %swap3A_606, %swap3A_607] {strides = array<i32>} : memref<2x64x512xf32, #tpu.memory_space<vmem>>, vector<16xf32>,
      tpu.vector_store %arg7[%swap3A_605, %swap3A_606, %swap3A_607], %gather3A_504 {strides = array<i32>} : memref<2x64x512xf32, #tpu.memory_space<vmem>>, vector<16xf32>,
      %add3A_609 = arith.constant 32 : i32
      %add3A_610 = vector.broadcast %add3A_609 : i32 to vector<16xi32>
      %add3A_611 = arith.addi %mul3A_290, %add3A_610 : vector<16xi32>
      %gather3A_612 = tpu.vector_load_idx %arg5[%add3A_611] : memref<33280xf32, #tpu.memory_space<vmem>>[vector<16xi32>], vector<16xf32>,
      %mul3A_613 = arith.constant 16 : i32
      %mul3A_614 = arith.muli %scan3A_282, %mul3A_613 : i32
      %swap3A_615 = arith.constant 1 : i32
      %swap3A_616 = arith.constant 24 : i32
      %swap3A_617 = arith.index_cast %swap3A_615 : i32 to index
      %swap3A_618 = arith.index_cast %swap3A_616 : i32 to index
      %swap3A_619 = arith.index_cast %mul3A_614 : i32 to index
      %swap3A_620 = tpu.vector_load %arg7[%swap3A_617, %swap3A_618, %swap3A_619] {strides = array<i32>} : memref<2x64x512xf32, #tpu.memory_space<vmem>>, vector<16xf32>,
      tpu.vector_store %arg7[%swap3A_617, %swap3A_618, %swap3A_619], %gather3A_516 {strides = array<i32>} : memref<2x64x512xf32, #tpu.memory_space<vmem>>, vector<16xf32>,
      %add3A_621 = arith.constant 33 : i32
      %add3A_622 = vector.broadcast %add3A_621 : i32 to vector<16xi32>
      %add3A_623 = arith.addi %mul3A_290, %add3A_622 : vector<16xi32>
      %gather3A_624 = tpu.vector_load_idx %arg5[%add3A_623] : memref<33280xf32, #tpu.memory_space<vmem>>[vector<16xi32>], vector<16xf32>,
      %mul3A_625 = arith.constant 16 : i32
      %mul3A_626 = arith.muli %scan3A_282, %mul3A_625 : i32
      %swap3A_627 = arith.constant 1 : i32
      %swap3A_628 = arith.constant 25 : i32
      %swap3A_629 = arith.index_cast %swap3A_627 : i32 to index
      %swap3A_630 = arith.index_cast %swap3A_628 : i32 to index
      %swap3A_631 = arith.index_cast %mul3A_626 : i32 to index
      %swap3A_632 = tpu.vector_load %arg7[%swap3A_629, %swap3A_630, %swap3A_631] {strides = array<i32>} : memref<2x64x512xf32, #tpu.memory_space<vmem>>, vector<16xf32>,
      tpu.vector_store %arg7[%swap3A_629, %swap3A_630, %swap3A_631], %gather3A_528 {strides = array<i32>} : memref<2x64x512xf32, #tpu.memory_space<vmem>>, vector<16xf32>,
      %add3A_633 = arith.constant 34 : i32
      %add3A_634 = vector.broadcast %add3A_633 : i32 to vector<16xi32>
      %add3A_635 = arith.addi %mul3A_290, %add3A_634 : vector<16xi32>
      %gather3A_636 = tpu.vector_load_idx %arg5[%add3A_635] : memref<33280xf32, #tpu.memory_space<vmem>>[vector<16xi32>], vector<16xf32>,
      %mul3A_637 = arith.constant 16 : i32
      %mul3A_638 = arith.muli %scan3A_282, %mul3A_637 : i32
      %swap3A_639 = arith.constant 1 : i32
      %swap3A_640 = arith.constant 26 : i32
      %swap3A_641 = arith.index_cast %swap3A_639 : i32 to index
      %swap3A_642 = arith.index_cast %swap3A_640 : i32 to index
      %swap3A_643 = arith.index_cast %mul3A_638 : i32 to index
      %swap3A_644 = tpu.vector_load %arg7[%swap3A_641, %swap3A_642, %swap3A_643] {strides = array<i32>} : memref<2x64x512xf32, #tpu.memory_space<vmem>>, vector<16xf32>,
      tpu.vector_store %arg7[%swap3A_641, %swap3A_642, %swap3A_643], %gather3A_540 {strides = array<i32>} : memref<2x64x512xf32, #tpu.memory_space<vmem>>, vector<16xf32>,
      %add3A_645 = arith.constant 35 : i32
      %add3A_646 = vector.broadcast %add3A_645 : i32 to vector<16xi32>
      %add3A_647 = arith.addi %mul3A_290, %add3A_646 : vector<16xi32>
      %gather3A_648 = tpu.vector_load_idx %arg5[%add3A_647] : memref<33280xf32, #tpu.memory_space<vmem>>[vector<16xi32>], vector<16xf32>,
      %mul3A_649 = arith.constant 16 : i32
      %mul3A_650 = arith.muli %scan3A_282, %mul3A_649 : i32
      %swap3A_651 = arith.constant 1 : i32
      %swap3A_652 = arith.constant 27 : i32
      %swap3A_653 = arith.index_cast %swap3A_651 : i32 to index
      %swap3A_654 = arith.index_cast %swap3A_652 : i32 to index
      %swap3A_655 = arith.index_cast %mul3A_650 : i32 to index
      %swap3A_656 = tpu.vector_load %arg7[%swap3A_653, %swap3A_654, %swap3A_655] {strides = array<i32>} : memref<2x64x512xf32, #tpu.memory_space<vmem>>, vector<16xf32>,
      tpu.vector_store %arg7[%swap3A_653, %swap3A_654, %swap3A_655], %gather3A_552 {strides = array<i32>} : memref<2x64x512xf32, #tpu.memory_space<vmem>>, vector<16xf32>,
      %add3A_657 = arith.constant 36 : i32
      %add3A_658 = vector.broadcast %add3A_657 : i32 to vector<16xi32>
      %add3A_659 = arith.addi %mul3A_290, %add3A_658 : vector<16xi32>
      %gather3A_660 = tpu.vector_load_idx %arg5[%add3A_659] : memref<33280xf32, #tpu.memory_space<vmem>>[vector<16xi32>], vector<16xf32>,
      %mul3A_661 = arith.constant 16 : i32
      %mul3A_662 = arith.muli %scan3A_282, %mul3A_661 : i32
      %swap3A_663 = arith.constant 1 : i32
      %swap3A_664 = arith.constant 28 : i32
      %swap3A_665 = arith.index_cast %swap3A_663 : i32 to index
      %swap3A_666 = arith.index_cast %swap3A_664 : i32 to index
      %swap3A_667 = arith.index_cast %mul3A_662 : i32 to index
      %swap3A_668 = tpu.vector_load %arg7[%swap3A_665, %swap3A_666, %swap3A_667] {strides = array<i32>} : memref<2x64x512xf32, #tpu.memory_space<vmem>>, vector<16xf32>,
      tpu.vector_store %arg7[%swap3A_665, %swap3A_666, %swap3A_667], %gather3A_564 {strides = array<i32>} : memref<2x64x512xf32, #tpu.memory_space<vmem>>, vector<16xf32>,
      %add3A_669 = arith.constant 37 : i32
      %add3A_670 = vector.broadcast %add3A_669 : i32 to vector<16xi32>
      %add3A_671 = arith.addi %mul3A_290, %add3A_670 : vector<16xi32>
      %gather3A_672 = tpu.vector_load_idx %arg5[%add3A_671] : memref<33280xf32, #tpu.memory_space<vmem>>[vector<16xi32>], vector<16xf32>,
      %mul3A_673 = arith.constant 16 : i32
      %mul3A_674 = arith.muli %scan3A_282, %mul3A_673 : i32
      %swap3A_675 = arith.constant 1 : i32
      %swap3A_676 = arith.constant 29 : i32
      %swap3A_677 = arith.index_cast %swap3A_675 : i32 to index
      %swap3A_678 = arith.index_cast %swap3A_676 : i32 to index
      %swap3A_679 = arith.index_cast %mul3A_674 : i32 to index
      %swap3A_680 = tpu.vector_load %arg7[%swap3A_677, %swap3A_678, %swap3A_679] {strides = array<i32>} : memref<2x64x512xf32, #tpu.memory_space<vmem>>, vector<16xf32>,
      tpu.vector_store %arg7[%swap3A_677, %swap3A_678, %swap3A_679], %gather3A_576 {strides = array<i32>} : memref<2x64x512xf32, #tpu.memory_space<vmem>>, vector<16xf32>,
      %add3A_681 = arith.constant 38 : i32
      %add3A_682 = vector.broadcast %add3A_681 : i32 to vector<16xi32>
      %add3A_683 = arith.addi %mul3A_290, %add3A_682 : vector<16xi32>
      %gather3A_684 = tpu.vector_load_idx %arg5[%add3A_683] : memref<33280xf32, #tpu.memory_space<vmem>>[vector<16xi32>], vector<16xf32>,
      %mul3A_685 = arith.constant 16 : i32
      %mul3A_686 = arith.muli %scan3A_282, %mul3A_685 : i32
      %swap3A_687 = arith.constant 1 : i32
      %swap3A_688 = arith.constant 30 : i32
      %swap3A_689 = arith.index_cast %swap3A_687 : i32 to index
      %swap3A_690 = arith.index_cast %swap3A_688 : i32 to index
      %swap3A_691 = arith.index_cast %mul3A_686 : i32 to index
      %swap3A_692 = tpu.vector_load %arg7[%swap3A_689, %swap3A_690, %swap3A_691] {strides = array<i32>} : memref<2x64x512xf32, #tpu.memory_space<vmem>>, vector<16xf32>,
      tpu.vector_store %arg7[%swap3A_689, %swap3A_690, %swap3A_691], %gather3A_588 {strides = array<i32>} : memref<2x64x512xf32, #tpu.memory_space<vmem>>, vector<16xf32>,
      %add3A_693 = arith.constant 39 : i32
      %add3A_694 = vector.broadcast %add3A_693 : i32 to vector<16xi32>
      %add3A_695 = arith.addi %mul3A_290, %add3A_694 : vector<16xi32>
      %gather3A_696 = tpu.vector_load_idx %arg5[%add3A_695] : memref<33280xf32, #tpu.memory_space<vmem>>[vector<16xi32>], vector<16xf32>,
      %mul3A_697 = arith.constant 16 : i32
      %mul3A_698 = arith.muli %scan3A_282, %mul3A_697 : i32
      %swap3A_699 = arith.constant 1 : i32
      %swap3A_700 = arith.constant 31 : i32
      %swap3A_701 = arith.index_cast %swap3A_699 : i32 to index
      %swap3A_702 = arith.index_cast %swap3A_700 : i32 to index
      %swap3A_703 = arith.index_cast %mul3A_698 : i32 to index
      %swap3A_704 = tpu.vector_load %arg7[%swap3A_701, %swap3A_702, %swap3A_703] {strides = array<i32>} : memref<2x64x512xf32, #tpu.memory_space<vmem>>, vector<16xf32>,
      tpu.vector_store %arg7[%swap3A_701, %swap3A_702, %swap3A_703], %gather3A_600 {strides = array<i32>} : memref<2x64x512xf32, #tpu.memory_space<vmem>>, vector<16xf32>,
      %add3A_705 = arith.constant 40 : i32
      %add3A_706 = vector.broadcast %add3A_705 : i32 to vector<16xi32>
      %add3A_707 = arith.addi %mul3A_290, %add3A_706 : vector<16xi32>
      %gather3A_708 = tpu.vector_load_idx %arg5[%add3A_707] : memref<33280xf32, #tpu.memory_space<vmem>>[vector<16xi32>], vector<16xf32>,
      %mul3A_709 = arith.constant 16 : i32
      %mul3A_710 = arith.muli %scan3A_282, %mul3A_709 : i32
      %swap3A_711 = arith.constant 1 : i32
      %swap3A_712 = arith.constant 32 : i32
      %swap3A_713 = arith.index_cast %swap3A_711 : i32 to index
      %swap3A_714 = arith.index_cast %swap3A_712 : i32 to index
      %swap3A_715 = arith.index_cast %mul3A_710 : i32 to index
      %swap3A_716 = tpu.vector_load %arg7[%swap3A_713, %swap3A_714, %swap3A_715] {strides = array<i32>} : memref<2x64x512xf32, #tpu.memory_space<vmem>>, vector<16xf32>,
      tpu.vector_store %arg7[%swap3A_713, %swap3A_714, %swap3A_715], %gather3A_612 {strides = array<i32>} : memref<2x64x512xf32, #tpu.memory_space<vmem>>, vector<16xf32>,
      %add3A_717 = arith.constant 41 : i32
      %add3A_718 = vector.broadcast %add3A_717 : i32 to vector<16xi32>
      %add3A_719 = arith.addi %mul3A_290, %add3A_718 : vector<16xi32>
      %gather3A_720 = tpu.vector_load_idx %arg5[%add3A_719] : memref<33280xf32, #tpu.memory_space<vmem>>[vector<16xi32>], vector<16xf32>,
      %mul3A_721 = arith.constant 16 : i32
      %mul3A_722 = arith.muli %scan3A_282, %mul3A_721 : i32
      %swap3A_723 = arith.constant 1 : i32
      %swap3A_724 = arith.constant 33 : i32
      %swap3A_725 = arith.index_cast %swap3A_723 : i32 to index
      %swap3A_726 = arith.index_cast %swap3A_724 : i32 to index
      %swap3A_727 = arith.index_cast %mul3A_722 : i32 to index
      %swap3A_728 = tpu.vector_load %arg7[%swap3A_725, %swap3A_726, %swap3A_727] {strides = array<i32>} : memref<2x64x512xf32, #tpu.memory_space<vmem>>, vector<16xf32>,
      tpu.vector_store %arg7[%swap3A_725, %swap3A_726, %swap3A_727], %gather3A_624 {strides = array<i32>} : memref<2x64x512xf32, #tpu.memory_space<vmem>>, vector<16xf32>,
      %add3A_729 = arith.constant 42 : i32
      %add3A_730 = vector.broadcast %add3A_729 : i32 to vector<16xi32>
      %add3A_731 = arith.addi %mul3A_290, %add3A_730 : vector<16xi32>
      %gather3A_732 = tpu.vector_load_idx %arg5[%add3A_731] : memref<33280xf32, #tpu.memory_space<vmem>>[vector<16xi32>], vector<16xf32>,
      %mul3A_733 = arith.constant 16 : i32
      %mul3A_734 = arith.muli %scan3A_282, %mul3A_733 : i32
      %swap3A_735 = arith.constant 1 : i32
      %swap3A_736 = arith.constant 34 : i32
      %swap3A_737 = arith.index_cast %swap3A_735 : i32 to index
      %swap3A_738 = arith.index_cast %swap3A_736 : i32 to index
      %swap3A_739 = arith.index_cast %mul3A_734 : i32 to index
      %swap3A_740 = tpu.vector_load %arg7[%swap3A_737, %swap3A_738, %swap3A_739] {strides = array<i32>} : memref<2x64x512xf32, #tpu.memory_space<vmem>>, vector<16xf32>,
      tpu.vector_store %arg7[%swap3A_737, %swap3A_738, %swap3A_739], %gather3A_636 {strides = array<i32>} : memref<2x64x512xf32, #tpu.memory_space<vmem>>, vector<16xf32>,
      %add3A_741 = arith.constant 43 : i32
      %add3A_742 = vector.broadcast %add3A_741 : i32 to vector<16xi32>
      %add3A_743 = arith.addi %mul3A_290, %add3A_742 : vector<16xi32>
      %gather3A_744 = tpu.vector_load_idx %arg5[%add3A_743] : memref<33280xf32, #tpu.memory_space<vmem>>[vector<16xi32>], vector<16xf32>,
      %mul3A_745 = arith.constant 16 : i32
      %mul3A_746 = arith.muli %scan3A_282, %mul3A_745 : i32
      %swap3A_747 = arith.constant 1 : i32
      %swap3A_748 = arith.constant 35 : i32
      %swap3A_749 = arith.index_cast %swap3A_747 : i32 to index
      %swap3A_750 = arith.index_cast %swap3A_748 : i32 to index
      %swap3A_751 = arith.index_cast %mul3A_746 : i32 to index
      %swap3A_752 = tpu.vector_load %arg7[%swap3A_749, %swap3A_750, %swap3A_751] {strides = array<i32>} : memref<2x64x512xf32, #tpu.memory_space<vmem>>, vector<16xf32>,
      tpu.vector_store %arg7[%swap3A_749, %swap3A_750, %swap3A_751], %gather3A_648 {strides = array<i32>} : memref<2x64x512xf32, #tpu.memory_space<vmem>>, vector<16xf32>,
      %add3A_753 = arith.constant 44 : i32
      %add3A_754 = vector.broadcast %add3A_753 : i32 to vector<16xi32>
      %add3A_755 = arith.addi %mul3A_290, %add3A_754 : vector<16xi32>
      %gather3A_756 = tpu.vector_load_idx %arg5[%add3A_755] : memref<33280xf32, #tpu.memory_space<vmem>>[vector<16xi32>], vector<16xf32>,
      %mul3A_757 = arith.constant 16 : i32
      %mul3A_758 = arith.muli %scan3A_282, %mul3A_757 : i32
      %swap3A_759 = arith.constant 1 : i32
      %swap3A_760 = arith.constant 36 : i32
      %swap3A_761 = arith.index_cast %swap3A_759 : i32 to index
      %swap3A_762 = arith.index_cast %swap3A_760 : i32 to index
      %swap3A_763 = arith.index_cast %mul3A_758 : i32 to index
      %swap3A_764 = tpu.vector_load %arg7[%swap3A_761, %swap3A_762, %swap3A_763] {strides = array<i32>} : memref<2x64x512xf32, #tpu.memory_space<vmem>>, vector<16xf32>,
      tpu.vector_store %arg7[%swap3A_761, %swap3A_762, %swap3A_763], %gather3A_660 {strides = array<i32>} : memref<2x64x512xf32, #tpu.memory_space<vmem>>, vector<16xf32>,
      %add3A_765 = arith.constant 45 : i32
      %add3A_766 = vector.broadcast %add3A_765 : i32 to vector<16xi32>
      %add3A_767 = arith.addi %mul3A_290, %add3A_766 : vector<16xi32>
      %gather3A_768 = tpu.vector_load_idx %arg5[%add3A_767] : memref<33280xf32, #tpu.memory_space<vmem>>[vector<16xi32>], vector<16xf32>,
      %mul3A_769 = arith.constant 16 : i32
      %mul3A_770 = arith.muli %scan3A_282, %mul3A_769 : i32
      %swap3A_771 = arith.constant 1 : i32
      %swap3A_772 = arith.constant 37 : i32
      %swap3A_773 = arith.index_cast %swap3A_771 : i32 to index
      %swap3A_774 = arith.index_cast %swap3A_772 : i32 to index
      %swap3A_775 = arith.index_cast %mul3A_770 : i32 to index
      %swap3A_776 = tpu.vector_load %arg7[%swap3A_773, %swap3A_774, %swap3A_775] {strides = array<i32>} : memref<2x64x512xf32, #tpu.memory_space<vmem>>, vector<16xf32>,
      tpu.vector_store %arg7[%swap3A_773, %swap3A_774, %swap3A_775], %gather3A_672 {strides = array<i32>} : memref<2x64x512xf32, #tpu.memory_space<vmem>>, vector<16xf32>,
      %add3A_777 = arith.constant 46 : i32
      %add3A_778 = vector.broadcast %add3A_777 : i32 to vector<16xi32>
      %add3A_779 = arith.addi %mul3A_290, %add3A_778 : vector<16xi32>
      %gather3A_780 = tpu.vector_load_idx %arg5[%add3A_779] : memref<33280xf32, #tpu.memory_space<vmem>>[vector<16xi32>], vector<16xf32>,
      %mul3A_781 = arith.constant 16 : i32
      %mul3A_782 = arith.muli %scan3A_282, %mul3A_781 : i32
      %swap3A_783 = arith.constant 1 : i32
      %swap3A_784 = arith.constant 38 : i32
      %swap3A_785 = arith.index_cast %swap3A_783 : i32 to index
      %swap3A_786 = arith.index_cast %swap3A_784 : i32 to index
      %swap3A_787 = arith.index_cast %mul3A_782 : i32 to index
      %swap3A_788 = tpu.vector_load %arg7[%swap3A_785, %swap3A_786, %swap3A_787] {strides = array<i32>} : memref<2x64x512xf32, #tpu.memory_space<vmem>>, vector<16xf32>,
      tpu.vector_store %arg7[%swap3A_785, %swap3A_786, %swap3A_787], %gather3A_684 {strides = array<i32>} : memref<2x64x512xf32, #tpu.memory_space<vmem>>, vector<16xf32>,
      %add3A_789 = arith.constant 47 : i32
      %add3A_790 = vector.broadcast %add3A_789 : i32 to vector<16xi32>
      %add3A_791 = arith.addi %mul3A_290, %add3A_790 : vector<16xi32>
      %gather3A_792 = tpu.vector_load_idx %arg5[%add3A_791] : memref<33280xf32, #tpu.memory_space<vmem>>[vector<16xi32>], vector<16xf32>,
      %mul3A_793 = arith.constant 16 : i32
      %mul3A_794 = arith.muli %scan3A_282, %mul3A_793 : i32
      %swap3A_795 = arith.constant 1 : i32
      %swap3A_796 = arith.constant 39 : i32
      %swap3A_797 = arith.index_cast %swap3A_795 : i32 to index
      %swap3A_798 = arith.index_cast %swap3A_796 : i32 to index
      %swap3A_799 = arith.index_cast %mul3A_794 : i32 to index
      %swap3A_800 = tpu.vector_load %arg7[%swap3A_797, %swap3A_798, %swap3A_799] {strides = array<i32>} : memref<2x64x512xf32, #tpu.memory_space<vmem>>, vector<16xf32>,
      tpu.vector_store %arg7[%swap3A_797, %swap3A_798, %swap3A_799], %gather3A_696 {strides = array<i32>} : memref<2x64x512xf32, #tpu.memory_space<vmem>>, vector<16xf32>,
      %add3A_801 = arith.constant 48 : i32
      %add3A_802 = vector.broadcast %add3A_801 : i32 to vector<16xi32>
      %add3A_803 = arith.addi %mul3A_290, %add3A_802 : vector<16xi32>
      %gather3A_804 = tpu.vector_load_idx %arg5[%add3A_803] : memref<33280xf32, #tpu.memory_space<vmem>>[vector<16xi32>], vector<16xf32>,
      %mul3A_805 = arith.constant 16 : i32
      %mul3A_806 = arith.muli %scan3A_282, %mul3A_805 : i32
      %swap3A_807 = arith.constant 1 : i32
      %swap3A_808 = arith.constant 40 : i32
      %swap3A_809 = arith.index_cast %swap3A_807 : i32 to index
      %swap3A_810 = arith.index_cast %swap3A_808 : i32 to index
      %swap3A_811 = arith.index_cast %mul3A_806 : i32 to index
      %swap3A_812 = tpu.vector_load %arg7[%swap3A_809, %swap3A_810, %swap3A_811] {strides = array<i32>} : memref<2x64x512xf32, #tpu.memory_space<vmem>>, vector<16xf32>,
      tpu.vector_store %arg7[%swap3A_809, %swap3A_810, %swap3A_811], %gather3A_708 {strides = array<i32>} : memref<2x64x512xf32, #tpu.memory_space<vmem>>, vector<16xf32>,
      %add3A_813 = arith.constant 49 : i32
      %add3A_814 = vector.broadcast %add3A_813 : i32 to vector<16xi32>
      %add3A_815 = arith.addi %mul3A_290, %add3A_814 : vector<16xi32>
      %gather3A_816 = tpu.vector_load_idx %arg5[%add3A_815] : memref<33280xf32, #tpu.memory_space<vmem>>[vector<16xi32>], vector<16xf32>,
      %mul3A_817 = arith.constant 16 : i32
      %mul3A_818 = arith.muli %scan3A_282, %mul3A_817 : i32
      %swap3A_819 = arith.constant 1 : i32
      %swap3A_820 = arith.constant 41 : i32
      %swap3A_821 = arith.index_cast %swap3A_819 : i32 to index
      %swap3A_822 = arith.index_cast %swap3A_820 : i32 to index
      %swap3A_823 = arith.index_cast %mul3A_818 : i32 to index
      %swap3A_824 = tpu.vector_load %arg7[%swap3A_821, %swap3A_822, %swap3A_823] {strides = array<i32>} : memref<2x64x512xf32, #tpu.memory_space<vmem>>, vector<16xf32>,
      tpu.vector_store %arg7[%swap3A_821, %swap3A_822, %swap3A_823], %gather3A_720 {strides = array<i32>} : memref<2x64x512xf32, #tpu.memory_space<vmem>>, vector<16xf32>,
      %add3A_825 = arith.constant 50 : i32
      %add3A_826 = vector.broadcast %add3A_825 : i32 to vector<16xi32>
      %add3A_827 = arith.addi %mul3A_290, %add3A_826 : vector<16xi32>
      %gather3A_828 = tpu.vector_load_idx %arg5[%add3A_827] : memref<33280xf32, #tpu.memory_space<vmem>>[vector<16xi32>], vector<16xf32>,
      %mul3A_829 = arith.constant 16 : i32
      %mul3A_830 = arith.muli %scan3A_282, %mul3A_829 : i32
      %swap3A_831 = arith.constant 1 : i32
      %swap3A_832 = arith.constant 42 : i32
      %swap3A_833 = arith.index_cast %swap3A_831 : i32 to index
      %swap3A_834 = arith.index_cast %swap3A_832 : i32 to index
      %swap3A_835 = arith.index_cast %mul3A_830 : i32 to index
      %swap3A_836 = tpu.vector_load %arg7[%swap3A_833, %swap3A_834, %swap3A_835] {strides = array<i32>} : memref<2x64x512xf32, #tpu.memory_space<vmem>>, vector<16xf32>,
      tpu.vector_store %arg7[%swap3A_833, %swap3A_834, %swap3A_835], %gather3A_732 {strides = array<i32>} : memref<2x64x512xf32, #tpu.memory_space<vmem>>, vector<16xf32>,
      %add3A_837 = arith.constant 51 : i32
      %add3A_838 = vector.broadcast %add3A_837 : i32 to vector<16xi32>
      %add3A_839 = arith.addi %mul3A_290, %add3A_838 : vector<16xi32>
      %gather3A_840 = tpu.vector_load_idx %arg5[%add3A_839] : memref<33280xf32, #tpu.memory_space<vmem>>[vector<16xi32>], vector<16xf32>,
      %mul3A_841 = arith.constant 16 : i32
      %mul3A_842 = arith.muli %scan3A_282, %mul3A_841 : i32
      %swap3A_843 = arith.constant 1 : i32
      %swap3A_844 = arith.constant 43 : i32
      %swap3A_845 = arith.index_cast %swap3A_843 : i32 to index
      %swap3A_846 = arith.index_cast %swap3A_844 : i32 to index
      %swap3A_847 = arith.index_cast %mul3A_842 : i32 to index
      %swap3A_848 = tpu.vector_load %arg7[%swap3A_845, %swap3A_846, %swap3A_847] {strides = array<i32>} : memref<2x64x512xf32, #tpu.memory_space<vmem>>, vector<16xf32>,
      tpu.vector_store %arg7[%swap3A_845, %swap3A_846, %swap3A_847], %gather3A_744 {strides = array<i32>} : memref<2x64x512xf32, #tpu.memory_space<vmem>>, vector<16xf32>,
      %add3A_849 = arith.constant 52 : i32
      %add3A_850 = vector.broadcast %add3A_849 : i32 to vector<16xi32>
      %add3A_851 = arith.addi %mul3A_290, %add3A_850 : vector<16xi32>
      %gather3A_852 = tpu.vector_load_idx %arg5[%add3A_851] : memref<33280xf32, #tpu.memory_space<vmem>>[vector<16xi32>], vector<16xf32>,
      %mul3A_853 = arith.constant 16 : i32
      %mul3A_854 = arith.muli %scan3A_282, %mul3A_853 : i32
      %swap3A_855 = arith.constant 1 : i32
      %swap3A_856 = arith.constant 44 : i32
      %swap3A_857 = arith.index_cast %swap3A_855 : i32 to index
      %swap3A_858 = arith.index_cast %swap3A_856 : i32 to index
      %swap3A_859 = arith.index_cast %mul3A_854 : i32 to index
      %swap3A_860 = tpu.vector_load %arg7[%swap3A_857, %swap3A_858, %swap3A_859] {strides = array<i32>} : memref<2x64x512xf32, #tpu.memory_space<vmem>>, vector<16xf32>,
      tpu.vector_store %arg7[%swap3A_857, %swap3A_858, %swap3A_859], %gather3A_756 {strides = array<i32>} : memref<2x64x512xf32, #tpu.memory_space<vmem>>, vector<16xf32>,
      %add3A_861 = arith.constant 53 : i32
      %add3A_862 = vector.broadcast %add3A_861 : i32 to vector<16xi32>
      %add3A_863 = arith.addi %mul3A_290, %add3A_862 : vector<16xi32>
      %gather3A_864 = tpu.vector_load_idx %arg5[%add3A_863] : memref<33280xf32, #tpu.memory_space<vmem>>[vector<16xi32>], vector<16xf32>,
      %mul3A_865 = arith.constant 16 : i32
      %mul3A_866 = arith.muli %scan3A_282, %mul3A_865 : i32
      %swap3A_867 = arith.constant 1 : i32
      %swap3A_868 = arith.constant 45 : i32
      %swap3A_869 = arith.index_cast %swap3A_867 : i32 to index
      %swap3A_870 = arith.index_cast %swap3A_868 : i32 to index
      %swap3A_871 = arith.index_cast %mul3A_866 : i32 to index
      %swap3A_872 = tpu.vector_load %arg7[%swap3A_869, %swap3A_870, %swap3A_871] {strides = array<i32>} : memref<2x64x512xf32, #tpu.memory_space<vmem>>, vector<16xf32>,
      tpu.vector_store %arg7[%swap3A_869, %swap3A_870, %swap3A_871], %gather3A_768 {strides = array<i32>} : memref<2x64x512xf32, #tpu.memory_space<vmem>>, vector<16xf32>,
      %add3A_873 = arith.constant 54 : i32
      %add3A_874 = vector.broadcast %add3A_873 : i32 to vector<16xi32>
      %add3A_875 = arith.addi %mul3A_290, %add3A_874 : vector<16xi32>
      %gather3A_876 = tpu.vector_load_idx %arg5[%add3A_875] : memref<33280xf32, #tpu.memory_space<vmem>>[vector<16xi32>], vector<16xf32>,
      %mul3A_877 = arith.constant 16 : i32
      %mul3A_878 = arith.muli %scan3A_282, %mul3A_877 : i32
      %swap3A_879 = arith.constant 1 : i32
      %swap3A_880 = arith.constant 46 : i32
      %swap3A_881 = arith.index_cast %swap3A_879 : i32 to index
      %swap3A_882 = arith.index_cast %swap3A_880 : i32 to index
      %swap3A_883 = arith.index_cast %mul3A_878 : i32 to index
      %swap3A_884 = tpu.vector_load %arg7[%swap3A_881, %swap3A_882, %swap3A_883] {strides = array<i32>} : memref<2x64x512xf32, #tpu.memory_space<vmem>>, vector<16xf32>,
      tpu.vector_store %arg7[%swap3A_881, %swap3A_882, %swap3A_883], %gather3A_780 {strides = array<i32>} : memref<2x64x512xf32, #tpu.memory_space<vmem>>, vector<16xf32>,
      %add3A_885 = arith.constant 55 : i32
      %add3A_886 = vector.broadcast %add3A_885 : i32 to vector<16xi32>
      %add3A_887 = arith.addi %mul3A_290, %add3A_886 : vector<16xi32>
      %gather3A_888 = tpu.vector_load_idx %arg5[%add3A_887] : memref<33280xf32, #tpu.memory_space<vmem>>[vector<16xi32>], vector<16xf32>,
      %mul3A_889 = arith.constant 16 : i32
      %mul3A_890 = arith.muli %scan3A_282, %mul3A_889 : i32
      %swap3A_891 = arith.constant 1 : i32
      %swap3A_892 = arith.constant 47 : i32
      %swap3A_893 = arith.index_cast %swap3A_891 : i32 to index
      %swap3A_894 = arith.index_cast %swap3A_892 : i32 to index
      %swap3A_895 = arith.index_cast %mul3A_890 : i32 to index
      %swap3A_896 = tpu.vector_load %arg7[%swap3A_893, %swap3A_894, %swap3A_895] {strides = array<i32>} : memref<2x64x512xf32, #tpu.memory_space<vmem>>, vector<16xf32>,
      tpu.vector_store %arg7[%swap3A_893, %swap3A_894, %swap3A_895], %gather3A_792 {strides = array<i32>} : memref<2x64x512xf32, #tpu.memory_space<vmem>>, vector<16xf32>,
      %add3A_897 = arith.constant 56 : i32
      %add3A_898 = vector.broadcast %add3A_897 : i32 to vector<16xi32>
      %add3A_899 = arith.addi %mul3A_290, %add3A_898 : vector<16xi32>
      %gather3A_900 = tpu.vector_load_idx %arg5[%add3A_899] : memref<33280xf32, #tpu.memory_space<vmem>>[vector<16xi32>], vector<16xf32>,
      %mul3A_901 = arith.constant 16 : i32
      %mul3A_902 = arith.muli %scan3A_282, %mul3A_901 : i32
      %swap3A_903 = arith.constant 1 : i32
      %swap3A_904 = arith.constant 48 : i32
      %swap3A_905 = arith.index_cast %swap3A_903 : i32 to index
      %swap3A_906 = arith.index_cast %swap3A_904 : i32 to index
      %swap3A_907 = arith.index_cast %mul3A_902 : i32 to index
      %swap3A_908 = tpu.vector_load %arg7[%swap3A_905, %swap3A_906, %swap3A_907] {strides = array<i32>} : memref<2x64x512xf32, #tpu.memory_space<vmem>>, vector<16xf32>,
      tpu.vector_store %arg7[%swap3A_905, %swap3A_906, %swap3A_907], %gather3A_804 {strides = array<i32>} : memref<2x64x512xf32, #tpu.memory_space<vmem>>, vector<16xf32>,
      %add3A_909 = arith.constant 57 : i32
      %add3A_910 = vector.broadcast %add3A_909 : i32 to vector<16xi32>
      %add3A_911 = arith.addi %mul3A_290, %add3A_910 : vector<16xi32>
      %gather3A_912 = tpu.vector_load_idx %arg5[%add3A_911] : memref<33280xf32, #tpu.memory_space<vmem>>[vector<16xi32>], vector<16xf32>,
      %mul3A_913 = arith.constant 16 : i32
      %mul3A_914 = arith.muli %scan3A_282, %mul3A_913 : i32
      %swap3A_915 = arith.constant 1 : i32
      %swap3A_916 = arith.constant 49 : i32
      %swap3A_917 = arith.index_cast %swap3A_915 : i32 to index
      %swap3A_918 = arith.index_cast %swap3A_916 : i32 to index
      %swap3A_919 = arith.index_cast %mul3A_914 : i32 to index
      %swap3A_920 = tpu.vector_load %arg7[%swap3A_917, %swap3A_918, %swap3A_919] {strides = array<i32>} : memref<2x64x512xf32, #tpu.memory_space<vmem>>, vector<16xf32>,
      tpu.vector_store %arg7[%swap3A_917, %swap3A_918, %swap3A_919], %gather3A_816 {strides = array<i32>} : memref<2x64x512xf32, #tpu.memory_space<vmem>>, vector<16xf32>,
      %add3A_921 = arith.constant 58 : i32
      %add3A_922 = vector.broadcast %add3A_921 : i32 to vector<16xi32>
      %add3A_923 = arith.addi %mul3A_290, %add3A_922 : vector<16xi32>
      %gather3A_924 = tpu.vector_load_idx %arg5[%add3A_923] : memref<33280xf32, #tpu.memory_space<vmem>>[vector<16xi32>], vector<16xf32>,
      %mul3A_925 = arith.constant 16 : i32
      %mul3A_926 = arith.muli %scan3A_282, %mul3A_925 : i32
      %swap3A_927 = arith.constant 1 : i32
      %swap3A_928 = arith.constant 50 : i32
      %swap3A_929 = arith.index_cast %swap3A_927 : i32 to index
      %swap3A_930 = arith.index_cast %swap3A_928 : i32 to index
      %swap3A_931 = arith.index_cast %mul3A_926 : i32 to index
      %swap3A_932 = tpu.vector_load %arg7[%swap3A_929, %swap3A_930, %swap3A_931] {strides = array<i32>} : memref<2x64x512xf32, #tpu.memory_space<vmem>>, vector<16xf32>,
      tpu.vector_store %arg7[%swap3A_929, %swap3A_930, %swap3A_931], %gather3A_828 {strides = array<i32>} : memref<2x64x512xf32, #tpu.memory_space<vmem>>, vector<16xf32>,
      %add3A_933 = arith.constant 59 : i32
      %add3A_934 = vector.broadcast %add3A_933 : i32 to vector<16xi32>
      %add3A_935 = arith.addi %mul3A_290, %add3A_934 : vector<16xi32>
      %gather3A_936 = tpu.vector_load_idx %arg5[%add3A_935] : memref<33280xf32, #tpu.memory_space<vmem>>[vector<16xi32>], vector<16xf32>,
      %mul3A_937 = arith.constant 16 : i32
      %mul3A_938 = arith.muli %scan3A_282, %mul3A_937 : i32
      %swap3A_939 = arith.constant 1 : i32
      %swap3A_940 = arith.constant 51 : i32
      %swap3A_941 = arith.index_cast %swap3A_939 : i32 to index
      %swap3A_942 = arith.index_cast %swap3A_940 : i32 to index
      %swap3A_943 = arith.index_cast %mul3A_938 : i32 to index
      %swap3A_944 = tpu.vector_load %arg7[%swap3A_941, %swap3A_942, %swap3A_943] {strides = array<i32>} : memref<2x64x512xf32, #tpu.memory_space<vmem>>, vector<16xf32>,
      tpu.vector_store %arg7[%swap3A_941, %swap3A_942, %swap3A_943], %gather3A_840 {strides = array<i32>} : memref<2x64x512xf32, #tpu.memory_space<vmem>>, vector<16xf32>,
      %add3A_945 = arith.constant 60 : i32
      %add3A_946 = vector.broadcast %add3A_945 : i32 to vector<16xi32>
      %add3A_947 = arith.addi %mul3A_290, %add3A_946 : vector<16xi32>
      %gather3A_948 = tpu.vector_load_idx %arg5[%add3A_947] : memref<33280xf32, #tpu.memory_space<vmem>>[vector<16xi32>], vector<16xf32>,
      %mul3A_949 = arith.constant 16 : i32
      %mul3A_950 = arith.muli %scan3A_282, %mul3A_949 : i32
      %swap3A_951 = arith.constant 1 : i32
      %swap3A_952 = arith.constant 52 : i32
      %swap3A_953 = arith.index_cast %swap3A_951 : i32 to index
      %swap3A_954 = arith.index_cast %swap3A_952 : i32 to index
      %swap3A_955 = arith.index_cast %mul3A_950 : i32 to index
      %swap3A_956 = tpu.vector_load %arg7[%swap3A_953, %swap3A_954, %swap3A_955] {strides = array<i32>} : memref<2x64x512xf32, #tpu.memory_space<vmem>>, vector<16xf32>,
      tpu.vector_store %arg7[%swap3A_953, %swap3A_954, %swap3A_955], %gather3A_852 {strides = array<i32>} : memref<2x64x512xf32, #tpu.memory_space<vmem>>, vector<16xf32>,
      %add3A_957 = arith.constant 61 : i32
      %add3A_958 = vector.broadcast %add3A_957 : i32 to vector<16xi32>
      %add3A_959 = arith.addi %mul3A_290, %add3A_958 : vector<16xi32>
      %gather3A_960 = tpu.vector_load_idx %arg5[%add3A_959] : memref<33280xf32, #tpu.memory_space<vmem>>[vector<16xi32>], vector<16xf32>,
      %mul3A_961 = arith.constant 16 : i32
      %mul3A_962 = arith.muli %scan3A_282, %mul3A_961 : i32
      %swap3A_963 = arith.constant 1 : i32
      %swap3A_964 = arith.constant 53 : i32
      %swap3A_965 = arith.index_cast %swap3A_963 : i32 to index
      %swap3A_966 = arith.index_cast %swap3A_964 : i32 to index
      %swap3A_967 = arith.index_cast %mul3A_962 : i32 to index
      %swap3A_968 = tpu.vector_load %arg7[%swap3A_965, %swap3A_966, %swap3A_967] {strides = array<i32>} : memref<2x64x512xf32, #tpu.memory_space<vmem>>, vector<16xf32>,
      tpu.vector_store %arg7[%swap3A_965, %swap3A_966, %swap3A_967], %gather3A_864 {strides = array<i32>} : memref<2x64x512xf32, #tpu.memory_space<vmem>>, vector<16xf32>,
      %add3A_969 = arith.constant 62 : i32
      %add3A_970 = vector.broadcast %add3A_969 : i32 to vector<16xi32>
      %add3A_971 = arith.addi %mul3A_290, %add3A_970 : vector<16xi32>
      %gather3A_972 = tpu.vector_load_idx %arg5[%add3A_971] : memref<33280xf32, #tpu.memory_space<vmem>>[vector<16xi32>], vector<16xf32>,
      %mul3A_973 = arith.constant 16 : i32
      %mul3A_974 = arith.muli %scan3A_282, %mul3A_973 : i32
      %swap3A_975 = arith.constant 1 : i32
      %swap3A_976 = arith.constant 54 : i32
      %swap3A_977 = arith.index_cast %swap3A_975 : i32 to index
      %swap3A_978 = arith.index_cast %swap3A_976 : i32 to index
      %swap3A_979 = arith.index_cast %mul3A_974 : i32 to index
      %swap3A_980 = tpu.vector_load %arg7[%swap3A_977, %swap3A_978, %swap3A_979] {strides = array<i32>} : memref<2x64x512xf32, #tpu.memory_space<vmem>>, vector<16xf32>,
      tpu.vector_store %arg7[%swap3A_977, %swap3A_978, %swap3A_979], %gather3A_876 {strides = array<i32>} : memref<2x64x512xf32, #tpu.memory_space<vmem>>, vector<16xf32>,
      %add3A_981 = arith.constant 63 : i32
      %add3A_982 = vector.broadcast %add3A_981 : i32 to vector<16xi32>
      %add3A_983 = arith.addi %mul3A_290, %add3A_982 : vector<16xi32>
      %gather3A_984 = tpu.vector_load_idx %arg5[%add3A_983] : memref<33280xf32, #tpu.memory_space<vmem>>[vector<16xi32>], vector<16xf32>,
      %mul3A_985 = arith.constant 16 : i32
      %mul3A_986 = arith.muli %scan3A_282, %mul3A_985 : i32
      %swap3A_987 = arith.constant 1 : i32
      %swap3A_988 = arith.constant 55 : i32
      %swap3A_989 = arith.index_cast %swap3A_987 : i32 to index
      %swap3A_990 = arith.index_cast %swap3A_988 : i32 to index
      %swap3A_991 = arith.index_cast %mul3A_986 : i32 to index
      %swap3A_992 = tpu.vector_load %arg7[%swap3A_989, %swap3A_990, %swap3A_991] {strides = array<i32>} : memref<2x64x512xf32, #tpu.memory_space<vmem>>, vector<16xf32>,
      tpu.vector_store %arg7[%swap3A_989, %swap3A_990, %swap3A_991], %gather3A_888 {strides = array<i32>} : memref<2x64x512xf32, #tpu.memory_space<vmem>>, vector<16xf32>,
      %mul3A_993 = arith.constant 16 : i32
      %mul3A_994 = arith.muli %scan3A_282, %mul3A_993 : i32
      %swap3A_995 = arith.constant 1 : i32
      %swap3A_996 = arith.constant 56 : i32
      %swap3A_997 = arith.index_cast %swap3A_995 : i32 to index
      %swap3A_998 = arith.index_cast %swap3A_996 : i32 to index
      %swap3A_999 = arith.index_cast %mul3A_994 : i32 to index
      %swap3A_1000 = tpu.vector_load %arg7[%swap3A_997, %swap3A_998, %swap3A_999] {strides = array<i32>} : memref<2x64x512xf32, #tpu.memory_space<vmem>>, vector<16xf32>,
      tpu.vector_store %arg7[%swap3A_997, %swap3A_998, %swap3A_999], %gather3A_900 {strides = array<i32>} : memref<2x64x512xf32, #tpu.memory_space<vmem>>, vector<16xf32>,
      %mul3A_1001 = arith.constant 16 : i32
      %mul3A_1002 = arith.muli %scan3A_282, %mul3A_1001 : i32
      %swap3A_1003 = arith.constant 1 : i32
      %swap3A_1004 = arith.constant 57 : i32
      %swap3A_1005 = arith.index_cast %swap3A_1003 : i32 to index
      %swap3A_1006 = arith.index_cast %swap3A_1004 : i32 to index
      %swap3A_1007 = arith.index_cast %mul3A_1002 : i32 to index
      %swap3A_1008 = tpu.vector_load %arg7[%swap3A_1005, %swap3A_1006, %swap3A_1007] {strides = array<i32>} : memref<2x64x512xf32, #tpu.memory_space<vmem>>, vector<16xf32>,
      tpu.vector_store %arg7[%swap3A_1005, %swap3A_1006, %swap3A_1007], %gather3A_912 {strides = array<i32>} : memref<2x64x512xf32, #tpu.memory_space<vmem>>, vector<16xf32>,
      %mul3A_1009 = arith.constant 16 : i32
      %mul3A_1010 = arith.muli %scan3A_282, %mul3A_1009 : i32
      %swap3A_1011 = arith.constant 1 : i32
      %swap3A_1012 = arith.constant 58 : i32
      %swap3A_1013 = arith.index_cast %swap3A_1011 : i32 to index
      %swap3A_1014 = arith.index_cast %swap3A_1012 : i32 to index
      %swap3A_1015 = arith.index_cast %mul3A_1010 : i32 to index
      %swap3A_1016 = tpu.vector_load %arg7[%swap3A_1013, %swap3A_1014, %swap3A_1015] {strides = array<i32>} : memref<2x64x512xf32, #tpu.memory_space<vmem>>, vector<16xf32>,
      tpu.vector_store %arg7[%swap3A_1013, %swap3A_1014, %swap3A_1015], %gather3A_924 {strides = array<i32>} : memref<2x64x512xf32, #tpu.memory_space<vmem>>, vector<16xf32>,
      %mul3A_1017 = arith.constant 16 : i32
      %mul3A_1018 = arith.muli %scan3A_282, %mul3A_1017 : i32
      %swap3A_1019 = arith.constant 1 : i32
      %swap3A_1020 = arith.constant 59 : i32
      %swap3A_1021 = arith.index_cast %swap3A_1019 : i32 to index
      %swap3A_1022 = arith.index_cast %swap3A_1020 : i32 to index
      %swap3A_1023 = arith.index_cast %mul3A_1018 : i32 to index
      %swap3A_1024 = tpu.vector_load %arg7[%swap3A_1021, %swap3A_1022, %swap3A_1023] {strides = array<i32>} : memref<2x64x512xf32, #tpu.memory_space<vmem>>, vector<16xf32>,
      tpu.vector_store %arg7[%swap3A_1021, %swap3A_1022, %swap3A_1023], %gather3A_936 {strides = array<i32>} : memref<2x64x512xf32, #tpu.memory_space<vmem>>, vector<16xf32>,
      %mul3A_1025 = arith.constant 16 : i32
      %mul3A_1026 = arith.muli %scan3A_282, %mul3A_1025 : i32
      %swap3A_1027 = arith.constant 1 : i32
      %swap3A_1028 = arith.constant 60 : i32
      %swap3A_1029 = arith.index_cast %swap3A_1027 : i32 to index
      %swap3A_1030 = arith.index_cast %swap3A_1028 : i32 to index
      %swap3A_1031 = arith.index_cast %mul3A_1026 : i32 to index
      %swap3A_1032 = tpu.vector_load %arg7[%swap3A_1029, %swap3A_1030, %swap3A_1031] {strides = array<i32>} : memref<2x64x512xf32, #tpu.memory_space<vmem>>, vector<16xf32>,
      tpu.vector_store %arg7[%swap3A_1029, %swap3A_1030, %swap3A_1031], %gather3A_948 {strides = array<i32>} : memref<2x64x512xf32, #tpu.memory_space<vmem>>, vector<16xf32>,
      %mul3A_1033 = arith.constant 16 : i32
      %mul3A_1034 = arith.muli %scan3A_282, %mul3A_1033 : i32
      %swap3A_1035 = arith.constant 1 : i32
      %swap3A_1036 = arith.constant 61 : i32
      %swap3A_1037 = arith.index_cast %swap3A_1035 : i32 to index
      %swap3A_1038 = arith.index_cast %swap3A_1036 : i32 to index
      %swap3A_1039 = arith.index_cast %mul3A_1034 : i32 to index
      %swap3A_1040 = tpu.vector_load %arg7[%swap3A_1037, %swap3A_1038, %swap3A_1039] {strides = array<i32>} : memref<2x64x512xf32, #tpu.memory_space<vmem>>, vector<16xf32>,
      tpu.vector_store %arg7[%swap3A_1037, %swap3A_1038, %swap3A_1039], %gather3A_960 {strides = array<i32>} : memref<2x64x512xf32, #tpu.memory_space<vmem>>, vector<16xf32>,
      %mul3A_1041 = arith.constant 16 : i32
      %mul3A_1042 = arith.muli %scan3A_282, %mul3A_1041 : i32
      %swap3A_1043 = arith.constant 1 : i32
      %swap3A_1044 = arith.constant 62 : i32
      %swap3A_1045 = arith.index_cast %swap3A_1043 : i32 to index
      %swap3A_1046 = arith.index_cast %swap3A_1044 : i32 to index
      %swap3A_1047 = arith.index_cast %mul3A_1042 : i32 to index
      %swap3A_1048 = tpu.vector_load %arg7[%swap3A_1045, %swap3A_1046, %swap3A_1047] {strides = array<i32>} : memref<2x64x512xf32, #tpu.memory_space<vmem>>, vector<16xf32>,
      tpu.vector_store %arg7[%swap3A_1045, %swap3A_1046, %swap3A_1047], %gather3A_972 {strides = array<i32>} : memref<2x64x512xf32, #tpu.memory_space<vmem>>, vector<16xf32>,
      %mul3A_1049 = arith.constant 16 : i32
      %mul3A_1050 = arith.muli %scan3A_282, %mul3A_1049 : i32
      %swap3A_1051 = arith.constant 1 : i32
      %swap3A_1052 = arith.constant 63 : i32
      %swap3A_1053 = arith.index_cast %swap3A_1051 : i32 to index
      %swap3A_1054 = arith.index_cast %swap3A_1052 : i32 to index
      %swap3A_1055 = arith.index_cast %mul3A_1050 : i32 to index
      %swap3A_1056 = tpu.vector_load %arg7[%swap3A_1053, %swap3A_1054, %swap3A_1055] {strides = array<i32>} : memref<2x64x512xf32, #tpu.memory_space<vmem>>, vector<16xf32>,
      tpu.vector_store %arg7[%swap3A_1053, %swap3A_1054, %swap3A_1055], %gather3A_984 {strides = array<i32>} : memref<2x64x512xf32, #tpu.memory_space<vmem>>, vector<16xf32>,
    }
    %scan3A_234 = arith.constant 32 : i32
    %add3A_235 = arith.constant 49 : i32
    %add3A_236 = arith.addi %mul3A_32, %add3A_235 : i32
    %dma_start3A_237 = arith.constant 1 : i32
    %dma_start3A_238 = arith.constant 0 : i32
    %dma_start3A_239 = arith.constant 0 : i32
    %dma_start3A_240 = tpu.memref_slice %arg7[%dma_start3A_237, %dma_start3A_238, %dma_start3A_239] : memref<2x64x512xf32, #tpu.memory_space<vmem>> -> memref<1x64x512xf32, #tpu.memory_space<vmem>>
    %dma_start3A_241 = tpu.memref_squeeze %dma_start3A_240 : memref<1x64x512xf32, #tpu.memory_space<vmem>> -> memref<64x512xf32, #tpu.memory_space<vmem>>
    %dma_start3A_242 = arith.constant 0 : i32
    %dma_start3A_243 = tpu.memref_slice %arg4[%add3A_236, %dma_start3A_242, %mul3A_34] : memref<200x64x4096xf32, #tpu.memory_space<hbm>> -> memref<1x64x512xf32, #tpu.memory_space<hbm>>
    %dma_start3A_244 = tpu.memref_squeeze %dma_start3A_243 : memref<1x64x512xf32, #tpu.memory_space<hbm>> -> memref<64x512xf32, #tpu.memory_space<hbm>>
    %dma_start3A_245 = arith.constant 0 : i32
    %dma_start3A_246 = tpu.memref_slice %arg4[%add3A_236, %dma_start3A_245, %mul3A_34] : memref<200x64x4096xf32, #tpu.memory_space<hbm>> -> memref<1x64x512xf32, #tpu.memory_space<hbm>>
    %dma_start3A_247 = tpu.memref_squeeze %dma_start3A_246 : memref<1x64x512xf32, #tpu.memory_space<hbm>> -> memref<64x512xf32, #tpu.memory_space<hbm>>
    %dma_start3A_248 = arith.constant 0 : i32
    %dma_start3A_249 = arith.constant 0 : i32
    %dma_start3A_250 = tpu.memref_slice %arg7[%dma_start3A_237, %dma_start3A_248, %dma_start3A_249] : memref<2x64x512xf32, #tpu.memory_space<vmem>> -> memref<1x64x512xf32, #tpu.memory_space<vmem>>
    %dma_start3A_251 = tpu.memref_squeeze %dma_start3A_250 : memref<1x64x512xf32, #tpu.memory_space<vmem>> -> memref<64x512xf32, #tpu.memory_space<vmem>>
    tpu.enqueue_dma source(%dma_start3A_251 : memref<64x512xf32, #tpu.memory_space<vmem>>) target(%dma_start3A_247 : memref<64x512xf32, #tpu.memory_space<hbm>>) target_semaphore(%arg11 : memref<!tpu.dma_semaphore, #tpu.memory_space<semaphore_mem>>)
    %dma_wait3A_252 = arith.constant 0 : i32
    %dma_wait3A_253 = arith.constant 0 : i32
    %dma_wait3A_254 = arith.constant 0 : i32
    %dma_wait3A_255 = tpu.memref_slice %arg7[%dma_wait3A_252, %dma_wait3A_253, %dma_wait3A_254] : memref<2x64x512xf32, #tpu.memory_space<vmem>> -> memref<1x64x512xf32, #tpu.memory_space<vmem>>
    %dma_wait3A_256 = tpu.memref_squeeze %dma_wait3A_255 : memref<1x64x512xf32, #tpu.memory_space<vmem>> -> memref<64x512xf32, #tpu.memory_space<vmem>>
    %dma_wait3A_257 = arith.constant 0 : i32
    %dma_wait3A_258 = tpu.memref_slice %arg4[%mul3A_32, %dma_wait3A_257, %mul3A_34] : memref<200x64x4096xf32, #tpu.memory_space<hbm>> -> memref<1x64x512xf32, #tpu.memory_space<hbm>>
    %dma_wait3A_259 = tpu.memref_squeeze %dma_wait3A_258 : memref<1x64x512xf32, #tpu.memory_space<hbm>> -> memref<64x512xf32, #tpu.memory_space<hbm>>
    %dma_wait3A_260 = arith.constant 0 : i32
    %dma_wait3A_261 = tpu.memref_slice %arg4[%mul3A_32, %dma_wait3A_260, %mul3A_34] : memref<200x64x4096xf32, #tpu.memory_space<hbm>> -> memref<1x64x512xf32, #tpu.memory_space<hbm>>
    %dma_wait3A_262 = tpu.memref_squeeze %dma_wait3A_261 : memref<1x64x512xf32, #tpu.memory_space<hbm>> -> memref<64x512xf32, #tpu.memory_space<hbm>>
    %dma_wait3A_263 = arith.constant 0 : i32
    %dma_wait3A_264 = arith.constant 0 : i32
    %dma_wait3A_265 = tpu.memref_slice %arg7[%dma_wait3A_252, %dma_wait3A_263, %dma_wait3A_264] : memref<2x64x512xf32, #tpu.memory_space<vmem>> -> memref<1x64x512xf32, #tpu.memory_space<vmem>>
    %dma_wait3A_266 = tpu.memref_squeeze %dma_wait3A_265 : memref<1x64x512xf32, #tpu.memory_space<vmem>> -> memref<64x512xf32, #tpu.memory_space<vmem>>
    tpu.wait_dma2 semaphore(%arg10 : memref<!tpu.dma_semaphore, #tpu.memory_space<semaphore_mem>>) src(%dma_wait3A_266 : memref<64x512xf32, #tpu.memory_space<vmem>>) dst(%dma_wait3A_262 : memref<64x512xf32, #tpu.memory_space<hbm>>)
    %dma_wait3A_267 = arith.constant 1 : i32
    %dma_wait3A_268 = arith.constant 0 : i32
    %dma_wait3A_269 = arith.constant 0 : i32
    %dma_wait3A_270 = tpu.memref_slice %arg7[%dma_wait3A_267, %dma_wait3A_268, %dma_wait3A_269] : memref<2x64x512xf32, #tpu.memory_space<vmem>> -> memref<1x64x512xf32, #tpu.memory_space<vmem>>
    %dma_wait3A_271 = tpu.memref_squeeze %dma_wait3A_270 : memref<1x64x512xf32, #tpu.memory_space<vmem>> -> memref<64x512xf32, #tpu.memory_space<vmem>>
    %dma_wait3A_272 = arith.constant 0 : i32
    %dma_wait3A_273 = tpu.memref_slice %arg4[%mul3A_32, %dma_wait3A_272, %mul3A_34] : memref<200x64x4096xf32, #tpu.memory_space<hbm>> -> memref<1x64x512xf32, #tpu.memory_space<hbm>>
    %dma_wait3A_274 = tpu.memref_squeeze %dma_wait3A_273 : memref<1x64x512xf32, #tpu.memory_space<hbm>> -> memref<64x512xf32, #tpu.memory_space<hbm>>
    %dma_wait3A_275 = arith.constant 0 : i32
    %dma_wait3A_276 = tpu.memref_slice %arg4[%mul3A_32, %dma_wait3A_275, %mul3A_34] : memref<200x64x4096xf32, #tpu.memory_space<hbm>> -> memref<1x64x512xf32, #tpu.memory_space<hbm>>
    %dma_wait3A_277 = tpu.memref_squeeze %dma_wait3A_276 : memref<1x64x512xf32, #tpu.memory_space<hbm>> -> memref<64x512xf32, #tpu.memory_space<hbm>>
    %dma_wait3A_278 = arith.constant 0 : i32
    %dma_wait3A_279 = arith.constant 0 : i32
    %dma_wait3A_280 = tpu.memref_slice %arg7[%dma_wait3A_267, %dma_wait3A_278, %dma_wait3A_279] : memref<2x64x512xf32, #tpu.memory_space<vmem>> -> memref<1x64x512xf32, #tpu.memory_space<vmem>>
    %dma_wait3A_281 = tpu.memref_squeeze %dma_wait3A_280 : memref<1x64x512xf32, #tpu.memory_space<vmem>> -> memref<64x512xf32, #tpu.memory_space<vmem>>
    tpu.wait_dma2 semaphore(%arg11 : memref<!tpu.dma_semaphore, #tpu.memory_space<semaphore_mem>>) src(%dma_wait3A_281 : memref<64x512xf32, #tpu.memory_space<vmem>>) dst(%dma_wait3A_277 : memref<64x512xf32, #tpu.memory_space<hbm>>)
    return
  }
}

</mosaic_0001>

<sc_bundles>
// kernel: kernel.3.cloned.1.call-start
scs
__scs_entry_jumppad:
0x0: {  	(pc) =	sbr.rel $0x88, $3  }
0x1: {  	(tag) =	ssettag $0x0;
	lr =	simm.s32 $0x1  }
0x2: {  	[smem:$0x3F9F] =	sst lr;
	_ =	strace $0xD0000000  }
0x3: {  	_ = 	snop  }
0x4: {  	_ = 	snop  }
0x5: {  	_ = 	snop  }
0x6: {  	_ = 	snop  }
0x7: {  	_ = 	snop  }
__scs_overlays_trampoline_lowered:
0x8: {  	[smem:$0x3FAE] =	sst s0  }
0x9: {  	[smem:$0x3FAF] =	sst s1  }
0xa: {  	[smem:$0x3FB0] =	sst s2  }
0xb: {  	[smem:$0x3FB1] =	sst s3  }
0xc: {  	[smem:$0x3FB2] =	sst s4  }
0xd: {  	[smem:$0x3FB3] =	sst s5  }
0xe: {  	[smem:$0x3FB4] =	sst s6  }
0xf: {  	[smem:$0x3FB5] =	sst s7  }
0x10: {  	[smem:$0x3FB6] =	sst s8  }
0x11: {  	[smem:$0x3FB7] =	sst s9;
	s0 =	simm.s32 @!p0 $0x0  }
0x12: {  	s1 =	sld [smem:$0x3F9D];
	s0 =	simm.s32 @p0 $0x1  }
0x13: {  	[smem:$0x3FB8] =	sst s0;
	s0 =	simm.s32 @!p1 $0x0  }
0x14: {  	s2 =	sld [smem:$0x3F9C];
	s0 =	simm.s32 @p1 $0x1  }
0x15: {  	[smem:$0x3FB9] =	sst s0;
	s0 =	simm.s32 @!p2 $0x0  }
0x16: {  	s3 =	sld [smem:$0x3FDB];
	s0 =	simm.s32 @p2 $0x1  }
0x17: {  	s4 =	simm.s32 $0x1BF5;
	[smem:$0x3FBB] =	sst s0  }
0x18: {  	s0 =	sld [smem:$0x3F9E];
	_ =	swait.ge [sflag:s4], $0x0  }
0x19: {  	s7 =	sld [smem:$0x3F9F]  }
0x1a: {  	s8 =	sadd.s32 $0xFFFFE003, lr  }
0x1b: {  	s9 =	sadd.s32 $0xFFFFFEF7, lr;
	s5 =	simm.s32 $0xFFFFFFFF;
	p2 =	slt.u32 s8, $0xFFFFF086  }
0x1c: {  	p1 =	slt.u32 s9, $0xF7A;
	s5 =	simm.s32 @!p2 $0x0  }
0x1d: {  	s5 =	simm.s32 @p1 $0x1;
	p0 =	seq.s32 s7, s2  }
0x1e: {  	s7 =	smul.u32 @!p0 $0xF7A, s2;
	p2 =	seq.s32 @!p0 s5, $0x0  }
0x1f: {  	s9 =	smul.u32 $0xF7A, s1;
	s8 =	simm.s32 @!p0 $0x1BF5;
	p2 =	por !p2, p0  }
0x20: {  	[sflag:s8] =	ssyncset.s32 @!p0 $0xFFFFF086;
	s6 =	sadd.s32 @!p0 s3, s7;
	s7 =	simm.s32 @!p0 $0x108  }
0x21: {  	s3 =	sadd.s32 s3, s9;
	s6 =	sadd.s32 @!p0 $0x88, s6;
	s7 =	simm.s32 @p2 $0x1082  }
0x22: {  	[simem:s7], [sflag:s8] =	dma.local @!p0 [hbm:s6], $0xF7A  }
0x23: {  	s9 =	sor.u32 $0xD0000000, s2;
	s6 =	simm.s32 $0x108;
	_ =	swait.ge @!p0 [sflag:s8], $0x0  }
0x24: {  	s3 =	sadd.s32 $0x88, s3;
	s6 =	simm.s32 @!p1 $0x1082;
	[sflag:s4] =	ssyncset.s32 $0xFFFFF086  }
0x25: {  	[simem:s6], [sflag:s4] =	dma.local [hbm:s3], $0xF7A  }
0x26: {  	[smem:$0x3F9F] =	sst s1;
	(tag) =	ssettag s2;
	_ =	strace s9  }
0x27: {  	s1 =	sld [smem:$0x3FAF]  }
0x28: {  	s2 =	sld [smem:$0x3FB0]  }
0x29: {  	s4 =	sld [smem:$0x3FB2]  }
0x2a: {  	p0 =	seq.s32 s5, $0x0;
	s5 =	sld [smem:$0x3FB3]  }
0x2b: {  	s6 =	sld [smem:$0x3FB4]  }
0x2c: {  	s7 =	sld [smem:$0x3FB5]  }
0x2d: {  	s3 =	simm.s32 $0x108;
	s8 =	sld [smem:$0x3FB6]  }
0x2e: {  	s3 =	simm.s32 @!p0 $0x1082;
	s9 =	sld [smem:$0x3FB7]  }
0x2f: {  	lr =	sadd.s32 s0, s3;
	s0 =	sld [smem:$0x3FAE]  }
0x30: {  	s3 =	sld [smem:$0x3FB1]  }
0x31: {  	[smem:$0x3FBA] =	sst s10  }
0x32: {  	s10 =	sld [smem:$0x3FB8];
	_ =	sdelay $0x3  }
0x33: {  	p0 =	seq.s32 s10, $0x1;
	s10 =	sld [smem:$0x3FBA];
	_ =	sdelay $0x3  }
0x34: {  	[smem:$0x3FBA] =	sst s10  }
0x35: {  	s10 =	sld [smem:$0x3FB9];
	_ =	sdelay $0x3  }
0x36: {  	p1 =	seq.s32 s10, $0x1;
	s10 =	sld [smem:$0x3FBA];
	_ =	sdelay $0x3  }
0x37: {  	[smem:$0x3FBA] =	sst s10  }
0x38: {  	s10 =	sld [smem:$0x3FBB]  }
0x39: {  	_ = 	snop;
	(pc) =	sbr.ind lr, $3  }
0x3a: {  	_ = 	snop  }
0x3b: {  	_ = 	snop  }
0x3c: {  	p2 =	seq.s32 s10, $0x1;
	s10 =	sld [smem:$0x3FBA]  }
0x3d: {  	_ =	shalt  }
0x3e: {  	_ =	shalt  }
0x3f: {  	_ =	shalt  }
0x40: {  	_ =	shalt  }
0x41: {  	_ =	shalt  }
0x42: {  	_ =	shalt  }
0x43: {  	_ =	shalt  }
0x44: {  	_ =	shalt  }
0x45: {  	_ =	shalt  }
0x46: {  	_ =	shalt  }
0x47: {  	_ =	shalt  }
0x48: {  	_ =	shalt  }
0x49: {  	_ =	shalt  }
0x4a: {  	_ =	shalt  }
0x4b: {  	_ =	shalt  }
0x4c: {  	_ =	shalt  }
0x4d: {  	_ =	shalt  }
0x4e: {  	_ =	shalt  }
0x4f: {  	_ =	shalt  }
0x50: {  	_ =	shalt  }
0x51: {  	_ =	shalt  }
0x52: {  	_ =	shalt  }
0x53: {  	_ =	shalt  }
0x54: {  	_ =	shalt  }
0x55: {  	_ =	shalt  }
0x56: {  	_ =	shalt  }
0x57: {  	_ =	shalt  }
0x58: {  	_ =	shalt  }
0x59: {  	_ =	shalt  }
0x5a: {  	_ =	shalt  }
0x5b: {  	_ =	shalt  }
0x5c: {  	_ =	shalt  }
0x5d: {  	_ =	shalt  }
0x5e: {  	_ =	shalt  }
0x5f: {  	_ =	shalt  }
0x60: {  	_ =	shalt  }
0x61: {  	_ =	shalt  }
0x62: {  	_ =	shalt  }
0x63: {  	_ =	shalt  }
0x64: {  	_ =	shalt  }
0x65: {  	_ =	shalt  }
0x66: {  	_ =	shalt  }
0x67: {  	_ =	shalt  }
0x68: {  	_ =	shalt  }
0x69: {  	_ =	shalt  }
0x6a: {  	_ =	shalt  }
0x6b: {  	_ =	shalt  }
0x6c: {  	_ =	shalt  }
0x6d: {  	_ =	shalt  }
0x6e: {  	_ =	shalt  }
0x6f: {  	_ =	shalt  }
0x70: {  	_ =	shalt  }
0x71: {  	_ =	shalt  }
0x72: {  	_ =	shalt  }
0x73: {  	_ =	shalt  }
0x74: {  	_ =	shalt  }
0x75: {  	_ =	shalt  }
0x76: {  	_ =	shalt  }
0x77: {  	_ =	shalt  }
0x78: {  	_ =	shalt  }
0x79: {  	_ =	shalt  }
0x7a: {  	_ =	shalt  }
0x7b: {  	_ =	shalt  }
0x7c: {  	_ =	shalt  }
0x7d: {  	_ =	shalt  }
0x7e: {  	_ =	shalt  }
0x7f: {  	_ =	shalt  }
0x80: {  	_ =	shalt  }
0x81: {  	_ =	shalt  }
0x82: {  	_ =	shalt  }
0x83: {  	_ =	shalt  }
0x84: {  	_ =	shalt  }
0x85: {  	_ =	shalt  }
0x86: {  	_ =	shalt  }
0x87: {  	_ =	shalt  }
.Lfunc_end0:
.L_simem_size_0:
called_computation_lowered:
.L_overlay_start_0:
0x88: {  	s2 =	sld [smem:$0x3FD9]  }
0x89: {  	s3 =	sld [smem:$0x3FFE];
	_ =	sdelay $0x1  }
0x8a: {  	s1 =	srdreg.scid  }
0x8b: {  	s0 =	sand.u32 $0x1, s1  }
0x8c: {  	s17 =	sshll.u32 s0, $0xA;
	s2 =	sadd.s32 s3, s2  }
0x8d: {  	s2 =	sadd.s32 s2, s17  }
0x8e: {  	[smem:$0x3FC6] =	sst s2  }
0x8f: {  	_ = 	snop  }
0x90: {  	s2 =	sld [smem:$0x3FD0];
	(tm) =	ssettm $0x1  }
0x91: {  	s18 =	sld [smem:$0x3FFB];
	_ =	sdelay $0x3  }
0x92: {  	_ =	strace s18  }
0x93: {  	s3 =	sld [smem:$0x3FFC];
	_ =	sdelay $0x3  }
0x94: {  	_ =	strace s3  }
0x95: {  	s3 =	sld [smem:$0x3FFD];
	_ =	sdelay $0x3  }
0x96: {  	_ =	strace s3  }
0x97: {  	_ =	strace $0x8FFFFFFF  }
0x98: {  	s19 =	sld [smem:$0x3FDB];
	_ =	sdelay $0x1  }
0x99: {  	s4 =	simm.s32 $_scs_section_size  }
0x9a: {  	s5 =	simm.s32 $_size__tile_overlayer_lowered;
	s6 =	simm.s32 $_tile_overlayer_lowered  }
0x9b: {  	s22 =	simm.s32 $0x1BFF;
	s21 =	sshll.u32 s6, $0x1;
	s3 =	sadd.s32 s4, s19  }
0x9c: {  	s7 =	simm.s32 $0x0;
	s20 =	sshll.u32 s5, $0x1;
	s5 =	sadd.s32 s21, s3  }
0x9d: {  	[timem:s7], [sflag:s22] =	dma.local [hbm:s5], s20  }
0x9e: {  	_ =	swait.ge [sflag:s22], s20  }
0x9f: {  	s4 =	ssub.s32 $0x0, s20;
	[sflag:s22] =	ssyncset.done $0x0  }
0xa0: {  	[sflag:s22] =	ssyncadd.s32 s4;
	_ =	sdelay $0x1  }
0xa1: {  	s23 =	simm.s32 $0x1B8B  }
0xa2: {  	_ =	swait.ge [sflag:s23], $0x1  }
0xa3: {  	[sflag:s23] =	ssyncset.done $0x0  }
0xa4: {  	s25 =	simm.s32 $0x1B8E;
	s24 =	sld [smem:$0x3FFE];
	[sflag:s23] =	ssyncadd.s32 $0xFFFFFFFF  }
0xa5: {  	s26 =	simm.s32 $execute0_lowered;
	[smem:$0x3FD2] =	sst s25  }
0xa6: {  	s5 =	sshll.u32 s26, $0x1;
	_ =	strace $0x80000046;
	[dreg:$0x1] =	wrdreg $0xFFFFFFFF  }
0xa7: {  	s28 =	simm.s32 $_size_execute0_lowered;
	s3 =	sadd.s32 s3, s5;
	[dreg:$0x0] =	wrdreg $0x0  }
0xa8: {  	s5 =	sshll.u32 s28, $0x1;
	[dreg:$0x2] =	wrdreg s3  }
0xa9: {  	[dreg:$0x3] =	wrdreg s5  }
0xaa: {  	[dreg:$0x4] =	wrdreg $0xC0  }
0xab: {  	_ =	task [dreg:s7], $0x5FFFF  }
0xac: {  	[dreg:$0x1] =	wrdreg $0xFFFFFFFF  }
0xad: {  	[dreg:$0x0] =	wrdreg $0x60  }
0xae: {  	[dreg:$0x2] =	wrdreg s24  }
0xaf: {  	[dreg:$0x3] =	wrdreg s2  }
0xb0: {  	[dreg:$0x4] =	wrdreg $0x9  }
0xb1: {  	_ =	task.clear_ibuf [dreg:s7], $0x5FFFF;
	_ =	strace $0x90000046  }
0xb2: {  	s29 =	simm.s32 $0x9;
	_ =	strace $0x80000048  }
0xb3: {  	_ =	swait.ge [sflag:s29], $0x1  }
0xb4: {  	[sflag:s29] =	ssyncadd.s32 $0xFFFFFFFF  }
0xb5: {  	_ =	strace $0x90000048  }
0xb6: {  	_ =	sfence  }
0xb7: {  	s30 =	sld [smem:$0x0];
	_ =	sdelay $0x2  }
0xb8: {  	s31 =	sshll.u32 s1, $0xD;
	s1 =	sshrl.u32 s1, $0x2  }
0xb9: {  	s3 =	sand.u32 $0x4000, s31;
	s1 =	sadd.s32 s1, s30  }
0xba: {  	s0 =	sor.u32 s3, s0;
	s1 =	sshll.u32 s1, $0x11  }
0xbb: {  	s0 =	sor.u32 s1, s0  }
0xbc: {  	s0 =	sadd.s32 $0x8F2B, s0  }
0xbd: {  	[sflag:s0] =	ssyncadd.remote.s32 $0x1  }
0xbe: {  	_ =	sfence.sel $0xFFFF  }
0xbf: {  	[dreg:$0x0] =	wrdreg $0xFFFFFFFF;
	(pc) =	sbr.abs _section_cstart, $3  }
0xc0: {  	[dreg:$0x1] =	wrdreg $0xFFFFFFFF  }
0xc1: {  	_ =	task.clear_ibuf [dreg:s7], $0x2FFFF;
	_ =	strace $0x9FFFFFFF  }
0xc2: {  	(tm) =	ssettm $0x7FFFFFFF  }
0xc3: {  	_ =	shalt  }
tec
execute0_lowered:
.L_overlay_start_1:
0x0: {  	(tag) =	ssettag $0x1  }
0x1: {  	s0 =	rddreg [dreg:$0x0]  }
0x2: {  	s1 =	rddreg [dreg:$0x1];
	s2 =	simm.s32 $0x0  }
0x3: {  	s6 =	stileid.u32;
	s4 =	srdreg.scid;
	s28 =	simm.s32 $0x8380  }
0x4: {  	s29 =	simm.s32 $0x8480;
	s30 =	simm.s32 $0x8580;
	s31 =	simm.s32 $0x1000  }
0x5: {  	[smem:$0x7FF] =	sst s2;
	s3 =	sadd.s32 $0x1600, s0;
	s7 =	sshrl.u32 s6, $0x2  }
0x6: {  	s5 =	sshll.u32 s6, $0x1;
	s13 =	sand.u32 $0x1, s4;
	s4 =	smul.u32 $0x32, s7  }
0x7: {  	s0 =	sadd.s32 $0x400, s0;
	_ =	strace $0x80000047;
	s15 =	smul.u32 $0x32000, s7  }
0x8: {  	s5 =	sand.u32 $0x6, s5;
	[dreg:$0x3] =	wrdreg s0;
	s12 =	smul.u32 $0x190000, s7  }
0x9: {  	s8 =	ssub.s32 $0x2, s13;
	s7 =	smul.u32 $0xC80000, s7;
	s14 =	sor.u32 s13, s5  }
0xa: {  	s9 =	sshrl.u32 s8, $0x1;
	s6 =	sshll.u32 s14, $0x9;
	s16 =	sor.u32 $0x1, s4  }
0xb: {  	s8 =	ssub.s32 s8, s9;
	s18 =	sadd.s32 s1, s12;
	s19 =	sadd.s32 $0x31, s4  }
0xc: {  	s13 =	sadd.s32 $0x2, s4;
	s21 =	sshrl.u32 s7, $0x3;
	s12 =	simm.s32 $0x3  }
0xd: {  	s5 =	sor.u32 s15, s6;
	s10 =	sshll.u32 s16, $0xC;
	s0 =	sshll.u32 s16, $0xF  }
0xe: {  	s20 =	sshll.u32 s19, $0xC;
	s24 =	smax.u32 s8, $0x1;
	s15 =	simm.s32 $0x4  }
0xf: {  	s16 =	simm.s32 $0x0;
	s11 =	sshrl.u32 s5, $0x3;
	s10 =	sor.u32 s6, s10  }
0x10: {  	s5 =	sadd.s32 $0x2000, s5;
	[dreg:$0xc] =	wrdreg s24;
	s24 =	simm.s32 $0x8500  }
0x11: {  	s11 =	sadd.s32 s3, s11;
	s17 =	sshrl.u32 s10, $0x3;
	s5 =	sshrl.u32 s5, $0x3  }
0x12: {  	s10 =	sadd.s32 s1, s6;
	s9 =	sadd.s32 s3, s17;
	[dreg:$0x4] =	wrdreg s11  }
0x13: {  	s1 =	sshll.u32 s19, $0xF;
	s5 =	sadd.s32 s3, s5;
	[dreg:$0x5] =	wrdreg s9  }
0x14: {  	s19 =	simm.s32 $0x8200;
	s0 =	sadd.s32 s0, s10;
	[dreg:$0x7] =	wrdreg s5  }
0x15: {  	s23 =	sadd.s32 s1, s10;
	s25 =	sadd.s32 $0x10, s11;
	[dreg:$0x8] =	wrdreg s0  }
0x16: {  	s26 =	sadd.s32 $0x20, s11;
	s1 =	simm.s32 $0x8600;
	[dreg:$0xb] =	wrdreg s23  }
0x17: {  	s9 =	sadd.s32 s6, s18;
	s0 =	sor.u32 s6, s20;
	[dreg:$0xd] =	wrdreg s25  }
0x18: {  	s5 =	sadd.s32 s10, s21;
	s21 =	simm.s32 $0x8300;
	[dreg:$0xe] =	wrdreg s26  }
0x19: {  	s23 =	simm.s32 $0x8400;
	s25 =	simm.s32 $0x1;
	s26 =	simm.s32 $0x8280  }
0x1a: {  	[dreg:$0x6] =	wrdreg s9;
	s0 =	sshrl.u32 s0, $0x3;
	s22 =	sadd.s32 $0x180000, s5  }
0x1b: {  	s5 =	simm.s32 $0x2;
	s0 =	sadd.s32 s3, s0;
	[dreg:$0xa] =	wrdreg s22  }
0x1c: {  	s9 =	simm.s32 $0x10600;
	[dreg:$0x9] =	wrdreg s0;
	s0 =	simm.s32 $0x8000  }
.LBB2_1:
0x1d: {  	s7 =	rddreg [dreg:$0x3];
	s8 =	simm.s32 $0x5  }
0x1e: {  	[tilespmem:s2], [sflag:$0x5] =	stream.linear.gather [hbm4b:s7+s2], $0x8200, $0x38;
	[tilespmem:$0x18600] =	vst v63  }
0x1f: {  	_ =	swait.ge [sflag:s8], $0x8200  }
0x20: {  	[sflag:s8] =	ssyncset.done $0x0  }
0x21: {  	s11 =	rddreg [dreg:$0x4];
	[sflag:s8] =	ssyncadd.s32 $0xFFFF7E00  }
0x22: {  	[tilespmem:s19], [sflag:$0x1] =	stream.linear.gather [hbm4b:s11+s2], $0x80, $0x38;
	[tilespmem:$0x18600] =	vst v63  }
0x23: {  	s8 =	rddreg [dreg:$0xd]  }
0x24: {  	[tilespmem:s21], [sflag:$0x1] =	stream.linear.gather [hbm4b:s8+s2], $0x80, $0x38;
	[tilespmem:$0x18600] =	vst v63  }
0x25: {  	s14 =	rddreg [dreg:$0xe]  }
0x26: {  	[tilespmem:s23], [sflag:$0x1] =	stream.linear.gather [hbm4b:s14+s2], $0x80, $0x38;
	[tilespmem:$0x18600] =	vst v63  }
0x27: {  	s7 =	sadd.s32 $0x30, s11  }
0x28: {  	[tilespmem:s24], [sflag:$0x1] =	stream.linear.gather [hbm4b:s7+s2], $0x80, $0x38;
	[tilespmem:$0x18600] =	vst v63  }
0x29: {  	_ =	swait.ge [sflag:s25], $0x200  }
0x2a: {  	[sflag:s25] =	ssyncset.done $0x0  }
0x2b: {  	s17 =	rddreg [dreg:$0x5];
	[sflag:s25] =	ssyncadd.s32 $0xFFFFFE00  }
0x2c: {  	[tilespmem:s26], [sflag:$0x2] =	stream.linear.gather [hbm4b:s17+s2], $0x80, $0x38;
	[tilespmem:$0x18600] =	vst v63  }
0x2d: {  	s18 =	sadd.s32 $0x10, s17  }
0x2e: {  	[tilespmem:s28], [sflag:$0x2] =	stream.linear.gather [hbm4b:s18+s2], $0x80, $0x38;
	[tilespmem:$0x18600] =	vst v63  }
0x2f: {  	s20 =	sadd.s32 $0x20, s17  }
0x30: {  	[tilespmem:s29], [sflag:$0x2] =	stream.linear.gather [hbm4b:s20+s2], $0x80, $0x38;
	[tilespmem:$0x18600] =	vst v63  }
0x31: {  	s22 =	sadd.s32 $0x30, s17;
	s17 =	simm.s32 $0x0;
	s18 =	simm.s32 $0x0  }
0x32: {  	[tilespmem:s30], [sflag:$0x2] =	stream.linear.gather [hbm4b:s22+s2], $0x80, $0x38;
	[tilespmem:$0x18600] =	vst v63  }
.LBB2_2:
0x33: {  	s7 =	sand.u32 $0xC00, s18  }
0x34: {  	s8 =	sand.u32 $0x70, s17;
	s20 =	sshrl.u32 s7, $0x2  }
0x35: {  	s20 =	sor.u32 s8, s20  }
0x36: {  	v0 =	vld [tilespmem:s20+$0x8200];
	_ =	sdelay $0x4  }
0x37: {  	v0 =	vmul.u32 $0x41, v0;
	_ =	sdelay $0x1  }
0x38: {  	v1 =	vadd.s32 $0x1, v0  }
0x39: {  	v2 =	vadd.s32 $0x2, v0  }
0x3a: {  	v3 =	vadd.s32 $0x3, v0  }
0x3b: {  	v4 =	vadd.s32 $0x4, v0  }
0x3c: {  	v6 =	vadd.s32 $0x5, v0;
	v5 =	vld.idx.msk [tilespmem:v0+s2+$0x0], $0xffff  }
0x3d: {  	v7 =	vadd.s32 $0x6, v0;
	v1 =	vld.idx.msk [tilespmem:v1+s2+$0x0], $0xffff  }
0x3e: {  	v8 =	vadd.s32 $0x7, v0;
	v2 =	vld.idx.msk [tilespmem:v2+s2+$0x0], $0xffff  }
0x3f: {  	v9 =	vadd.s32 $0x8, v0;
	v3 =	vld.idx.msk [tilespmem:v3+s2+$0x0], $0xffff  }
0x40: {  	v10 =	vadd.s32 $0x9, v0;
	v4 =	vld.idx.msk [tilespmem:v4+s2+$0x0], $0xffff  }
0x41: {  	v11 =	vadd.s32 $0xA, v0;
	v6 =	vld.idx.msk [tilespmem:v6+s2+$0x0], $0xffff  }
0x42: {  	v12 =	vadd.s32 $0xB, v0;
	v7 =	vld.idx.msk [tilespmem:v7+s2+$0x0], $0xffff  }
0x43: {  	s7 =	sor.u32 s8, s7;
	v13 =	vadd.s32 $0xC, v0;
	v8 =	vld.idx.msk [tilespmem:v8+s2+$0x0], $0xffff  }
0x44: {  	v14 =	vadd.s32 $0xD, v0;
	v9 =	vld.idx.msk [tilespmem:v9+s2+$0x0], $0xffff;
	[tilespmem:s7+$0x8600] =	vst v5  }
0x45: {  	v15 =	vadd.s32 $0xE, v0;
	v10 =	vld.idx.msk [tilespmem:v10+s2+$0x0], $0xffff;
	[tilespmem:s7+$0x8680] =	vst v1  }
0x46: {  	v16 =	vadd.s32 $0xF, v0;
	v11 =	vld.idx.msk [tilespmem:v11+s2+$0x0], $0xffff;
	[tilespmem:s7+$0x8700] =	vst v2  }
0x47: {  	v17 =	vadd.s32 $0x10, v0;
	v5 =	vld.idx.msk [tilespmem:v12+s2+$0x0], $0xffff;
	[tilespmem:s7+$0x8780] =	vst v3  }
0x48: {  	v18 =	vadd.s32 $0x11, v0;
	v1 =	vld.idx.msk [tilespmem:v13+s2+$0x0], $0xffff;
	[tilespmem:s7+$0x8800] =	vst v4  }
0x49: {  	v19 =	vadd.s32 $0x12, v0;
	v2 =	vld.idx.msk [tilespmem:v14+s2+$0x0], $0xffff;
	[tilespmem:s7+$0x8880] =	vst v6  }
0x4a: {  	v20 =	vadd.s32 $0x13, v0;
	v3 =	vld.idx.msk [tilespmem:v15+s2+$0x0], $0xffff;
	[tilespmem:s7+$0x8900] =	vst v7  }
0x4b: {  	v21 =	vadd.s32 $0x14, v0;
	v4 =	vld.idx.msk [tilespmem:v16+s2+$0x0], $0xffff;
	[tilespmem:s7+$0x8980] =	vst v8  }
0x4c: {  	v22 =	vadd.s32 $0x15, v0;
	v6 =	vld.idx.msk [tilespmem:v17+s2+$0x0], $0xffff;
	[tilespmem:s7+$0x9600] =	vst v9  }
0x4d: {  	v23 =	vadd.s32 $0x16, v0;
	v7 =	vld.idx.msk [tilespmem:v18+s2+$0x0], $0xffff;
	[tilespmem:s7+$0x9680] =	vst v10  }
0x4e: {  	v24 =	vadd.s32 $0x17, v0;
	v8 =	vld.idx.msk [tilespmem:v19+s2+$0x0], $0xffff;
	[tilespmem:s7+$0x9700] =	vst v11  }
0x4f: {  	v25 =	vadd.s32 $0x18, v0;
	v9 =	vld.idx.msk [tilespmem:v20+s2+$0x0], $0xffff;
	[tilespmem:s7+$0x9780] =	vst v5  }
0x50: {  	v26 =	vadd.s32 $0x19, v0;
	v10 =	vld.idx.msk [tilespmem:v21+s2+$0x0], $0xffff;
	[tilespmem:s7+$0x9800] =	vst v1  }
0x51: {  	v27 =	vadd.s32 $0x1A, v0;
	v11 =	vld.idx.msk [tilespmem:v22+s2+$0x0], $0xffff;
	[tilespmem:s7+$0x9880] =	vst v2  }
0x52: {  	v28 =	vadd.s32 $0x1B, v0;
	v5 =	vld.idx.msk [tilespmem:v23+s2+$0x0], $0xffff;
	[tilespmem:s7+$0x9900] =	vst v3  }
0x53: {  	v29 =	vadd.s32 $0x1C, v0;
	v1 =	vld.idx.msk [tilespmem:v24+s2+$0x0], $0xffff;
	[tilespmem:s7+$0x9980] =	vst v4  }
0x54: {  	v30 =	vadd.s32 $0x1D, v0;
	v2 =	vld.idx.msk [tilespmem:v25+s2+$0x0], $0xffff;
	[tilespmem:s7+$0xA600] =	vst v6  }
0x55: {  	v31 =	vadd.s32 $0x1E, v0;
	v3 =	vld.idx.msk [tilespmem:v26+s2+$0x0], $0xffff;
	[tilespmem:s7+$0xA680] =	vst v7  }
0x56: {  	v32 =	vadd.s32 $0x1F, v0;
	v4 =	vld.idx.msk [tilespmem:v27+s2+$0x0], $0xffff;
	[tilespmem:s7+$0xA700] =	vst v8  }
0x57: {  	v33 =	vadd.s32 $0x20, v0;
	v6 =	vld.idx.msk [tilespmem:v28+s2+$0x0], $0xffff;
	[tilespmem:s7+$0xA780] =	vst v9  }
0x58: {  	v34 =	vadd.s32 $0x21, v0;
	v7 =	vld.idx.msk [tilespmem:v29+s2+$0x0], $0xffff;
	[tilespmem:s7+$0xA800] =	vst v10  }
0x59: {  	v35 =	vadd.s32 $0x22, v0;
	v8 =	vld.idx.msk [tilespmem:v30+s2+$0x0], $0xffff;
	[tilespmem:s7+$0xA880] =	vst v11  }
0x5a: {  	v36 =	vadd.s32 $0x23, v0;
	v9 =	vld.idx.msk [tilespmem:v31+s2+$0x0], $0xffff;
	[tilespmem:s7+$0xA900] =	vst v5  }
0x5b: {  	v37 =	vadd.s32 $0x24, v0;
	v10 =	vld.idx.msk [tilespmem:v32+s2+$0x0], $0xffff;
	[tilespmem:s7+$0xA980] =	vst v1  }
0x5c: {  	v38 =	vadd.s32 $0x25, v0;
	v11 =	vld.idx.msk [tilespmem:v33+s2+$0x0], $0xffff;
	[tilespmem:s7+$0xB600] =	vst v2  }
0x5d: {  	v39 =	vadd.s32 $0x26, v0;
	v5 =	vld.idx.msk [tilespmem:v34+s2+$0x0], $0xffff;
	[tilespmem:s7+$0xB680] =	vst v3  }
0x5e: {  	v40 =	vadd.s32 $0x27, v0;
	v1 =	vld.idx.msk [tilespmem:v35+s2+$0x0], $0xffff;
	[tilespmem:s7+$0xB700] =	vst v4  }
0x5f: {  	v41 =	vadd.s32 $0x28, v0;
	v2 =	vld.idx.msk [tilespmem:v36+s2+$0x0], $0xffff;
	[tilespmem:s7+$0xB780] =	vst v6  }
0x60: {  	v42 =	vadd.s32 $0x29, v0;
	v3 =	vld.idx.msk [tilespmem:v37+s2+$0x0], $0xffff;
	[tilespmem:s7+$0xB800] =	vst v7  }
0x61: {  	v43 =	vadd.s32 $0x2A, v0;
	v4 =	vld.idx.msk [tilespmem:v38+s2+$0x0], $0xffff;
	[tilespmem:s7+$0xB880] =	vst v8  }
0x62: {  	v44 =	vadd.s32 $0x2B, v0;
	v6 =	vld.idx.msk [tilespmem:v39+s2+$0x0], $0xffff;
	[tilespmem:s7+$0xB900] =	vst v9  }
0x63: {  	v45 =	vadd.s32 $0x2C, v0;
	v7 =	vld.idx.msk [tilespmem:v40+s2+$0x0], $0xffff;
	[tilespmem:s7+$0xB980] =	vst v10  }
0x64: {  	v46 =	vadd.s32 $0x2D, v0;
	v8 =	vld.idx.msk [tilespmem:v41+s2+$0x0], $0xffff;
	[tilespmem:s7+$0xC600] =	vst v11  }
0x65: {  	v47 =	vadd.s32 $0x2E, v0;
	v9 =	vld.idx.msk [tilespmem:v42+s2+$0x0], $0xffff;
	[tilespmem:s7+$0xC680] =	vst v5  }
0x66: {  	v48 =	vadd.s32 $0x2F, v0;
	v10 =	vld.idx.msk [tilespmem:v43+s2+$0x0], $0xffff;
	[tilespmem:s7+$0xC700] =	vst v1  }
0x67: {  	v49 =	vadd.s32 $0x30, v0;
	v11 =	vld.idx.msk [tilespmem:v44+s2+$0x0], $0xffff;
	[tilespmem:s7+$0xC780] =	vst v2  }
0x68: {  	v50 =	vadd.s32 $0x31, v0;
	v5 =	vld.idx.msk [tilespmem:v45+s2+$0x0], $0xffff;
	[tilespmem:s7+$0xC800] =	vst v3  }
0x69: {  	v51 =	vadd.s32 $0x32, v0;
	v1 =	vld.idx.msk [tilespmem:v46+s2+$0x0], $0xffff;
	[tilespmem:s7+$0xC880] =	vst v4  }
0x6a: {  	v52 =	vadd.s32 $0x33, v0;
	v2 =	vld.idx.msk [tilespmem:v47+s2+$0x0], $0xffff;
	[tilespmem:s7+$0xC900] =	vst v6  }
0x6b: {  	v53 =	vadd.s32 $0x34, v0;
	v3 =	vld.idx.msk [tilespmem:v48+s2+$0x0], $0xffff;
	[tilespmem:s7+$0xC980] =	vst v7  }
0x6c: {  	v54 =	vadd.s32 $0x35, v0;
	v4 =	vld.idx.msk [tilespmem:v49+s2+$0x0], $0xffff;
	[tilespmem:s7+$0xD600] =	vst v8  }
0x6d: {  	v55 =	vadd.s32 $0x36, v0;
	v6 =	vld.idx.msk [tilespmem:v50+s2+$0x0], $0xffff;
	[tilespmem:s7+$0xD680] =	vst v9  }
0x6e: {  	v56 =	vadd.s32 $0x37, v0;
	v7 =	vld.idx.msk [tilespmem:v51+s2+$0x0], $0xffff;
	[tilespmem:s7+$0xD700] =	vst v10  }
0x6f: {  	v57 =	vadd.s32 $0x38, v0;
	v8 =	vld.idx.msk [tilespmem:v52+s2+$0x0], $0xffff;
	[tilespmem:s7+$0xD780] =	vst v11  }
0x70: {  	v58 =	vadd.s32 $0x39, v0;
	v9 =	vld.idx.msk [tilespmem:v53+s2+$0x0], $0xffff;
	[tilespmem:s7+$0xD800] =	vst v5  }
0x71: {  	v59 =	vadd.s32 $0x3A, v0;
	v10 =	vld.idx.msk [tilespmem:v54+s2+$0x0], $0xffff;
	[tilespmem:s7+$0xD880] =	vst v1  }
0x72: {  	v60 =	vadd.s32 $0x3B, v0;
	v11 =	vld.idx.msk [tilespmem:v55+s2+$0x0], $0xffff;
	[tilespmem:s7+$0xD900] =	vst v2  }
0x73: {  	v61 =	vadd.s32 $0x3C, v0;
	v5 =	vld.idx.msk [tilespmem:v56+s2+$0x0], $0xffff;
	[tilespmem:s7+$0xD980] =	vst v3  }
0x74: {  	v62 =	vadd.s32 $0x3D, v0;
	v1 =	vld.idx.msk [tilespmem:v57+s2+$0x0], $0xffff;
	[tilespmem:s7+$0xE600] =	vst v4  }
0x75: {  	v63 =	vadd.s32 $0x3E, v0;
	v2 =	vld.idx.msk [tilespmem:v58+s2+$0x0], $0xffff;
	[tilespmem:s7+$0xE680] =	vst v6  }
0x76: {  	v0 =	vadd.s32 $0x3F, v0;
	v3 =	vld.idx.msk [tilespmem:v59+s2+$0x0], $0xffff;
	[tilespmem:s7+$0xE700] =	vst v7  }
0x77: {  	v4 =	vld.idx.msk [tilespmem:v60+s2+$0x0], $0xffff;
	[tilespmem:s7+$0xE780] =	vst v8  }
0x78: {  	v6 =	vld.idx.msk [tilespmem:v61+s2+$0x0], $0xffff;
	[tilespmem:s7+$0xE800] =	vst v9  }
0x79: {  	v7 =	vld.idx.msk [tilespmem:v62+s2+$0x0], $0xffff;
	[tilespmem:s7+$0xE880] =	vst v10  }
0x7a: {  	v8 =	vld.idx.msk [tilespmem:v63+s2+$0x0], $0xffff;
	[tilespmem:s7+$0xE900] =	vst v11  }
0x7b: {  	v0 =	vld.idx.msk [tilespmem:v0+s2+$0x0], $0xffff;
	[tilespmem:s7+$0xE980] =	vst v5  }
0x7c: {  	[tilespmem:s7+$0xF600] =	vst v1  }
0x7d: {  	[tilespmem:s7+$0xF680] =	vst v2  }
0x7e: {  	p0 =	sne.s32 s18, $0xF80;
	[tilespmem:s7+$0xF700] =	vst v3  }
.Ltmp0:
0x7f: {  	[tilespmem:s7+$0xF780] =	vst v4;
	(pc) =	sbr.rel @p0 .LBB2_2-.Ltmp0, $4  }
0x80: {  	[tilespmem:s7+$0xF800] =	vst v6  }
0x81: {  	[tilespmem:s7+$0xF880] =	vst v7  }
0x82: {  	[tilespmem:s7+$0xF900] =	vst v8  }
0x83: {  	s17 =	sadd.s32 $0x10, s17;
	s18 =	sadd.s32 $0x80, s18;
	[tilespmem:s7+$0xF980] =	vst v0  }
0x84: {  	s7 =	rddreg [dreg:$0x6]  }
0x85: {  	[hbm4b:s7+s31] =	stream.strided.scatter [tilespmem:s1], [sflag:$0x3], $0x8000, s0, s31, $0x38;
	[tilespmem:$0x18600] =	vst v63  }
0x86: {  	_ =	swait.ge [sflag:s5], $0x200  }
0x87: {  	[sflag:s5] =	ssyncset.done $0x0  }
0x88: {  	s17 =	simm.s32 $0x0;
	s8 =	rddreg [dreg:$0x7];
	[sflag:s5] =	ssyncadd.s32 $0xFFFFFE00  }
0x89: {  	[tilespmem:s19], [sflag:$0x1] =	stream.linear.gather [hbm4b:s8+s17], $0x80, $0x38;
	[tilespmem:$0x18600] =	vst v63  }
0x8a: {  	s18 =	sadd.s32 $0x10, s8  }
0x8b: {  	[tilespmem:s21], [sflag:$0x1] =	stream.linear.gather [hbm4b:s18+s17], $0x80, $0x38;
	[tilespmem:$0x18600] =	vst v63  }
0x8c: {  	s20 =	sadd.s32 $0x20, s8  }
0x8d: {  	[tilespmem:s23], [sflag:$0x1] =	stream.linear.gather [hbm4b:s20+s17], $0x80, $0x38;
	[tilespmem:$0x18600] =	vst v63  }
0x8e: {  	s22 =	sadd.s32 $0x30, s8;
	s18 =	simm.s32 $0x0  }
0x8f: {  	[tilespmem:s24], [sflag:$0x1] =	stream.linear.gather [hbm4b:s22+s17], $0x80, $0x38;
	[tilespmem:$0x18600] =	vst v63  }
.LBB2_4:
0x90: {  	s7 =	sand.u32 $0xC00, s18  }
0x91: {  	s8 =	sand.u32 $0x70, s17;
	s20 =	sshrl.u32 s7, $0x2  }
0x92: {  	s20 =	sor.u32 s8, s20  }
0x93: {  	v0 =	vld [tilespmem:s20+$0x8280];
	_ =	sdelay $0x4  }
0x94: {  	v0 =	vmul.u32 $0x41, v0;
	_ =	sdelay $0x1  }
0x95: {  	v1 =	vadd.s32 $0x1, v0  }
0x96: {  	v2 =	vadd.s32 $0x2, v0  }
0x97: {  	v3 =	vadd.s32 $0x3, v0  }
0x98: {  	v4 =	vadd.s32 $0x4, v0  }
0x99: {  	v6 =	vadd.s32 $0x5, v0;
	v5 =	vld.idx.msk [tilespmem:v0+s2+$0x0], $0xffff  }
0x9a: {  	v7 =	vadd.s32 $0x6, v0;
	v1 =	vld.idx.msk [tilespmem:v1+s2+$0x0], $0xffff  }
0x9b: {  	v8 =	vadd.s32 $0x7, v0;
	v2 =	vld.idx.msk [tilespmem:v2+s2+$0x0], $0xffff  }
0x9c: {  	v9 =	vadd.s32 $0x8, v0;
	v3 =	vld.idx.msk [tilespmem:v3+s2+$0x0], $0xffff  }
0x9d: {  	v10 =	vadd.s32 $0x9, v0;
	v4 =	vld.idx.msk [tilespmem:v4+s2+$0x0], $0xffff  }
0x9e: {  	v11 =	vadd.s32 $0xA, v0;
	v6 =	vld.idx.msk [tilespmem:v6+s2+$0x0], $0xffff  }
0x9f: {  	v12 =	vadd.s32 $0xB, v0;
	v7 =	vld.idx.msk [tilespmem:v7+s2+$0x0], $0xffff  }
0xa0: {  	s7 =	sor.u32 s8, s7;
	v13 =	vadd.s32 $0xC, v0;
	v8 =	vld.idx.msk [tilespmem:v8+s2+$0x0], $0xffff  }
0xa1: {  	v14 =	vadd.s32 $0xD, v0;
	v9 =	vld.idx.msk [tilespmem:v9+s2+$0x0], $0xffff;
	[tilespmem:s7+$0x10600] =	vst v5  }
0xa2: {  	v15 =	vadd.s32 $0xE, v0;
	v10 =	vld.idx.msk [tilespmem:v10+s2+$0x0], $0xffff;
	[tilespmem:s7+$0x10680] =	vst v1  }
0xa3: {  	v16 =	vadd.s32 $0xF, v0;
	v11 =	vld.idx.msk [tilespmem:v11+s2+$0x0], $0xffff;
	[tilespmem:s7+$0x10700] =	vst v2  }
0xa4: {  	v17 =	vadd.s32 $0x10, v0;
	v5 =	vld.idx.msk [tilespmem:v12+s2+$0x0], $0xffff;
	[tilespmem:s7+$0x10780] =	vst v3  }
0xa5: {  	v18 =	vadd.s32 $0x11, v0;
	v1 =	vld.idx.msk [tilespmem:v13+s2+$0x0], $0xffff;
	[tilespmem:s7+$0x10800] =	vst v4  }
0xa6: {  	v19 =	vadd.s32 $0x12, v0;
	v2 =	vld.idx.msk [tilespmem:v14+s2+$0x0], $0xffff;
	[tilespmem:s7+$0x10880] =	vst v6  }
0xa7: {  	v20 =	vadd.s32 $0x13, v0;
	v3 =	vld.idx.msk [tilespmem:v15+s2+$0x0], $0xffff;
	[tilespmem:s7+$0x10900] =	vst v7  }
0xa8: {  	v21 =	vadd.s32 $0x14, v0;
	v4 =	vld.idx.msk [tilespmem:v16+s2+$0x0], $0xffff;
	[tilespmem:s7+$0x10980] =	vst v8  }
0xa9: {  	v22 =	vadd.s32 $0x15, v0;
	v6 =	vld.idx.msk [tilespmem:v17+s2+$0x0], $0xffff;
	[tilespmem:s7+$0x11600] =	vst v9  }
0xaa: {  	v23 =	vadd.s32 $0x16, v0;
	v7 =	vld.idx.msk [tilespmem:v18+s2+$0x0], $0xffff;
	[tilespmem:s7+$0x11680] =	vst v10  }
0xab: {  	v24 =	vadd.s32 $0x17, v0;
	v8 =	vld.idx.msk [tilespmem:v19+s2+$0x0], $0xffff;
	[tilespmem:s7+$0x11700] =	vst v11  }
0xac: {  	v25 =	vadd.s32 $0x18, v0;
	v9 =	vld.idx.msk [tilespmem:v20+s2+$0x0], $0xffff;
	[tilespmem:s7+$0x11780] =	vst v5  }
0xad: {  	v26 =	vadd.s32 $0x19, v0;
	v10 =	vld.idx.msk [tilespmem:v21+s2+$0x0], $0xffff;
	[tilespmem:s7+$0x11800] =	vst v1  }
0xae: {  	v27 =	vadd.s32 $0x1A, v0;
	v11 =	vld.idx.msk [tilespmem:v22+s2+$0x0], $0xffff;
	[tilespmem:s7+$0x11880] =	vst v2  }
0xaf: {  	v28 =	vadd.s32 $0x1B, v0;
	v5 =	vld.idx.msk [tilespmem:v23+s2+$0x0], $0xffff;
	[tilespmem:s7+$0x11900] =	vst v3  }
0xb0: {  	v29 =	vadd.s32 $0x1C, v0;
	v1 =	vld.idx.msk [tilespmem:v24+s2+$0x0], $0xffff;
	[tilespmem:s7+$0x11980] =	vst v4  }
0xb1: {  	v30 =	vadd.s32 $0x1D, v0;
	v2 =	vld.idx.msk [tilespmem:v25+s2+$0x0], $0xffff;
	[tilespmem:s7+$0x12600] =	vst v6  }
0xb2: {  	v31 =	vadd.s32 $0x1E, v0;
	v3 =	vld.idx.msk [tilespmem:v26+s2+$0x0], $0xffff;
	[tilespmem:s7+$0x12680] =	vst v7  }
0xb3: {  	v32 =	vadd.s32 $0x1F, v0;
	v4 =	vld.idx.msk [tilespmem:v27+s2+$0x0], $0xffff;
	[tilespmem:s7+$0x12700] =	vst v8  }
0xb4: {  	v33 =	vadd.s32 $0x20, v0;
	v6 =	vld.idx.msk [tilespmem:v28+s2+$0x0], $0xffff;
	[tilespmem:s7+$0x12780] =	vst v9  }
0xb5: {  	v34 =	vadd.s32 $0x21, v0;
	v7 =	vld.idx.msk [tilespmem:v29+s2+$0x0], $0xffff;
	[tilespmem:s7+$0x12800] =	vst v10  }
0xb6: {  	v35 =	vadd.s32 $0x22, v0;
	v8 =	vld.idx.msk [tilespmem:v30+s2+$0x0], $0xffff;
	[tilespmem:s7+$0x12880] =	vst v11  }
0xb7: {  	v36 =	vadd.s32 $0x23, v0;
	v9 =	vld.idx.msk [tilespmem:v31+s2+$0x0], $0xffff;
	[tilespmem:s7+$0x12900] =	vst v5  }
0xb8: {  	v37 =	vadd.s32 $0x24, v0;
	v10 =	vld.idx.msk [tilespmem:v32+s2+$0x0], $0xffff;
	[tilespmem:s7+$0x12980] =	vst v1  }
0xb9: {  	v38 =	vadd.s32 $0x25, v0;
	v11 =	vld.idx.msk [tilespmem:v33+s2+$0x0], $0xffff;
	[tilespmem:s7+$0x13600] =	vst v2  }
0xba: {  	v39 =	vadd.s32 $0x26, v0;
	v5 =	vld.idx.msk [tilespmem:v34+s2+$0x0], $0xffff;
	[tilespmem:s7+$0x13680] =	vst v3  }
0xbb: {  	v40 =	vadd.s32 $0x27, v0;
	v1 =	vld.idx.msk [tilespmem:v35+s2+$0x0], $0xffff;
	[tilespmem:s7+$0x13700] =	vst v4  }
0xbc: {  	v41 =	vadd.s32 $0x28, v0;
	v2 =	vld.idx.msk [tilespmem:v36+s2+$0x0], $0xffff;
	[tilespmem:s7+$0x13780] =	vst v6  }
0xbd: {  	v42 =	vadd.s32 $0x29, v0;
	v3 =	vld.idx.msk [tilespmem:v37+s2+$0x0], $0xffff;
	[tilespmem:s7+$0x13800] =	vst v7  }
0xbe: {  	v43 =	vadd.s32 $0x2A, v0;
	v4 =	vld.idx.msk [tilespmem:v38+s2+$0x0], $0xffff;
	[tilespmem:s7+$0x13880] =	vst v8  }
0xbf: {  	v44 =	vadd.s32 $0x2B, v0;
	v6 =	vld.idx.msk [tilespmem:v39+s2+$0x0], $0xffff;
	[tilespmem:s7+$0x13900] =	vst v9  }
0xc0: {  	v45 =	vadd.s32 $0x2C, v0;
	v7 =	vld.idx.msk [tilespmem:v40+s2+$0x0], $0xffff;
	[tilespmem:s7+$0x13980] =	vst v10  }
0xc1: {  	v46 =	vadd.s32 $0x2D, v0;
	v8 =	vld.idx.msk [tilespmem:v41+s2+$0x0], $0xffff;
	[tilespmem:s7+$0x14600] =	vst v11  }
0xc2: {  	v47 =	vadd.s32 $0x2E, v0;
	v9 =	vld.idx.msk [tilespmem:v42+s2+$0x0], $0xffff;
	[tilespmem:s7+$0x14680] =	vst v5  }
0xc3: {  	v48 =	vadd.s32 $0x2F, v0;
	v10 =	vld.idx.msk [tilespmem:v43+s2+$0x0], $0xffff;
	[tilespmem:s7+$0x14700] =	vst v1  }
0xc4: {  	v49 =	vadd.s32 $0x30, v0;
	v11 =	vld.idx.msk [tilespmem:v44+s2+$0x0], $0xffff;
	[tilespmem:s7+$0x14780] =	vst v2  }
0xc5: {  	v50 =	vadd.s32 $0x31, v0;
	v5 =	vld.idx.msk [tilespmem:v45+s2+$0x0], $0xffff;
	[tilespmem:s7+$0x14800] =	vst v3  }
0xc6: {  	v51 =	vadd.s32 $0x32, v0;
	v1 =	vld.idx.msk [tilespmem:v46+s2+$0x0], $0xffff;
	[tilespmem:s7+$0x14880] =	vst v4  }
0xc7: {  	v52 =	vadd.s32 $0x33, v0;
	v2 =	vld.idx.msk [tilespmem:v47+s2+$0x0], $0xffff;
	[tilespmem:s7+$0x14900] =	vst v6  }
0xc8: {  	v53 =	vadd.s32 $0x34, v0;
	v3 =	vld.idx.msk [tilespmem:v48+s2+$0x0], $0xffff;
	[tilespmem:s7+$0x14980] =	vst v7  }
0xc9: {  	v54 =	vadd.s32 $0x35, v0;
	v4 =	vld.idx.msk [tilespmem:v49+s2+$0x0], $0xffff;
	[tilespmem:s7+$0x15600] =	vst v8  }
0xca: {  	v55 =	vadd.s32 $0x36, v0;
	v6 =	vld.idx.msk [tilespmem:v50+s2+$0x0], $0xffff;
	[tilespmem:s7+$0x15680] =	vst v9  }
0xcb: {  	v56 =	vadd.s32 $0x37, v0;
	v7 =	vld.idx.msk [tilespmem:v51+s2+$0x0], $0xffff;
	[tilespmem:s7+$0x15700] =	vst v10  }
0xcc: {  	v57 =	vadd.s32 $0x38, v0;
	v8 =	vld.idx.msk [tilespmem:v52+s2+$0x0], $0xffff;
	[tilespmem:s7+$0x15780] =	vst v11  }
0xcd: {  	v58 =	vadd.s32 $0x39, v0;
	v9 =	vld.idx.msk [tilespmem:v53+s2+$0x0], $0xffff;
	[tilespmem:s7+$0x15800] =	vst v5  }
0xce: {  	v59 =	vadd.s32 $0x3A, v0;
	v10 =	vld.idx.msk [tilespmem:v54+s2+$0x0], $0xffff;
	[tilespmem:s7+$0x15880] =	vst v1  }
0xcf: {  	v60 =	vadd.s32 $0x3B, v0;
	v11 =	vld.idx.msk [tilespmem:v55+s2+$0x0], $0xffff;
	[tilespmem:s7+$0x15900] =	vst v2  }
0xd0: {  	v61 =	vadd.s32 $0x3C, v0;
	v5 =	vld.idx.msk [tilespmem:v56+s2+$0x0], $0xffff;
	[tilespmem:s7+$0x15980] =	vst v3  }
0xd1: {  	v62 =	vadd.s32 $0x3D, v0;
	v1 =	vld.idx.msk [tilespmem:v57+s2+$0x0], $0xffff;
	[tilespmem:s7+$0x16600] =	vst v4  }
0xd2: {  	v63 =	vadd.s32 $0x3E, v0;
	v2 =	vld.idx.msk [tilespmem:v58+s2+$0x0], $0xffff;
	[tilespmem:s7+$0x16680] =	vst v6  }
0xd3: {  	v0 =	vadd.s32 $0x3F, v0;
	v3 =	vld.idx.msk [tilespmem:v59+s2+$0x0], $0xffff;
	[tilespmem:s7+$0x16700] =	vst v7  }
0xd4: {  	v4 =	vld.idx.msk [tilespmem:v60+s2+$0x0], $0xffff;
	[tilespmem:s7+$0x16780] =	vst v8  }
0xd5: {  	v6 =	vld.idx.msk [tilespmem:v61+s2+$0x0], $0xffff;
	[tilespmem:s7+$0x16800] =	vst v9  }
0xd6: {  	v7 =	vld.idx.msk [tilespmem:v62+s2+$0x0], $0xffff;
	[tilespmem:s7+$0x16880] =	vst v10  }
0xd7: {  	v8 =	vld.idx.msk [tilespmem:v63+s2+$0x0], $0xffff;
	[tilespmem:s7+$0x16900] =	vst v11  }
0xd8: {  	v0 =	vld.idx.msk [tilespmem:v0+s2+$0x0], $0xffff;
	[tilespmem:s7+$0x16980] =	vst v5  }
0xd9: {  	[tilespmem:s7+$0x17600] =	vst v1  }
0xda: {  	[tilespmem:s7+$0x17680] =	vst v2  }
0xdb: {  	p0 =	sne.s32 s18, $0xF80;
	[tilespmem:s7+$0x17700] =	vst v3  }
.Ltmp1:
0xdc: {  	[tilespmem:s7+$0x17780] =	vst v4;
	(pc) =	sbr.rel @p0 .LBB2_4-.Ltmp1, $4  }
0xdd: {  	[tilespmem:s7+$0x17800] =	vst v6  }
0xde: {  	[tilespmem:s7+$0x17880] =	vst v7  }
0xdf: {  	[tilespmem:s7+$0x17900] =	vst v8  }
0xe0: {  	s17 =	sadd.s32 $0x10, s17;
	s18 =	sadd.s32 $0x80, s18;
	[tilespmem:s7+$0x17980] =	vst v0  }
0xe1: {  	s7 =	rddreg [dreg:$0x8];
	s17 =	simm.s32 $0x1  }
0xe2: {  	[hbm4b:s7+s31] =	stream.strided.scatter [tilespmem:s9], [sflag:$0x4], $0x8000, s0, s31, $0x38;
	[tilespmem:$0x18600] =	vst v63  }
.LBB2_6:
0xe3: {  	s22 =	sshll.u32 s17, $0x1  }
0xe4: {  	s7 =	sadd.s32 s22, s4  }
0xe5: {  	s20 =	sadd.s32 $0x1, s7  }
0xe6: {  	s7 =	sshll.u32 s20, $0xC  }
0xe7: {  	_ =	swait.ge [sflag:s25], $0x200;
	s7 =	sor.u32 s6, s7  }
0xe8: {  	[sflag:s25] =	ssyncset.done $0x0;
	s7 =	sshrl.u32 s7, $0x3  }
0xe9: {  	s18 =	simm.s32 $0x0;
	[sflag:s25] =	ssyncadd.s32 $0xFFFFFE00;
	s7 =	sadd.s32 s3, s7  }
0xea: {  	[tilespmem:s26], [sflag:$0x2] =	stream.linear.gather [hbm4b:s7+s18], $0x80, $0x38;
	[tilespmem:$0x18600] =	vst v63  }
0xeb: {  	s8 =	sadd.s32 $0x10, s7  }
0xec: {  	[tilespmem:s28], [sflag:$0x2] =	stream.linear.gather [hbm4b:s8+s18], $0x80, $0x38;
	[tilespmem:$0x18600] =	vst v63  }
0xed: {  	s14 =	sadd.s32 $0x20, s7  }
0xee: {  	[tilespmem:s29], [sflag:$0x2] =	stream.linear.gather [hbm4b:s14+s18], $0x80, $0x38;
	[tilespmem:$0x18600] =	vst v63  }
0xef: {  	s7 =	sadd.s32 $0x30, s7  }
0xf0: {  	[tilespmem:s30], [sflag:$0x2] =	stream.linear.gather [hbm4b:s7+s18], $0x80, $0x38;
	[tilespmem:$0x18600] =	vst v63  }
0xf1: {  	_ =	swait.ge [sflag:s12], $0x8000  }
0xf2: {  	[sflag:s12] =	ssyncset.done $0x0  }
0xf3: {  	s7 =	simm.s32 $0x0;
	[sflag:s12] =	ssyncadd.s32 $0xFFFF8000  }
.LBB2_7:
0xf4: {  	s8 =	sand.u32 $0xC00, s7  }
0xf5: {  	s11 =	sand.u32 $0x70, s18;
	s14 =	sshrl.u32 s8, $0x2  }
0xf6: {  	s14 =	sor.u32 s11, s14  }
0xf7: {  	v0 =	vld [tilespmem:s14+$0x8200];
	_ =	sdelay $0x4  }
0xf8: {  	v0 =	vmul.u32 $0x41, v0;
	_ =	sdelay $0x1  }
0xf9: {  	v1 =	vadd.s32 $0x1, v0  }
0xfa: {  	v2 =	vadd.s32 $0x2, v0  }
0xfb: {  	v3 =	vadd.s32 $0x3, v0  }
0xfc: {  	v4 =	vadd.s32 $0x4, v0  }
0xfd: {  	v6 =	vadd.s32 $0x5, v0;
	v5 =	vld.idx.msk [tilespmem:v0+s2+$0x0], $0xffff  }
0xfe: {  	v7 =	vadd.s32 $0x6, v0;
	v1 =	vld.idx.msk [tilespmem:v1+s2+$0x0], $0xffff  }
0xff: {  	v8 =	vadd.s32 $0x7, v0;
	v2 =	vld.idx.msk [tilespmem:v2+s2+$0x0], $0xffff  }
0x100: {  	v9 =	vadd.s32 $0x8, v0;
	v3 =	vld.idx.msk [tilespmem:v3+s2+$0x0], $0xffff  }
0x101: {  	v10 =	vadd.s32 $0x9, v0;
	v4 =	vld.idx.msk [tilespmem:v4+s2+$0x0], $0xffff  }
0x102: {  	v11 =	vadd.s32 $0xA, v0;
	v6 =	vld.idx.msk [tilespmem:v6+s2+$0x0], $0xffff  }
0x103: {  	v12 =	vadd.s32 $0xB, v0;
	v7 =	vld.idx.msk [tilespmem:v7+s2+$0x0], $0xffff  }
0x104: {  	s8 =	sor.u32 s11, s8;
	v13 =	vadd.s32 $0xC, v0;
	v8 =	vld.idx.msk [tilespmem:v8+s2+$0x0], $0xffff  }
0x105: {  	v14 =	vadd.s32 $0xD, v0;
	v9 =	vld.idx.msk [tilespmem:v9+s2+$0x0], $0xffff;
	[tilespmem:s8+$0x8600] =	vst v5  }
0x106: {  	v15 =	vadd.s32 $0xE, v0;
	v10 =	vld.idx.msk [tilespmem:v10+s2+$0x0], $0xffff;
	[tilespmem:s8+$0x8680] =	vst v1  }
0x107: {  	v16 =	vadd.s32 $0xF, v0;
	v11 =	vld.idx.msk [tilespmem:v11+s2+$0x0], $0xffff;
	[tilespmem:s8+$0x8700] =	vst v2  }
0x108: {  	v17 =	vadd.s32 $0x10, v0;
	v5 =	vld.idx.msk [tilespmem:v12+s2+$0x0], $0xffff;
	[tilespmem:s8+$0x8780] =	vst v3  }
0x109: {  	v18 =	vadd.s32 $0x11, v0;
	v1 =	vld.idx.msk [tilespmem:v13+s2+$0x0], $0xffff;
	[tilespmem:s8+$0x8800] =	vst v4  }
0x10a: {  	v19 =	vadd.s32 $0x12, v0;
	v2 =	vld.idx.msk [tilespmem:v14+s2+$0x0], $0xffff;
	[tilespmem:s8+$0x8880] =	vst v6  }
0x10b: {  	v20 =	vadd.s32 $0x13, v0;
	v3 =	vld.idx.msk [tilespmem:v15+s2+$0x0], $0xffff;
	[tilespmem:s8+$0x8900] =	vst v7  }
0x10c: {  	v21 =	vadd.s32 $0x14, v0;
	v4 =	vld.idx.msk [tilespmem:v16+s2+$0x0], $0xffff;
	[tilespmem:s8+$0x8980] =	vst v8  }
0x10d: {  	v22 =	vadd.s32 $0x15, v0;
	v6 =	vld.idx.msk [tilespmem:v17+s2+$0x0], $0xffff;
	[tilespmem:s8+$0x9600] =	vst v9  }
0x10e: {  	v23 =	vadd.s32 $0x16, v0;
	v7 =	vld.idx.msk [tilespmem:v18+s2+$0x0], $0xffff;
	[tilespmem:s8+$0x9680] =	vst v10  }
0x10f: {  	v24 =	vadd.s32 $0x17, v0;
	v8 =	vld.idx.msk [tilespmem:v19+s2+$0x0], $0xffff;
	[tilespmem:s8+$0x9700] =	vst v11  }
0x110: {  	v25 =	vadd.s32 $0x18, v0;
	v9 =	vld.idx.msk [tilespmem:v20+s2+$0x0], $0xffff;
	[tilespmem:s8+$0x9780] =	vst v5  }
0x111: {  	v26 =	vadd.s32 $0x19, v0;
	v10 =	vld.idx.msk [tilespmem:v21+s2+$0x0], $0xffff;
	[tilespmem:s8+$0x9800] =	vst v1  }
0x112: {  	v27 =	vadd.s32 $0x1A, v0;
	v11 =	vld.idx.msk [tilespmem:v22+s2+$0x0], $0xffff;
	[tilespmem:s8+$0x9880] =	vst v2  }
0x113: {  	v28 =	vadd.s32 $0x1B, v0;
	v5 =	vld.idx.msk [tilespmem:v23+s2+$0x0], $0xffff;
	[tilespmem:s8+$0x9900] =	vst v3  }
0x114: {  	v29 =	vadd.s32 $0x1C, v0;
	v1 =	vld.idx.msk [tilespmem:v24+s2+$0x0], $0xffff;
	[tilespmem:s8+$0x9980] =	vst v4  }
0x115: {  	v30 =	vadd.s32 $0x1D, v0;
	v2 =	vld.idx.msk [tilespmem:v25+s2+$0x0], $0xffff;
	[tilespmem:s8+$0xA600] =	vst v6  }
0x116: {  	v31 =	vadd.s32 $0x1E, v0;
	v3 =	vld.idx.msk [tilespmem:v26+s2+$0x0], $0xffff;
	[tilespmem:s8+$0xA680] =	vst v7  }
0x117: {  	v32 =	vadd.s32 $0x1F, v0;
	v4 =	vld.idx.msk [tilespmem:v27+s2+$0x0], $0xffff;
	[tilespmem:s8+$0xA700] =	vst v8  }
0x118: {  	v33 =	vadd.s32 $0x20, v0;
	v6 =	vld.idx.msk [tilespmem:v28+s2+$0x0], $0xffff;
	[tilespmem:s8+$0xA780] =	vst v9  }
0x119: {  	v34 =	vadd.s32 $0x21, v0;
	v7 =	vld.idx.msk [tilespmem:v29+s2+$0x0], $0xffff;
	[tilespmem:s8+$0xA800] =	vst v10  }
0x11a: {  	v35 =	vadd.s32 $0x22, v0;
	v8 =	vld.idx.msk [tilespmem:v30+s2+$0x0], $0xffff;
	[tilespmem:s8+$0xA880] =	vst v11  }
0x11b: {  	v36 =	vadd.s32 $0x23, v0;
	v9 =	vld.idx.msk [tilespmem:v31+s2+$0x0], $0xffff;
	[tilespmem:s8+$0xA900] =	vst v5  }
0x11c: {  	v37 =	vadd.s32 $0x24, v0;
	v10 =	vld.idx.msk [tilespmem:v32+s2+$0x0], $0xffff;
	[tilespmem:s8+$0xA980] =	vst v1  }
0x11d: {  	v38 =	vadd.s32 $0x25, v0;
	v11 =	vld.idx.msk [tilespmem:v33+s2+$0x0], $0xffff;
	[tilespmem:s8+$0xB600] =	vst v2  }
0x11e: {  	v39 =	vadd.s32 $0x26, v0;
	v5 =	vld.idx.msk [tilespmem:v34+s2+$0x0], $0xffff;
	[tilespmem:s8+$0xB680] =	vst v3  }
0x11f: {  	v40 =	vadd.s32 $0x27, v0;
	v1 =	vld.idx.msk [tilespmem:v35+s2+$0x0], $0xffff;
	[tilespmem:s8+$0xB700] =	vst v4  }
0x120: {  	v41 =	vadd.s32 $0x28, v0;
	v2 =	vld.idx.msk [tilespmem:v36+s2+$0x0], $0xffff;
	[tilespmem:s8+$0xB780] =	vst v6  }
0x121: {  	v42 =	vadd.s32 $0x29, v0;
	v3 =	vld.idx.msk [tilespmem:v37+s2+$0x0], $0xffff;
	[tilespmem:s8+$0xB800] =	vst v7  }
0x122: {  	v43 =	vadd.s32 $0x2A, v0;
	v4 =	vld.idx.msk [tilespmem:v38+s2+$0x0], $0xffff;
	[tilespmem:s8+$0xB880] =	vst v8  }
0x123: {  	v44 =	vadd.s32 $0x2B, v0;
	v6 =	vld.idx.msk [tilespmem:v39+s2+$0x0], $0xffff;
	[tilespmem:s8+$0xB900] =	vst v9  }
0x124: {  	v45 =	vadd.s32 $0x2C, v0;
	v7 =	vld.idx.msk [tilespmem:v40+s2+$0x0], $0xffff;
	[tilespmem:s8+$0xB980] =	vst v10  }
0x125: {  	v46 =	vadd.s32 $0x2D, v0;
	v8 =	vld.idx.msk [tilespmem:v41+s2+$0x0], $0xffff;
	[tilespmem:s8+$0xC600] =	vst v11  }
0x126: {  	v47 =	vadd.s32 $0x2E, v0;
	v9 =	vld.idx.msk [tilespmem:v42+s2+$0x0], $0xffff;
	[tilespmem:s8+$0xC680] =	vst v5  }
0x127: {  	v48 =	vadd.s32 $0x2F, v0;
	v10 =	vld.idx.msk [tilespmem:v43+s2+$0x0], $0xffff;
	[tilespmem:s8+$0xC700] =	vst v1  }
0x128: {  	v49 =	vadd.s32 $0x30, v0;
	v11 =	vld.idx.msk [tilespmem:v44+s2+$0x0], $0xffff;
	[tilespmem:s8+$0xC780] =	vst v2  }
0x129: {  	v50 =	vadd.s32 $0x31, v0;
	v5 =	vld.idx.msk [tilespmem:v45+s2+$0x0], $0xffff;
	[tilespmem:s8+$0xC800] =	vst v3  }
0x12a: {  	v51 =	vadd.s32 $0x32, v0;
	v1 =	vld.idx.msk [tilespmem:v46+s2+$0x0], $0xffff;
	[tilespmem:s8+$0xC880] =	vst v4  }
0x12b: {  	v52 =	vadd.s32 $0x33, v0;
	v2 =	vld.idx.msk [tilespmem:v47+s2+$0x0], $0xffff;
	[tilespmem:s8+$0xC900] =	vst v6  }
0x12c: {  	v53 =	vadd.s32 $0x34, v0;
	v3 =	vld.idx.msk [tilespmem:v48+s2+$0x0], $0xffff;
	[tilespmem:s8+$0xC980] =	vst v7  }
0x12d: {  	v54 =	vadd.s32 $0x35, v0;
	v4 =	vld.idx.msk [tilespmem:v49+s2+$0x0], $0xffff;
	[tilespmem:s8+$0xD600] =	vst v8  }
0x12e: {  	v55 =	vadd.s32 $0x36, v0;
	v6 =	vld.idx.msk [tilespmem:v50+s2+$0x0], $0xffff;
	[tilespmem:s8+$0xD680] =	vst v9  }
0x12f: {  	v56 =	vadd.s32 $0x37, v0;
	v7 =	vld.idx.msk [tilespmem:v51+s2+$0x0], $0xffff;
	[tilespmem:s8+$0xD700] =	vst v10  }
0x130: {  	v57 =	vadd.s32 $0x38, v0;
	v8 =	vld.idx.msk [tilespmem:v52+s2+$0x0], $0xffff;
	[tilespmem:s8+$0xD780] =	vst v11  }
0x131: {  	v58 =	vadd.s32 $0x39, v0;
	v9 =	vld.idx.msk [tilespmem:v53+s2+$0x0], $0xffff;
	[tilespmem:s8+$0xD800] =	vst v5  }
0x132: {  	v59 =	vadd.s32 $0x3A, v0;
	v10 =	vld.idx.msk [tilespmem:v54+s2+$0x0], $0xffff;
	[tilespmem:s8+$0xD880] =	vst v1  }
0x133: {  	v60 =	vadd.s32 $0x3B, v0;
	v11 =	vld.idx.msk [tilespmem:v55+s2+$0x0], $0xffff;
	[tilespmem:s8+$0xD900] =	vst v2  }
0x134: {  	v61 =	vadd.s32 $0x3C, v0;
	v5 =	vld.idx.msk [tilespmem:v56+s2+$0x0], $0xffff;
	[tilespmem:s8+$0xD980] =	vst v3  }
0x135: {  	v62 =	vadd.s32 $0x3D, v0;
	v1 =	vld.idx.msk [tilespmem:v57+s2+$0x0], $0xffff;
	[tilespmem:s8+$0xE600] =	vst v4  }
0x136: {  	v63 =	vadd.s32 $0x3E, v0;
	v2 =	vld.idx.msk [tilespmem:v58+s2+$0x0], $0xffff;
	[tilespmem:s8+$0xE680] =	vst v6  }
0x137: {  	v0 =	vadd.s32 $0x3F, v0;
	v3 =	vld.idx.msk [tilespmem:v59+s2+$0x0], $0xffff;
	[tilespmem:s8+$0xE700] =	vst v7  }
0x138: {  	v4 =	vld.idx.msk [tilespmem:v60+s2+$0x0], $0xffff;
	[tilespmem:s8+$0xE780] =	vst v8  }
0x139: {  	v6 =	vld.idx.msk [tilespmem:v61+s2+$0x0], $0xffff;
	[tilespmem:s8+$0xE800] =	vst v9  }
0x13a: {  	v7 =	vld.idx.msk [tilespmem:v62+s2+$0x0], $0xffff;
	[tilespmem:s8+$0xE880] =	vst v10  }
0x13b: {  	v8 =	vld.idx.msk [tilespmem:v63+s2+$0x0], $0xffff;
	[tilespmem:s8+$0xE900] =	vst v11  }
0x13c: {  	v0 =	vld.idx.msk [tilespmem:v0+s2+$0x0], $0xffff;
	[tilespmem:s8+$0xE980] =	vst v5  }
0x13d: {  	[tilespmem:s8+$0xF600] =	vst v1  }
0x13e: {  	[tilespmem:s8+$0xF680] =	vst v2  }
0x13f: {  	p0 =	sne.s32 s7, $0xF80;
	[tilespmem:s8+$0xF700] =	vst v3  }
.Ltmp2:
0x140: {  	[tilespmem:s8+$0xF780] =	vst v4;
	(pc) =	sbr.rel @p0 .LBB2_7-.Ltmp2, $4  }
0x141: {  	[tilespmem:s8+$0xF800] =	vst v6  }
0x142: {  	[tilespmem:s8+$0xF880] =	vst v7  }
0x143: {  	[tilespmem:s8+$0xF900] =	vst v8  }
0x144: {  	s18 =	sadd.s32 $0x10, s18;
	s7 =	sadd.s32 $0x80, s7;
	[tilespmem:s8+$0xF980] =	vst v0  }
0x145: {  	s7 =	sadd.s32 s4, s22  }
0x146: {  	s7 =	sshll.u32 s7, $0xF  }
0x147: {  	s18 =	sadd.s32 s22, s13;
	s7 =	sadd.s32 s7, s10  }
0x148: {  	[hbm4b:s7+s31] =	stream.strided.scatter [tilespmem:s1], [sflag:$0x3], $0x8000, s0, s31, $0x38;
	[tilespmem:$0x18600] =	vst v63  }
0x149: {  	s7 =	sshll.u32 s18, $0xC  }
0x14a: {  	_ =	swait.ge [sflag:s5], $0x200;
	s7 =	sor.u32 s6, s7  }
0x14b: {  	[sflag:s5] =	ssyncset.done $0x0;
	s7 =	sshrl.u32 s7, $0x3  }
0x14c: {  	s18 =	simm.s32 $0x0;
	[sflag:s5] =	ssyncadd.s32 $0xFFFFFE00;
	s7 =	sadd.s32 s3, s7  }
0x14d: {  	[tilespmem:s19], [sflag:$0x1] =	stream.linear.gather [hbm4b:s7+s18], $0x80, $0x38;
	[tilespmem:$0x18600] =	vst v63  }
0x14e: {  	s8 =	sadd.s32 $0x10, s7  }
0x14f: {  	[tilespmem:s21], [sflag:$0x1] =	stream.linear.gather [hbm4b:s8+s18], $0x80, $0x38;
	[tilespmem:$0x18600] =	vst v63  }
0x150: {  	s22 =	sadd.s32 $0x20, s7  }
0x151: {  	[tilespmem:s23], [sflag:$0x1] =	stream.linear.gather [hbm4b:s22+s18], $0x80, $0x38;
	[tilespmem:$0x18600] =	vst v63  }
0x152: {  	s7 =	sadd.s32 $0x30, s7  }
0x153: {  	[tilespmem:s24], [sflag:$0x1] =	stream.linear.gather [hbm4b:s7+s18], $0x80, $0x38;
	[tilespmem:$0x18600] =	vst v63  }
0x154: {  	_ =	swait.ge [sflag:s15], $0x8000  }
0x155: {  	[sflag:s15] =	ssyncset.done $0x0  }
0x156: {  	s7 =	simm.s32 $0x0;
	[sflag:s15] =	ssyncadd.s32 $0xFFFF8000  }
.LBB2_9:
0x157: {  	s8 =	sand.u32 $0xC00, s7  }
0x158: {  	s11 =	sand.u32 $0x70, s18;
	s14 =	sshrl.u32 s8, $0x2  }
0x159: {  	s14 =	sor.u32 s11, s14  }
0x15a: {  	v0 =	vld [tilespmem:s14+$0x8280];
	_ =	sdelay $0x4  }
0x15b: {  	v0 =	vmul.u32 $0x41, v0;
	_ =	sdelay $0x1  }
0x15c: {  	v1 =	vadd.s32 $0x1, v0  }
0x15d: {  	v2 =	vadd.s32 $0x2, v0  }
0x15e: {  	v3 =	vadd.s32 $0x3, v0  }
0x15f: {  	v4 =	vadd.s32 $0x4, v0  }
0x160: {  	v6 =	vadd.s32 $0x5, v0;
	v5 =	vld.idx.msk [tilespmem:v0+s2+$0x0], $0xffff  }
0x161: {  	v7 =	vadd.s32 $0x6, v0;
	v1 =	vld.idx.msk [tilespmem:v1+s2+$0x0], $0xffff  }
0x162: {  	v8 =	vadd.s32 $0x7, v0;
	v2 =	vld.idx.msk [tilespmem:v2+s2+$0x0], $0xffff  }
0x163: {  	v9 =	vadd.s32 $0x8, v0;
	v3 =	vld.idx.msk [tilespmem:v3+s2+$0x0], $0xffff  }
0x164: {  	v10 =	vadd.s32 $0x9, v0;
	v4 =	vld.idx.msk [tilespmem:v4+s2+$0x0], $0xffff  }
0x165: {  	v11 =	vadd.s32 $0xA, v0;
	v6 =	vld.idx.msk [tilespmem:v6+s2+$0x0], $0xffff  }
0x166: {  	v12 =	vadd.s32 $0xB, v0;
	v7 =	vld.idx.msk [tilespmem:v7+s2+$0x0], $0xffff  }
0x167: {  	s8 =	sor.u32 s11, s8;
	v13 =	vadd.s32 $0xC, v0;
	v8 =	vld.idx.msk [tilespmem:v8+s2+$0x0], $0xffff  }
0x168: {  	v14 =	vadd.s32 $0xD, v0;
	v9 =	vld.idx.msk [tilespmem:v9+s2+$0x0], $0xffff;
	[tilespmem:s8+$0x10600] =	vst v5  }
0x169: {  	v15 =	vadd.s32 $0xE, v0;
	v10 =	vld.idx.msk [tilespmem:v10+s2+$0x0], $0xffff;
	[tilespmem:s8+$0x10680] =	vst v1  }
0x16a: {  	v16 =	vadd.s32 $0xF, v0;
	v11 =	vld.idx.msk [tilespmem:v11+s2+$0x0], $0xffff;
	[tilespmem:s8+$0x10700] =	vst v2  }
0x16b: {  	v17 =	vadd.s32 $0x10, v0;
	v5 =	vld.idx.msk [tilespmem:v12+s2+$0x0], $0xffff;
	[tilespmem:s8+$0x10780] =	vst v3  }
0x16c: {  	v18 =	vadd.s32 $0x11, v0;
	v1 =	vld.idx.msk [tilespmem:v13+s2+$0x0], $0xffff;
	[tilespmem:s8+$0x10800] =	vst v4  }
0x16d: {  	v19 =	vadd.s32 $0x12, v0;
	v2 =	vld.idx.msk [tilespmem:v14+s2+$0x0], $0xffff;
	[tilespmem:s8+$0x10880] =	vst v6  }
0x16e: {  	v20 =	vadd.s32 $0x13, v0;
	v3 =	vld.idx.msk [tilespmem:v15+s2+$0x0], $0xffff;
	[tilespmem:s8+$0x10900] =	vst v7  }
0x16f: {  	v21 =	vadd.s32 $0x14, v0;
	v4 =	vld.idx.msk [tilespmem:v16+s2+$0x0], $0xffff;
	[tilespmem:s8+$0x10980] =	vst v8  }
0x170: {  	v22 =	vadd.s32 $0x15, v0;
	v6 =	vld.idx.msk [tilespmem:v17+s2+$0x0], $0xffff;
	[tilespmem:s8+$0x11600] =	vst v9  }
0x171: {  	v23 =	vadd.s32 $0x16, v0;
	v7 =	vld.idx.msk [tilespmem:v18+s2+$0x0], $0xffff;
	[tilespmem:s8+$0x11680] =	vst v10  }
0x172: {  	v24 =	vadd.s32 $0x17, v0;
	v8 =	vld.idx.msk [tilespmem:v19+s2+$0x0], $0xffff;
	[tilespmem:s8+$0x11700] =	vst v11  }
0x173: {  	v25 =	vadd.s32 $0x18, v0;
	v9 =	vld.idx.msk [tilespmem:v20+s2+$0x0], $0xffff;
	[tilespmem:s8+$0x11780] =	vst v5  }
0x174: {  	v26 =	vadd.s32 $0x19, v0;
	v10 =	vld.idx.msk [tilespmem:v21+s2+$0x0], $0xffff;
	[tilespmem:s8+$0x11800] =	vst v1  }
0x175: {  	v27 =	vadd.s32 $0x1A, v0;
	v11 =	vld.idx.msk [tilespmem:v22+s2+$0x0], $0xffff;
	[tilespmem:s8+$0x11880] =	vst v2  }
0x176: {  	v28 =	vadd.s32 $0x1B, v0;
	v5 =	vld.idx.msk [tilespmem:v23+s2+$0x0], $0xffff;
	[tilespmem:s8+$0x11900] =	vst v3  }
0x177: {  	v29 =	vadd.s32 $0x1C, v0;
	v1 =	vld.idx.msk [tilespmem:v24+s2+$0x0], $0xffff;
	[tilespmem:s8+$0x11980] =	vst v4  }
0x178: {  	v30 =	vadd.s32 $0x1D, v0;
	v2 =	vld.idx.msk [tilespmem:v25+s2+$0x0], $0xffff;
	[tilespmem:s8+$0x12600] =	vst v6  }
0x179: {  	v31 =	vadd.s32 $0x1E, v0;
	v3 =	vld.idx.msk [tilespmem:v26+s2+$0x0], $0xffff;
	[tilespmem:s8+$0x12680] =	vst v7  }
0x17a: {  	v32 =	vadd.s32 $0x1F, v0;
	v4 =	vld.idx.msk [tilespmem:v27+s2+$0x0], $0xffff;
	[tilespmem:s8+$0x12700] =	vst v8  }
0x17b: {  	v33 =	vadd.s32 $0x20, v0;
	v6 =	vld.idx.msk [tilespmem:v28+s2+$0x0], $0xffff;
	[tilespmem:s8+$0x12780] =	vst v9  }
0x17c: {  	v34 =	vadd.s32 $0x21, v0;
	v7 =	vld.idx.msk [tilespmem:v29+s2+$0x0], $0xffff;
	[tilespmem:s8+$0x12800] =	vst v10  }
0x17d: {  	v35 =	vadd.s32 $0x22, v0;
	v8 =	vld.idx.msk [tilespmem:v30+s2+$0x0], $0xffff;
	[tilespmem:s8+$0x12880] =	vst v11  }
0x17e: {  	v36 =	vadd.s32 $0x23, v0;
	v9 =	vld.idx.msk [tilespmem:v31+s2+$0x0], $0xffff;
	[tilespmem:s8+$0x12900] =	vst v5  }
0x17f: {  	v37 =	vadd.s32 $0x24, v0;
	v10 =	vld.idx.msk [tilespmem:v32+s2+$0x0], $0xffff;
	[tilespmem:s8+$0x12980] =	vst v1  }
0x180: {  	v38 =	vadd.s32 $0x25, v0;
	v11 =	vld.idx.msk [tilespmem:v33+s2+$0x0], $0xffff;
	[tilespmem:s8+$0x13600] =	vst v2  }
0x181: {  	v39 =	vadd.s32 $0x26, v0;
	v5 =	vld.idx.msk [tilespmem:v34+s2+$0x0], $0xffff;
	[tilespmem:s8+$0x13680] =	vst v3  }
0x182: {  	v40 =	vadd.s32 $0x27, v0;
	v1 =	vld.idx.msk [tilespmem:v35+s2+$0x0], $0xffff;
	[tilespmem:s8+$0x13700] =	vst v4  }
0x183: {  	v41 =	vadd.s32 $0x28, v0;
	v2 =	vld.idx.msk [tilespmem:v36+s2+$0x0], $0xffff;
	[tilespmem:s8+$0x13780] =	vst v6  }
0x184: {  	v42 =	vadd.s32 $0x29, v0;
	v3 =	vld.idx.msk [tilespmem:v37+s2+$0x0], $0xffff;
	[tilespmem:s8+$0x13800] =	vst v7  }
0x185: {  	v43 =	vadd.s32 $0x2A, v0;
	v4 =	vld.idx.msk [tilespmem:v38+s2+$0x0], $0xffff;
	[tilespmem:s8+$0x13880] =	vst v8  }
0x186: {  	v44 =	vadd.s32 $0x2B, v0;
	v6 =	vld.idx.msk [tilespmem:v39+s2+$0x0], $0xffff;
	[tilespmem:s8+$0x13900] =	vst v9  }
0x187: {  	v45 =	vadd.s32 $0x2C, v0;
	v7 =	vld.idx.msk [tilespmem:v40+s2+$0x0], $0xffff;
	[tilespmem:s8+$0x13980] =	vst v10  }
0x188: {  	v46 =	vadd.s32 $0x2D, v0;
	v8 =	vld.idx.msk [tilespmem:v41+s2+$0x0], $0xffff;
	[tilespmem:s8+$0x14600] =	vst v11  }
0x189: {  	v47 =	vadd.s32 $0x2E, v0;
	v9 =	vld.idx.msk [tilespmem:v42+s2+$0x0], $0xffff;
	[tilespmem:s8+$0x14680] =	vst v5  }
0x18a: {  	v48 =	vadd.s32 $0x2F, v0;
	v10 =	vld.idx.msk [tilespmem:v43+s2+$0x0], $0xffff;
	[tilespmem:s8+$0x14700] =	vst v1  }
0x18b: {  	v49 =	vadd.s32 $0x30, v0;
	v11 =	vld.idx.msk [tilespmem:v44+s2+$0x0], $0xffff;
	[tilespmem:s8+$0x14780] =	vst v2  }
0x18c: {  	v50 =	vadd.s32 $0x31, v0;
	v5 =	vld.idx.msk [tilespmem:v45+s2+$0x0], $0xffff;
	[tilespmem:s8+$0x14800] =	vst v3  }
0x18d: {  	v51 =	vadd.s32 $0x32, v0;
	v1 =	vld.idx.msk [tilespmem:v46+s2+$0x0], $0xffff;
	[tilespmem:s8+$0x14880] =	vst v4  }
0x18e: {  	v52 =	vadd.s32 $0x33, v0;
	v2 =	vld.idx.msk [tilespmem:v47+s2+$0x0], $0xffff;
	[tilespmem:s8+$0x14900] =	vst v6  }
0x18f: {  	v53 =	vadd.s32 $0x34, v0;
	v3 =	vld.idx.msk [tilespmem:v48+s2+$0x0], $0xffff;
	[tilespmem:s8+$0x14980] =	vst v7  }
0x190: {  	v54 =	vadd.s32 $0x35, v0;
	v4 =	vld.idx.msk [tilespmem:v49+s2+$0x0], $0xffff;
	[tilespmem:s8+$0x15600] =	vst v8  }
0x191: {  	v55 =	vadd.s32 $0x36, v0;
	v6 =	vld.idx.msk [tilespmem:v50+s2+$0x0], $0xffff;
	[tilespmem:s8+$0x15680] =	vst v9  }
0x192: {  	v56 =	vadd.s32 $0x37, v0;
	v7 =	vld.idx.msk [tilespmem:v51+s2+$0x0], $0xffff;
	[tilespmem:s8+$0x15700] =	vst v10  }
0x193: {  	v57 =	vadd.s32 $0x38, v0;
	v8 =	vld.idx.msk [tilespmem:v52+s2+$0x0], $0xffff;
	[tilespmem:s8+$0x15780] =	vst v11  }
0x194: {  	v58 =	vadd.s32 $0x39, v0;
	v9 =	vld.idx.msk [tilespmem:v53+s2+$0x0], $0xffff;
	[tilespmem:s8+$0x15800] =	vst v5  }
0x195: {  	v59 =	vadd.s32 $0x3A, v0;
	v10 =	vld.idx.msk [tilespmem:v54+s2+$0x0], $0xffff;
	[tilespmem:s8+$0x15880] =	vst v1  }
0x196: {  	v60 =	vadd.s32 $0x3B, v0;
	v11 =	vld.idx.msk [tilespmem:v55+s2+$0x0], $0xffff;
	[tilespmem:s8+$0x15900] =	vst v2  }
0x197: {  	v61 =	vadd.s32 $0x3C, v0;
	v5 =	vld.idx.msk [tilespmem:v56+s2+$0x0], $0xffff;
	[tilespmem:s8+$0x15980] =	vst v3  }
0x198: {  	v62 =	vadd.s32 $0x3D, v0;
	v1 =	vld.idx.msk [tilespmem:v57+s2+$0x0], $0xffff;
	[tilespmem:s8+$0x16600] =	vst v4  }
0x199: {  	v63 =	vadd.s32 $0x3E, v0;
	v2 =	vld.idx.msk [tilespmem:v58+s2+$0x0], $0xffff;
	[tilespmem:s8+$0x16680] =	vst v6  }
0x19a: {  	v0 =	vadd.s32 $0x3F, v0;
	v3 =	vld.idx.msk [tilespmem:v59+s2+$0x0], $0xffff;
	[tilespmem:s8+$0x16700] =	vst v7  }
0x19b: {  	v4 =	vld.idx.msk [tilespmem:v60+s2+$0x0], $0xffff;
	[tilespmem:s8+$0x16780] =	vst v8  }
0x19c: {  	v6 =	vld.idx.msk [tilespmem:v61+s2+$0x0], $0xffff;
	[tilespmem:s8+$0x16800] =	vst v9  }
0x19d: {  	v7 =	vld.idx.msk [tilespmem:v62+s2+$0x0], $0xffff;
	[tilespmem:s8+$0x16880] =	vst v10  }
0x19e: {  	v8 =	vld.idx.msk [tilespmem:v63+s2+$0x0], $0xffff;
	[tilespmem:s8+$0x16900] =	vst v11  }
0x19f: {  	v0 =	vld.idx.msk [tilespmem:v0+s2+$0x0], $0xffff;
	[tilespmem:s8+$0x16980] =	vst v5  }
0x1a0: {  	[tilespmem:s8+$0x17600] =	vst v1  }
0x1a1: {  	[tilespmem:s8+$0x17680] =	vst v2  }
0x1a2: {  	p0 =	sne.s32 s7, $0xF80;
	[tilespmem:s8+$0x17700] =	vst v3  }
.Ltmp3:
0x1a3: {  	[tilespmem:s8+$0x17780] =	vst v4;
	(pc) =	sbr.rel @p0 .LBB2_9-.Ltmp3, $4  }
0x1a4: {  	[tilespmem:s8+$0x17800] =	vst v6  }
0x1a5: {  	[tilespmem:s8+$0x17880] =	vst v7  }
0x1a6: {  	[tilespmem:s8+$0x17900] =	vst v8  }
0x1a7: {  	s18 =	sadd.s32 $0x10, s18;
	s7 =	sadd.s32 $0x80, s7;
	[tilespmem:s8+$0x17980] =	vst v0  }
0x1a8: {  	s17 =	sadd.s32 $0x1, s17  }
0x1a9: {  	p0 =	sne.s32 s17, $0x18  }
.Ltmp4:
0x1aa: {  	_ = 	snop;
	(pc) =	sbr.rel @p0 .LBB2_6-.Ltmp4, $4  }
0x1ab: {  	_ = 	snop  }
0x1ac: {  	s7 =	sshll.u32 s20, $0xF  }
0x1ad: {  	s7 =	sadd.s32 s7, s10  }
0x1ae: {  	[hbm4b:s7+s31] =	stream.strided.scatter [tilespmem:s9], [sflag:$0x4], $0x8000, s0, s31, $0x38;
	[tilespmem:$0x18600] =	vst v63  }
0x1af: {  	_ =	swait.ge [sflag:s25], $0x200  }
0x1b0: {  	[sflag:s25] =	ssyncset.done $0x0  }
0x1b1: {  	s17 =	simm.s32 $0x0;
	s8 =	rddreg [dreg:$0x9];
	[sflag:s25] =	ssyncadd.s32 $0xFFFFFE00  }
0x1b2: {  	[tilespmem:s26], [sflag:$0x2] =	stream.linear.gather [hbm4b:s8+s17], $0x80, $0x38;
	[tilespmem:$0x18600] =	vst v63  }
0x1b3: {  	s7 =	sadd.s32 $0x10, s8  }
0x1b4: {  	[tilespmem:s28], [sflag:$0x2] =	stream.linear.gather [hbm4b:s7+s17], $0x80, $0x38;
	[tilespmem:$0x18600] =	vst v63  }
0x1b5: {  	s20 =	sadd.s32 $0x20, s8  }
0x1b6: {  	[tilespmem:s29], [sflag:$0x2] =	stream.linear.gather [hbm4b:s20+s17], $0x80, $0x38;
	[tilespmem:$0x18600] =	vst v63  }
0x1b7: {  	s22 =	sadd.s32 $0x30, s8  }
0x1b8: {  	[tilespmem:s30], [sflag:$0x2] =	stream.linear.gather [hbm4b:s22+s17], $0x80, $0x38;
	[tilespmem:$0x18600] =	vst v63  }
0x1b9: {  	_ =	swait.ge [sflag:s12], $0x8000  }
0x1ba: {  	[sflag:s12] =	ssyncset.done $0x0  }
0x1bb: {  	s7 =	simm.s32 $0x0;
	[sflag:s12] =	ssyncadd.s32 $0xFFFF8000  }
.LBB2_12:
0x1bc: {  	s8 =	sand.u32 $0xC00, s7  }
0x1bd: {  	s11 =	sand.u32 $0x70, s17;
	s14 =	sshrl.u32 s8, $0x2  }
0x1be: {  	s14 =	sor.u32 s11, s14  }
0x1bf: {  	v0 =	vld [tilespmem:s14+$0x8200];
	_ =	sdelay $0x4  }
0x1c0: {  	v0 =	vmul.u32 $0x41, v0;
	_ =	sdelay $0x1  }
0x1c1: {  	v1 =	vadd.s32 $0x1, v0  }
0x1c2: {  	v2 =	vadd.s32 $0x2, v0  }
0x1c3: {  	v3 =	vadd.s32 $0x3, v0  }
0x1c4: {  	v4 =	vadd.s32 $0x4, v0  }
0x1c5: {  	v6 =	vadd.s32 $0x5, v0;
	v5 =	vld.idx.msk [tilespmem:v0+s2+$0x0], $0xffff  }
0x1c6: {  	v7 =	vadd.s32 $0x6, v0;
	v1 =	vld.idx.msk [tilespmem:v1+s2+$0x0], $0xffff  }
0x1c7: {  	v8 =	vadd.s32 $0x7, v0;
	v2 =	vld.idx.msk [tilespmem:v2+s2+$0x0], $0xffff  }
0x1c8: {  	v9 =	vadd.s32 $0x8, v0;
	v3 =	vld.idx.msk [tilespmem:v3+s2+$0x0], $0xffff  }
0x1c9: {  	v10 =	vadd.s32 $0x9, v0;
	v4 =	vld.idx.msk [tilespmem:v4+s2+$0x0], $0xffff  }
0x1ca: {  	v11 =	vadd.s32 $0xA, v0;
	v6 =	vld.idx.msk [tilespmem:v6+s2+$0x0], $0xffff  }
0x1cb: {  	v12 =	vadd.s32 $0xB, v0;
	v7 =	vld.idx.msk [tilespmem:v7+s2+$0x0], $0xffff  }
0x1cc: {  	s8 =	sor.u32 s11, s8;
	v13 =	vadd.s32 $0xC, v0;
	v8 =	vld.idx.msk [tilespmem:v8+s2+$0x0], $0xffff  }
0x1cd: {  	v14 =	vadd.s32 $0xD, v0;
	v9 =	vld.idx.msk [tilespmem:v9+s2+$0x0], $0xffff;
	[tilespmem:s8+$0x8600] =	vst v5  }
0x1ce: {  	v15 =	vadd.s32 $0xE, v0;
	v10 =	vld.idx.msk [tilespmem:v10+s2+$0x0], $0xffff;
	[tilespmem:s8+$0x8680] =	vst v1  }
0x1cf: {  	v16 =	vadd.s32 $0xF, v0;
	v11 =	vld.idx.msk [tilespmem:v11+s2+$0x0], $0xffff;
	[tilespmem:s8+$0x8700] =	vst v2  }
0x1d0: {  	v17 =	vadd.s32 $0x10, v0;
	v5 =	vld.idx.msk [tilespmem:v12+s2+$0x0], $0xffff;
	[tilespmem:s8+$0x8780] =	vst v3  }
0x1d1: {  	v18 =	vadd.s32 $0x11, v0;
	v1 =	vld.idx.msk [tilespmem:v13+s2+$0x0], $0xffff;
	[tilespmem:s8+$0x8800] =	vst v4  }
0x1d2: {  	v19 =	vadd.s32 $0x12, v0;
	v2 =	vld.idx.msk [tilespmem:v14+s2+$0x0], $0xffff;
	[tilespmem:s8+$0x8880] =	vst v6  }
0x1d3: {  	v20 =	vadd.s32 $0x13, v0;
	v3 =	vld.idx.msk [tilespmem:v15+s2+$0x0], $0xffff;
	[tilespmem:s8+$0x8900] =	vst v7  }
0x1d4: {  	v21 =	vadd.s32 $0x14, v0;
	v4 =	vld.idx.msk [tilespmem:v16+s2+$0x0], $0xffff;
	[tilespmem:s8+$0x8980] =	vst v8  }
0x1d5: {  	v22 =	vadd.s32 $0x15, v0;
	v6 =	vld.idx.msk [tilespmem:v17+s2+$0x0], $0xffff;
	[tilespmem:s8+$0x9600] =	vst v9  }
0x1d6: {  	v23 =	vadd.s32 $0x16, v0;
	v7 =	vld.idx.msk [tilespmem:v18+s2+$0x0], $0xffff;
	[tilespmem:s8+$0x9680] =	vst v10  }
0x1d7: {  	v24 =	vadd.s32 $0x17, v0;
	v8 =	vld.idx.msk [tilespmem:v19+s2+$0x0], $0xffff;
	[tilespmem:s8+$0x9700] =	vst v11  }
0x1d8: {  	v25 =	vadd.s32 $0x18, v0;
	v9 =	vld.idx.msk [tilespmem:v20+s2+$0x0], $0xffff;
	[tilespmem:s8+$0x9780] =	vst v5  }
0x1d9: {  	v26 =	vadd.s32 $0x19, v0;
	v10 =	vld.idx.msk [tilespmem:v21+s2+$0x0], $0xffff;
	[tilespmem:s8+$0x9800] =	vst v1  }
0x1da: {  	v27 =	vadd.s32 $0x1A, v0;
	v11 =	vld.idx.msk [tilespmem:v22+s2+$0x0], $0xffff;
	[tilespmem:s8+$0x9880] =	vst v2  }
0x1db: {  	v28 =	vadd.s32 $0x1B, v0;
	v5 =	vld.idx.msk [tilespmem:v23+s2+$0x0], $0xffff;
	[tilespmem:s8+$0x9900] =	vst v3  }
0x1dc: {  	v29 =	vadd.s32 $0x1C, v0;
	v1 =	vld.idx.msk [tilespmem:v24+s2+$0x0], $0xffff;
	[tilespmem:s8+$0x9980] =	vst v4  }
0x1dd: {  	v30 =	vadd.s32 $0x1D, v0;
	v2 =	vld.idx.msk [tilespmem:v25+s2+$0x0], $0xffff;
	[tilespmem:s8+$0xA600] =	vst v6  }
0x1de: {  	v31 =	vadd.s32 $0x1E, v0;
	v3 =	vld.idx.msk [tilespmem:v26+s2+$0x0], $0xffff;
	[tilespmem:s8+$0xA680] =	vst v7  }
0x1df: {  	v32 =	vadd.s32 $0x1F, v0;
	v4 =	vld.idx.msk [tilespmem:v27+s2+$0x0], $0xffff;
	[tilespmem:s8+$0xA700] =	vst v8  }
0x1e0: {  	v33 =	vadd.s32 $0x20, v0;
	v6 =	vld.idx.msk [tilespmem:v28+s2+$0x0], $0xffff;
	[tilespmem:s8+$0xA780] =	vst v9  }
0x1e1: {  	v34 =	vadd.s32 $0x21, v0;
	v7 =	vld.idx.msk [tilespmem:v29+s2+$0x0], $0xffff;
	[tilespmem:s8+$0xA800] =	vst v10  }
0x1e2: {  	v35 =	vadd.s32 $0x22, v0;
	v8 =	vld.idx.msk [tilespmem:v30+s2+$0x0], $0xffff;
	[tilespmem:s8+$0xA880] =	vst v11  }
0x1e3: {  	v36 =	vadd.s32 $0x23, v0;
	v9 =	vld.idx.msk [tilespmem:v31+s2+$0x0], $0xffff;
	[tilespmem:s8+$0xA900] =	vst v5  }
0x1e4: {  	v37 =	vadd.s32 $0x24, v0;
	v10 =	vld.idx.msk [tilespmem:v32+s2+$0x0], $0xffff;
	[tilespmem:s8+$0xA980] =	vst v1  }
0x1e5: {  	v38 =	vadd.s32 $0x25, v0;
	v11 =	vld.idx.msk [tilespmem:v33+s2+$0x0], $0xffff;
	[tilespmem:s8+$0xB600] =	vst v2  }
0x1e6: {  	v39 =	vadd.s32 $0x26, v0;
	v5 =	vld.idx.msk [tilespmem:v34+s2+$0x0], $0xffff;
	[tilespmem:s8+$0xB680] =	vst v3  }
0x1e7: {  	v40 =	vadd.s32 $0x27, v0;
	v1 =	vld.idx.msk [tilespmem:v35+s2+$0x0], $0xffff;
	[tilespmem:s8+$0xB700] =	vst v4  }
0x1e8: {  	v41 =	vadd.s32 $0x28, v0;
	v2 =	vld.idx.msk [tilespmem:v36+s2+$0x0], $0xffff;
	[tilespmem:s8+$0xB780] =	vst v6  }
0x1e9: {  	v42 =	vadd.s32 $0x29, v0;
	v3 =	vld.idx.msk [tilespmem:v37+s2+$0x0], $0xffff;
	[tilespmem:s8+$0xB800] =	vst v7  }
0x1ea: {  	v43 =	vadd.s32 $0x2A, v0;
	v4 =	vld.idx.msk [tilespmem:v38+s2+$0x0], $0xffff;
	[tilespmem:s8+$0xB880] =	vst v8  }
0x1eb: {  	v44 =	vadd.s32 $0x2B, v0;
	v6 =	vld.idx.msk [tilespmem:v39+s2+$0x0], $0xffff;
	[tilespmem:s8+$0xB900] =	vst v9  }
0x1ec: {  	v45 =	vadd.s32 $0x2C, v0;
	v7 =	vld.idx.msk [tilespmem:v40+s2+$0x0], $0xffff;
	[tilespmem:s8+$0xB980] =	vst v10  }
0x1ed: {  	v46 =	vadd.s32 $0x2D, v0;
	v8 =	vld.idx.msk [tilespmem:v41+s2+$0x0], $0xffff;
	[tilespmem:s8+$0xC600] =	vst v11  }
0x1ee: {  	v47 =	vadd.s32 $0x2E, v0;
	v9 =	vld.idx.msk [tilespmem:v42+s2+$0x0], $0xffff;
	[tilespmem:s8+$0xC680] =	vst v5  }
0x1ef: {  	v48 =	vadd.s32 $0x2F, v0;
	v10 =	vld.idx.msk [tilespmem:v43+s2+$0x0], $0xffff;
	[tilespmem:s8+$0xC700] =	vst v1  }
0x1f0: {  	v49 =	vadd.s32 $0x30, v0;
	v11 =	vld.idx.msk [tilespmem:v44+s2+$0x0], $0xffff;
	[tilespmem:s8+$0xC780] =	vst v2  }
0x1f1: {  	v50 =	vadd.s32 $0x31, v0;
	v5 =	vld.idx.msk [tilespmem:v45+s2+$0x0], $0xffff;
	[tilespmem:s8+$0xC800] =	vst v3  }
0x1f2: {  	v51 =	vadd.s32 $0x32, v0;
	v1 =	vld.idx.msk [tilespmem:v46+s2+$0x0], $0xffff;
	[tilespmem:s8+$0xC880] =	vst v4  }
0x1f3: {  	v52 =	vadd.s32 $0x33, v0;
	v2 =	vld.idx.msk [tilespmem:v47+s2+$0x0], $0xffff;
	[tilespmem:s8+$0xC900] =	vst v6  }
0x1f4: {  	v53 =	vadd.s32 $0x34, v0;
	v3 =	vld.idx.msk [tilespmem:v48+s2+$0x0], $0xffff;
	[tilespmem:s8+$0xC980] =	vst v7  }
0x1f5: {  	v54 =	vadd.s32 $0x35, v0;
	v4 =	vld.idx.msk [tilespmem:v49+s2+$0x0], $0xffff;
	[tilespmem:s8+$0xD600] =	vst v8  }
0x1f6: {  	v55 =	vadd.s32 $0x36, v0;
	v6 =	vld.idx.msk [tilespmem:v50+s2+$0x0], $0xffff;
	[tilespmem:s8+$0xD680] =	vst v9  }
0x1f7: {  	v56 =	vadd.s32 $0x37, v0;
	v7 =	vld.idx.msk [tilespmem:v51+s2+$0x0], $0xffff;
	[tilespmem:s8+$0xD700] =	vst v10  }
0x1f8: {  	v57 =	vadd.s32 $0x38, v0;
	v8 =	vld.idx.msk [tilespmem:v52+s2+$0x0], $0xffff;
	[tilespmem:s8+$0xD780] =	vst v11  }
0x1f9: {  	v58 =	vadd.s32 $0x39, v0;
	v9 =	vld.idx.msk [tilespmem:v53+s2+$0x0], $0xffff;
	[tilespmem:s8+$0xD800] =	vst v5  }
0x1fa: {  	v59 =	vadd.s32 $0x3A, v0;
	v10 =	vld.idx.msk [tilespmem:v54+s2+$0x0], $0xffff;
	[tilespmem:s8+$0xD880] =	vst v1  }
0x1fb: {  	v60 =	vadd.s32 $0x3B, v0;
	v11 =	vld.idx.msk [tilespmem:v55+s2+$0x0], $0xffff;
	[tilespmem:s8+$0xD900] =	vst v2  }
0x1fc: {  	v61 =	vadd.s32 $0x3C, v0;
	v5 =	vld.idx.msk [tilespmem:v56+s2+$0x0], $0xffff;
	[tilespmem:s8+$0xD980] =	vst v3  }
0x1fd: {  	v62 =	vadd.s32 $0x3D, v0;
	v1 =	vld.idx.msk [tilespmem:v57+s2+$0x0], $0xffff;
	[tilespmem:s8+$0xE600] =	vst v4  }
0x1fe: {  	v63 =	vadd.s32 $0x3E, v0;
	v2 =	vld.idx.msk [tilespmem:v58+s2+$0x0], $0xffff;
	[tilespmem:s8+$0xE680] =	vst v6  }
0x1ff: {  	v0 =	vadd.s32 $0x3F, v0;
	v3 =	vld.idx.msk [tilespmem:v59+s2+$0x0], $0xffff;
	[tilespmem:s8+$0xE700] =	vst v7  }
0x200: {  	v4 =	vld.idx.msk [tilespmem:v60+s2+$0x0], $0xffff;
	[tilespmem:s8+$0xE780] =	vst v8  }
0x201: {  	v6 =	vld.idx.msk [tilespmem:v61+s2+$0x0], $0xffff;
	[tilespmem:s8+$0xE800] =	vst v9  }
0x202: {  	v7 =	vld.idx.msk [tilespmem:v62+s2+$0x0], $0xffff;
	[tilespmem:s8+$0xE880] =	vst v10  }
0x203: {  	v8 =	vld.idx.msk [tilespmem:v63+s2+$0x0], $0xffff;
	[tilespmem:s8+$0xE900] =	vst v11  }
0x204: {  	v0 =	vld.idx.msk [tilespmem:v0+s2+$0x0], $0xffff;
	[tilespmem:s8+$0xE980] =	vst v5  }
0x205: {  	[tilespmem:s8+$0xF600] =	vst v1  }
0x206: {  	[tilespmem:s8+$0xF680] =	vst v2  }
0x207: {  	p0 =	sne.s32 s7, $0xF80;
	[tilespmem:s8+$0xF700] =	vst v3  }
.Ltmp5:
0x208: {  	[tilespmem:s8+$0xF780] =	vst v4;
	(pc) =	sbr.rel @p0 .LBB2_12-.Ltmp5, $4  }
0x209: {  	[tilespmem:s8+$0xF800] =	vst v6  }
0x20a: {  	[tilespmem:s8+$0xF880] =	vst v7  }
0x20b: {  	[tilespmem:s8+$0xF900] =	vst v8  }
0x20c: {  	s17 =	sadd.s32 $0x10, s17;
	s7 =	sadd.s32 $0x80, s7;
	[tilespmem:s8+$0xF980] =	vst v0  }
0x20d: {  	s7 =	rddreg [dreg:$0xa]  }
0x20e: {  	[hbm4b:s7+s31] =	stream.strided.scatter [tilespmem:s1], [sflag:$0x3], $0x8000, s0, s31, $0x38;
	[tilespmem:$0x18600] =	vst v63  }
0x20f: {  	_ =	swait.ge [sflag:s5], $0x200  }
0x210: {  	[sflag:s5] =	ssyncset.done $0x0  }
0x211: {  	[sflag:s5] =	ssyncadd.s32 $0xFFFFFE00  }
0x212: {  	_ =	swait.ge [sflag:s15], $0x8000  }
0x213: {  	[sflag:s15] =	ssyncset.done $0x0  }
0x214: {  	s17 =	simm.s32 $0x0;
	s7 =	simm.s32 $0x0;
	[sflag:s15] =	ssyncadd.s32 $0xFFFF8000  }
.LBB2_14:
0x215: {  	s8 =	sand.u32 $0xC00, s7  }
0x216: {  	s11 =	sand.u32 $0x70, s17;
	s14 =	sshrl.u32 s8, $0x2  }
0x217: {  	s14 =	sor.u32 s11, s14  }
0x218: {  	v0 =	vld [tilespmem:s14+$0x8280];
	_ =	sdelay $0x4  }
0x219: {  	v0 =	vmul.u32 $0x41, v0;
	_ =	sdelay $0x1  }
0x21a: {  	v1 =	vadd.s32 $0x1, v0  }
0x21b: {  	v2 =	vadd.s32 $0x2, v0  }
0x21c: {  	v3 =	vadd.s32 $0x3, v0  }
0x21d: {  	v4 =	vadd.s32 $0x4, v0  }
0x21e: {  	v6 =	vadd.s32 $0x5, v0;
	v5 =	vld.idx.msk [tilespmem:v0+s2+$0x0], $0xffff  }
0x21f: {  	v7 =	vadd.s32 $0x6, v0;
	v1 =	vld.idx.msk [tilespmem:v1+s2+$0x0], $0xffff  }
0x220: {  	v8 =	vadd.s32 $0x7, v0;
	v2 =	vld.idx.msk [tilespmem:v2+s2+$0x0], $0xffff  }
0x221: {  	v9 =	vadd.s32 $0x8, v0;
	v3 =	vld.idx.msk [tilespmem:v3+s2+$0x0], $0xffff  }
0x222: {  	v10 =	vadd.s32 $0x9, v0;
	v4 =	vld.idx.msk [tilespmem:v4+s2+$0x0], $0xffff  }
0x223: {  	v11 =	vadd.s32 $0xA, v0;
	v6 =	vld.idx.msk [tilespmem:v6+s2+$0x0], $0xffff  }
0x224: {  	v12 =	vadd.s32 $0xB, v0;
	v7 =	vld.idx.msk [tilespmem:v7+s2+$0x0], $0xffff  }
0x225: {  	s8 =	sor.u32 s11, s8;
	v13 =	vadd.s32 $0xC, v0;
	v8 =	vld.idx.msk [tilespmem:v8+s2+$0x0], $0xffff  }
0x226: {  	v14 =	vadd.s32 $0xD, v0;
	v9 =	vld.idx.msk [tilespmem:v9+s2+$0x0], $0xffff;
	[tilespmem:s8+$0x10600] =	vst v5  }
0x227: {  	v15 =	vadd.s32 $0xE, v0;
	v10 =	vld.idx.msk [tilespmem:v10+s2+$0x0], $0xffff;
	[tilespmem:s8+$0x10680] =	vst v1  }
0x228: {  	v16 =	vadd.s32 $0xF, v0;
	v11 =	vld.idx.msk [tilespmem:v11+s2+$0x0], $0xffff;
	[tilespmem:s8+$0x10700] =	vst v2  }
0x229: {  	v17 =	vadd.s32 $0x10, v0;
	v5 =	vld.idx.msk [tilespmem:v12+s2+$0x0], $0xffff;
	[tilespmem:s8+$0x10780] =	vst v3  }
0x22a: {  	v18 =	vadd.s32 $0x11, v0;
	v1 =	vld.idx.msk [tilespmem:v13+s2+$0x0], $0xffff;
	[tilespmem:s8+$0x10800] =	vst v4  }
0x22b: {  	v19 =	vadd.s32 $0x12, v0;
	v2 =	vld.idx.msk [tilespmem:v14+s2+$0x0], $0xffff;
	[tilespmem:s8+$0x10880] =	vst v6  }
0x22c: {  	v20 =	vadd.s32 $0x13, v0;
	v3 =	vld.idx.msk [tilespmem:v15+s2+$0x0], $0xffff;
	[tilespmem:s8+$0x10900] =	vst v7  }
0x22d: {  	v21 =	vadd.s32 $0x14, v0;
	v4 =	vld.idx.msk [tilespmem:v16+s2+$0x0], $0xffff;
	[tilespmem:s8+$0x10980] =	vst v8  }
0x22e: {  	v22 =	vadd.s32 $0x15, v0;
	v6 =	vld.idx.msk [tilespmem:v17+s2+$0x0], $0xffff;
	[tilespmem:s8+$0x11600] =	vst v9  }
0x22f: {  	v23 =	vadd.s32 $0x16, v0;
	v7 =	vld.idx.msk [tilespmem:v18+s2+$0x0], $0xffff;
	[tilespmem:s8+$0x11680] =	vst v10  }
0x230: {  	v24 =	vadd.s32 $0x17, v0;
	v8 =	vld.idx.msk [tilespmem:v19+s2+$0x0], $0xffff;
	[tilespmem:s8+$0x11700] =	vst v11  }
0x231: {  	v25 =	vadd.s32 $0x18, v0;
	v9 =	vld.idx.msk [tilespmem:v20+s2+$0x0], $0xffff;
	[tilespmem:s8+$0x11780] =	vst v5  }
0x232: {  	v26 =	vadd.s32 $0x19, v0;
	v10 =	vld.idx.msk [tilespmem:v21+s2+$0x0], $0xffff;
	[tilespmem:s8+$0x11800] =	vst v1  }
0x233: {  	v27 =	vadd.s32 $0x1A, v0;
	v11 =	vld.idx.msk [tilespmem:v22+s2+$0x0], $0xffff;
	[tilespmem:s8+$0x11880] =	vst v2  }
0x234: {  	v28 =	vadd.s32 $0x1B, v0;
	v5 =	vld.idx.msk [tilespmem:v23+s2+$0x0], $0xffff;
	[tilespmem:s8+$0x11900] =	vst v3  }
0x235: {  	v29 =	vadd.s32 $0x1C, v0;
	v1 =	vld.idx.msk [tilespmem:v24+s2+$0x0], $0xffff;
	[tilespmem:s8+$0x11980] =	vst v4  }
0x236: {  	v30 =	vadd.s32 $0x1D, v0;
	v2 =	vld.idx.msk [tilespmem:v25+s2+$0x0], $0xffff;
	[tilespmem:s8+$0x12600] =	vst v6  }
0x237: {  	v31 =	vadd.s32 $0x1E, v0;
	v3 =	vld.idx.msk [tilespmem:v26+s2+$0x0], $0xffff;
	[tilespmem:s8+$0x12680] =	vst v7  }
0x238: {  	v32 =	vadd.s32 $0x1F, v0;
	v4 =	vld.idx.msk [tilespmem:v27+s2+$0x0], $0xffff;
	[tilespmem:s8+$0x12700] =	vst v8  }
0x239: {  	v33 =	vadd.s32 $0x20, v0;
	v6 =	vld.idx.msk [tilespmem:v28+s2+$0x0], $0xffff;
	[tilespmem:s8+$0x12780] =	vst v9  }
0x23a: {  	v34 =	vadd.s32 $0x21, v0;
	v7 =	vld.idx.msk [tilespmem:v29+s2+$0x0], $0xffff;
	[tilespmem:s8+$0x12800] =	vst v10  }
0x23b: {  	v35 =	vadd.s32 $0x22, v0;
	v8 =	vld.idx.msk [tilespmem:v30+s2+$0x0], $0xffff;
	[tilespmem:s8+$0x12880] =	vst v11  }
0x23c: {  	v36 =	vadd.s32 $0x23, v0;
	v9 =	vld.idx.msk [tilespmem:v31+s2+$0x0], $0xffff;
	[tilespmem:s8+$0x12900] =	vst v5  }
0x23d: {  	v37 =	vadd.s32 $0x24, v0;
	v10 =	vld.idx.msk [tilespmem:v32+s2+$0x0], $0xffff;
	[tilespmem:s8+$0x12980] =	vst v1  }
0x23e: {  	v38 =	vadd.s32 $0x25, v0;
	v11 =	vld.idx.msk [tilespmem:v33+s2+$0x0], $0xffff;
	[tilespmem:s8+$0x13600] =	vst v2  }
0x23f: {  	v39 =	vadd.s32 $0x26, v0;
	v5 =	vld.idx.msk [tilespmem:v34+s2+$0x0], $0xffff;
	[tilespmem:s8+$0x13680] =	vst v3  }
0x240: {  	v40 =	vadd.s32 $0x27, v0;
	v1 =	vld.idx.msk [tilespmem:v35+s2+$0x0], $0xffff;
	[tilespmem:s8+$0x13700] =	vst v4  }
0x241: {  	v41 =	vadd.s32 $0x28, v0;
	v2 =	vld.idx.msk [tilespmem:v36+s2+$0x0], $0xffff;
	[tilespmem:s8+$0x13780] =	vst v6  }
0x242: {  	v42 =	vadd.s32 $0x29, v0;
	v3 =	vld.idx.msk [tilespmem:v37+s2+$0x0], $0xffff;
	[tilespmem:s8+$0x13800] =	vst v7  }
0x243: {  	v43 =	vadd.s32 $0x2A, v0;
	v4 =	vld.idx.msk [tilespmem:v38+s2+$0x0], $0xffff;
	[tilespmem:s8+$0x13880] =	vst v8  }
0x244: {  	v44 =	vadd.s32 $0x2B, v0;
	v6 =	vld.idx.msk [tilespmem:v39+s2+$0x0], $0xffff;
	[tilespmem:s8+$0x13900] =	vst v9  }
0x245: {  	v45 =	vadd.s32 $0x2C, v0;
	v7 =	vld.idx.msk [tilespmem:v40+s2+$0x0], $0xffff;
	[tilespmem:s8+$0x13980] =	vst v10  }
0x246: {  	v46 =	vadd.s32 $0x2D, v0;
	v8 =	vld.idx.msk [tilespmem:v41+s2+$0x0], $0xffff;
	[tilespmem:s8+$0x14600] =	vst v11  }
0x247: {  	v47 =	vadd.s32 $0x2E, v0;
	v9 =	vld.idx.msk [tilespmem:v42+s2+$0x0], $0xffff;
	[tilespmem:s8+$0x14680] =	vst v5  }
0x248: {  	v48 =	vadd.s32 $0x2F, v0;
	v10 =	vld.idx.msk [tilespmem:v43+s2+$0x0], $0xffff;
	[tilespmem:s8+$0x14700] =	vst v1  }
0x249: {  	v49 =	vadd.s32 $0x30, v0;
	v11 =	vld.idx.msk [tilespmem:v44+s2+$0x0], $0xffff;
	[tilespmem:s8+$0x14780] =	vst v2  }
0x24a: {  	v50 =	vadd.s32 $0x31, v0;
	v5 =	vld.idx.msk [tilespmem:v45+s2+$0x0], $0xffff;
	[tilespmem:s8+$0x14800] =	vst v3  }
0x24b: {  	v51 =	vadd.s32 $0x32, v0;
	v1 =	vld.idx.msk [tilespmem:v46+s2+$0x0], $0xffff;
	[tilespmem:s8+$0x14880] =	vst v4  }
0x24c: {  	v52 =	vadd.s32 $0x33, v0;
	v2 =	vld.idx.msk [tilespmem:v47+s2+$0x0], $0xffff;
	[tilespmem:s8+$0x14900] =	vst v6  }
0x24d: {  	v53 =	vadd.s32 $0x34, v0;
	v3 =	vld.idx.msk [tilespmem:v48+s2+$0x0], $0xffff;
	[tilespmem:s8+$0x14980] =	vst v7  }
0x24e: {  	v54 =	vadd.s32 $0x35, v0;
	v4 =	vld.idx.msk [tilespmem:v49+s2+$0x0], $0xffff;
	[tilespmem:s8+$0x15600] =	vst v8  }
0x24f: {  	v55 =	vadd.s32 $0x36, v0;
	v6 =	vld.idx.msk [tilespmem:v50+s2+$0x0], $0xffff;
	[tilespmem:s8+$0x15680] =	vst v9  }
0x250: {  	v56 =	vadd.s32 $0x37, v0;
	v7 =	vld.idx.msk [tilespmem:v51+s2+$0x0], $0xffff;
	[tilespmem:s8+$0x15700] =	vst v10  }
0x251: {  	v57 =	vadd.s32 $0x38, v0;
	v8 =	vld.idx.msk [tilespmem:v52+s2+$0x0], $0xffff;
	[tilespmem:s8+$0x15780] =	vst v11  }
0x252: {  	v58 =	vadd.s32 $0x39, v0;
	v9 =	vld.idx.msk [tilespmem:v53+s2+$0x0], $0xffff;
	[tilespmem:s8+$0x15800] =	vst v5  }
0x253: {  	v59 =	vadd.s32 $0x3A, v0;
	v10 =	vld.idx.msk [tilespmem:v54+s2+$0x0], $0xffff;
	[tilespmem:s8+$0x15880] =	vst v1  }
0x254: {  	v60 =	vadd.s32 $0x3B, v0;
	v11 =	vld.idx.msk [tilespmem:v55+s2+$0x0], $0xffff;
	[tilespmem:s8+$0x15900] =	vst v2  }
0x255: {  	v61 =	vadd.s32 $0x3C, v0;
	v5 =	vld.idx.msk [tilespmem:v56+s2+$0x0], $0xffff;
	[tilespmem:s8+$0x15980] =	vst v3  }
0x256: {  	v62 =	vadd.s32 $0x3D, v0;
	v1 =	vld.idx.msk [tilespmem:v57+s2+$0x0], $0xffff;
	[tilespmem:s8+$0x16600] =	vst v4  }
0x257: {  	v63 =	vadd.s32 $0x3E, v0;
	v2 =	vld.idx.msk [tilespmem:v58+s2+$0x0], $0xffff;
	[tilespmem:s8+$0x16680] =	vst v6  }
0x258: {  	v0 =	vadd.s32 $0x3F, v0;
	v3 =	vld.idx.msk [tilespmem:v59+s2+$0x0], $0xffff;
	[tilespmem:s8+$0x16700] =	vst v7  }
0x259: {  	v4 =	vld.idx.msk [tilespmem:v60+s2+$0x0], $0xffff;
	[tilespmem:s8+$0x16780] =	vst v8  }
0x25a: {  	v6 =	vld.idx.msk [tilespmem:v61+s2+$0x0], $0xffff;
	[tilespmem:s8+$0x16800] =	vst v9  }
0x25b: {  	v7 =	vld.idx.msk [tilespmem:v62+s2+$0x0], $0xffff;
	[tilespmem:s8+$0x16880] =	vst v10  }
0x25c: {  	v8 =	vld.idx.msk [tilespmem:v63+s2+$0x0], $0xffff;
	[tilespmem:s8+$0x16900] =	vst v11  }
0x25d: {  	v0 =	vld.idx.msk [tilespmem:v0+s2+$0x0], $0xffff;
	[tilespmem:s8+$0x16980] =	vst v5  }
0x25e: {  	[tilespmem:s8+$0x17600] =	vst v1  }
0x25f: {  	[tilespmem:s8+$0x17680] =	vst v2  }
0x260: {  	p0 =	sne.s32 s7, $0xF80;
	[tilespmem:s8+$0x17700] =	vst v3  }
.Ltmp6:
0x261: {  	[tilespmem:s8+$0x17780] =	vst v4;
	(pc) =	sbr.rel @p0 .LBB2_14-.Ltmp6, $4  }
0x262: {  	[tilespmem:s8+$0x17800] =	vst v6  }
0x263: {  	[tilespmem:s8+$0x17880] =	vst v7  }
0x264: {  	[tilespmem:s8+$0x17900] =	vst v8  }
0x265: {  	s17 =	sadd.s32 $0x10, s17;
	s7 =	sadd.s32 $0x80, s7;
	[tilespmem:s8+$0x17980] =	vst v0  }
0x266: {  	s7 =	rddreg [dreg:$0xb]  }
0x267: {  	[hbm4b:s7+s31] =	stream.strided.scatter [tilespmem:s9], [sflag:$0x4], $0x8000, s0, s31, $0x38;
	[tilespmem:$0x18600] =	vst v63  }
0x268: {  	_ =	swait.ge [sflag:s12], $0x8000  }
0x269: {  	[sflag:s12] =	ssyncset.done $0x0  }
0x26a: {  	[sflag:s12] =	ssyncadd.s32 $0xFFFF8000  }
0x26b: {  	_ =	swait.ge [sflag:s15], $0x8000  }
0x26c: {  	s16 =	sadd.s32 $0x1, s16;
	s22 =	rddreg [dreg:$0xc]  }
0x26d: {  	p0 =	sne.s32 s16, s22  }
.Ltmp7:
0x26e: {  	_ = 	snop;
	(pc) =	sbr.rel @p0 .LBB2_1-.Ltmp7, $3  }
0x26f: {  	_ =	sdelay $0x1  }
0x270: {  	[sflag:s15] =	ssyncset.done $0x0  }
0x271: {  	[sflag:s15] =	ssyncadd.s32 $0xFFFF8000  }
0x272: {  	_ =	sfence.sel $0x180000  }
0x273: {  	[bflag:$0x0] =	sbarrier.arrive $0xFFFF  }
0x274: {  	_ =	strace $0x90000047  }
0x275: {  	s0 =	stileid.u32;
	[bflag:$0x2] =	sbarrier.arrive $0xFFFF  }
0x276: {  	p0 =	sne.s32 s0, $0x0;
	s0 =	rddreg [dreg:$0x2]  }
0x277: {  	s0 =	sadd.s32 @!p0 $0x100000, s0  }
0x278: {  	[sflag:s0] =	ssyncadd.tile.s32 @!p0 $0x1;
	_ =	shalt  }
.Lfunc_end2:
_tile_overlayer_lowered:
.L_overlay_start_2:
0x279: {  	(tag) =	ssettag $0x2  }
0x27a: {  	s0 =	rddreg [dreg:$0x0];
	s2 =	stileid.u32  }
0x27b: {  	s1 =	rddreg [dreg:$0x1];
	p0 =	sne.s32 s2, $0x0  }
0x27c: {  	s3 =	rddreg [dreg:$0x2];
	[bflag:$0x3] =	sbarrier.arrive $0xFFFF;
	s2 =	simm.s32 @!p0 $0x1C05  }
0x27d: {  	[timem:s3], [sflag:s2] =	dma.local @!p0 [hbm:s0], s1  }
0x27e: {  	s0 =	simm.s32 @!p0 $0x5  }
0x27f: {  	_ =	swait.ge @!p0 [sflag:s0], s1  }
0x280: {  	s1 =	ssub.s32 @!p0 $0x0, s1;
	[sflag:s0] =	ssyncset.done @!p0 $0x0  }
0x281: {  	[sflag:s0] =	ssyncadd.s32 @!p0 s1  }
0x282: {  	[bflag:$0x3] =	sbarrier.arrive $0xFFFF  }
0x283: {  	_ =	shalt  }

</sc_bundles>
